<compile_context>
chip_gen: v7x
topology: tpu7x:2x2x1
jax: 0.10.2.dev20260603
libtpu: 0.0.44.dev20260713+nightly
codegen_flags: <defaults>
</compile_context>

<pallas_src>
import functools

import jax
import jax.numpy as jnp
from jax import lax
from jax.experimental import pallas as pl
from jax.experimental.pallas import tpu as pltpu
from jax.experimental.pallas import tpu_sc as plsc

N_NODES = 10000
N_EDGES = 320000
D = 128
DE = 16

_NPART = 5
_EP = N_EDGES // _NPART

_NC = 2
_NS = 16
_NW = _NC * _NS
_EPW = _EP // _NW
_CH = 40
_NCHUNK = _EPW // _CH
_NB = 5

_BE = 2560
_NBLK = _EP // _BE


def _node_proj_body(x_ref, wa_ref, wb_ref, xa_ref, xb_ref):
    x = x_ref[...]
    xa_ref[...] = jnp.dot(x, wa_ref[...], preferred_element_type=jnp.float32)
    xb_ref[...] = jnp.dot(x, wb_ref[...], preferred_element_type=jnp.float32)


def _node_proj(x, w1a, w1b):
    return pl.pallas_call(
        _node_proj_body,
        out_shape=(
            jax.ShapeDtypeStruct((N_NODES, D), jnp.float32),
            jax.ShapeDtypeStruct((N_NODES, D), jnp.float32),
        ),
    )(x, w1a, w1b)


def _edge_gather(xa, xb, src, dst):
    mesh = plsc.VectorSubcoreMesh(core_axis_name="c", subcore_axis_name="s")

    @functools.partial(
        pl.kernel,
        mesh=mesh,
        out_type=jax.ShapeDtypeStruct((_EP, D), jnp.float32),
        scratch_types=(
            [pltpu.VMEM((_CH,), jnp.int32)] * (2 * _NB)
            + [pltpu.VMEM((_CH, D), jnp.float32)] * _NB
            + [pltpu.SemaphoreType.DMA] * (4 * _NB)
        ),
    )
    def gather_k(xa_hbm, xb_hbm, src_hbm, dst_hbm, g_hbm, *bufs):
        wid = lax.axis_index("s") * _NC + lax.axis_index("c")
        SI = bufs[0:_NB]
        DI = bufs[_NB:2 * _NB]
        RA = bufs[2 * _NB:3 * _NB]
        sems = bufs[3 * _NB:]
        IXS = sems[0:_NB]
        GSA = sems[_NB:2 * _NB]
        GSB = sems[2 * _NB:3 * _NB]
        STS = sems[3 * _NB:4 * _NB]

        def idx_copies(g, b):
            base = wid * _EPW + g * _CH
            return (
                pltpu.make_async_copy(src_hbm.at[pl.ds(base, _CH)], SI[b], IXS[b]),
                pltpu.make_async_copy(dst_hbm.at[pl.ds(base, _CH)], DI[b], IXS[b]),
            )

        def gath_a(b):
            return pltpu.make_async_copy(xa_hbm.at[SI[b]], RA[b], GSA[b])

        def gath_b_drain(b):
            return pltpu.make_async_copy(xb_hbm.at[DI[b]], RA[b], GSB[b])

        def store_copy(g, b):
            base = wid * _EPW + g * _CH
            return pltpu.make_async_copy(RA[b], g_hbm.at[pl.ds(base, _CH)], STS[b])

        def fire(cs):
            for c in cs:
                c.start()

        def drain(cs):
            for c in cs:
                c.wait()

        fire(idx_copies(0, 0))
        drain(idx_copies(0, 0))
        gath_a(0).start()
        fire(idx_copies(1, 1))
        fire(idx_copies(2, 2))

        def step(g, b):
            b1, bm1, bm2, b3 = (b + 1) % _NB, (b - 1) % _NB, (b - 2) % _NB, (b + 3) % _NB

            @pl.when(g + 1 <= _NCHUNK - 1)
            def _(g=g, b1=b1):
                drain(idx_copies(g + 1, b1))
                gath_a(b1).start()

            gath_a(b).wait()
            pltpu.async_copy(xb_hbm.at[DI[b]], RA[b], GSB[b], add=True)

            @pl.when(g >= 1)
            def _(g=g, bm1=bm1):
                gath_b_drain(bm1).wait()
                store_copy(g - 1, bm1).start()

            @pl.when(g >= 2)
            def _(g=g, bm2=bm2):
                store_copy(g - 2, bm2).wait()

            @pl.when(g + 3 <= _NCHUNK - 1)
            def _(g=g, b3=b3):
                fire(idx_copies(g + 3, b3))

        def body(c, carry):
            for b in range(_NB):
                step(_NB * c + b, b)
            return carry

        lax.fori_loop(0, _NCHUNK // _NB, body, 0)

        last = _NCHUNK - 1
        lb = last % _NB
        gath_b_drain(lb).wait()
        store_copy(last, lb).start()
        store_copy(last - 1, (last - 1) % _NB).wait()
        store_copy(last, lb).wait()

    return gather_k(xa, xb, src, dst)


def _edge_partial_body(g_ref, ea_ref, w1c_ref, b1_ref, w2_ref,
                       b2_ref, out_ref, acc_ref):
    step = pl.program_id(0)

    @pl.when(step == 0)
    def _():
        acc_ref[...] = jnp.zeros_like(acc_ref)

    m1 = g_ref[...] + b1_ref[...]
    m1 += jnp.dot(ea_ref[...], w1c_ref[...], preferred_element_type=jnp.float32)
    m1 = jnp.maximum(m1, 0.0).astype(jnp.bfloat16)
    m = jnp.dot(m1, w2_ref[...], preferred_element_type=jnp.float32)
    m = jnp.maximum(m + b2_ref[...], 0.0)
    acc_ref[...] += jnp.sum(m, axis=0, keepdims=True)

    @pl.when(step == _NBLK - 1)
    def _():
        out_ref[...] = acc_ref[...]


def _edge_partial(g, ea, w1c, b1, w2, b2):
    fixed = lambda i: (0, 0)
    return pl.pallas_call(
        _edge_partial_body,
        grid=(_NBLK,),
        in_specs=[
            pl.BlockSpec((_BE, D), lambda i: (i, 0)),
            pl.BlockSpec((_BE, DE), lambda i: (i, 0)),
            pl.BlockSpec((DE, D), fixed),
            pl.BlockSpec((1, D), fixed),
            pl.BlockSpec((D, D), fixed),
            pl.BlockSpec((1, D), fixed),
        ],
        out_specs=pl.BlockSpec((1, D), fixed),
        out_shape=jax.ShapeDtypeStruct((1, D), jnp.float32),
        scratch_shapes=[pltpu.VMEM((1, D), jnp.float32)],
    )(g, ea, w1c, b1, w2, b2)


def _final_body(sp_ref, wn_ref, bn_ref, wg_ref, bg_ref, u_ref, out_ref):
    s = jnp.sum(sp_ref[...], axis=0, keepdims=True)
    snf = jnp.dot(s, wn_ref[...], preferred_element_type=jnp.float32)
    snf += jnp.float32(N_NODES) * bn_ref[...]
    g = jnp.dot(u_ref[...], wg_ref[:D, :], preferred_element_type=jnp.float32)
    g += jnp.dot(snf, wg_ref[D:, :], preferred_element_type=jnp.float32)
    out_ref[...] = jnp.maximum(g + bg_ref[...], 0.0)


def _final(sp, wn, bn, wg, bg, u):
    return pl.pallas_call(
        _final_body,
        out_shape=jax.ShapeDtypeStruct((1, D), jnp.float32),
    )(sp, wn, bn, wg, bg, u)


def kernel(x, edge_index, edge_attr, u, W1, b1, W2, b2, Wn, bn, Wg, bg):
    src = edge_index[0]
    dst = edge_index[1]
    w1a, w1b, w1c = W1[:D], W1[D:2 * D], W1[2 * D:]
    xa, xb = _node_proj(x, w1a, w1b)
    b1r = b1.reshape(1, D)
    b2r = b2.reshape(1, D)
    w2b = W2.astype(jnp.bfloat16)
    parts = []
    for p in range(_NPART):
        lo, hi = p * _EP, (p + 1) * _EP
        g = _edge_gather(xa, xb, src[lo:hi], dst[lo:hi])
        parts.append(_edge_partial(g, edge_attr[lo:hi], w1c, b1r,
                                   w2b, b2r))
    sp = jnp.concatenate(parts + [jnp.zeros((8 - _NPART, D), jnp.float32)],
                         axis=0)
    return _final(sp, Wn, bn.reshape(1, D), Wg, bg.reshape(1, D), u)

# --- scband reference (transcript-rebuilt; emitter-appended) ---
"""Pipeline reference for scband-mpnnlayer-29403346108688 (READ-ONLY COPY).

The authoritative reference and input builder live on the scoring server;
editing this copy changes nothing except your own understanding.
"""

import jax, jax.numpy as jnp
import numpy as np

N = 10000
E = 320000
D = 128          # in/out node feat dim
DE = 16          # edge feat dim
DG = 128         # global feat dim


def _glorot(key, shape):
    fan_in, fan_out = shape[0], shape[1]
    lim = jnp.sqrt(6.0 / (fan_in + fan_out))
    return jax.random.uniform(key, shape, jnp.float32, -lim, lim)


def setup_inputs(seed: int = 0) -> dict:
    key = jax.random.key(seed)
    ks = jax.random.split(key, 12)
    x = jax.random.normal(ks[0], (N, D), jnp.float32)
    edge_index = jax.random.randint(ks[1], (2, E), 0, N, dtype=jnp.int32)
    edge_attr = jax.random.normal(ks[2], (E, DE), jnp.float32)
    u = jax.random.normal(ks[3], (1, DG), jnp.float32)
    # process_message: Linear(2*D+DE -> D), ReLU, Linear(D -> D), ReLU
    W1 = _glorot(ks[4], (2 * D + DE, D)); b1 = jnp.zeros((D,), jnp.float32)
    W2 = _glorot(ks[5], (D, D)); b2 = jnp.zeros((D,), jnp.float32)
    # apply_node: Linear(D -> D)
    Wn = _glorot(ks[6], (D, D)); bn = jnp.zeros((D,), jnp.float32)
    # apply_global (is_input_layer=False): Linear(DG + D -> DG), ReLU
    Wg = _glorot(ks[7], (DG + D, DG)); bg = jnp.zeros((DG,), jnp.float32)
    return {"x": x, "edge_index": edge_index, "edge_attr": edge_attr, "u": u,
            "W1": W1, "b1": b1, "W2": W2, "b2": b2,
            "Wn": Wn, "bn": bn, "Wg": Wg, "bg": bg}


def reference(x, edge_index, edge_attr, u, W1, b1, W2, b2, Wn, bn, Wg, bg):
    src = edge_index[0]
    dst = edge_index[1]
    h_src = jnp.take(x, src, axis=0)            # gather [E, D]
    h_dst = jnp.take(x, dst, axis=0)            # gather [E, D]
    msg = jnp.concatenate([h_src, h_dst, edge_attr], axis=1)   # [E, 2D+DE]
    msg = jax.nn.relu(msg @ W1 + b1)
    msg = jax.nn.relu(msg @ W2 + b2)            # [E, D]
    # fn.sum(msg -> h_node): scatter-add messages into destination nodes
    h = jax.ops.segment_sum(msg, dst, num_segments=N)          # [N, D]
    n = h @ Wn + bn                              # apply_node
    # dgl.sum_nodes over the single graph in the batch
    sum_node_feats = jnp.sum(n, axis=0, keepdims=True)         # [1, D]
    u_cat = jnp.concatenate([u, sum_node_feats], axis=1)       # [1, DG+D]
    u_out = jax.nn.relu(u_cat @ Wg + bg)                        # [1, DG]
    return u_out

if __name__ == "__main__":
    import jax
    _d = setup_inputs()
    print(jax.jit(kernel)(*tuple(_d.values())))

</pallas_src>

<mosaic_0001>
#map = affine_map<(d0, d1) -> (0, 0)>
#map1 = affine_map<(d0, d1) -> (0)>
module attributes {stable_mosaic.version = 14 : i64} {
  func.func @gather_k(%arg0: i32, %arg1: i32, %arg2: memref<10000x128xf32, #tpu.memory_space<hbm>>, %arg3: memref<10000x128xf32, #tpu.memory_space<hbm>>, %arg4: memref<64000xi32, #tpu.memory_space<hbm>>, %arg5: memref<64000xi32, #tpu.memory_space<hbm>>, %arg6: memref<64000x128xf32, #tpu.memory_space<hbm>>, %arg7: memref<40xi32, #tpu.memory_space<vmem>>, %arg8: memref<40xi32, #tpu.memory_space<vmem>>, %arg9: memref<40xi32, #tpu.memory_space<vmem>>, %arg10: memref<40xi32, #tpu.memory_space<vmem>>, %arg11: memref<40xi32, #tpu.memory_space<vmem>>, %arg12: memref<40xi32, #tpu.memory_space<vmem>>, %arg13: memref<40xi32, #tpu.memory_space<vmem>>, %arg14: memref<40xi32, #tpu.memory_space<vmem>>, %arg15: memref<40xi32, #tpu.memory_space<vmem>>, %arg16: memref<40xi32, #tpu.memory_space<vmem>>, %arg17: memref<40x128xf32, #tpu.memory_space<vmem>>, %arg18: memref<40x128xf32, #tpu.memory_space<vmem>>, %arg19: memref<40x128xf32, #tpu.memory_space<vmem>>, %arg20: memref<40x128xf32, #tpu.memory_space<vmem>>, %arg21: memref<40x128xf32, #tpu.memory_space<vmem>>, %arg22: memref<!tpu.dma_semaphore, #tpu.memory_space<semaphore_mem>>, %arg23: memref<!tpu.dma_semaphore, #tpu.memory_space<semaphore_mem>>, %arg24: memref<!tpu.dma_semaphore, #tpu.memory_space<semaphore_mem>>, %arg25: memref<!tpu.dma_semaphore, #tpu.memory_space<semaphore_mem>>, %arg26: memref<!tpu.dma_semaphore, #tpu.memory_space<semaphore_mem>>, %arg27: memref<!tpu.dma_semaphore, #tpu.memory_space<semaphore_mem>>, %arg28: memref<!tpu.dma_semaphore, #tpu.memory_space<semaphore_mem>>, %arg29: memref<!tpu.dma_semaphore, #tpu.memory_space<semaphore_mem>>, %arg30: memref<!tpu.dma_semaphore, #tpu.memory_space<semaphore_mem>>, %arg31: memref<!tpu.dma_semaphore, #tpu.memory_space<semaphore_mem>>, %arg32: memref<!tpu.dma_semaphore, #tpu.memory_space<semaphore_mem>>, %arg33: memref<!tpu.dma_semaphore, #tpu.memory_space<semaphore_mem>>, %arg34: memref<!tpu.dma_semaphore, #tpu.memory_space<semaphore_mem>>, %arg35: memref<!tpu.dma_semaphore, #tpu.memory_space<semaphore_mem>>, %arg36: memref<!tpu.dma_semaphore, #tpu.memory_space<semaphore_mem>>, %arg37: memref<!tpu.dma_semaphore, #tpu.memory_space<semaphore_mem>>, %arg38: memref<!tpu.dma_semaphore, #tpu.memory_space<semaphore_mem>>, %arg39: memref<!tpu.dma_semaphore, #tpu.memory_space<semaphore_mem>>, %arg40: memref<!tpu.dma_semaphore, #tpu.memory_space<semaphore_mem>>, %arg41: memref<!tpu.dma_semaphore, #tpu.memory_space<semaphore_mem>>) attributes {dimension_semantics = [#tpu.dimension_semantics<core_parallel>, #tpu.dimension_semantics<subcore_parallel>], iteration_bounds = array<i64: 2, 16>, scalar_prefetch = 0 : i64, scratch_operands = 35 : i64, tpu.core_type = #tpu.core_type<sc_vector_subcore>, window_params = [{transform_indices = #map}, {transform_indices = #map}, {transform_indices = #map1}, {transform_indices = #map1}, {transform_indices = #map}]} {
    %mul3A = arith.constant 2 : i32
    %mul3A_0 = arith.muli %arg1, %mul3A : i32
    %add3A = arith.addi %mul3A_0, %arg0 : i32
    %mul3A_1 = arith.constant 2000 : i32
    %mul3A_2 = arith.muli %add3A, %mul3A_1 : i32
    %add3A_3 = arith.constant 0 : i32
    %add3A_4 = arith.addi %mul3A_2, %add3A_3 : i32
    %dma_start3A = tpu.memref_slice %arg4[%add3A_4] : memref<64000xi32, #tpu.memory_space<hbm>> -> memref<40xi32, #tpu.memory_space<hbm>>
    %dma_start3A_5 = tpu.memref_slice %arg4[%add3A_4] : memref<64000xi32, #tpu.memory_space<hbm>> -> memref<40xi32, #tpu.memory_space<hbm>>
    tpu.enqueue_dma source(%dma_start3A_5 : memref<40xi32, #tpu.memory_space<hbm>>) target(%arg7 : memref<40xi32, #tpu.memory_space<vmem>>) target_semaphore(%arg22 : memref<!tpu.dma_semaphore, #tpu.memory_space<semaphore_mem>>)
    %dma_start3A_6 = tpu.memref_slice %arg5[%add3A_4] : memref<64000xi32, #tpu.memory_space<hbm>> -> memref<40xi32, #tpu.memory_space<hbm>>
    %dma_start3A_7 = tpu.memref_slice %arg5[%add3A_4] : memref<64000xi32, #tpu.memory_space<hbm>> -> memref<40xi32, #tpu.memory_space<hbm>>
    tpu.enqueue_dma source(%dma_start3A_7 : memref<40xi32, #tpu.memory_space<hbm>>) target(%arg12 : memref<40xi32, #tpu.memory_space<vmem>>) target_semaphore(%arg22 : memref<!tpu.dma_semaphore, #tpu.memory_space<semaphore_mem>>)
    %mul3A_8 = arith.constant 2000 : i32
    %mul3A_9 = arith.muli %add3A, %mul3A_8 : i32
    %add3A_10 = arith.constant 0 : i32
    %add3A_11 = arith.addi %mul3A_9, %add3A_10 : i32
    %dma_wait3A = tpu.memref_slice %arg4[%add3A_11] : memref<64000xi32, #tpu.memory_space<hbm>> -> memref<40xi32, #tpu.memory_space<hbm>>
    %dma_wait3A_12 = tpu.memref_slice %arg4[%add3A_11] : memref<64000xi32, #tpu.memory_space<hbm>> -> memref<40xi32, #tpu.memory_space<hbm>>
    tpu.wait_dma2 semaphore(%arg22 : memref<!tpu.dma_semaphore, #tpu.memory_space<semaphore_mem>>) src(%dma_wait3A_12 : memref<40xi32, #tpu.memory_space<hbm>>) dst(%arg7 : memref<40xi32, #tpu.memory_space<vmem>>)
    %dma_wait3A_13 = tpu.memref_slice %arg5[%add3A_11] : memref<64000xi32, #tpu.memory_space<hbm>> -> memref<40xi32, #tpu.memory_space<hbm>>
    %dma_wait3A_14 = tpu.memref_slice %arg5[%add3A_11] : memref<64000xi32, #tpu.memory_space<hbm>> -> memref<40xi32, #tpu.memory_space<hbm>>
    tpu.wait_dma2 semaphore(%arg22 : memref<!tpu.dma_semaphore, #tpu.memory_space<semaphore_mem>>) src(%dma_wait3A_14 : memref<40xi32, #tpu.memory_space<hbm>>) dst(%arg12 : memref<40xi32, #tpu.memory_space<vmem>>)
    %dma_start3A_15 = arith.constant 0 : i32
    %dma_start3A_16 = arith.constant 0 : i32
    %dma_start3A_17 = tpu.memref_slice %arg2[%dma_start3A_15, %dma_start3A_16] : memref<10000x128xf32, #tpu.memory_space<hbm>> -> memref<10000x128xf32, #tpu.memory_space<hbm>>
    tpu.enqueue_indirect_dma source(%dma_start3A_17 : memref<10000x128xf32, #tpu.memory_space<hbm>>) target(%arg17 : memref<40x128xf32, #tpu.memory_space<vmem>>) offsets(%arg7 : memref<40xi32, #tpu.memory_space<vmem>>) semaphore(%arg27 : memref<!tpu.dma_semaphore, #tpu.memory_space<semaphore_mem>>)
    %mul3A_18 = arith.constant 2000 : i32
    %mul3A_19 = arith.muli %add3A, %mul3A_18 : i32
    %add3A_20 = arith.constant 40 : i32
    %add3A_21 = arith.addi %mul3A_19, %add3A_20 : i32
    %dma_start3A_22 = tpu.memref_slice %arg4[%add3A_21] : memref<64000xi32, #tpu.memory_space<hbm>> -> memref<40xi32, #tpu.memory_space<hbm>>
    %dma_start3A_23 = tpu.memref_slice %arg4[%add3A_21] : memref<64000xi32, #tpu.memory_space<hbm>> -> memref<40xi32, #tpu.memory_space<hbm>>
    tpu.enqueue_dma source(%dma_start3A_23 : memref<40xi32, #tpu.memory_space<hbm>>) target(%arg8 : memref<40xi32, #tpu.memory_space<vmem>>) target_semaphore(%arg23 : memref<!tpu.dma_semaphore, #tpu.memory_space<semaphore_mem>>)
    %dma_start3A_24 = tpu.memref_slice %arg5[%add3A_21] : memref<64000xi32, #tpu.memory_space<hbm>> -> memref<40xi32, #tpu.memory_space<hbm>>
    %dma_start3A_25 = tpu.memref_slice %arg5[%add3A_21] : memref<64000xi32, #tpu.memory_space<hbm>> -> memref<40xi32, #tpu.memory_space<hbm>>
    tpu.enqueue_dma source(%dma_start3A_25 : memref<40xi32, #tpu.memory_space<hbm>>) target(%arg13 : memref<40xi32, #tpu.memory_space<vmem>>) target_semaphore(%arg23 : memref<!tpu.dma_semaphore, #tpu.memory_space<semaphore_mem>>)
    %mul3A_26 = arith.constant 2000 : i32
    %mul3A_27 = arith.muli %add3A, %mul3A_26 : i32
    %add3A_28 = arith.constant 80 : i32
    %add3A_29 = arith.addi %mul3A_27, %add3A_28 : i32
    %dma_start3A_30 = tpu.memref_slice %arg4[%add3A_29] : memref<64000xi32, #tpu.memory_space<hbm>> -> memref<40xi32, #tpu.memory_space<hbm>>
    %dma_start3A_31 = tpu.memref_slice %arg4[%add3A_29] : memref<64000xi32, #tpu.memory_space<hbm>> -> memref<40xi32, #tpu.memory_space<hbm>>
    tpu.enqueue_dma source(%dma_start3A_31 : memref<40xi32, #tpu.memory_space<hbm>>) target(%arg9 : memref<40xi32, #tpu.memory_space<vmem>>) target_semaphore(%arg24 : memref<!tpu.dma_semaphore, #tpu.memory_space<semaphore_mem>>)
    %dma_start3A_32 = tpu.memref_slice %arg5[%add3A_29] : memref<64000xi32, #tpu.memory_space<hbm>> -> memref<40xi32, #tpu.memory_space<hbm>>
    %dma_start3A_33 = tpu.memref_slice %arg5[%add3A_29] : memref<64000xi32, #tpu.memory_space<hbm>> -> memref<40xi32, #tpu.memory_space<hbm>>
    tpu.enqueue_dma source(%dma_start3A_33 : memref<40xi32, #tpu.memory_space<hbm>>) target(%arg14 : memref<40xi32, #tpu.memory_space<vmem>>) target_semaphore(%arg24 : memref<!tpu.dma_semaphore, #tpu.memory_space<semaphore_mem>>)
    %scan3A = arith.constant 0 : i32
    %scan3A_34 = arith.constant 0 : i32
    %scan3A_35 = arith.constant 10 : i32
    %scan3A_36 = arith.addi %scan3A_34, %scan3A_35 : i32
    %scan3A_37 = arith.constant 1 : i32
    scf.for %scan3A_66 = %scan3A_34 to %scan3A_36 step %scan3A_37  : i32 {
      %mul3A_67 = arith.constant 5 : i32
      %mul3A_68 = arith.muli %mul3A_67, %scan3A_66 : i32
      %add3A_69 = arith.constant 0 : i32
      %add3A_70 = arith.addi %mul3A_68, %add3A_69 : i32
      %add3A_71 = arith.constant 1 : i32
      %add3A_72 = arith.addi %add3A_70, %add3A_71 : i32
      %le3A = arith.constant 49 : i32
      %le3A_73 = arith.cmpi sle, %add3A_72, %le3A : i32
      %convert_element_type3A = arith.extui %le3A_73 : i1 to i32
      %cond3A = arith.constant 0 : i32
      %cond3A_74 = arith.cmpi ne, %convert_element_type3A, %cond3A : i32
      scf.if %cond3A_74 {
        %add3A_233 = arith.constant 1 : i32
        %add3A_234 = arith.addi %add3A_70, %add3A_233 : i32
        %mul3A_235 = arith.constant 2000 : i32
        %mul3A_236 = arith.muli %add3A, %mul3A_235 : i32
        %mul3A_237 = arith.constant 40 : i32
        %mul3A_238 = arith.muli %add3A_234, %mul3A_237 : i32
        %add3A_239 = arith.addi %mul3A_236, %mul3A_238 : i32
        %dma_wait3A_240 = tpu.memref_slice %arg4[%add3A_239] : memref<64000xi32, #tpu.memory_space<hbm>> -> memref<40xi32, #tpu.memory_space<hbm>>
        %dma_wait3A_241 = tpu.memref_slice %arg4[%add3A_239] : memref<64000xi32, #tpu.memory_space<hbm>> -> memref<40xi32, #tpu.memory_space<hbm>>
        tpu.wait_dma2 semaphore(%arg23 : memref<!tpu.dma_semaphore, #tpu.memory_space<semaphore_mem>>) src(%dma_wait3A_241 : memref<40xi32, #tpu.memory_space<hbm>>) dst(%arg8 : memref<40xi32, #tpu.memory_space<vmem>>)
        %dma_wait3A_242 = tpu.memref_slice %arg5[%add3A_239] : memref<64000xi32, #tpu.memory_space<hbm>> -> memref<40xi32, #tpu.memory_space<hbm>>
        %dma_wait3A_243 = tpu.memref_slice %arg5[%add3A_239] : memref<64000xi32, #tpu.memory_space<hbm>> -> memref<40xi32, #tpu.memory_space<hbm>>
        tpu.wait_dma2 semaphore(%arg23 : memref<!tpu.dma_semaphore, #tpu.memory_space<semaphore_mem>>) src(%dma_wait3A_243 : memref<40xi32, #tpu.memory_space<hbm>>) dst(%arg13 : memref<40xi32, #tpu.memory_space<vmem>>)
        %dma_start3A_244 = arith.constant 0 : i32
        %dma_start3A_245 = arith.constant 0 : i32
        %dma_start3A_246 = tpu.memref_slice %arg2[%dma_start3A_244, %dma_start3A_245] : memref<10000x128xf32, #tpu.memory_space<hbm>> -> memref<10000x128xf32, #tpu.memory_space<hbm>>
        tpu.enqueue_indirect_dma source(%dma_start3A_246 : memref<10000x128xf32, #tpu.memory_space<hbm>>) target(%arg18 : memref<40x128xf32, #tpu.memory_space<vmem>>) offsets(%arg8 : memref<40xi32, #tpu.memory_space<vmem>>) semaphore(%arg28 : memref<!tpu.dma_semaphore, #tpu.memory_space<semaphore_mem>>)
      } else {
      }
      %dma_wait3A_75 = arith.constant 0 : i32
      %dma_wait3A_76 = arith.constant 0 : i32
      %dma_wait3A_77 = tpu.memref_slice %arg2[%dma_wait3A_75, %dma_wait3A_76] : memref<10000x128xf32, #tpu.memory_space<hbm>> -> memref<10000x128xf32, #tpu.memory_space<hbm>>
      tpu.wait_indirect_dma semaphore(%arg27 : memref<!tpu.dma_semaphore, #tpu.memory_space<semaphore_mem>>) src(%dma_wait3A_77 : memref<10000x128xf32, #tpu.memory_space<hbm>>) dst(%arg17 : memref<40x128xf32, #tpu.memory_space<vmem>>)
      %dma_start3A_78 = arith.constant 0 : i32
      %dma_start3A_79 = arith.constant 0 : i32
      %dma_start3A_80 = tpu.memref_slice %arg3[%dma_start3A_78, %dma_start3A_79] : memref<10000x128xf32, #tpu.memory_space<hbm>> -> memref<10000x128xf32, #tpu.memory_space<hbm>>
      tpu.enqueue_indirect_dma source(%dma_start3A_80 : memref<10000x128xf32, #tpu.memory_space<hbm>>) target(%arg17 : memref<40x128xf32, #tpu.memory_space<vmem>>) offsets(%arg12 : memref<40xi32, #tpu.memory_space<vmem>>) semaphore(%arg32 : memref<!tpu.dma_semaphore, #tpu.memory_space<semaphore_mem>>) {add = true}
      %ge3A = arith.constant 1 : i32
      %ge3A_81 = arith.cmpi sge, %add3A_70, %ge3A : i32
      %convert_element_type3A_82 = arith.extui %ge3A_81 : i1 to i32
      %cond3A_83 = arith.constant 0 : i32
      %cond3A_84 = arith.cmpi ne, %convert_element_type3A_82, %cond3A_83 : i32
      scf.if %cond3A_84 {
        %dma_wait3A_233 = arith.constant 0 : i32
        %dma_wait3A_234 = arith.constant 0 : i32
        %dma_wait3A_235 = tpu.memref_slice %arg3[%dma_wait3A_233, %dma_wait3A_234] : memref<10000x128xf32, #tpu.memory_space<hbm>> -> memref<10000x128xf32, #tpu.memory_space<hbm>>
        tpu.wait_indirect_dma semaphore(%arg36 : memref<!tpu.dma_semaphore, #tpu.memory_space<semaphore_mem>>) src(%dma_wait3A_235 : memref<10000x128xf32, #tpu.memory_space<hbm>>) dst(%arg21 : memref<40x128xf32, #tpu.memory_space<vmem>>)
        %sub3A = arith.constant 1 : i32
        %sub3A_236 = arith.subi %add3A_70, %sub3A : i32
        %mul3A_237 = arith.constant 2000 : i32
        %mul3A_238 = arith.muli %add3A, %mul3A_237 : i32
        %mul3A_239 = arith.constant 40 : i32
        %mul3A_240 = arith.muli %sub3A_236, %mul3A_239 : i32
        %add3A_241 = arith.addi %mul3A_238, %mul3A_240 : i32
        %dma_start3A_242 = arith.constant 0 : i32
        %dma_start3A_243 = tpu.memref_slice %arg6[%add3A_241, %dma_start3A_242] : memref<64000x128xf32, #tpu.memory_space<hbm>> -> memref<40x128xf32, #tpu.memory_space<hbm>>
        %dma_start3A_244 = arith.constant 0 : i32
        %dma_start3A_245 = tpu.memref_slice %arg6[%add3A_241, %dma_start3A_244] : memref<64000x128xf32, #tpu.memory_space<hbm>> -> memref<40x128xf32, #tpu.memory_space<hbm>>
        tpu.enqueue_dma source(%arg21 : memref<40x128xf32, #tpu.memory_space<vmem>>) target(%dma_start3A_245 : memref<40x128xf32, #tpu.memory_space<hbm>>) target_semaphore(%arg41 : memref<!tpu.dma_semaphore, #tpu.memory_space<semaphore_mem>>)
      } else {
      }
      %ge3A_85 = arith.constant 2 : i32
      %ge3A_86 = arith.cmpi sge, %add3A_70, %ge3A_85 : i32
      %convert_element_type3A_87 = arith.extui %ge3A_86 : i1 to i32
      %cond3A_88 = arith.constant 0 : i32
      %cond3A_89 = arith.cmpi ne, %convert_element_type3A_87, %cond3A_88 : i32
      scf.if %cond3A_89 {
        %sub3A = arith.constant 2 : i32
        %sub3A_233 = arith.subi %add3A_70, %sub3A : i32
        %mul3A_234 = arith.constant 2000 : i32
        %mul3A_235 = arith.muli %add3A, %mul3A_234 : i32
        %mul3A_236 = arith.constant 40 : i32
        %mul3A_237 = arith.muli %sub3A_233, %mul3A_236 : i32
        %add3A_238 = arith.addi %mul3A_235, %mul3A_237 : i32
        %dma_wait3A_239 = arith.constant 0 : i32
        %dma_wait3A_240 = tpu.memref_slice %arg6[%add3A_238, %dma_wait3A_239] : memref<64000x128xf32, #tpu.memory_space<hbm>> -> memref<40x128xf32, #tpu.memory_space<hbm>>
        %dma_wait3A_241 = arith.constant 0 : i32
        %dma_wait3A_242 = tpu.memref_slice %arg6[%add3A_238, %dma_wait3A_241] : memref<64000x128xf32, #tpu.memory_space<hbm>> -> memref<40x128xf32, #tpu.memory_space<hbm>>
        tpu.wait_dma2 semaphore(%arg40 : memref<!tpu.dma_semaphore, #tpu.memory_space<semaphore_mem>>) src(%arg20 : memref<40x128xf32, #tpu.memory_space<vmem>>) dst(%dma_wait3A_242 : memref<40x128xf32, #tpu.memory_space<hbm>>)
      } else {
      }
      %add3A_90 = arith.constant 3 : i32
      %add3A_91 = arith.addi %add3A_70, %add3A_90 : i32
      %le3A_92 = arith.constant 49 : i32
      %le3A_93 = arith.cmpi sle, %add3A_91, %le3A_92 : i32
      %convert_element_type3A_94 = arith.extui %le3A_93 : i1 to i32
      %cond3A_95 = arith.constant 0 : i32
      %cond3A_96 = arith.cmpi ne, %convert_element_type3A_94, %cond3A_95 : i32
      scf.if %cond3A_96 {
        %add3A_233 = arith.constant 3 : i32
        %add3A_234 = arith.addi %add3A_70, %add3A_233 : i32
        %mul3A_235 = arith.constant 2000 : i32
        %mul3A_236 = arith.muli %add3A, %mul3A_235 : i32
        %mul3A_237 = arith.constant 40 : i32
        %mul3A_238 = arith.muli %add3A_234, %mul3A_237 : i32
        %add3A_239 = arith.addi %mul3A_236, %mul3A_238 : i32
        %dma_start3A_240 = tpu.memref_slice %arg4[%add3A_239] : memref<64000xi32, #tpu.memory_space<hbm>> -> memref<40xi32, #tpu.memory_space<hbm>>
        %dma_start3A_241 = tpu.memref_slice %arg4[%add3A_239] : memref<64000xi32, #tpu.memory_space<hbm>> -> memref<40xi32, #tpu.memory_space<hbm>>
        tpu.enqueue_dma source(%dma_start3A_241 : memref<40xi32, #tpu.memory_space<hbm>>) target(%arg10 : memref<40xi32, #tpu.memory_space<vmem>>) target_semaphore(%arg25 : memref<!tpu.dma_semaphore, #tpu.memory_space<semaphore_mem>>)
        %dma_start3A_242 = tpu.memref_slice %arg5[%add3A_239] : memref<64000xi32, #tpu.memory_space<hbm>> -> memref<40xi32, #tpu.memory_space<hbm>>
        %dma_start3A_243 = tpu.memref_slice %arg5[%add3A_239] : memref<64000xi32, #tpu.memory_space<hbm>> -> memref<40xi32, #tpu.memory_space<hbm>>
        tpu.enqueue_dma source(%dma_start3A_243 : memref<40xi32, #tpu.memory_space<hbm>>) target(%arg15 : memref<40xi32, #tpu.memory_space<vmem>>) target_semaphore(%arg25 : memref<!tpu.dma_semaphore, #tpu.memory_space<semaphore_mem>>)
      } else {
      }
      %mul3A_97 = arith.constant 5 : i32
      %mul3A_98 = arith.muli %mul3A_97, %scan3A_66 : i32
      %add3A_99 = arith.constant 1 : i32
      %add3A_100 = arith.addi %mul3A_98, %add3A_99 : i32
      %add3A_101 = arith.constant 1 : i32
      %add3A_102 = arith.addi %add3A_100, %add3A_101 : i32
      %le3A_103 = arith.constant 49 : i32
      %le3A_104 = arith.cmpi sle, %add3A_102, %le3A_103 : i32
      %convert_element_type3A_105 = arith.extui %le3A_104 : i1 to i32
      %cond3A_106 = arith.constant 0 : i32
      %cond3A_107 = arith.cmpi ne, %convert_element_type3A_105, %cond3A_106 : i32
      scf.if %cond3A_107 {
        %add3A_233 = arith.constant 1 : i32
        %add3A_234 = arith.addi %add3A_100, %add3A_233 : i32
        %mul3A_235 = arith.constant 2000 : i32
        %mul3A_236 = arith.muli %add3A, %mul3A_235 : i32
        %mul3A_237 = arith.constant 40 : i32
        %mul3A_238 = arith.muli %add3A_234, %mul3A_237 : i32
        %add3A_239 = arith.addi %mul3A_236, %mul3A_238 : i32
        %dma_wait3A_240 = tpu.memref_slice %arg4[%add3A_239] : memref<64000xi32, #tpu.memory_space<hbm>> -> memref<40xi32, #tpu.memory_space<hbm>>
        %dma_wait3A_241 = tpu.memref_slice %arg4[%add3A_239] : memref<64000xi32, #tpu.memory_space<hbm>> -> memref<40xi32, #tpu.memory_space<hbm>>
        tpu.wait_dma2 semaphore(%arg24 : memref<!tpu.dma_semaphore, #tpu.memory_space<semaphore_mem>>) src(%dma_wait3A_241 : memref<40xi32, #tpu.memory_space<hbm>>) dst(%arg9 : memref<40xi32, #tpu.memory_space<vmem>>)
        %dma_wait3A_242 = tpu.memref_slice %arg5[%add3A_239] : memref<64000xi32, #tpu.memory_space<hbm>> -> memref<40xi32, #tpu.memory_space<hbm>>
        %dma_wait3A_243 = tpu.memref_slice %arg5[%add3A_239] : memref<64000xi32, #tpu.memory_space<hbm>> -> memref<40xi32, #tpu.memory_space<hbm>>
        tpu.wait_dma2 semaphore(%arg24 : memref<!tpu.dma_semaphore, #tpu.memory_space<semaphore_mem>>) src(%dma_wait3A_243 : memref<40xi32, #tpu.memory_space<hbm>>) dst(%arg14 : memref<40xi32, #tpu.memory_space<vmem>>)
        %dma_start3A_244 = arith.constant 0 : i32
        %dma_start3A_245 = arith.constant 0 : i32
        %dma_start3A_246 = tpu.memref_slice %arg2[%dma_start3A_244, %dma_start3A_245] : memref<10000x128xf32, #tpu.memory_space<hbm>> -> memref<10000x128xf32, #tpu.memory_space<hbm>>
        tpu.enqueue_indirect_dma source(%dma_start3A_246 : memref<10000x128xf32, #tpu.memory_space<hbm>>) target(%arg19 : memref<40x128xf32, #tpu.memory_space<vmem>>) offsets(%arg9 : memref<40xi32, #tpu.memory_space<vmem>>) semaphore(%arg29 : memref<!tpu.dma_semaphore, #tpu.memory_space<semaphore_mem>>)
      } else {
      }
      %dma_wait3A_108 = arith.constant 0 : i32
      %dma_wait3A_109 = arith.constant 0 : i32
      %dma_wait3A_110 = tpu.memref_slice %arg2[%dma_wait3A_108, %dma_wait3A_109] : memref<10000x128xf32, #tpu.memory_space<hbm>> -> memref<10000x128xf32, #tpu.memory_space<hbm>>
      tpu.wait_indirect_dma semaphore(%arg28 : memref<!tpu.dma_semaphore, #tpu.memory_space<semaphore_mem>>) src(%dma_wait3A_110 : memref<10000x128xf32, #tpu.memory_space<hbm>>) dst(%arg18 : memref<40x128xf32, #tpu.memory_space<vmem>>)
      %dma_start3A_111 = arith.constant 0 : i32
      %dma_start3A_112 = arith.constant 0 : i32
      %dma_start3A_113 = tpu.memref_slice %arg3[%dma_start3A_111, %dma_start3A_112] : memref<10000x128xf32, #tpu.memory_space<hbm>> -> memref<10000x128xf32, #tpu.memory_space<hbm>>
      tpu.enqueue_indirect_dma source(%dma_start3A_113 : memref<10000x128xf32, #tpu.memory_space<hbm>>) target(%arg18 : memref<40x128xf32, #tpu.memory_space<vmem>>) offsets(%arg13 : memref<40xi32, #tpu.memory_space<vmem>>) semaphore(%arg33 : memref<!tpu.dma_semaphore, #tpu.memory_space<semaphore_mem>>) {add = true}
      %ge3A_114 = arith.constant 1 : i32
      %ge3A_115 = arith.cmpi sge, %add3A_100, %ge3A_114 : i32
      %convert_element_type3A_116 = arith.extui %ge3A_115 : i1 to i32
      %cond3A_117 = arith.constant 0 : i32
      %cond3A_118 = arith.cmpi ne, %convert_element_type3A_116, %cond3A_117 : i32
      scf.if %cond3A_118 {
        %dma_wait3A_233 = arith.constant 0 : i32
        %dma_wait3A_234 = arith.constant 0 : i32
        %dma_wait3A_235 = tpu.memref_slice %arg3[%dma_wait3A_233, %dma_wait3A_234] : memref<10000x128xf32, #tpu.memory_space<hbm>> -> memref<10000x128xf32, #tpu.memory_space<hbm>>
        tpu.wait_indirect_dma semaphore(%arg32 : memref<!tpu.dma_semaphore, #tpu.memory_space<semaphore_mem>>) src(%dma_wait3A_235 : memref<10000x128xf32, #tpu.memory_space<hbm>>) dst(%arg17 : memref<40x128xf32, #tpu.memory_space<vmem>>)
        %sub3A = arith.constant 1 : i32
        %sub3A_236 = arith.subi %add3A_100, %sub3A : i32
        %mul3A_237 = arith.constant 2000 : i32
        %mul3A_238 = arith.muli %add3A, %mul3A_237 : i32
        %mul3A_239 = arith.constant 40 : i32
        %mul3A_240 = arith.muli %sub3A_236, %mul3A_239 : i32
        %add3A_241 = arith.addi %mul3A_238, %mul3A_240 : i32
        %dma_start3A_242 = arith.constant 0 : i32
        %dma_start3A_243 = tpu.memref_slice %arg6[%add3A_241, %dma_start3A_242] : memref<64000x128xf32, #tpu.memory_space<hbm>> -> memref<40x128xf32, #tpu.memory_space<hbm>>
        %dma_start3A_244 = arith.constant 0 : i32
        %dma_start3A_245 = tpu.memref_slice %arg6[%add3A_241, %dma_start3A_244] : memref<64000x128xf32, #tpu.memory_space<hbm>> -> memref<40x128xf32, #tpu.memory_space<hbm>>
        tpu.enqueue_dma source(%arg17 : memref<40x128xf32, #tpu.memory_space<vmem>>) target(%dma_start3A_245 : memref<40x128xf32, #tpu.memory_space<hbm>>) target_semaphore(%arg37 : memref<!tpu.dma_semaphore, #tpu.memory_space<semaphore_mem>>)
      } else {
      }
      %ge3A_119 = arith.constant 2 : i32
      %ge3A_120 = arith.cmpi sge, %add3A_100, %ge3A_119 : i32
      %convert_element_type3A_121 = arith.extui %ge3A_120 : i1 to i32
      %cond3A_122 = arith.constant 0 : i32
      %cond3A_123 = arith.cmpi ne, %convert_element_type3A_121, %cond3A_122 : i32
      scf.if %cond3A_123 {
        %sub3A = arith.constant 2 : i32
        %sub3A_233 = arith.subi %add3A_100, %sub3A : i32
        %mul3A_234 = arith.constant 2000 : i32
        %mul3A_235 = arith.muli %add3A, %mul3A_234 : i32
        %mul3A_236 = arith.constant 40 : i32
        %mul3A_237 = arith.muli %sub3A_233, %mul3A_236 : i32
        %add3A_238 = arith.addi %mul3A_235, %mul3A_237 : i32
        %dma_wait3A_239 = arith.constant 0 : i32
        %dma_wait3A_240 = tpu.memref_slice %arg6[%add3A_238, %dma_wait3A_239] : memref<64000x128xf32, #tpu.memory_space<hbm>> -> memref<40x128xf32, #tpu.memory_space<hbm>>
        %dma_wait3A_241 = arith.constant 0 : i32
        %dma_wait3A_242 = tpu.memref_slice %arg6[%add3A_238, %dma_wait3A_241] : memref<64000x128xf32, #tpu.memory_space<hbm>> -> memref<40x128xf32, #tpu.memory_space<hbm>>
        tpu.wait_dma2 semaphore(%arg41 : memref<!tpu.dma_semaphore, #tpu.memory_space<semaphore_mem>>) src(%arg21 : memref<40x128xf32, #tpu.memory_space<vmem>>) dst(%dma_wait3A_242 : memref<40x128xf32, #tpu.memory_space<hbm>>)
      } else {
      }
      %add3A_124 = arith.constant 3 : i32
      %add3A_125 = arith.addi %add3A_100, %add3A_124 : i32
      %le3A_126 = arith.constant 49 : i32
      %le3A_127 = arith.cmpi sle, %add3A_125, %le3A_126 : i32
      %convert_element_type3A_128 = arith.extui %le3A_127 : i1 to i32
      %cond3A_129 = arith.constant 0 : i32
      %cond3A_130 = arith.cmpi ne, %convert_element_type3A_128, %cond3A_129 : i32
      scf.if %cond3A_130 {
        %add3A_233 = arith.constant 3 : i32
        %add3A_234 = arith.addi %add3A_100, %add3A_233 : i32
        %mul3A_235 = arith.constant 2000 : i32
        %mul3A_236 = arith.muli %add3A, %mul3A_235 : i32
        %mul3A_237 = arith.constant 40 : i32
        %mul3A_238 = arith.muli %add3A_234, %mul3A_237 : i32
        %add3A_239 = arith.addi %mul3A_236, %mul3A_238 : i32
        %dma_start3A_240 = tpu.memref_slice %arg4[%add3A_239] : memref<64000xi32, #tpu.memory_space<hbm>> -> memref<40xi32, #tpu.memory_space<hbm>>
        %dma_start3A_241 = tpu.memref_slice %arg4[%add3A_239] : memref<64000xi32, #tpu.memory_space<hbm>> -> memref<40xi32, #tpu.memory_space<hbm>>
        tpu.enqueue_dma source(%dma_start3A_241 : memref<40xi32, #tpu.memory_space<hbm>>) target(%arg11 : memref<40xi32, #tpu.memory_space<vmem>>) target_semaphore(%arg26 : memref<!tpu.dma_semaphore, #tpu.memory_space<semaphore_mem>>)
        %dma_start3A_242 = tpu.memref_slice %arg5[%add3A_239] : memref<64000xi32, #tpu.memory_space<hbm>> -> memref<40xi32, #tpu.memory_space<hbm>>
        %dma_start3A_243 = tpu.memref_slice %arg5[%add3A_239] : memref<64000xi32, #tpu.memory_space<hbm>> -> memref<40xi32, #tpu.memory_space<hbm>>
        tpu.enqueue_dma source(%dma_start3A_243 : memref<40xi32, #tpu.memory_space<hbm>>) target(%arg16 : memref<40xi32, #tpu.memory_space<vmem>>) target_semaphore(%arg26 : memref<!tpu.dma_semaphore, #tpu.memory_space<semaphore_mem>>)
      } else {
      }
      %mul3A_131 = arith.constant 5 : i32
      %mul3A_132 = arith.muli %mul3A_131, %scan3A_66 : i32
      %add3A_133 = arith.constant 2 : i32
      %add3A_134 = arith.addi %mul3A_132, %add3A_133 : i32
      %add3A_135 = arith.constant 1 : i32
      %add3A_136 = arith.addi %add3A_134, %add3A_135 : i32
      %le3A_137 = arith.constant 49 : i32
      %le3A_138 = arith.cmpi sle, %add3A_136, %le3A_137 : i32
      %convert_element_type3A_139 = arith.extui %le3A_138 : i1 to i32
      %cond3A_140 = arith.constant 0 : i32
      %cond3A_141 = arith.cmpi ne, %convert_element_type3A_139, %cond3A_140 : i32
      scf.if %cond3A_141 {
        %add3A_233 = arith.constant 1 : i32
        %add3A_234 = arith.addi %add3A_134, %add3A_233 : i32
        %mul3A_235 = arith.constant 2000 : i32
        %mul3A_236 = arith.muli %add3A, %mul3A_235 : i32
        %mul3A_237 = arith.constant 40 : i32
        %mul3A_238 = arith.muli %add3A_234, %mul3A_237 : i32
        %add3A_239 = arith.addi %mul3A_236, %mul3A_238 : i32
        %dma_wait3A_240 = tpu.memref_slice %arg4[%add3A_239] : memref<64000xi32, #tpu.memory_space<hbm>> -> memref<40xi32, #tpu.memory_space<hbm>>
        %dma_wait3A_241 = tpu.memref_slice %arg4[%add3A_239] : memref<64000xi32, #tpu.memory_space<hbm>> -> memref<40xi32, #tpu.memory_space<hbm>>
        tpu.wait_dma2 semaphore(%arg25 : memref<!tpu.dma_semaphore, #tpu.memory_space<semaphore_mem>>) src(%dma_wait3A_241 : memref<40xi32, #tpu.memory_space<hbm>>) dst(%arg10 : memref<40xi32, #tpu.memory_space<vmem>>)
        %dma_wait3A_242 = tpu.memref_slice %arg5[%add3A_239] : memref<64000xi32, #tpu.memory_space<hbm>> -> memref<40xi32, #tpu.memory_space<hbm>>
        %dma_wait3A_243 = tpu.memref_slice %arg5[%add3A_239] : memref<64000xi32, #tpu.memory_space<hbm>> -> memref<40xi32, #tpu.memory_space<hbm>>
        tpu.wait_dma2 semaphore(%arg25 : memref<!tpu.dma_semaphore, #tpu.memory_space<semaphore_mem>>) src(%dma_wait3A_243 : memref<40xi32, #tpu.memory_space<hbm>>) dst(%arg15 : memref<40xi32, #tpu.memory_space<vmem>>)
        %dma_start3A_244 = arith.constant 0 : i32
        %dma_start3A_245 = arith.constant 0 : i32
        %dma_start3A_246 = tpu.memref_slice %arg2[%dma_start3A_244, %dma_start3A_245] : memref<10000x128xf32, #tpu.memory_space<hbm>> -> memref<10000x128xf32, #tpu.memory_space<hbm>>
        tpu.enqueue_indirect_dma source(%dma_start3A_246 : memref<10000x128xf32, #tpu.memory_space<hbm>>) target(%arg20 : memref<40x128xf32, #tpu.memory_space<vmem>>) offsets(%arg10 : memref<40xi32, #tpu.memory_space<vmem>>) semaphore(%arg30 : memref<!tpu.dma_semaphore, #tpu.memory_space<semaphore_mem>>)
      } else {
      }
      %dma_wait3A_142 = arith.constant 0 : i32
      %dma_wait3A_143 = arith.constant 0 : i32
      %dma_wait3A_144 = tpu.memref_slice %arg2[%dma_wait3A_142, %dma_wait3A_143] : memref<10000x128xf32, #tpu.memory_space<hbm>> -> memref<10000x128xf32, #tpu.memory_space<hbm>>
      tpu.wait_indirect_dma semaphore(%arg29 : memref<!tpu.dma_semaphore, #tpu.memory_space<semaphore_mem>>) src(%dma_wait3A_144 : memref<10000x128xf32, #tpu.memory_space<hbm>>) dst(%arg19 : memref<40x128xf32, #tpu.memory_space<vmem>>)
      %dma_start3A_145 = arith.constant 0 : i32
      %dma_start3A_146 = arith.constant 0 : i32
      %dma_start3A_147 = tpu.memref_slice %arg3[%dma_start3A_145, %dma_start3A_146] : memref<10000x128xf32, #tpu.memory_space<hbm>> -> memref<10000x128xf32, #tpu.memory_space<hbm>>
      tpu.enqueue_indirect_dma source(%dma_start3A_147 : memref<10000x128xf32, #tpu.memory_space<hbm>>) target(%arg19 : memref<40x128xf32, #tpu.memory_space<vmem>>) offsets(%arg14 : memref<40xi32, #tpu.memory_space<vmem>>) semaphore(%arg34 : memref<!tpu.dma_semaphore, #tpu.memory_space<semaphore_mem>>) {add = true}
      %ge3A_148 = arith.constant 1 : i32
      %ge3A_149 = arith.cmpi sge, %add3A_134, %ge3A_148 : i32
      %convert_element_type3A_150 = arith.extui %ge3A_149 : i1 to i32
      %cond3A_151 = arith.constant 0 : i32
      %cond3A_152 = arith.cmpi ne, %convert_element_type3A_150, %cond3A_151 : i32
      scf.if %cond3A_152 {
        %dma_wait3A_233 = arith.constant 0 : i32
        %dma_wait3A_234 = arith.constant 0 : i32
        %dma_wait3A_235 = tpu.memref_slice %arg3[%dma_wait3A_233, %dma_wait3A_234] : memref<10000x128xf32, #tpu.memory_space<hbm>> -> memref<10000x128xf32, #tpu.memory_space<hbm>>
        tpu.wait_indirect_dma semaphore(%arg33 : memref<!tpu.dma_semaphore, #tpu.memory_space<semaphore_mem>>) src(%dma_wait3A_235 : memref<10000x128xf32, #tpu.memory_space<hbm>>) dst(%arg18 : memref<40x128xf32, #tpu.memory_space<vmem>>)
        %sub3A = arith.constant 1 : i32
        %sub3A_236 = arith.subi %add3A_134, %sub3A : i32
        %mul3A_237 = arith.constant 2000 : i32
        %mul3A_238 = arith.muli %add3A, %mul3A_237 : i32
        %mul3A_239 = arith.constant 40 : i32
        %mul3A_240 = arith.muli %sub3A_236, %mul3A_239 : i32
        %add3A_241 = arith.addi %mul3A_238, %mul3A_240 : i32
        %dma_start3A_242 = arith.constant 0 : i32
        %dma_start3A_243 = tpu.memref_slice %arg6[%add3A_241, %dma_start3A_242] : memref<64000x128xf32, #tpu.memory_space<hbm>> -> memref<40x128xf32, #tpu.memory_space<hbm>>
        %dma_start3A_244 = arith.constant 0 : i32
        %dma_start3A_245 = tpu.memref_slice %arg6[%add3A_241, %dma_start3A_244] : memref<64000x128xf32, #tpu.memory_space<hbm>> -> memref<40x128xf32, #tpu.memory_space<hbm>>
        tpu.enqueue_dma source(%arg18 : memref<40x128xf32, #tpu.memory_space<vmem>>) target(%dma_start3A_245 : memref<40x128xf32, #tpu.memory_space<hbm>>) target_semaphore(%arg38 : memref<!tpu.dma_semaphore, #tpu.memory_space<semaphore_mem>>)
      } else {
      }
      %ge3A_153 = arith.constant 2 : i32
      %ge3A_154 = arith.cmpi sge, %add3A_134, %ge3A_153 : i32
      %convert_element_type3A_155 = arith.extui %ge3A_154 : i1 to i32
      %cond3A_156 = arith.constant 0 : i32
      %cond3A_157 = arith.cmpi ne, %convert_element_type3A_155, %cond3A_156 : i32
      scf.if %cond3A_157 {
        %sub3A = arith.constant 2 : i32
        %sub3A_233 = arith.subi %add3A_134, %sub3A : i32
        %mul3A_234 = arith.constant 2000 : i32
        %mul3A_235 = arith.muli %add3A, %mul3A_234 : i32
        %mul3A_236 = arith.constant 40 : i32
        %mul3A_237 = arith.muli %sub3A_233, %mul3A_236 : i32
        %add3A_238 = arith.addi %mul3A_235, %mul3A_237 : i32
        %dma_wait3A_239 = arith.constant 0 : i32
        %dma_wait3A_240 = tpu.memref_slice %arg6[%add3A_238, %dma_wait3A_239] : memref<64000x128xf32, #tpu.memory_space<hbm>> -> memref<40x128xf32, #tpu.memory_space<hbm>>
        %dma_wait3A_241 = arith.constant 0 : i32
        %dma_wait3A_242 = tpu.memref_slice %arg6[%add3A_238, %dma_wait3A_241] : memref<64000x128xf32, #tpu.memory_space<hbm>> -> memref<40x128xf32, #tpu.memory_space<hbm>>
        tpu.wait_dma2 semaphore(%arg37 : memref<!tpu.dma_semaphore, #tpu.memory_space<semaphore_mem>>) src(%arg17 : memref<40x128xf32, #tpu.memory_space<vmem>>) dst(%dma_wait3A_242 : memref<40x128xf32, #tpu.memory_space<hbm>>)
      } else {
      }
      %add3A_158 = arith.constant 3 : i32
      %add3A_159 = arith.addi %add3A_134, %add3A_158 : i32
      %le3A_160 = arith.constant 49 : i32
      %le3A_161 = arith.cmpi sle, %add3A_159, %le3A_160 : i32
      %convert_element_type3A_162 = arith.extui %le3A_161 : i1 to i32
      %cond3A_163 = arith.constant 0 : i32
      %cond3A_164 = arith.cmpi ne, %convert_element_type3A_162, %cond3A_163 : i32
      scf.if %cond3A_164 {
        %add3A_233 = arith.constant 3 : i32
        %add3A_234 = arith.addi %add3A_134, %add3A_233 : i32
        %mul3A_235 = arith.constant 2000 : i32
        %mul3A_236 = arith.muli %add3A, %mul3A_235 : i32
        %mul3A_237 = arith.constant 40 : i32
        %mul3A_238 = arith.muli %add3A_234, %mul3A_237 : i32
        %add3A_239 = arith.addi %mul3A_236, %mul3A_238 : i32
        %dma_start3A_240 = tpu.memref_slice %arg4[%add3A_239] : memref<64000xi32, #tpu.memory_space<hbm>> -> memref<40xi32, #tpu.memory_space<hbm>>
        %dma_start3A_241 = tpu.memref_slice %arg4[%add3A_239] : memref<64000xi32, #tpu.memory_space<hbm>> -> memref<40xi32, #tpu.memory_space<hbm>>
        tpu.enqueue_dma source(%dma_start3A_241 : memref<40xi32, #tpu.memory_space<hbm>>) target(%arg7 : memref<40xi32, #tpu.memory_space<vmem>>) target_semaphore(%arg22 : memref<!tpu.dma_semaphore, #tpu.memory_space<semaphore_mem>>)
        %dma_start3A_242 = tpu.memref_slice %arg5[%add3A_239] : memref<64000xi32, #tpu.memory_space<hbm>> -> memref<40xi32, #tpu.memory_space<hbm>>
        %dma_start3A_243 = tpu.memref_slice %arg5[%add3A_239] : memref<64000xi32, #tpu.memory_space<hbm>> -> memref<40xi32, #tpu.memory_space<hbm>>
        tpu.enqueue_dma source(%dma_start3A_243 : memref<40xi32, #tpu.memory_space<hbm>>) target(%arg12 : memref<40xi32, #tpu.memory_space<vmem>>) target_semaphore(%arg22 : memref<!tpu.dma_semaphore, #tpu.memory_space<semaphore_mem>>)
      } else {
      }
      %mul3A_165 = arith.constant 5 : i32
      %mul3A_166 = arith.muli %mul3A_165, %scan3A_66 : i32
      %add3A_167 = arith.constant 3 : i32
      %add3A_168 = arith.addi %mul3A_166, %add3A_167 : i32
      %add3A_169 = arith.constant 1 : i32
      %add3A_170 = arith.addi %add3A_168, %add3A_169 : i32
      %le3A_171 = arith.constant 49 : i32
      %le3A_172 = arith.cmpi sle, %add3A_170, %le3A_171 : i32
      %convert_element_type3A_173 = arith.extui %le3A_172 : i1 to i32
      %cond3A_174 = arith.constant 0 : i32
      %cond3A_175 = arith.cmpi ne, %convert_element_type3A_173, %cond3A_174 : i32
      scf.if %cond3A_175 {
        %add3A_233 = arith.constant 1 : i32
        %add3A_234 = arith.addi %add3A_168, %add3A_233 : i32
        %mul3A_235 = arith.constant 2000 : i32
        %mul3A_236 = arith.muli %add3A, %mul3A_235 : i32
        %mul3A_237 = arith.constant 40 : i32
        %mul3A_238 = arith.muli %add3A_234, %mul3A_237 : i32
        %add3A_239 = arith.addi %mul3A_236, %mul3A_238 : i32
        %dma_wait3A_240 = tpu.memref_slice %arg4[%add3A_239] : memref<64000xi32, #tpu.memory_space<hbm>> -> memref<40xi32, #tpu.memory_space<hbm>>
        %dma_wait3A_241 = tpu.memref_slice %arg4[%add3A_239] : memref<64000xi32, #tpu.memory_space<hbm>> -> memref<40xi32, #tpu.memory_space<hbm>>
        tpu.wait_dma2 semaphore(%arg26 : memref<!tpu.dma_semaphore, #tpu.memory_space<semaphore_mem>>) src(%dma_wait3A_241 : memref<40xi32, #tpu.memory_space<hbm>>) dst(%arg11 : memref<40xi32, #tpu.memory_space<vmem>>)
        %dma_wait3A_242 = tpu.memref_slice %arg5[%add3A_239] : memref<64000xi32, #tpu.memory_space<hbm>> -> memref<40xi32, #tpu.memory_space<hbm>>
        %dma_wait3A_243 = tpu.memref_slice %arg5[%add3A_239] : memref<64000xi32, #tpu.memory_space<hbm>> -> memref<40xi32, #tpu.memory_space<hbm>>
        tpu.wait_dma2 semaphore(%arg26 : memref<!tpu.dma_semaphore, #tpu.memory_space<semaphore_mem>>) src(%dma_wait3A_243 : memref<40xi32, #tpu.memory_space<hbm>>) dst(%arg16 : memref<40xi32, #tpu.memory_space<vmem>>)
        %dma_start3A_244 = arith.constant 0 : i32
        %dma_start3A_245 = arith.constant 0 : i32
        %dma_start3A_246 = tpu.memref_slice %arg2[%dma_start3A_244, %dma_start3A_245] : memref<10000x128xf32, #tpu.memory_space<hbm>> -> memref<10000x128xf32, #tpu.memory_space<hbm>>
        tpu.enqueue_indirect_dma source(%dma_start3A_246 : memref<10000x128xf32, #tpu.memory_space<hbm>>) target(%arg21 : memref<40x128xf32, #tpu.memory_space<vmem>>) offsets(%arg11 : memref<40xi32, #tpu.memory_space<vmem>>) semaphore(%arg31 : memref<!tpu.dma_semaphore, #tpu.memory_space<semaphore_mem>>)
      } else {
      }
      %dma_wait3A_176 = arith.constant 0 : i32
      %dma_wait3A_177 = arith.constant 0 : i32
      %dma_wait3A_178 = tpu.memref_slice %arg2[%dma_wait3A_176, %dma_wait3A_177] : memref<10000x128xf32, #tpu.memory_space<hbm>> -> memref<10000x128xf32, #tpu.memory_space<hbm>>
      tpu.wait_indirect_dma semaphore(%arg30 : memref<!tpu.dma_semaphore, #tpu.memory_space<semaphore_mem>>) src(%dma_wait3A_178 : memref<10000x128xf32, #tpu.memory_space<hbm>>) dst(%arg20 : memref<40x128xf32, #tpu.memory_space<vmem>>)
      %dma_start3A_179 = arith.constant 0 : i32
      %dma_start3A_180 = arith.constant 0 : i32
      %dma_start3A_181 = tpu.memref_slice %arg3[%dma_start3A_179, %dma_start3A_180] : memref<10000x128xf32, #tpu.memory_space<hbm>> -> memref<10000x128xf32, #tpu.memory_space<hbm>>
      tpu.enqueue_indirect_dma source(%dma_start3A_181 : memref<10000x128xf32, #tpu.memory_space<hbm>>) target(%arg20 : memref<40x128xf32, #tpu.memory_space<vmem>>) offsets(%arg15 : memref<40xi32, #tpu.memory_space<vmem>>) semaphore(%arg35 : memref<!tpu.dma_semaphore, #tpu.memory_space<semaphore_mem>>) {add = true}
      %ge3A_182 = arith.constant 1 : i32
      %ge3A_183 = arith.cmpi sge, %add3A_168, %ge3A_182 : i32
      %convert_element_type3A_184 = arith.extui %ge3A_183 : i1 to i32
      %cond3A_185 = arith.constant 0 : i32
      %cond3A_186 = arith.cmpi ne, %convert_element_type3A_184, %cond3A_185 : i32
      scf.if %cond3A_186 {
        %dma_wait3A_233 = arith.constant 0 : i32
        %dma_wait3A_234 = arith.constant 0 : i32
        %dma_wait3A_235 = tpu.memref_slice %arg3[%dma_wait3A_233, %dma_wait3A_234] : memref<10000x128xf32, #tpu.memory_space<hbm>> -> memref<10000x128xf32, #tpu.memory_space<hbm>>
        tpu.wait_indirect_dma semaphore(%arg34 : memref<!tpu.dma_semaphore, #tpu.memory_space<semaphore_mem>>) src(%dma_wait3A_235 : memref<10000x128xf32, #tpu.memory_space<hbm>>) dst(%arg19 : memref<40x128xf32, #tpu.memory_space<vmem>>)
        %sub3A = arith.constant 1 : i32
        %sub3A_236 = arith.subi %add3A_168, %sub3A : i32
        %mul3A_237 = arith.constant 2000 : i32
        %mul3A_238 = arith.muli %add3A, %mul3A_237 : i32
        %mul3A_239 = arith.constant 40 : i32
        %mul3A_240 = arith.muli %sub3A_236, %mul3A_239 : i32
        %add3A_241 = arith.addi %mul3A_238, %mul3A_240 : i32
        %dma_start3A_242 = arith.constant 0 : i32
        %dma_start3A_243 = tpu.memref_slice %arg6[%add3A_241, %dma_start3A_242] : memref<64000x128xf32, #tpu.memory_space<hbm>> -> memref<40x128xf32, #tpu.memory_space<hbm>>
        %dma_start3A_244 = arith.constant 0 : i32
        %dma_start3A_245 = tpu.memref_slice %arg6[%add3A_241, %dma_start3A_244] : memref<64000x128xf32, #tpu.memory_space<hbm>> -> memref<40x128xf32, #tpu.memory_space<hbm>>
        tpu.enqueue_dma source(%arg19 : memref<40x128xf32, #tpu.memory_space<vmem>>) target(%dma_start3A_245 : memref<40x128xf32, #tpu.memory_space<hbm>>) target_semaphore(%arg39 : memref<!tpu.dma_semaphore, #tpu.memory_space<semaphore_mem>>)
      } else {
      }
      %ge3A_187 = arith.constant 2 : i32
      %ge3A_188 = arith.cmpi sge, %add3A_168, %ge3A_187 : i32
      %convert_element_type3A_189 = arith.extui %ge3A_188 : i1 to i32
      %cond3A_190 = arith.constant 0 : i32
      %cond3A_191 = arith.cmpi ne, %convert_element_type3A_189, %cond3A_190 : i32
      scf.if %cond3A_191 {
        %sub3A = arith.constant 2 : i32
        %sub3A_233 = arith.subi %add3A_168, %sub3A : i32
        %mul3A_234 = arith.constant 2000 : i32
        %mul3A_235 = arith.muli %add3A, %mul3A_234 : i32
        %mul3A_236 = arith.constant 40 : i32
        %mul3A_237 = arith.muli %sub3A_233, %mul3A_236 : i32
        %add3A_238 = arith.addi %mul3A_235, %mul3A_237 : i32
        %dma_wait3A_239 = arith.constant 0 : i32
        %dma_wait3A_240 = tpu.memref_slice %arg6[%add3A_238, %dma_wait3A_239] : memref<64000x128xf32, #tpu.memory_space<hbm>> -> memref<40x128xf32, #tpu.memory_space<hbm>>
        %dma_wait3A_241 = arith.constant 0 : i32
        %dma_wait3A_242 = tpu.memref_slice %arg6[%add3A_238, %dma_wait3A_241] : memref<64000x128xf32, #tpu.memory_space<hbm>> -> memref<40x128xf32, #tpu.memory_space<hbm>>
        tpu.wait_dma2 semaphore(%arg38 : memref<!tpu.dma_semaphore, #tpu.memory_space<semaphore_mem>>) src(%arg18 : memref<40x128xf32, #tpu.memory_space<vmem>>) dst(%dma_wait3A_242 : memref<40x128xf32, #tpu.memory_space<hbm>>)
      } else {
      }
      %add3A_192 = arith.constant 3 : i32
      %add3A_193 = arith.addi %add3A_168, %add3A_192 : i32
      %le3A_194 = arith.constant 49 : i32
      %le3A_195 = arith.cmpi sle, %add3A_193, %le3A_194 : i32
      %convert_element_type3A_196 = arith.extui %le3A_195 : i1 to i32
      %cond3A_197 = arith.constant 0 : i32
      %cond3A_198 = arith.cmpi ne, %convert_element_type3A_196, %cond3A_197 : i32
      scf.if %cond3A_198 {
        %add3A_233 = arith.constant 3 : i32
        %add3A_234 = arith.addi %add3A_168, %add3A_233 : i32
        %mul3A_235 = arith.constant 2000 : i32
        %mul3A_236 = arith.muli %add3A, %mul3A_235 : i32
        %mul3A_237 = arith.constant 40 : i32
        %mul3A_238 = arith.muli %add3A_234, %mul3A_237 : i32
        %add3A_239 = arith.addi %mul3A_236, %mul3A_238 : i32
        %dma_start3A_240 = tpu.memref_slice %arg4[%add3A_239] : memref<64000xi32, #tpu.memory_space<hbm>> -> memref<40xi32, #tpu.memory_space<hbm>>
        %dma_start3A_241 = tpu.memref_slice %arg4[%add3A_239] : memref<64000xi32, #tpu.memory_space<hbm>> -> memref<40xi32, #tpu.memory_space<hbm>>
        tpu.enqueue_dma source(%dma_start3A_241 : memref<40xi32, #tpu.memory_space<hbm>>) target(%arg8 : memref<40xi32, #tpu.memory_space<vmem>>) target_semaphore(%arg23 : memref<!tpu.dma_semaphore, #tpu.memory_space<semaphore_mem>>)
        %dma_start3A_242 = tpu.memref_slice %arg5[%add3A_239] : memref<64000xi32, #tpu.memory_space<hbm>> -> memref<40xi32, #tpu.memory_space<hbm>>
        %dma_start3A_243 = tpu.memref_slice %arg5[%add3A_239] : memref<64000xi32, #tpu.memory_space<hbm>> -> memref<40xi32, #tpu.memory_space<hbm>>
        tpu.enqueue_dma source(%dma_start3A_243 : memref<40xi32, #tpu.memory_space<hbm>>) target(%arg13 : memref<40xi32, #tpu.memory_space<vmem>>) target_semaphore(%arg23 : memref<!tpu.dma_semaphore, #tpu.memory_space<semaphore_mem>>)
      } else {
      }
      %mul3A_199 = arith.constant 5 : i32
      %mul3A_200 = arith.muli %mul3A_199, %scan3A_66 : i32
      %add3A_201 = arith.constant 4 : i32
      %add3A_202 = arith.addi %mul3A_200, %add3A_201 : i32
      %add3A_203 = arith.constant 1 : i32
      %add3A_204 = arith.addi %add3A_202, %add3A_203 : i32
      %le3A_205 = arith.constant 49 : i32
      %le3A_206 = arith.cmpi sle, %add3A_204, %le3A_205 : i32
      %convert_element_type3A_207 = arith.extui %le3A_206 : i1 to i32
      %cond3A_208 = arith.constant 0 : i32
      %cond3A_209 = arith.cmpi ne, %convert_element_type3A_207, %cond3A_208 : i32
      scf.if %cond3A_209 {
        %add3A_233 = arith.constant 1 : i32
        %add3A_234 = arith.addi %add3A_202, %add3A_233 : i32
        %mul3A_235 = arith.constant 2000 : i32
        %mul3A_236 = arith.muli %add3A, %mul3A_235 : i32
        %mul3A_237 = arith.constant 40 : i32
        %mul3A_238 = arith.muli %add3A_234, %mul3A_237 : i32
        %add3A_239 = arith.addi %mul3A_236, %mul3A_238 : i32
        %dma_wait3A_240 = tpu.memref_slice %arg4[%add3A_239] : memref<64000xi32, #tpu.memory_space<hbm>> -> memref<40xi32, #tpu.memory_space<hbm>>
        %dma_wait3A_241 = tpu.memref_slice %arg4[%add3A_239] : memref<64000xi32, #tpu.memory_space<hbm>> -> memref<40xi32, #tpu.memory_space<hbm>>
        tpu.wait_dma2 semaphore(%arg22 : memref<!tpu.dma_semaphore, #tpu.memory_space<semaphore_mem>>) src(%dma_wait3A_241 : memref<40xi32, #tpu.memory_space<hbm>>) dst(%arg7 : memref<40xi32, #tpu.memory_space<vmem>>)
        %dma_wait3A_242 = tpu.memref_slice %arg5[%add3A_239] : memref<64000xi32, #tpu.memory_space<hbm>> -> memref<40xi32, #tpu.memory_space<hbm>>
        %dma_wait3A_243 = tpu.memref_slice %arg5[%add3A_239] : memref<64000xi32, #tpu.memory_space<hbm>> -> memref<40xi32, #tpu.memory_space<hbm>>
        tpu.wait_dma2 semaphore(%arg22 : memref<!tpu.dma_semaphore, #tpu.memory_space<semaphore_mem>>) src(%dma_wait3A_243 : memref<40xi32, #tpu.memory_space<hbm>>) dst(%arg12 : memref<40xi32, #tpu.memory_space<vmem>>)
        %dma_start3A_244 = arith.constant 0 : i32
        %dma_start3A_245 = arith.constant 0 : i32
        %dma_start3A_246 = tpu.memref_slice %arg2[%dma_start3A_244, %dma_start3A_245] : memref<10000x128xf32, #tpu.memory_space<hbm>> -> memref<10000x128xf32, #tpu.memory_space<hbm>>
        tpu.enqueue_indirect_dma source(%dma_start3A_246 : memref<10000x128xf32, #tpu.memory_space<hbm>>) target(%arg17 : memref<40x128xf32, #tpu.memory_space<vmem>>) offsets(%arg7 : memref<40xi32, #tpu.memory_space<vmem>>) semaphore(%arg27 : memref<!tpu.dma_semaphore, #tpu.memory_space<semaphore_mem>>)
      } else {
      }
      %dma_wait3A_210 = arith.constant 0 : i32
      %dma_wait3A_211 = arith.constant 0 : i32
      %dma_wait3A_212 = tpu.memref_slice %arg2[%dma_wait3A_210, %dma_wait3A_211] : memref<10000x128xf32, #tpu.memory_space<hbm>> -> memref<10000x128xf32, #tpu.memory_space<hbm>>
      tpu.wait_indirect_dma semaphore(%arg31 : memref<!tpu.dma_semaphore, #tpu.memory_space<semaphore_mem>>) src(%dma_wait3A_212 : memref<10000x128xf32, #tpu.memory_space<hbm>>) dst(%arg21 : memref<40x128xf32, #tpu.memory_space<vmem>>)
      %dma_start3A_213 = arith.constant 0 : i32
      %dma_start3A_214 = arith.constant 0 : i32
      %dma_start3A_215 = tpu.memref_slice %arg3[%dma_start3A_213, %dma_start3A_214] : memref<10000x128xf32, #tpu.memory_space<hbm>> -> memref<10000x128xf32, #tpu.memory_space<hbm>>
      tpu.enqueue_indirect_dma source(%dma_start3A_215 : memref<10000x128xf32, #tpu.memory_space<hbm>>) target(%arg21 : memref<40x128xf32, #tpu.memory_space<vmem>>) offsets(%arg16 : memref<40xi32, #tpu.memory_space<vmem>>) semaphore(%arg36 : memref<!tpu.dma_semaphore, #tpu.memory_space<semaphore_mem>>) {add = true}
      %ge3A_216 = arith.constant 1 : i32
      %ge3A_217 = arith.cmpi sge, %add3A_202, %ge3A_216 : i32
      %convert_element_type3A_218 = arith.extui %ge3A_217 : i1 to i32
      %cond3A_219 = arith.constant 0 : i32
      %cond3A_220 = arith.cmpi ne, %convert_element_type3A_218, %cond3A_219 : i32
      scf.if %cond3A_220 {
        %dma_wait3A_233 = arith.constant 0 : i32
        %dma_wait3A_234 = arith.constant 0 : i32
        %dma_wait3A_235 = tpu.memref_slice %arg3[%dma_wait3A_233, %dma_wait3A_234] : memref<10000x128xf32, #tpu.memory_space<hbm>> -> memref<10000x128xf32, #tpu.memory_space<hbm>>
        tpu.wait_indirect_dma semaphore(%arg35 : memref<!tpu.dma_semaphore, #tpu.memory_space<semaphore_mem>>) src(%dma_wait3A_235 : memref<10000x128xf32, #tpu.memory_space<hbm>>) dst(%arg20 : memref<40x128xf32, #tpu.memory_space<vmem>>)
        %sub3A = arith.constant 1 : i32
        %sub3A_236 = arith.subi %add3A_202, %sub3A : i32
        %mul3A_237 = arith.constant 2000 : i32
        %mul3A_238 = arith.muli %add3A, %mul3A_237 : i32
        %mul3A_239 = arith.constant 40 : i32
        %mul3A_240 = arith.muli %sub3A_236, %mul3A_239 : i32
        %add3A_241 = arith.addi %mul3A_238, %mul3A_240 : i32
        %dma_start3A_242 = arith.constant 0 : i32
        %dma_start3A_243 = tpu.memref_slice %arg6[%add3A_241, %dma_start3A_242] : memref<64000x128xf32, #tpu.memory_space<hbm>> -> memref<40x128xf32, #tpu.memory_space<hbm>>
        %dma_start3A_244 = arith.constant 0 : i32
        %dma_start3A_245 = tpu.memref_slice %arg6[%add3A_241, %dma_start3A_244] : memref<64000x128xf32, #tpu.memory_space<hbm>> -> memref<40x128xf32, #tpu.memory_space<hbm>>
        tpu.enqueue_dma source(%arg20 : memref<40x128xf32, #tpu.memory_space<vmem>>) target(%dma_start3A_245 : memref<40x128xf32, #tpu.memory_space<hbm>>) target_semaphore(%arg40 : memref<!tpu.dma_semaphore, #tpu.memory_space<semaphore_mem>>)
      } else {
      }
      %ge3A_221 = arith.constant 2 : i32
      %ge3A_222 = arith.cmpi sge, %add3A_202, %ge3A_221 : i32
      %convert_element_type3A_223 = arith.extui %ge3A_222 : i1 to i32
      %cond3A_224 = arith.constant 0 : i32
      %cond3A_225 = arith.cmpi ne, %convert_element_type3A_223, %cond3A_224 : i32
      scf.if %cond3A_225 {
        %sub3A = arith.constant 2 : i32
        %sub3A_233 = arith.subi %add3A_202, %sub3A : i32
        %mul3A_234 = arith.constant 2000 : i32
        %mul3A_235 = arith.muli %add3A, %mul3A_234 : i32
        %mul3A_236 = arith.constant 40 : i32
        %mul3A_237 = arith.muli %sub3A_233, %mul3A_236 : i32
        %add3A_238 = arith.addi %mul3A_235, %mul3A_237 : i32
        %dma_wait3A_239 = arith.constant 0 : i32
        %dma_wait3A_240 = tpu.memref_slice %arg6[%add3A_238, %dma_wait3A_239] : memref<64000x128xf32, #tpu.memory_space<hbm>> -> memref<40x128xf32, #tpu.memory_space<hbm>>
        %dma_wait3A_241 = arith.constant 0 : i32
        %dma_wait3A_242 = tpu.memref_slice %arg6[%add3A_238, %dma_wait3A_241] : memref<64000x128xf32, #tpu.memory_space<hbm>> -> memref<40x128xf32, #tpu.memory_space<hbm>>
        tpu.wait_dma2 semaphore(%arg39 : memref<!tpu.dma_semaphore, #tpu.memory_space<semaphore_mem>>) src(%arg19 : memref<40x128xf32, #tpu.memory_space<vmem>>) dst(%dma_wait3A_242 : memref<40x128xf32, #tpu.memory_space<hbm>>)
      } else {
      }
      %add3A_226 = arith.constant 3 : i32
      %add3A_227 = arith.addi %add3A_202, %add3A_226 : i32
      %le3A_228 = arith.constant 49 : i32
      %le3A_229 = arith.cmpi sle, %add3A_227, %le3A_228 : i32
      %convert_element_type3A_230 = arith.extui %le3A_229 : i1 to i32
      %cond3A_231 = arith.constant 0 : i32
      %cond3A_232 = arith.cmpi ne, %convert_element_type3A_230, %cond3A_231 : i32
      scf.if %cond3A_232 {
        %add3A_233 = arith.constant 3 : i32
        %add3A_234 = arith.addi %add3A_202, %add3A_233 : i32
        %mul3A_235 = arith.constant 2000 : i32
        %mul3A_236 = arith.muli %add3A, %mul3A_235 : i32
        %mul3A_237 = arith.constant 40 : i32
        %mul3A_238 = arith.muli %add3A_234, %mul3A_237 : i32
        %add3A_239 = arith.addi %mul3A_236, %mul3A_238 : i32
        %dma_start3A_240 = tpu.memref_slice %arg4[%add3A_239] : memref<64000xi32, #tpu.memory_space<hbm>> -> memref<40xi32, #tpu.memory_space<hbm>>
        %dma_start3A_241 = tpu.memref_slice %arg4[%add3A_239] : memref<64000xi32, #tpu.memory_space<hbm>> -> memref<40xi32, #tpu.memory_space<hbm>>
        tpu.enqueue_dma source(%dma_start3A_241 : memref<40xi32, #tpu.memory_space<hbm>>) target(%arg9 : memref<40xi32, #tpu.memory_space<vmem>>) target_semaphore(%arg24 : memref<!tpu.dma_semaphore, #tpu.memory_space<semaphore_mem>>)
        %dma_start3A_242 = tpu.memref_slice %arg5[%add3A_239] : memref<64000xi32, #tpu.memory_space<hbm>> -> memref<40xi32, #tpu.memory_space<hbm>>
        %dma_start3A_243 = tpu.memref_slice %arg5[%add3A_239] : memref<64000xi32, #tpu.memory_space<hbm>> -> memref<40xi32, #tpu.memory_space<hbm>>
        tpu.enqueue_dma source(%dma_start3A_243 : memref<40xi32, #tpu.memory_space<hbm>>) target(%arg14 : memref<40xi32, #tpu.memory_space<vmem>>) target_semaphore(%arg24 : memref<!tpu.dma_semaphore, #tpu.memory_space<semaphore_mem>>)
      } else {
      }
    }
    %scan3A_38 = arith.constant 10 : i32
    %dma_wait3A_39 = arith.constant 0 : i32
    %dma_wait3A_40 = arith.constant 0 : i32
    %dma_wait3A_41 = tpu.memref_slice %arg3[%dma_wait3A_39, %dma_wait3A_40] : memref<10000x128xf32, #tpu.memory_space<hbm>> -> memref<10000x128xf32, #tpu.memory_space<hbm>>
    tpu.wait_indirect_dma semaphore(%arg36 : memref<!tpu.dma_semaphore, #tpu.memory_space<semaphore_mem>>) src(%dma_wait3A_41 : memref<10000x128xf32, #tpu.memory_space<hbm>>) dst(%arg21 : memref<40x128xf32, #tpu.memory_space<vmem>>)
    %mul3A_42 = arith.constant 2000 : i32
    %mul3A_43 = arith.muli %add3A, %mul3A_42 : i32
    %add3A_44 = arith.constant 1960 : i32
    %add3A_45 = arith.addi %mul3A_43, %add3A_44 : i32
    %dma_start3A_46 = arith.constant 0 : i32
    %dma_start3A_47 = tpu.memref_slice %arg6[%add3A_45, %dma_start3A_46] : memref<64000x128xf32, #tpu.memory_space<hbm>> -> memref<40x128xf32, #tpu.memory_space<hbm>>
    %dma_start3A_48 = arith.constant 0 : i32
    %dma_start3A_49 = tpu.memref_slice %arg6[%add3A_45, %dma_start3A_48] : memref<64000x128xf32, #tpu.memory_space<hbm>> -> memref<40x128xf32, #tpu.memory_space<hbm>>
    tpu.enqueue_dma source(%arg21 : memref<40x128xf32, #tpu.memory_space<vmem>>) target(%dma_start3A_49 : memref<40x128xf32, #tpu.memory_space<hbm>>) target_semaphore(%arg41 : memref<!tpu.dma_semaphore, #tpu.memory_space<semaphore_mem>>)
    %mul3A_50 = arith.constant 2000 : i32
    %mul3A_51 = arith.muli %add3A, %mul3A_50 : i32
    %add3A_52 = arith.constant 1920 : i32
    %add3A_53 = arith.addi %mul3A_51, %add3A_52 : i32
    %dma_wait3A_54 = arith.constant 0 : i32
    %dma_wait3A_55 = tpu.memref_slice %arg6[%add3A_53, %dma_wait3A_54] : memref<64000x128xf32, #tpu.memory_space<hbm>> -> memref<40x128xf32, #tpu.memory_space<hbm>>
    %dma_wait3A_56 = arith.constant 0 : i32
    %dma_wait3A_57 = tpu.memref_slice %arg6[%add3A_53, %dma_wait3A_56] : memref<64000x128xf32, #tpu.memory_space<hbm>> -> memref<40x128xf32, #tpu.memory_space<hbm>>
    tpu.wait_dma2 semaphore(%arg40 : memref<!tpu.dma_semaphore, #tpu.memory_space<semaphore_mem>>) src(%arg20 : memref<40x128xf32, #tpu.memory_space<vmem>>) dst(%dma_wait3A_57 : memref<40x128xf32, #tpu.memory_space<hbm>>)
    %mul3A_58 = arith.constant 2000 : i32
    %mul3A_59 = arith.muli %add3A, %mul3A_58 : i32
    %add3A_60 = arith.constant 1960 : i32
    %add3A_61 = arith.addi %mul3A_59, %add3A_60 : i32
    %dma_wait3A_62 = arith.constant 0 : i32
    %dma_wait3A_63 = tpu.memref_slice %arg6[%add3A_61, %dma_wait3A_62] : memref<64000x128xf32, #tpu.memory_space<hbm>> -> memref<40x128xf32, #tpu.memory_space<hbm>>
    %dma_wait3A_64 = arith.constant 0 : i32
    %dma_wait3A_65 = tpu.memref_slice %arg6[%add3A_61, %dma_wait3A_64] : memref<64000x128xf32, #tpu.memory_space<hbm>> -> memref<40x128xf32, #tpu.memory_space<hbm>>
    tpu.wait_dma2 semaphore(%arg41 : memref<!tpu.dma_semaphore, #tpu.memory_space<semaphore_mem>>) src(%arg21 : memref<40x128xf32, #tpu.memory_space<vmem>>) dst(%dma_wait3A_65 : memref<40x128xf32, #tpu.memory_space<hbm>>)
    return
  }
}

#map = affine_map<(d0, d1) -> (0, 0)>
#map1 = affine_map<(d0, d1) -> (0)>
module attributes {stable_mosaic.version = 14 : i64} {
  func.func @gather_k(%arg0: i32, %arg1: i32, %arg2: memref<10000x128xf32, #tpu.memory_space<hbm>>, %arg3: memref<10000x128xf32, #tpu.memory_space<hbm>>, %arg4: memref<64000xi32, #tpu.memory_space<hbm>>, %arg5: memref<64000xi32, #tpu.memory_space<hbm>>, %arg6: memref<64000x128xf32, #tpu.memory_space<hbm>>, %arg7: memref<40xi32, #tpu.memory_space<vmem>>, %arg8: memref<40xi32, #tpu.memory_space<vmem>>, %arg9: memref<40xi32, #tpu.memory_space<vmem>>, %arg10: memref<40xi32, #tpu.memory_space<vmem>>, %arg11: memref<40xi32, #tpu.memory_space<vmem>>, %arg12: memref<40xi32, #tpu.memory_space<vmem>>, %arg13: memref<40xi32, #tpu.memory_space<vmem>>, %arg14: memref<40xi32, #tpu.memory_space<vmem>>, %arg15: memref<40xi32, #tpu.memory_space<vmem>>, %arg16: memref<40xi32, #tpu.memory_space<vmem>>, %arg17: memref<40x128xf32, #tpu.memory_space<vmem>>, %arg18: memref<40x128xf32, #tpu.memory_space<vmem>>, %arg19: memref<40x128xf32, #tpu.memory_space<vmem>>, %arg20: memref<40x128xf32, #tpu.memory_space<vmem>>, %arg21: memref<40x128xf32, #tpu.memory_space<vmem>>, %arg22: memref<!tpu.dma_semaphore, #tpu.memory_space<semaphore_mem>>, %arg23: memref<!tpu.dma_semaphore, #tpu.memory_space<semaphore_mem>>, %arg24: memref<!tpu.dma_semaphore, #tpu.memory_space<semaphore_mem>>, %arg25: memref<!tpu.dma_semaphore, #tpu.memory_space<semaphore_mem>>, %arg26: memref<!tpu.dma_semaphore, #tpu.memory_space<semaphore_mem>>, %arg27: memref<!tpu.dma_semaphore, #tpu.memory_space<semaphore_mem>>, %arg28: memref<!tpu.dma_semaphore, #tpu.memory_space<semaphore_mem>>, %arg29: memref<!tpu.dma_semaphore, #tpu.memory_space<semaphore_mem>>, %arg30: memref<!tpu.dma_semaphore, #tpu.memory_space<semaphore_mem>>, %arg31: memref<!tpu.dma_semaphore, #tpu.memory_space<semaphore_mem>>, %arg32: memref<!tpu.dma_semaphore, #tpu.memory_space<semaphore_mem>>, %arg33: memref<!tpu.dma_semaphore, #tpu.memory_space<semaphore_mem>>, %arg34: memref<!tpu.dma_semaphore, #tpu.memory_space<semaphore_mem>>, %arg35: memref<!tpu.dma_semaphore, #tpu.memory_space<semaphore_mem>>, %arg36: memref<!tpu.dma_semaphore, #tpu.memory_space<semaphore_mem>>, %arg37: memref<!tpu.dma_semaphore, #tpu.memory_space<semaphore_mem>>, %arg38: memref<!tpu.dma_semaphore, #tpu.memory_space<semaphore_mem>>, %arg39: memref<!tpu.dma_semaphore, #tpu.memory_space<semaphore_mem>>, %arg40: memref<!tpu.dma_semaphore, #tpu.memory_space<semaphore_mem>>, %arg41: memref<!tpu.dma_semaphore, #tpu.memory_space<semaphore_mem>>) attributes {dimension_semantics = [#tpu.dimension_semantics<core_parallel>, #tpu.dimension_semantics<subcore_parallel>], iteration_bounds = array<i64: 2, 16>, scalar_prefetch = 0 : i64, scratch_operands = 35 : i64, tpu.core_type = #tpu.core_type<sc_vector_subcore>, window_params = [{transform_indices = #map}, {transform_indices = #map}, {transform_indices = #map1}, {transform_indices = #map1}, {transform_indices = #map}]} {
    %mul3A = arith.constant 2 : i32
    %mul3A_0 = arith.muli %arg1, %mul3A : i32
    %add3A = arith.addi %mul3A_0, %arg0 : i32
    %mul3A_1 = arith.constant 2000 : i32
    %mul3A_2 = arith.muli %add3A, %mul3A_1 : i32
    %add3A_3 = arith.constant 0 : i32
    %add3A_4 = arith.addi %mul3A_2, %add3A_3 : i32
    %dma_start3A = tpu.memref_slice %arg4[%add3A_4] : memref<64000xi32, #tpu.memory_space<hbm>> -> memref<40xi32, #tpu.memory_space<hbm>>
    %dma_start3A_5 = tpu.memref_slice %arg4[%add3A_4] : memref<64000xi32, #tpu.memory_space<hbm>> -> memref<40xi32, #tpu.memory_space<hbm>>
    tpu.enqueue_dma source(%dma_start3A_5 : memref<40xi32, #tpu.memory_space<hbm>>) target(%arg7 : memref<40xi32, #tpu.memory_space<vmem>>) target_semaphore(%arg22 : memref<!tpu.dma_semaphore, #tpu.memory_space<semaphore_mem>>)
    %dma_start3A_6 = tpu.memref_slice %arg5[%add3A_4] : memref<64000xi32, #tpu.memory_space<hbm>> -> memref<40xi32, #tpu.memory_space<hbm>>
    %dma_start3A_7 = tpu.memref_slice %arg5[%add3A_4] : memref<64000xi32, #tpu.memory_space<hbm>> -> memref<40xi32, #tpu.memory_space<hbm>>
    tpu.enqueue_dma source(%dma_start3A_7 : memref<40xi32, #tpu.memory_space<hbm>>) target(%arg12 : memref<40xi32, #tpu.memory_space<vmem>>) target_semaphore(%arg22 : memref<!tpu.dma_semaphore, #tpu.memory_space<semaphore_mem>>)
    %mul3A_8 = arith.constant 2000 : i32
    %mul3A_9 = arith.muli %add3A, %mul3A_8 : i32
    %add3A_10 = arith.constant 0 : i32
    %add3A_11 = arith.addi %mul3A_9, %add3A_10 : i32
    %dma_wait3A = tpu.memref_slice %arg4[%add3A_11] : memref<64000xi32, #tpu.memory_space<hbm>> -> memref<40xi32, #tpu.memory_space<hbm>>
    %dma_wait3A_12 = tpu.memref_slice %arg4[%add3A_11] : memref<64000xi32, #tpu.memory_space<hbm>> -> memref<40xi32, #tpu.memory_space<hbm>>
    tpu.wait_dma2 semaphore(%arg22 : memref<!tpu.dma_semaphore, #tpu.memory_space<semaphore_mem>>) src(%dma_wait3A_12 : memref<40xi32, #tpu.memory_space<hbm>>) dst(%arg7 : memref<40xi32, #tpu.memory_space<vmem>>)
    %dma_wait3A_13 = tpu.memref_slice %arg5[%add3A_11] : memref<64000xi32, #tpu.memory_space<hbm>> -> memref<40xi32, #tpu.memory_space<hbm>>
    %dma_wait3A_14 = tpu.memref_slice %arg5[%add3A_11] : memref<64000xi32, #tpu.memory_space<hbm>> -> memref<40xi32, #tpu.memory_space<hbm>>
    tpu.wait_dma2 semaphore(%arg22 : memref<!tpu.dma_semaphore, #tpu.memory_space<semaphore_mem>>) src(%dma_wait3A_14 : memref<40xi32, #tpu.memory_space<hbm>>) dst(%arg12 : memref<40xi32, #tpu.memory_space<vmem>>)
    %dma_start3A_15 = arith.constant 0 : i32
    %dma_start3A_16 = arith.constant 0 : i32
    %dma_start3A_17 = tpu.memref_slice %arg2[%dma_start3A_15, %dma_start3A_16] : memref<10000x128xf32, #tpu.memory_space<hbm>> -> memref<10000x128xf32, #tpu.memory_space<hbm>>
    tpu.enqueue_indirect_dma source(%dma_start3A_17 : memref<10000x128xf32, #tpu.memory_space<hbm>>) target(%arg17 : memref<40x128xf32, #tpu.memory_space<vmem>>) offsets(%arg7 : memref<40xi32, #tpu.memory_space<vmem>>) semaphore(%arg27 : memref<!tpu.dma_semaphore, #tpu.memory_space<semaphore_mem>>)
    %mul3A_18 = arith.constant 2000 : i32
    %mul3A_19 = arith.muli %add3A, %mul3A_18 : i32
    %add3A_20 = arith.constant 40 : i32
    %add3A_21 = arith.addi %mul3A_19, %add3A_20 : i32
    %dma_start3A_22 = tpu.memref_slice %arg4[%add3A_21] : memref<64000xi32, #tpu.memory_space<hbm>> -> memref<40xi32, #tpu.memory_space<hbm>>
    %dma_start3A_23 = tpu.memref_slice %arg4[%add3A_21] : memref<64000xi32, #tpu.memory_space<hbm>> -> memref<40xi32, #tpu.memory_space<hbm>>
    tpu.enqueue_dma source(%dma_start3A_23 : memref<40xi32, #tpu.memory_space<hbm>>) target(%arg8 : memref<40xi32, #tpu.memory_space<vmem>>) target_semaphore(%arg23 : memref<!tpu.dma_semaphore, #tpu.memory_space<semaphore_mem>>)
    %dma_start3A_24 = tpu.memref_slice %arg5[%add3A_21] : memref<64000xi32, #tpu.memory_space<hbm>> -> memref<40xi32, #tpu.memory_space<hbm>>
    %dma_start3A_25 = tpu.memref_slice %arg5[%add3A_21] : memref<64000xi32, #tpu.memory_space<hbm>> -> memref<40xi32, #tpu.memory_space<hbm>>
    tpu.enqueue_dma source(%dma_start3A_25 : memref<40xi32, #tpu.memory_space<hbm>>) target(%arg13 : memref<40xi32, #tpu.memory_space<vmem>>) target_semaphore(%arg23 : memref<!tpu.dma_semaphore, #tpu.memory_space<semaphore_mem>>)
    %mul3A_26 = arith.constant 2000 : i32
    %mul3A_27 = arith.muli %add3A, %mul3A_26 : i32
    %add3A_28 = arith.constant 80 : i32
    %add3A_29 = arith.addi %mul3A_27, %add3A_28 : i32
    %dma_start3A_30 = tpu.memref_slice %arg4[%add3A_29] : memref<64000xi32, #tpu.memory_space<hbm>> -> memref<40xi32, #tpu.memory_space<hbm>>
    %dma_start3A_31 = tpu.memref_slice %arg4[%add3A_29] : memref<64000xi32, #tpu.memory_space<hbm>> -> memref<40xi32, #tpu.memory_space<hbm>>
    tpu.enqueue_dma source(%dma_start3A_31 : memref<40xi32, #tpu.memory_space<hbm>>) target(%arg9 : memref<40xi32, #tpu.memory_space<vmem>>) target_semaphore(%arg24 : memref<!tpu.dma_semaphore, #tpu.memory_space<semaphore_mem>>)
    %dma_start3A_32 = tpu.memref_slice %arg5[%add3A_29] : memref<64000xi32, #tpu.memory_space<hbm>> -> memref<40xi32, #tpu.memory_space<hbm>>
    %dma_start3A_33 = tpu.memref_slice %arg5[%add3A_29] : memref<64000xi32, #tpu.memory_space<hbm>> -> memref<40xi32, #tpu.memory_space<hbm>>
    tpu.enqueue_dma source(%dma_start3A_33 : memref<40xi32, #tpu.memory_space<hbm>>) target(%arg14 : memref<40xi32, #tpu.memory_space<vmem>>) target_semaphore(%arg24 : memref<!tpu.dma_semaphore, #tpu.memory_space<semaphore_mem>>)
    %scan3A = arith.constant 0 : i32
    %scan3A_34 = arith.constant 0 : i32
    %scan3A_35 = arith.constant 10 : i32
    %scan3A_36 = arith.addi %scan3A_34, %scan3A_35 : i32
    %scan3A_37 = arith.constant 1 : i32
    scf.for %scan3A_66 = %scan3A_34 to %scan3A_36 step %scan3A_37  : i32 {
      %mul3A_67 = arith.constant 5 : i32
      %mul3A_68 = arith.muli %mul3A_67, %scan3A_66 : i32
      %add3A_69 = arith.constant 0 : i32
      %add3A_70 = arith.addi %mul3A_68, %add3A_69 : i32
      %add3A_71 = arith.constant 1 : i32
      %add3A_72 = arith.addi %add3A_70, %add3A_71 : i32
      %le3A = arith.constant 49 : i32
      %le3A_73 = arith.cmpi sle, %add3A_72, %le3A : i32
      %convert_element_type3A = arith.extui %le3A_73 : i1 to i32
      %cond3A = arith.constant 0 : i32
      %cond3A_74 = arith.cmpi ne, %convert_element_type3A, %cond3A : i32
      scf.if %cond3A_74 {
        %add3A_233 = arith.constant 1 : i32
        %add3A_234 = arith.addi %add3A_70, %add3A_233 : i32
        %mul3A_235 = arith.constant 2000 : i32
        %mul3A_236 = arith.muli %add3A, %mul3A_235 : i32
        %mul3A_237 = arith.constant 40 : i32
        %mul3A_238 = arith.muli %add3A_234, %mul3A_237 : i32
        %add3A_239 = arith.addi %mul3A_236, %mul3A_238 : i32
        %dma_wait3A_240 = tpu.memref_slice %arg4[%add3A_239] : memref<64000xi32, #tpu.memory_space<hbm>> -> memref<40xi32, #tpu.memory_space<hbm>>
        %dma_wait3A_241 = tpu.memref_slice %arg4[%add3A_239] : memref<64000xi32, #tpu.memory_space<hbm>> -> memref<40xi32, #tpu.memory_space<hbm>>
        tpu.wait_dma2 semaphore(%arg23 : memref<!tpu.dma_semaphore, #tpu.memory_space<semaphore_mem>>) src(%dma_wait3A_241 : memref<40xi32, #tpu.memory_space<hbm>>) dst(%arg8 : memref<40xi32, #tpu.memory_space<vmem>>)
        %dma_wait3A_242 = tpu.memref_slice %arg5[%add3A_239] : memref<64000xi32, #tpu.memory_space<hbm>> -> memref<40xi32, #tpu.memory_space<hbm>>
        %dma_wait3A_243 = tpu.memref_slice %arg5[%add3A_239] : memref<64000xi32, #tpu.memory_space<hbm>> -> memref<40xi32, #tpu.memory_space<hbm>>
        tpu.wait_dma2 semaphore(%arg23 : memref<!tpu.dma_semaphore, #tpu.memory_space<semaphore_mem>>) src(%dma_wait3A_243 : memref<40xi32, #tpu.memory_space<hbm>>) dst(%arg13 : memref<40xi32, #tpu.memory_space<vmem>>)
        %dma_start3A_244 = arith.constant 0 : i32
        %dma_start3A_245 = arith.constant 0 : i32
        %dma_start3A_246 = tpu.memref_slice %arg2[%dma_start3A_244, %dma_start3A_245] : memref<10000x128xf32, #tpu.memory_space<hbm>> -> memref<10000x128xf32, #tpu.memory_space<hbm>>
        tpu.enqueue_indirect_dma source(%dma_start3A_246 : memref<10000x128xf32, #tpu.memory_space<hbm>>) target(%arg18 : memref<40x128xf32, #tpu.memory_space<vmem>>) offsets(%arg8 : memref<40xi32, #tpu.memory_space<vmem>>) semaphore(%arg28 : memref<!tpu.dma_semaphore, #tpu.memory_space<semaphore_mem>>)
      } else {
      }
      %dma_wait3A_75 = arith.constant 0 : i32
      %dma_wait3A_76 = arith.constant 0 : i32
      %dma_wait3A_77 = tpu.memref_slice %arg2[%dma_wait3A_75, %dma_wait3A_76] : memref<10000x128xf32, #tpu.memory_space<hbm>> -> memref<10000x128xf32, #tpu.memory_space<hbm>>
      tpu.wait_indirect_dma semaphore(%arg27 : memref<!tpu.dma_semaphore, #tpu.memory_space<semaphore_mem>>) src(%dma_wait3A_77 : memref<10000x128xf32, #tpu.memory_space<hbm>>) dst(%arg17 : memref<40x128xf32, #tpu.memory_space<vmem>>)
      %dma_start3A_78 = arith.constant 0 : i32
      %dma_start3A_79 = arith.constant 0 : i32
      %dma_start3A_80 = tpu.memref_slice %arg3[%dma_start3A_78, %dma_start3A_79] : memref<10000x128xf32, #tpu.memory_space<hbm>> -> memref<10000x128xf32, #tpu.memory_space<hbm>>
      tpu.enqueue_indirect_dma source(%dma_start3A_80 : memref<10000x128xf32, #tpu.memory_space<hbm>>) target(%arg17 : memref<40x128xf32, #tpu.memory_space<vmem>>) offsets(%arg12 : memref<40xi32, #tpu.memory_space<vmem>>) semaphore(%arg32 : memref<!tpu.dma_semaphore, #tpu.memory_space<semaphore_mem>>) {add = true}
      %ge3A = arith.constant 1 : i32
      %ge3A_81 = arith.cmpi sge, %add3A_70, %ge3A : i32
      %convert_element_type3A_82 = arith.extui %ge3A_81 : i1 to i32
      %cond3A_83 = arith.constant 0 : i32
      %cond3A_84 = arith.cmpi ne, %convert_element_type3A_82, %cond3A_83 : i32
      scf.if %cond3A_84 {
        %dma_wait3A_233 = arith.constant 0 : i32
        %dma_wait3A_234 = arith.constant 0 : i32
        %dma_wait3A_235 = tpu.memref_slice %arg3[%dma_wait3A_233, %dma_wait3A_234] : memref<10000x128xf32, #tpu.memory_space<hbm>> -> memref<10000x128xf32, #tpu.memory_space<hbm>>
        tpu.wait_indirect_dma semaphore(%arg36 : memref<!tpu.dma_semaphore, #tpu.memory_space<semaphore_mem>>) src(%dma_wait3A_235 : memref<10000x128xf32, #tpu.memory_space<hbm>>) dst(%arg21 : memref<40x128xf32, #tpu.memory_space<vmem>>)
        %sub3A = arith.constant 1 : i32
        %sub3A_236 = arith.subi %add3A_70, %sub3A : i32
        %mul3A_237 = arith.constant 2000 : i32
        %mul3A_238 = arith.muli %add3A, %mul3A_237 : i32
        %mul3A_239 = arith.constant 40 : i32
        %mul3A_240 = arith.muli %sub3A_236, %mul3A_239 : i32
        %add3A_241 = arith.addi %mul3A_238, %mul3A_240 : i32
        %dma_start3A_242 = arith.constant 0 : i32
        %dma_start3A_243 = tpu.memref_slice %arg6[%add3A_241, %dma_start3A_242] : memref<64000x128xf32, #tpu.memory_space<hbm>> -> memref<40x128xf32, #tpu.memory_space<hbm>>
        %dma_start3A_244 = arith.constant 0 : i32
        %dma_start3A_245 = tpu.memref_slice %arg6[%add3A_241, %dma_start3A_244] : memref<64000x128xf32, #tpu.memory_space<hbm>> -> memref<40x128xf32, #tpu.memory_space<hbm>>
        tpu.enqueue_dma source(%arg21 : memref<40x128xf32, #tpu.memory_space<vmem>>) target(%dma_start3A_245 : memref<40x128xf32, #tpu.memory_space<hbm>>) target_semaphore(%arg41 : memref<!tpu.dma_semaphore, #tpu.memory_space<semaphore_mem>>)
      } else {
      }
      %ge3A_85 = arith.constant 2 : i32
      %ge3A_86 = arith.cmpi sge, %add3A_70, %ge3A_85 : i32
      %convert_element_type3A_87 = arith.extui %ge3A_86 : i1 to i32
      %cond3A_88 = arith.constant 0 : i32
      %cond3A_89 = arith.cmpi ne, %convert_element_type3A_87, %cond3A_88 : i32
      scf.if %cond3A_89 {
        %sub3A = arith.constant 2 : i32
        %sub3A_233 = arith.subi %add3A_70, %sub3A : i32
        %mul3A_234 = arith.constant 2000 : i32
        %mul3A_235 = arith.muli %add3A, %mul3A_234 : i32
        %mul3A_236 = arith.constant 40 : i32
        %mul3A_237 = arith.muli %sub3A_233, %mul3A_236 : i32
        %add3A_238 = arith.addi %mul3A_235, %mul3A_237 : i32
        %dma_wait3A_239 = arith.constant 0 : i32
        %dma_wait3A_240 = tpu.memref_slice %arg6[%add3A_238, %dma_wait3A_239] : memref<64000x128xf32, #tpu.memory_space<hbm>> -> memref<40x128xf32, #tpu.memory_space<hbm>>
        %dma_wait3A_241 = arith.constant 0 : i32
        %dma_wait3A_242 = tpu.memref_slice %arg6[%add3A_238, %dma_wait3A_241] : memref<64000x128xf32, #tpu.memory_space<hbm>> -> memref<40x128xf32, #tpu.memory_space<hbm>>
        tpu.wait_dma2 semaphore(%arg40 : memref<!tpu.dma_semaphore, #tpu.memory_space<semaphore_mem>>) src(%arg20 : memref<40x128xf32, #tpu.memory_space<vmem>>) dst(%dma_wait3A_242 : memref<40x128xf32, #tpu.memory_space<hbm>>)
      } else {
      }
      %add3A_90 = arith.constant 3 : i32
      %add3A_91 = arith.addi %add3A_70, %add3A_90 : i32
      %le3A_92 = arith.constant 49 : i32
      %le3A_93 = arith.cmpi sle, %add3A_91, %le3A_92 : i32
      %convert_element_type3A_94 = arith.extui %le3A_93 : i1 to i32
      %cond3A_95 = arith.constant 0 : i32
      %cond3A_96 = arith.cmpi ne, %convert_element_type3A_94, %cond3A_95 : i32
      scf.if %cond3A_96 {
        %add3A_233 = arith.constant 3 : i32
        %add3A_234 = arith.addi %add3A_70, %add3A_233 : i32
        %mul3A_235 = arith.constant 2000 : i32
        %mul3A_236 = arith.muli %add3A, %mul3A_235 : i32
        %mul3A_237 = arith.constant 40 : i32
        %mul3A_238 = arith.muli %add3A_234, %mul3A_237 : i32
        %add3A_239 = arith.addi %mul3A_236, %mul3A_238 : i32
        %dma_start3A_240 = tpu.memref_slice %arg4[%add3A_239] : memref<64000xi32, #tpu.memory_space<hbm>> -> memref<40xi32, #tpu.memory_space<hbm>>
        %dma_start3A_241 = tpu.memref_slice %arg4[%add3A_239] : memref<64000xi32, #tpu.memory_space<hbm>> -> memref<40xi32, #tpu.memory_space<hbm>>
        tpu.enqueue_dma source(%dma_start3A_241 : memref<40xi32, #tpu.memory_space<hbm>>) target(%arg10 : memref<40xi32, #tpu.memory_space<vmem>>) target_semaphore(%arg25 : memref<!tpu.dma_semaphore, #tpu.memory_space<semaphore_mem>>)
        %dma_start3A_242 = tpu.memref_slice %arg5[%add3A_239] : memref<64000xi32, #tpu.memory_space<hbm>> -> memref<40xi32, #tpu.memory_space<hbm>>
        %dma_start3A_243 = tpu.memref_slice %arg5[%add3A_239] : memref<64000xi32, #tpu.memory_space<hbm>> -> memref<40xi32, #tpu.memory_space<hbm>>
        tpu.enqueue_dma source(%dma_start3A_243 : memref<40xi32, #tpu.memory_space<hbm>>) target(%arg15 : memref<40xi32, #tpu.memory_space<vmem>>) target_semaphore(%arg25 : memref<!tpu.dma_semaphore, #tpu.memory_space<semaphore_mem>>)
      } else {
      }
      %mul3A_97 = arith.constant 5 : i32
      %mul3A_98 = arith.muli %mul3A_97, %scan3A_66 : i32
      %add3A_99 = arith.constant 1 : i32
      %add3A_100 = arith.addi %mul3A_98, %add3A_99 : i32
      %add3A_101 = arith.constant 1 : i32
      %add3A_102 = arith.addi %add3A_100, %add3A_101 : i32
      %le3A_103 = arith.constant 49 : i32
      %le3A_104 = arith.cmpi sle, %add3A_102, %le3A_103 : i32
      %convert_element_type3A_105 = arith.extui %le3A_104 : i1 to i32
      %cond3A_106 = arith.constant 0 : i32
      %cond3A_107 = arith.cmpi ne, %convert_element_type3A_105, %cond3A_106 : i32
      scf.if %cond3A_107 {
        %add3A_233 = arith.constant 1 : i32
        %add3A_234 = arith.addi %add3A_100, %add3A_233 : i32
        %mul3A_235 = arith.constant 2000 : i32
        %mul3A_236 = arith.muli %add3A, %mul3A_235 : i32
        %mul3A_237 = arith.constant 40 : i32
        %mul3A_238 = arith.muli %add3A_234, %mul3A_237 : i32
        %add3A_239 = arith.addi %mul3A_236, %mul3A_238 : i32
        %dma_wait3A_240 = tpu.memref_slice %arg4[%add3A_239] : memref<64000xi32, #tpu.memory_space<hbm>> -> memref<40xi32, #tpu.memory_space<hbm>>
        %dma_wait3A_241 = tpu.memref_slice %arg4[%add3A_239] : memref<64000xi32, #tpu.memory_space<hbm>> -> memref<40xi32, #tpu.memory_space<hbm>>
        tpu.wait_dma2 semaphore(%arg24 : memref<!tpu.dma_semaphore, #tpu.memory_space<semaphore_mem>>) src(%dma_wait3A_241 : memref<40xi32, #tpu.memory_space<hbm>>) dst(%arg9 : memref<40xi32, #tpu.memory_space<vmem>>)
        %dma_wait3A_242 = tpu.memref_slice %arg5[%add3A_239] : memref<64000xi32, #tpu.memory_space<hbm>> -> memref<40xi32, #tpu.memory_space<hbm>>
        %dma_wait3A_243 = tpu.memref_slice %arg5[%add3A_239] : memref<64000xi32, #tpu.memory_space<hbm>> -> memref<40xi32, #tpu.memory_space<hbm>>
        tpu.wait_dma2 semaphore(%arg24 : memref<!tpu.dma_semaphore, #tpu.memory_space<semaphore_mem>>) src(%dma_wait3A_243 : memref<40xi32, #tpu.memory_space<hbm>>) dst(%arg14 : memref<40xi32, #tpu.memory_space<vmem>>)
        %dma_start3A_244 = arith.constant 0 : i32
        %dma_start3A_245 = arith.constant 0 : i32
        %dma_start3A_246 = tpu.memref_slice %arg2[%dma_start3A_244, %dma_start3A_245] : memref<10000x128xf32, #tpu.memory_space<hbm>> -> memref<10000x128xf32, #tpu.memory_space<hbm>>
        tpu.enqueue_indirect_dma source(%dma_start3A_246 : memref<10000x128xf32, #tpu.memory_space<hbm>>) target(%arg19 : memref<40x128xf32, #tpu.memory_space<vmem>>) offsets(%arg9 : memref<40xi32, #tpu.memory_space<vmem>>) semaphore(%arg29 : memref<!tpu.dma_semaphore, #tpu.memory_space<semaphore_mem>>)
      } else {
      }
      %dma_wait3A_108 = arith.constant 0 : i32
      %dma_wait3A_109 = arith.constant 0 : i32
      %dma_wait3A_110 = tpu.memref_slice %arg2[%dma_wait3A_108, %dma_wait3A_109] : memref<10000x128xf32, #tpu.memory_space<hbm>> -> memref<10000x128xf32, #tpu.memory_space<hbm>>
      tpu.wait_indirect_dma semaphore(%arg28 : memref<!tpu.dma_semaphore, #tpu.memory_space<semaphore_mem>>) src(%dma_wait3A_110 : memref<10000x128xf32, #tpu.memory_space<hbm>>) dst(%arg18 : memref<40x128xf32, #tpu.memory_space<vmem>>)
      %dma_start3A_111 = arith.constant 0 : i32
      %dma_start3A_112 = arith.constant 0 : i32
      %dma_start3A_113 = tpu.memref_slice %arg3[%dma_start3A_111, %dma_start3A_112] : memref<10000x128xf32, #tpu.memory_space<hbm>> -> memref<10000x128xf32, #tpu.memory_space<hbm>>
      tpu.enqueue_indirect_dma source(%dma_start3A_113 : memref<10000x128xf32, #tpu.memory_space<hbm>>) target(%arg18 : memref<40x128xf32, #tpu.memory_space<vmem>>) offsets(%arg13 : memref<40xi32, #tpu.memory_space<vmem>>) semaphore(%arg33 : memref<!tpu.dma_semaphore, #tpu.memory_space<semaphore_mem>>) {add = true}
      %ge3A_114 = arith.constant 1 : i32
      %ge3A_115 = arith.cmpi sge, %add3A_100, %ge3A_114 : i32
      %convert_element_type3A_116 = arith.extui %ge3A_115 : i1 to i32
      %cond3A_117 = arith.constant 0 : i32
      %cond3A_118 = arith.cmpi ne, %convert_element_type3A_116, %cond3A_117 : i32
      scf.if %cond3A_118 {
        %dma_wait3A_233 = arith.constant 0 : i32
        %dma_wait3A_234 = arith.constant 0 : i32
        %dma_wait3A_235 = tpu.memref_slice %arg3[%dma_wait3A_233, %dma_wait3A_234] : memref<10000x128xf32, #tpu.memory_space<hbm>> -> memref<10000x128xf32, #tpu.memory_space<hbm>>
        tpu.wait_indirect_dma semaphore(%arg32 : memref<!tpu.dma_semaphore, #tpu.memory_space<semaphore_mem>>) src(%dma_wait3A_235 : memref<10000x128xf32, #tpu.memory_space<hbm>>) dst(%arg17 : memref<40x128xf32, #tpu.memory_space<vmem>>)
        %sub3A = arith.constant 1 : i32
        %sub3A_236 = arith.subi %add3A_100, %sub3A : i32
        %mul3A_237 = arith.constant 2000 : i32
        %mul3A_238 = arith.muli %add3A, %mul3A_237 : i32
        %mul3A_239 = arith.constant 40 : i32
        %mul3A_240 = arith.muli %sub3A_236, %mul3A_239 : i32
        %add3A_241 = arith.addi %mul3A_238, %mul3A_240 : i32
        %dma_start3A_242 = arith.constant 0 : i32
        %dma_start3A_243 = tpu.memref_slice %arg6[%add3A_241, %dma_start3A_242] : memref<64000x128xf32, #tpu.memory_space<hbm>> -> memref<40x128xf32, #tpu.memory_space<hbm>>
        %dma_start3A_244 = arith.constant 0 : i32
        %dma_start3A_245 = tpu.memref_slice %arg6[%add3A_241, %dma_start3A_244] : memref<64000x128xf32, #tpu.memory_space<hbm>> -> memref<40x128xf32, #tpu.memory_space<hbm>>
        tpu.enqueue_dma source(%arg17 : memref<40x128xf32, #tpu.memory_space<vmem>>) target(%dma_start3A_245 : memref<40x128xf32, #tpu.memory_space<hbm>>) target_semaphore(%arg37 : memref<!tpu.dma_semaphore, #tpu.memory_space<semaphore_mem>>)
      } else {
      }
      %ge3A_119 = arith.constant 2 : i32
      %ge3A_120 = arith.cmpi sge, %add3A_100, %ge3A_119 : i32
      %convert_element_type3A_121 = arith.extui %ge3A_120 : i1 to i32
      %cond3A_122 = arith.constant 0 : i32
      %cond3A_123 = arith.cmpi ne, %convert_element_type3A_121, %cond3A_122 : i32
      scf.if %cond3A_123 {
        %sub3A = arith.constant 2 : i32
        %sub3A_233 = arith.subi %add3A_100, %sub3A : i32
        %mul3A_234 = arith.constant 2000 : i32
        %mul3A_235 = arith.muli %add3A, %mul3A_234 : i32
        %mul3A_236 = arith.constant 40 : i32
        %mul3A_237 = arith.muli %sub3A_233, %mul3A_236 : i32
        %add3A_238 = arith.addi %mul3A_235, %mul3A_237 : i32
        %dma_wait3A_239 = arith.constant 0 : i32
        %dma_wait3A_240 = tpu.memref_slice %arg6[%add3A_238, %dma_wait3A_239] : memref<64000x128xf32, #tpu.memory_space<hbm>> -> memref<40x128xf32, #tpu.memory_space<hbm>>
        %dma_wait3A_241 = arith.constant 0 : i32
        %dma_wait3A_242 = tpu.memref_slice %arg6[%add3A_238, %dma_wait3A_241] : memref<64000x128xf32, #tpu.memory_space<hbm>> -> memref<40x128xf32, #tpu.memory_space<hbm>>
        tpu.wait_dma2 semaphore(%arg41 : memref<!tpu.dma_semaphore, #tpu.memory_space<semaphore_mem>>) src(%arg21 : memref<40x128xf32, #tpu.memory_space<vmem>>) dst(%dma_wait3A_242 : memref<40x128xf32, #tpu.memory_space<hbm>>)
      } else {
      }
      %add3A_124 = arith.constant 3 : i32
      %add3A_125 = arith.addi %add3A_100, %add3A_124 : i32
      %le3A_126 = arith.constant 49 : i32
      %le3A_127 = arith.cmpi sle, %add3A_125, %le3A_126 : i32
      %convert_element_type3A_128 = arith.extui %le3A_127 : i1 to i32
      %cond3A_129 = arith.constant 0 : i32
      %cond3A_130 = arith.cmpi ne, %convert_element_type3A_128, %cond3A_129 : i32
      scf.if %cond3A_130 {
        %add3A_233 = arith.constant 3 : i32
        %add3A_234 = arith.addi %add3A_100, %add3A_233 : i32
        %mul3A_235 = arith.constant 2000 : i32
        %mul3A_236 = arith.muli %add3A, %mul3A_235 : i32
        %mul3A_237 = arith.constant 40 : i32
        %mul3A_238 = arith.muli %add3A_234, %mul3A_237 : i32
        %add3A_239 = arith.addi %mul3A_236, %mul3A_238 : i32
        %dma_start3A_240 = tpu.memref_slice %arg4[%add3A_239] : memref<64000xi32, #tpu.memory_space<hbm>> -> memref<40xi32, #tpu.memory_space<hbm>>
        %dma_start3A_241 = tpu.memref_slice %arg4[%add3A_239] : memref<64000xi32, #tpu.memory_space<hbm>> -> memref<40xi32, #tpu.memory_space<hbm>>
        tpu.enqueue_dma source(%dma_start3A_241 : memref<40xi32, #tpu.memory_space<hbm>>) target(%arg11 : memref<40xi32, #tpu.memory_space<vmem>>) target_semaphore(%arg26 : memref<!tpu.dma_semaphore, #tpu.memory_space<semaphore_mem>>)
        %dma_start3A_242 = tpu.memref_slice %arg5[%add3A_239] : memref<64000xi32, #tpu.memory_space<hbm>> -> memref<40xi32, #tpu.memory_space<hbm>>
        %dma_start3A_243 = tpu.memref_slice %arg5[%add3A_239] : memref<64000xi32, #tpu.memory_space<hbm>> -> memref<40xi32, #tpu.memory_space<hbm>>
        tpu.enqueue_dma source(%dma_start3A_243 : memref<40xi32, #tpu.memory_space<hbm>>) target(%arg16 : memref<40xi32, #tpu.memory_space<vmem>>) target_semaphore(%arg26 : memref<!tpu.dma_semaphore, #tpu.memory_space<semaphore_mem>>)
      } else {
      }
      %mul3A_131 = arith.constant 5 : i32
      %mul3A_132 = arith.muli %mul3A_131, %scan3A_66 : i32
      %add3A_133 = arith.constant 2 : i32
      %add3A_134 = arith.addi %mul3A_132, %add3A_133 : i32
      %add3A_135 = arith.constant 1 : i32
      %add3A_136 = arith.addi %add3A_134, %add3A_135 : i32
      %le3A_137 = arith.constant 49 : i32
      %le3A_138 = arith.cmpi sle, %add3A_136, %le3A_137 : i32
      %convert_element_type3A_139 = arith.extui %le3A_138 : i1 to i32
      %cond3A_140 = arith.constant 0 : i32
      %cond3A_141 = arith.cmpi ne, %convert_element_type3A_139, %cond3A_140 : i32
      scf.if %cond3A_141 {
        %add3A_233 = arith.constant 1 : i32
        %add3A_234 = arith.addi %add3A_134, %add3A_233 : i32
        %mul3A_235 = arith.constant 2000 : i32
        %mul3A_236 = arith.muli %add3A, %mul3A_235 : i32
        %mul3A_237 = arith.constant 40 : i32
        %mul3A_238 = arith.muli %add3A_234, %mul3A_237 : i32
        %add3A_239 = arith.addi %mul3A_236, %mul3A_238 : i32
        %dma_wait3A_240 = tpu.memref_slice %arg4[%add3A_239] : memref<64000xi32, #tpu.memory_space<hbm>> -> memref<40xi32, #tpu.memory_space<hbm>>
        %dma_wait3A_241 = tpu.memref_slice %arg4[%add3A_239] : memref<64000xi32, #tpu.memory_space<hbm>> -> memref<40xi32, #tpu.memory_space<hbm>>
        tpu.wait_dma2 semaphore(%arg25 : memref<!tpu.dma_semaphore, #tpu.memory_space<semaphore_mem>>) src(%dma_wait3A_241 : memref<40xi32, #tpu.memory_space<hbm>>) dst(%arg10 : memref<40xi32, #tpu.memory_space<vmem>>)
        %dma_wait3A_242 = tpu.memref_slice %arg5[%add3A_239] : memref<64000xi32, #tpu.memory_space<hbm>> -> memref<40xi32, #tpu.memory_space<hbm>>
        %dma_wait3A_243 = tpu.memref_slice %arg5[%add3A_239] : memref<64000xi32, #tpu.memory_space<hbm>> -> memref<40xi32, #tpu.memory_space<hbm>>
        tpu.wait_dma2 semaphore(%arg25 : memref<!tpu.dma_semaphore, #tpu.memory_space<semaphore_mem>>) src(%dma_wait3A_243 : memref<40xi32, #tpu.memory_space<hbm>>) dst(%arg15 : memref<40xi32, #tpu.memory_space<vmem>>)
        %dma_start3A_244 = arith.constant 0 : i32
        %dma_start3A_245 = arith.constant 0 : i32
        %dma_start3A_246 = tpu.memref_slice %arg2[%dma_start3A_244, %dma_start3A_245] : memref<10000x128xf32, #tpu.memory_space<hbm>> -> memref<10000x128xf32, #tpu.memory_space<hbm>>
        tpu.enqueue_indirect_dma source(%dma_start3A_246 : memref<10000x128xf32, #tpu.memory_space<hbm>>) target(%arg20 : memref<40x128xf32, #tpu.memory_space<vmem>>) offsets(%arg10 : memref<40xi32, #tpu.memory_space<vmem>>) semaphore(%arg30 : memref<!tpu.dma_semaphore, #tpu.memory_space<semaphore_mem>>)
      } else {
      }
      %dma_wait3A_142 = arith.constant 0 : i32
      %dma_wait3A_143 = arith.constant 0 : i32
      %dma_wait3A_144 = tpu.memref_slice %arg2[%dma_wait3A_142, %dma_wait3A_143] : memref<10000x128xf32, #tpu.memory_space<hbm>> -> memref<10000x128xf32, #tpu.memory_space<hbm>>
      tpu.wait_indirect_dma semaphore(%arg29 : memref<!tpu.dma_semaphore, #tpu.memory_space<semaphore_mem>>) src(%dma_wait3A_144 : memref<10000x128xf32, #tpu.memory_space<hbm>>) dst(%arg19 : memref<40x128xf32, #tpu.memory_space<vmem>>)
      %dma_start3A_145 = arith.constant 0 : i32
      %dma_start3A_146 = arith.constant 0 : i32
      %dma_start3A_147 = tpu.memref_slice %arg3[%dma_start3A_145, %dma_start3A_146] : memref<10000x128xf32, #tpu.memory_space<hbm>> -> memref<10000x128xf32, #tpu.memory_space<hbm>>
      tpu.enqueue_indirect_dma source(%dma_start3A_147 : memref<10000x128xf32, #tpu.memory_space<hbm>>) target(%arg19 : memref<40x128xf32, #tpu.memory_space<vmem>>) offsets(%arg14 : memref<40xi32, #tpu.memory_space<vmem>>) semaphore(%arg34 : memref<!tpu.dma_semaphore, #tpu.memory_space<semaphore_mem>>) {add = true}
      %ge3A_148 = arith.constant 1 : i32
      %ge3A_149 = arith.cmpi sge, %add3A_134, %ge3A_148 : i32
      %convert_element_type3A_150 = arith.extui %ge3A_149 : i1 to i32
      %cond3A_151 = arith.constant 0 : i32
      %cond3A_152 = arith.cmpi ne, %convert_element_type3A_150, %cond3A_151 : i32
      scf.if %cond3A_152 {
        %dma_wait3A_233 = arith.constant 0 : i32
        %dma_wait3A_234 = arith.constant 0 : i32
        %dma_wait3A_235 = tpu.memref_slice %arg3[%dma_wait3A_233, %dma_wait3A_234] : memref<10000x128xf32, #tpu.memory_space<hbm>> -> memref<10000x128xf32, #tpu.memory_space<hbm>>
        tpu.wait_indirect_dma semaphore(%arg33 : memref<!tpu.dma_semaphore, #tpu.memory_space<semaphore_mem>>) src(%dma_wait3A_235 : memref<10000x128xf32, #tpu.memory_space<hbm>>) dst(%arg18 : memref<40x128xf32, #tpu.memory_space<vmem>>)
        %sub3A = arith.constant 1 : i32
        %sub3A_236 = arith.subi %add3A_134, %sub3A : i32
        %mul3A_237 = arith.constant 2000 : i32
        %mul3A_238 = arith.muli %add3A, %mul3A_237 : i32
        %mul3A_239 = arith.constant 40 : i32
        %mul3A_240 = arith.muli %sub3A_236, %mul3A_239 : i32
        %add3A_241 = arith.addi %mul3A_238, %mul3A_240 : i32
        %dma_start3A_242 = arith.constant 0 : i32
        %dma_start3A_243 = tpu.memref_slice %arg6[%add3A_241, %dma_start3A_242] : memref<64000x128xf32, #tpu.memory_space<hbm>> -> memref<40x128xf32, #tpu.memory_space<hbm>>
        %dma_start3A_244 = arith.constant 0 : i32
        %dma_start3A_245 = tpu.memref_slice %arg6[%add3A_241, %dma_start3A_244] : memref<64000x128xf32, #tpu.memory_space<hbm>> -> memref<40x128xf32, #tpu.memory_space<hbm>>
        tpu.enqueue_dma source(%arg18 : memref<40x128xf32, #tpu.memory_space<vmem>>) target(%dma_start3A_245 : memref<40x128xf32, #tpu.memory_space<hbm>>) target_semaphore(%arg38 : memref<!tpu.dma_semaphore, #tpu.memory_space<semaphore_mem>>)
      } else {
      }
      %ge3A_153 = arith.constant 2 : i32
      %ge3A_154 = arith.cmpi sge, %add3A_134, %ge3A_153 : i32
      %convert_element_type3A_155 = arith.extui %ge3A_154 : i1 to i32
      %cond3A_156 = arith.constant 0 : i32
      %cond3A_157 = arith.cmpi ne, %convert_element_type3A_155, %cond3A_156 : i32
      scf.if %cond3A_157 {
        %sub3A = arith.constant 2 : i32
        %sub3A_233 = arith.subi %add3A_134, %sub3A : i32
        %mul3A_234 = arith.constant 2000 : i32
        %mul3A_235 = arith.muli %add3A, %mul3A_234 : i32
        %mul3A_236 = arith.constant 40 : i32
        %mul3A_237 = arith.muli %sub3A_233, %mul3A_236 : i32
        %add3A_238 = arith.addi %mul3A_235, %mul3A_237 : i32
        %dma_wait3A_239 = arith.constant 0 : i32
        %dma_wait3A_240 = tpu.memref_slice %arg6[%add3A_238, %dma_wait3A_239] : memref<64000x128xf32, #tpu.memory_space<hbm>> -> memref<40x128xf32, #tpu.memory_space<hbm>>
        %dma_wait3A_241 = arith.constant 0 : i32
        %dma_wait3A_242 = tpu.memref_slice %arg6[%add3A_238, %dma_wait3A_241] : memref<64000x128xf32, #tpu.memory_space<hbm>> -> memref<40x128xf32, #tpu.memory_space<hbm>>
        tpu.wait_dma2 semaphore(%arg37 : memref<!tpu.dma_semaphore, #tpu.memory_space<semaphore_mem>>) src(%arg17 : memref<40x128xf32, #tpu.memory_space<vmem>>) dst(%dma_wait3A_242 : memref<40x128xf32, #tpu.memory_space<hbm>>)
      } else {
      }
      %add3A_158 = arith.constant 3 : i32
      %add3A_159 = arith.addi %add3A_134, %add3A_158 : i32
      %le3A_160 = arith.constant 49 : i32
      %le3A_161 = arith.cmpi sle, %add3A_159, %le3A_160 : i32
      %convert_element_type3A_162 = arith.extui %le3A_161 : i1 to i32
      %cond3A_163 = arith.constant 0 : i32
      %cond3A_164 = arith.cmpi ne, %convert_element_type3A_162, %cond3A_163 : i32
      scf.if %cond3A_164 {
        %add3A_233 = arith.constant 3 : i32
        %add3A_234 = arith.addi %add3A_134, %add3A_233 : i32
        %mul3A_235 = arith.constant 2000 : i32
        %mul3A_236 = arith.muli %add3A, %mul3A_235 : i32
        %mul3A_237 = arith.constant 40 : i32
        %mul3A_238 = arith.muli %add3A_234, %mul3A_237 : i32
        %add3A_239 = arith.addi %mul3A_236, %mul3A_238 : i32
        %dma_start3A_240 = tpu.memref_slice %arg4[%add3A_239] : memref<64000xi32, #tpu.memory_space<hbm>> -> memref<40xi32, #tpu.memory_space<hbm>>
        %dma_start3A_241 = tpu.memref_slice %arg4[%add3A_239] : memref<64000xi32, #tpu.memory_space<hbm>> -> memref<40xi32, #tpu.memory_space<hbm>>
        tpu.enqueue_dma source(%dma_start3A_241 : memref<40xi32, #tpu.memory_space<hbm>>) target(%arg7 : memref<40xi32, #tpu.memory_space<vmem>>) target_semaphore(%arg22 : memref<!tpu.dma_semaphore, #tpu.memory_space<semaphore_mem>>)
        %dma_start3A_242 = tpu.memref_slice %arg5[%add3A_239] : memref<64000xi32, #tpu.memory_space<hbm>> -> memref<40xi32, #tpu.memory_space<hbm>>
        %dma_start3A_243 = tpu.memref_slice %arg5[%add3A_239] : memref<64000xi32, #tpu.memory_space<hbm>> -> memref<40xi32, #tpu.memory_space<hbm>>
        tpu.enqueue_dma source(%dma_start3A_243 : memref<40xi32, #tpu.memory_space<hbm>>) target(%arg12 : memref<40xi32, #tpu.memory_space<vmem>>) target_semaphore(%arg22 : memref<!tpu.dma_semaphore, #tpu.memory_space<semaphore_mem>>)
      } else {
      }
      %mul3A_165 = arith.constant 5 : i32
      %mul3A_166 = arith.muli %mul3A_165, %scan3A_66 : i32
      %add3A_167 = arith.constant 3 : i32
      %add3A_168 = arith.addi %mul3A_166, %add3A_167 : i32
      %add3A_169 = arith.constant 1 : i32
      %add3A_170 = arith.addi %add3A_168, %add3A_169 : i32
      %le3A_171 = arith.constant 49 : i32
      %le3A_172 = arith.cmpi sle, %add3A_170, %le3A_171 : i32
      %convert_element_type3A_173 = arith.extui %le3A_172 : i1 to i32
      %cond3A_174 = arith.constant 0 : i32
      %cond3A_175 = arith.cmpi ne, %convert_element_type3A_173, %cond3A_174 : i32
      scf.if %cond3A_175 {
        %add3A_233 = arith.constant 1 : i32
        %add3A_234 = arith.addi %add3A_168, %add3A_233 : i32
        %mul3A_235 = arith.constant 2000 : i32
        %mul3A_236 = arith.muli %add3A, %mul3A_235 : i32
        %mul3A_237 = arith.constant 40 : i32
        %mul3A_238 = arith.muli %add3A_234, %mul3A_237 : i32
        %add3A_239 = arith.addi %mul3A_236, %mul3A_238 : i32
        %dma_wait3A_240 = tpu.memref_slice %arg4[%add3A_239] : memref<64000xi32, #tpu.memory_space<hbm>> -> memref<40xi32, #tpu.memory_space<hbm>>
        %dma_wait3A_241 = tpu.memref_slice %arg4[%add3A_239] : memref<64000xi32, #tpu.memory_space<hbm>> -> memref<40xi32, #tpu.memory_space<hbm>>
        tpu.wait_dma2 semaphore(%arg26 : memref<!tpu.dma_semaphore, #tpu.memory_space<semaphore_mem>>) src(%dma_wait3A_241 : memref<40xi32, #tpu.memory_space<hbm>>) dst(%arg11 : memref<40xi32, #tpu.memory_space<vmem>>)
        %dma_wait3A_242 = tpu.memref_slice %arg5[%add3A_239] : memref<64000xi32, #tpu.memory_space<hbm>> -> memref<40xi32, #tpu.memory_space<hbm>>
        %dma_wait3A_243 = tpu.memref_slice %arg5[%add3A_239] : memref<64000xi32, #tpu.memory_space<hbm>> -> memref<40xi32, #tpu.memory_space<hbm>>
        tpu.wait_dma2 semaphore(%arg26 : memref<!tpu.dma_semaphore, #tpu.memory_space<semaphore_mem>>) src(%dma_wait3A_243 : memref<40xi32, #tpu.memory_space<hbm>>) dst(%arg16 : memref<40xi32, #tpu.memory_space<vmem>>)
        %dma_start3A_244 = arith.constant 0 : i32
        %dma_start3A_245 = arith.constant 0 : i32
        %dma_start3A_246 = tpu.memref_slice %arg2[%dma_start3A_244, %dma_start3A_245] : memref<10000x128xf32, #tpu.memory_space<hbm>> -> memref<10000x128xf32, #tpu.memory_space<hbm>>
        tpu.enqueue_indirect_dma source(%dma_start3A_246 : memref<10000x128xf32, #tpu.memory_space<hbm>>) target(%arg21 : memref<40x128xf32, #tpu.memory_space<vmem>>) offsets(%arg11 : memref<40xi32, #tpu.memory_space<vmem>>) semaphore(%arg31 : memref<!tpu.dma_semaphore, #tpu.memory_space<semaphore_mem>>)
      } else {
      }
      %dma_wait3A_176 = arith.constant 0 : i32
      %dma_wait3A_177 = arith.constant 0 : i32
      %dma_wait3A_178 = tpu.memref_slice %arg2[%dma_wait3A_176, %dma_wait3A_177] : memref<10000x128xf32, #tpu.memory_space<hbm>> -> memref<10000x128xf32, #tpu.memory_space<hbm>>
      tpu.wait_indirect_dma semaphore(%arg30 : memref<!tpu.dma_semaphore, #tpu.memory_space<semaphore_mem>>) src(%dma_wait3A_178 : memref<10000x128xf32, #tpu.memory_space<hbm>>) dst(%arg20 : memref<40x128xf32, #tpu.memory_space<vmem>>)
      %dma_start3A_179 = arith.constant 0 : i32
      %dma_start3A_180 = arith.constant 0 : i32
      %dma_start3A_181 = tpu.memref_slice %arg3[%dma_start3A_179, %dma_start3A_180] : memref<10000x128xf32, #tpu.memory_space<hbm>> -> memref<10000x128xf32, #tpu.memory_space<hbm>>
      tpu.enqueue_indirect_dma source(%dma_start3A_181 : memref<10000x128xf32, #tpu.memory_space<hbm>>) target(%arg20 : memref<40x128xf32, #tpu.memory_space<vmem>>) offsets(%arg15 : memref<40xi32, #tpu.memory_space<vmem>>) semaphore(%arg35 : memref<!tpu.dma_semaphore, #tpu.memory_space<semaphore_mem>>) {add = true}
      %ge3A_182 = arith.constant 1 : i32
      %ge3A_183 = arith.cmpi sge, %add3A_168, %ge3A_182 : i32
      %convert_element_type3A_184 = arith.extui %ge3A_183 : i1 to i32
      %cond3A_185 = arith.constant 0 : i32
      %cond3A_186 = arith.cmpi ne, %convert_element_type3A_184, %cond3A_185 : i32
      scf.if %cond3A_186 {
        %dma_wait3A_233 = arith.constant 0 : i32
        %dma_wait3A_234 = arith.constant 0 : i32
        %dma_wait3A_235 = tpu.memref_slice %arg3[%dma_wait3A_233, %dma_wait3A_234] : memref<10000x128xf32, #tpu.memory_space<hbm>> -> memref<10000x128xf32, #tpu.memory_space<hbm>>
        tpu.wait_indirect_dma semaphore(%arg34 : memref<!tpu.dma_semaphore, #tpu.memory_space<semaphore_mem>>) src(%dma_wait3A_235 : memref<10000x128xf32, #tpu.memory_space<hbm>>) dst(%arg19 : memref<40x128xf32, #tpu.memory_space<vmem>>)
        %sub3A = arith.constant 1 : i32
        %sub3A_236 = arith.subi %add3A_168, %sub3A : i32
        %mul3A_237 = arith.constant 2000 : i32
        %mul3A_238 = arith.muli %add3A, %mul3A_237 : i32
        %mul3A_239 = arith.constant 40 : i32
        %mul3A_240 = arith.muli %sub3A_236, %mul3A_239 : i32
        %add3A_241 = arith.addi %mul3A_238, %mul3A_240 : i32
        %dma_start3A_242 = arith.constant 0 : i32
        %dma_start3A_243 = tpu.memref_slice %arg6[%add3A_241, %dma_start3A_242] : memref<64000x128xf32, #tpu.memory_space<hbm>> -> memref<40x128xf32, #tpu.memory_space<hbm>>
        %dma_start3A_244 = arith.constant 0 : i32
        %dma_start3A_245 = tpu.memref_slice %arg6[%add3A_241, %dma_start3A_244] : memref<64000x128xf32, #tpu.memory_space<hbm>> -> memref<40x128xf32, #tpu.memory_space<hbm>>
        tpu.enqueue_dma source(%arg19 : memref<40x128xf32, #tpu.memory_space<vmem>>) target(%dma_start3A_245 : memref<40x128xf32, #tpu.memory_space<hbm>>) target_semaphore(%arg39 : memref<!tpu.dma_semaphore, #tpu.memory_space<semaphore_mem>>)
      } else {
      }
      %ge3A_187 = arith.constant 2 : i32
      %ge3A_188 = arith.cmpi sge, %add3A_168, %ge3A_187 : i32
      %convert_element_type3A_189 = arith.extui %ge3A_188 : i1 to i32
      %cond3A_190 = arith.constant 0 : i32
      %cond3A_191 = arith.cmpi ne, %convert_element_type3A_189, %cond3A_190 : i32
      scf.if %cond3A_191 {
        %sub3A = arith.constant 2 : i32
        %sub3A_233 = arith.subi %add3A_168, %sub3A : i32
        %mul3A_234 = arith.constant 2000 : i32
        %mul3A_235 = arith.muli %add3A, %mul3A_234 : i32
        %mul3A_236 = arith.constant 40 : i32
        %mul3A_237 = arith.muli %sub3A_233, %mul3A_236 : i32
        %add3A_238 = arith.addi %mul3A_235, %mul3A_237 : i32
        %dma_wait3A_239 = arith.constant 0 : i32
        %dma_wait3A_240 = tpu.memref_slice %arg6[%add3A_238, %dma_wait3A_239] : memref<64000x128xf32, #tpu.memory_space<hbm>> -> memref<40x128xf32, #tpu.memory_space<hbm>>
        %dma_wait3A_241 = arith.constant 0 : i32
        %dma_wait3A_242 = tpu.memref_slice %arg6[%add3A_238, %dma_wait3A_241] : memref<64000x128xf32, #tpu.memory_space<hbm>> -> memref<40x128xf32, #tpu.memory_space<hbm>>
        tpu.wait_dma2 semaphore(%arg38 : memref<!tpu.dma_semaphore, #tpu.memory_space<semaphore_mem>>) src(%arg18 : memref<40x128xf32, #tpu.memory_space<vmem>>) dst(%dma_wait3A_242 : memref<40x128xf32, #tpu.memory_space<hbm>>)
      } else {
      }
      %add3A_192 = arith.constant 3 : i32
      %add3A_193 = arith.addi %add3A_168, %add3A_192 : i32
      %le3A_194 = arith.constant 49 : i32
      %le3A_195 = arith.cmpi sle, %add3A_193, %le3A_194 : i32
      %convert_element_type3A_196 = arith.extui %le3A_195 : i1 to i32
      %cond3A_197 = arith.constant 0 : i32
      %cond3A_198 = arith.cmpi ne, %convert_element_type3A_196, %cond3A_197 : i32
      scf.if %cond3A_198 {
        %add3A_233 = arith.constant 3 : i32
        %add3A_234 = arith.addi %add3A_168, %add3A_233 : i32
        %mul3A_235 = arith.constant 2000 : i32
        %mul3A_236 = arith.muli %add3A, %mul3A_235 : i32
        %mul3A_237 = arith.constant 40 : i32
        %mul3A_238 = arith.muli %add3A_234, %mul3A_237 : i32
        %add3A_239 = arith.addi %mul3A_236, %mul3A_238 : i32
        %dma_start3A_240 = tpu.memref_slice %arg4[%add3A_239] : memref<64000xi32, #tpu.memory_space<hbm>> -> memref<40xi32, #tpu.memory_space<hbm>>
        %dma_start3A_241 = tpu.memref_slice %arg4[%add3A_239] : memref<64000xi32, #tpu.memory_space<hbm>> -> memref<40xi32, #tpu.memory_space<hbm>>
        tpu.enqueue_dma source(%dma_start3A_241 : memref<40xi32, #tpu.memory_space<hbm>>) target(%arg8 : memref<40xi32, #tpu.memory_space<vmem>>) target_semaphore(%arg23 : memref<!tpu.dma_semaphore, #tpu.memory_space<semaphore_mem>>)
        %dma_start3A_242 = tpu.memref_slice %arg5[%add3A_239] : memref<64000xi32, #tpu.memory_space<hbm>> -> memref<40xi32, #tpu.memory_space<hbm>>
        %dma_start3A_243 = tpu.memref_slice %arg5[%add3A_239] : memref<64000xi32, #tpu.memory_space<hbm>> -> memref<40xi32, #tpu.memory_space<hbm>>
        tpu.enqueue_dma source(%dma_start3A_243 : memref<40xi32, #tpu.memory_space<hbm>>) target(%arg13 : memref<40xi32, #tpu.memory_space<vmem>>) target_semaphore(%arg23 : memref<!tpu.dma_semaphore, #tpu.memory_space<semaphore_mem>>)
      } else {
      }
      %mul3A_199 = arith.constant 5 : i32
      %mul3A_200 = arith.muli %mul3A_199, %scan3A_66 : i32
      %add3A_201 = arith.constant 4 : i32
      %add3A_202 = arith.addi %mul3A_200, %add3A_201 : i32
      %add3A_203 = arith.constant 1 : i32
      %add3A_204 = arith.addi %add3A_202, %add3A_203 : i32
      %le3A_205 = arith.constant 49 : i32
      %le3A_206 = arith.cmpi sle, %add3A_204, %le3A_205 : i32
      %convert_element_type3A_207 = arith.extui %le3A_206 : i1 to i32
      %cond3A_208 = arith.constant 0 : i32
      %cond3A_209 = arith.cmpi ne, %convert_element_type3A_207, %cond3A_208 : i32
      scf.if %cond3A_209 {
        %add3A_233 = arith.constant 1 : i32
        %add3A_234 = arith.addi %add3A_202, %add3A_233 : i32
        %mul3A_235 = arith.constant 2000 : i32
        %mul3A_236 = arith.muli %add3A, %mul3A_235 : i32
        %mul3A_237 = arith.constant 40 : i32
        %mul3A_238 = arith.muli %add3A_234, %mul3A_237 : i32
        %add3A_239 = arith.addi %mul3A_236, %mul3A_238 : i32
        %dma_wait3A_240 = tpu.memref_slice %arg4[%add3A_239] : memref<64000xi32, #tpu.memory_space<hbm>> -> memref<40xi32, #tpu.memory_space<hbm>>
        %dma_wait3A_241 = tpu.memref_slice %arg4[%add3A_239] : memref<64000xi32, #tpu.memory_space<hbm>> -> memref<40xi32, #tpu.memory_space<hbm>>
        tpu.wait_dma2 semaphore(%arg22 : memref<!tpu.dma_semaphore, #tpu.memory_space<semaphore_mem>>) src(%dma_wait3A_241 : memref<40xi32, #tpu.memory_space<hbm>>) dst(%arg7 : memref<40xi32, #tpu.memory_space<vmem>>)
        %dma_wait3A_242 = tpu.memref_slice %arg5[%add3A_239] : memref<64000xi32, #tpu.memory_space<hbm>> -> memref<40xi32, #tpu.memory_space<hbm>>
        %dma_wait3A_243 = tpu.memref_slice %arg5[%add3A_239] : memref<64000xi32, #tpu.memory_space<hbm>> -> memref<40xi32, #tpu.memory_space<hbm>>
        tpu.wait_dma2 semaphore(%arg22 : memref<!tpu.dma_semaphore, #tpu.memory_space<semaphore_mem>>) src(%dma_wait3A_243 : memref<40xi32, #tpu.memory_space<hbm>>) dst(%arg12 : memref<40xi32, #tpu.memory_space<vmem>>)
        %dma_start3A_244 = arith.constant 0 : i32
        %dma_start3A_245 = arith.constant 0 : i32
        %dma_start3A_246 = tpu.memref_slice %arg2[%dma_start3A_244, %dma_start3A_245] : memref<10000x128xf32, #tpu.memory_space<hbm>> -> memref<10000x128xf32, #tpu.memory_space<hbm>>
        tpu.enqueue_indirect_dma source(%dma_start3A_246 : memref<10000x128xf32, #tpu.memory_space<hbm>>) target(%arg17 : memref<40x128xf32, #tpu.memory_space<vmem>>) offsets(%arg7 : memref<40xi32, #tpu.memory_space<vmem>>) semaphore(%arg27 : memref<!tpu.dma_semaphore, #tpu.memory_space<semaphore_mem>>)
      } else {
      }
      %dma_wait3A_210 = arith.constant 0 : i32
      %dma_wait3A_211 = arith.constant 0 : i32
      %dma_wait3A_212 = tpu.memref_slice %arg2[%dma_wait3A_210, %dma_wait3A_211] : memref<10000x128xf32, #tpu.memory_space<hbm>> -> memref<10000x128xf32, #tpu.memory_space<hbm>>
      tpu.wait_indirect_dma semaphore(%arg31 : memref<!tpu.dma_semaphore, #tpu.memory_space<semaphore_mem>>) src(%dma_wait3A_212 : memref<10000x128xf32, #tpu.memory_space<hbm>>) dst(%arg21 : memref<40x128xf32, #tpu.memory_space<vmem>>)
      %dma_start3A_213 = arith.constant 0 : i32
      %dma_start3A_214 = arith.constant 0 : i32
      %dma_start3A_215 = tpu.memref_slice %arg3[%dma_start3A_213, %dma_start3A_214] : memref<10000x128xf32, #tpu.memory_space<hbm>> -> memref<10000x128xf32, #tpu.memory_space<hbm>>
      tpu.enqueue_indirect_dma source(%dma_start3A_215 : memref<10000x128xf32, #tpu.memory_space<hbm>>) target(%arg21 : memref<40x128xf32, #tpu.memory_space<vmem>>) offsets(%arg16 : memref<40xi32, #tpu.memory_space<vmem>>) semaphore(%arg36 : memref<!tpu.dma_semaphore, #tpu.memory_space<semaphore_mem>>) {add = true}
      %ge3A_216 = arith.constant 1 : i32
      %ge3A_217 = arith.cmpi sge, %add3A_202, %ge3A_216 : i32
      %convert_element_type3A_218 = arith.extui %ge3A_217 : i1 to i32
      %cond3A_219 = arith.constant 0 : i32
      %cond3A_220 = arith.cmpi ne, %convert_element_type3A_218, %cond3A_219 : i32
      scf.if %cond3A_220 {
        %dma_wait3A_233 = arith.constant 0 : i32
        %dma_wait3A_234 = arith.constant 0 : i32
        %dma_wait3A_235 = tpu.memref_slice %arg3[%dma_wait3A_233, %dma_wait3A_234] : memref<10000x128xf32, #tpu.memory_space<hbm>> -> memref<10000x128xf32, #tpu.memory_space<hbm>>
        tpu.wait_indirect_dma semaphore(%arg35 : memref<!tpu.dma_semaphore, #tpu.memory_space<semaphore_mem>>) src(%dma_wait3A_235 : memref<10000x128xf32, #tpu.memory_space<hbm>>) dst(%arg20 : memref<40x128xf32, #tpu.memory_space<vmem>>)
        %sub3A = arith.constant 1 : i32
        %sub3A_236 = arith.subi %add3A_202, %sub3A : i32
        %mul3A_237 = arith.constant 2000 : i32
        %mul3A_238 = arith.muli %add3A, %mul3A_237 : i32
        %mul3A_239 = arith.constant 40 : i32
        %mul3A_240 = arith.muli %sub3A_236, %mul3A_239 : i32
        %add3A_241 = arith.addi %mul3A_238, %mul3A_240 : i32
        %dma_start3A_242 = arith.constant 0 : i32
        %dma_start3A_243 = tpu.memref_slice %arg6[%add3A_241, %dma_start3A_242] : memref<64000x128xf32, #tpu.memory_space<hbm>> -> memref<40x128xf32, #tpu.memory_space<hbm>>
        %dma_start3A_244 = arith.constant 0 : i32
        %dma_start3A_245 = tpu.memref_slice %arg6[%add3A_241, %dma_start3A_244] : memref<64000x128xf32, #tpu.memory_space<hbm>> -> memref<40x128xf32, #tpu.memory_space<hbm>>
        tpu.enqueue_dma source(%arg20 : memref<40x128xf32, #tpu.memory_space<vmem>>) target(%dma_start3A_245 : memref<40x128xf32, #tpu.memory_space<hbm>>) target_semaphore(%arg40 : memref<!tpu.dma_semaphore, #tpu.memory_space<semaphore_mem>>)
      } else {
      }
      %ge3A_221 = arith.constant 2 : i32
      %ge3A_222 = arith.cmpi sge, %add3A_202, %ge3A_221 : i32
      %convert_element_type3A_223 = arith.extui %ge3A_222 : i1 to i32
      %cond3A_224 = arith.constant 0 : i32
      %cond3A_225 = arith.cmpi ne, %convert_element_type3A_223, %cond3A_224 : i32
      scf.if %cond3A_225 {
        %sub3A = arith.constant 2 : i32
        %sub3A_233 = arith.subi %add3A_202, %sub3A : i32
        %mul3A_234 = arith.constant 2000 : i32
        %mul3A_235 = arith.muli %add3A, %mul3A_234 : i32
        %mul3A_236 = arith.constant 40 : i32
        %mul3A_237 = arith.muli %sub3A_233, %mul3A_236 : i32
        %add3A_238 = arith.addi %mul3A_235, %mul3A_237 : i32
        %dma_wait3A_239 = arith.constant 0 : i32
        %dma_wait3A_240 = tpu.memref_slice %arg6[%add3A_238, %dma_wait3A_239] : memref<64000x128xf32, #tpu.memory_space<hbm>> -> memref<40x128xf32, #tpu.memory_space<hbm>>
        %dma_wait3A_241 = arith.constant 0 : i32
        %dma_wait3A_242 = tpu.memref_slice %arg6[%add3A_238, %dma_wait3A_241] : memref<64000x128xf32, #tpu.memory_space<hbm>> -> memref<40x128xf32, #tpu.memory_space<hbm>>
        tpu.wait_dma2 semaphore(%arg39 : memref<!tpu.dma_semaphore, #tpu.memory_space<semaphore_mem>>) src(%arg19 : memref<40x128xf32, #tpu.memory_space<vmem>>) dst(%dma_wait3A_242 : memref<40x128xf32, #tpu.memory_space<hbm>>)
      } else {
      }
      %add3A_226 = arith.constant 3 : i32
      %add3A_227 = arith.addi %add3A_202, %add3A_226 : i32
      %le3A_228 = arith.constant 49 : i32
      %le3A_229 = arith.cmpi sle, %add3A_227, %le3A_228 : i32
      %convert_element_type3A_230 = arith.extui %le3A_229 : i1 to i32
      %cond3A_231 = arith.constant 0 : i32
      %cond3A_232 = arith.cmpi ne, %convert_element_type3A_230, %cond3A_231 : i32
      scf.if %cond3A_232 {
        %add3A_233 = arith.constant 3 : i32
        %add3A_234 = arith.addi %add3A_202, %add3A_233 : i32
        %mul3A_235 = arith.constant 2000 : i32
        %mul3A_236 = arith.muli %add3A, %mul3A_235 : i32
        %mul3A_237 = arith.constant 40 : i32
        %mul3A_238 = arith.muli %add3A_234, %mul3A_237 : i32
        %add3A_239 = arith.addi %mul3A_236, %mul3A_238 : i32
        %dma_start3A_240 = tpu.memref_slice %arg4[%add3A_239] : memref<64000xi32, #tpu.memory_space<hbm>> -> memref<40xi32, #tpu.memory_space<hbm>>
        %dma_start3A_241 = tpu.memref_slice %arg4[%add3A_239] : memref<64000xi32, #tpu.memory_space<hbm>> -> memref<40xi32, #tpu.memory_space<hbm>>
        tpu.enqueue_dma source(%dma_start3A_241 : memref<40xi32, #tpu.memory_space<hbm>>) target(%arg9 : memref<40xi32, #tpu.memory_space<vmem>>) target_semaphore(%arg24 : memref<!tpu.dma_semaphore, #tpu.memory_space<semaphore_mem>>)
        %dma_start3A_242 = tpu.memref_slice %arg5[%add3A_239] : memref<64000xi32, #tpu.memory_space<hbm>> -> memref<40xi32, #tpu.memory_space<hbm>>
        %dma_start3A_243 = tpu.memref_slice %arg5[%add3A_239] : memref<64000xi32, #tpu.memory_space<hbm>> -> memref<40xi32, #tpu.memory_space<hbm>>
        tpu.enqueue_dma source(%dma_start3A_243 : memref<40xi32, #tpu.memory_space<hbm>>) target(%arg14 : memref<40xi32, #tpu.memory_space<vmem>>) target_semaphore(%arg24 : memref<!tpu.dma_semaphore, #tpu.memory_space<semaphore_mem>>)
      } else {
      }
    }
    %scan3A_38 = arith.constant 10 : i32
    %dma_wait3A_39 = arith.constant 0 : i32
    %dma_wait3A_40 = arith.constant 0 : i32
    %dma_wait3A_41 = tpu.memref_slice %arg3[%dma_wait3A_39, %dma_wait3A_40] : memref<10000x128xf32, #tpu.memory_space<hbm>> -> memref<10000x128xf32, #tpu.memory_space<hbm>>
    tpu.wait_indirect_dma semaphore(%arg36 : memref<!tpu.dma_semaphore, #tpu.memory_space<semaphore_mem>>) src(%dma_wait3A_41 : memref<10000x128xf32, #tpu.memory_space<hbm>>) dst(%arg21 : memref<40x128xf32, #tpu.memory_space<vmem>>)
    %mul3A_42 = arith.constant 2000 : i32
    %mul3A_43 = arith.muli %add3A, %mul3A_42 : i32
    %add3A_44 = arith.constant 1960 : i32
    %add3A_45 = arith.addi %mul3A_43, %add3A_44 : i32
    %dma_start3A_46 = arith.constant 0 : i32
    %dma_start3A_47 = tpu.memref_slice %arg6[%add3A_45, %dma_start3A_46] : memref<64000x128xf32, #tpu.memory_space<hbm>> -> memref<40x128xf32, #tpu.memory_space<hbm>>
    %dma_start3A_48 = arith.constant 0 : i32
    %dma_start3A_49 = tpu.memref_slice %arg6[%add3A_45, %dma_start3A_48] : memref<64000x128xf32, #tpu.memory_space<hbm>> -> memref<40x128xf32, #tpu.memory_space<hbm>>
    tpu.enqueue_dma source(%arg21 : memref<40x128xf32, #tpu.memory_space<vmem>>) target(%dma_start3A_49 : memref<40x128xf32, #tpu.memory_space<hbm>>) target_semaphore(%arg41 : memref<!tpu.dma_semaphore, #tpu.memory_space<semaphore_mem>>)
    %mul3A_50 = arith.constant 2000 : i32
    %mul3A_51 = arith.muli %add3A, %mul3A_50 : i32
    %add3A_52 = arith.constant 1920 : i32
    %add3A_53 = arith.addi %mul3A_51, %add3A_52 : i32
    %dma_wait3A_54 = arith.constant 0 : i32
    %dma_wait3A_55 = tpu.memref_slice %arg6[%add3A_53, %dma_wait3A_54] : memref<64000x128xf32, #tpu.memory_space<hbm>> -> memref<40x128xf32, #tpu.memory_space<hbm>>
    %dma_wait3A_56 = arith.constant 0 : i32
    %dma_wait3A_57 = tpu.memref_slice %arg6[%add3A_53, %dma_wait3A_56] : memref<64000x128xf32, #tpu.memory_space<hbm>> -> memref<40x128xf32, #tpu.memory_space<hbm>>
    tpu.wait_dma2 semaphore(%arg40 : memref<!tpu.dma_semaphore, #tpu.memory_space<semaphore_mem>>) src(%arg20 : memref<40x128xf32, #tpu.memory_space<vmem>>) dst(%dma_wait3A_57 : memref<40x128xf32, #tpu.memory_space<hbm>>)
    %mul3A_58 = arith.constant 2000 : i32
    %mul3A_59 = arith.muli %add3A, %mul3A_58 : i32
    %add3A_60 = arith.constant 1960 : i32
    %add3A_61 = arith.addi %mul3A_59, %add3A_60 : i32
    %dma_wait3A_62 = arith.constant 0 : i32
    %dma_wait3A_63 = tpu.memref_slice %arg6[%add3A_61, %dma_wait3A_62] : memref<64000x128xf32, #tpu.memory_space<hbm>> -> memref<40x128xf32, #tpu.memory_space<hbm>>
    %dma_wait3A_64 = arith.constant 0 : i32
    %dma_wait3A_65 = tpu.memref_slice %arg6[%add3A_61, %dma_wait3A_64] : memref<64000x128xf32, #tpu.memory_space<hbm>> -> memref<40x128xf32, #tpu.memory_space<hbm>>
    tpu.wait_dma2 semaphore(%arg41 : memref<!tpu.dma_semaphore, #tpu.memory_space<semaphore_mem>>) src(%arg21 : memref<40x128xf32, #tpu.memory_space<vmem>>) dst(%dma_wait3A_65 : memref<40x128xf32, #tpu.memory_space<hbm>>)
    return
  }
}

#map = affine_map<(d0, d1) -> (0, 0)>
#map1 = affine_map<(d0, d1) -> (0)>
module attributes {stable_mosaic.version = 14 : i64} {
  func.func @gather_k(%arg0: i32, %arg1: i32, %arg2: memref<10000x128xf32, #tpu.memory_space<hbm>>, %arg3: memref<10000x128xf32, #tpu.memory_space<hbm>>, %arg4: memref<64000xi32, #tpu.memory_space<hbm>>, %arg5: memref<64000xi32, #tpu.memory_space<hbm>>, %arg6: memref<64000x128xf32, #tpu.memory_space<hbm>>, %arg7: memref<40xi32, #tpu.memory_space<vmem>>, %arg8: memref<40xi32, #tpu.memory_space<vmem>>, %arg9: memref<40xi32, #tpu.memory_space<vmem>>, %arg10: memref<40xi32, #tpu.memory_space<vmem>>, %arg11: memref<40xi32, #tpu.memory_space<vmem>>, %arg12: memref<40xi32, #tpu.memory_space<vmem>>, %arg13: memref<40xi32, #tpu.memory_space<vmem>>, %arg14: memref<40xi32, #tpu.memory_space<vmem>>, %arg15: memref<40xi32, #tpu.memory_space<vmem>>, %arg16: memref<40xi32, #tpu.memory_space<vmem>>, %arg17: memref<40x128xf32, #tpu.memory_space<vmem>>, %arg18: memref<40x128xf32, #tpu.memory_space<vmem>>, %arg19: memref<40x128xf32, #tpu.memory_space<vmem>>, %arg20: memref<40x128xf32, #tpu.memory_space<vmem>>, %arg21: memref<40x128xf32, #tpu.memory_space<vmem>>, %arg22: memref<!tpu.dma_semaphore, #tpu.memory_space<semaphore_mem>>, %arg23: memref<!tpu.dma_semaphore, #tpu.memory_space<semaphore_mem>>, %arg24: memref<!tpu.dma_semaphore, #tpu.memory_space<semaphore_mem>>, %arg25: memref<!tpu.dma_semaphore, #tpu.memory_space<semaphore_mem>>, %arg26: memref<!tpu.dma_semaphore, #tpu.memory_space<semaphore_mem>>, %arg27: memref<!tpu.dma_semaphore, #tpu.memory_space<semaphore_mem>>, %arg28: memref<!tpu.dma_semaphore, #tpu.memory_space<semaphore_mem>>, %arg29: memref<!tpu.dma_semaphore, #tpu.memory_space<semaphore_mem>>, %arg30: memref<!tpu.dma_semaphore, #tpu.memory_space<semaphore_mem>>, %arg31: memref<!tpu.dma_semaphore, #tpu.memory_space<semaphore_mem>>, %arg32: memref<!tpu.dma_semaphore, #tpu.memory_space<semaphore_mem>>, %arg33: memref<!tpu.dma_semaphore, #tpu.memory_space<semaphore_mem>>, %arg34: memref<!tpu.dma_semaphore, #tpu.memory_space<semaphore_mem>>, %arg35: memref<!tpu.dma_semaphore, #tpu.memory_space<semaphore_mem>>, %arg36: memref<!tpu.dma_semaphore, #tpu.memory_space<semaphore_mem>>, %arg37: memref<!tpu.dma_semaphore, #tpu.memory_space<semaphore_mem>>, %arg38: memref<!tpu.dma_semaphore, #tpu.memory_space<semaphore_mem>>, %arg39: memref<!tpu.dma_semaphore, #tpu.memory_space<semaphore_mem>>, %arg40: memref<!tpu.dma_semaphore, #tpu.memory_space<semaphore_mem>>, %arg41: memref<!tpu.dma_semaphore, #tpu.memory_space<semaphore_mem>>) attributes {dimension_semantics = [#tpu.dimension_semantics<core_parallel>, #tpu.dimension_semantics<subcore_parallel>], iteration_bounds = array<i64: 2, 16>, scalar_prefetch = 0 : i64, scratch_operands = 35 : i64, tpu.core_type = #tpu.core_type<sc_vector_subcore>, window_params = [{transform_indices = #map}, {transform_indices = #map}, {transform_indices = #map1}, {transform_indices = #map1}, {transform_indices = #map}]} {
    %mul3A = arith.constant 2 : i32
    %mul3A_0 = arith.muli %arg1, %mul3A : i32
    %add3A = arith.addi %mul3A_0, %arg0 : i32
    %mul3A_1 = arith.constant 2000 : i32
    %mul3A_2 = arith.muli %add3A, %mul3A_1 : i32
    %add3A_3 = arith.constant 0 : i32
    %add3A_4 = arith.addi %mul3A_2, %add3A_3 : i32
    %dma_start3A = tpu.memref_slice %arg4[%add3A_4] : memref<64000xi32, #tpu.memory_space<hbm>> -> memref<40xi32, #tpu.memory_space<hbm>>
    %dma_start3A_5 = tpu.memref_slice %arg4[%add3A_4] : memref<64000xi32, #tpu.memory_space<hbm>> -> memref<40xi32, #tpu.memory_space<hbm>>
    tpu.enqueue_dma source(%dma_start3A_5 : memref<40xi32, #tpu.memory_space<hbm>>) target(%arg7 : memref<40xi32, #tpu.memory_space<vmem>>) target_semaphore(%arg22 : memref<!tpu.dma_semaphore, #tpu.memory_space<semaphore_mem>>)
    %dma_start3A_6 = tpu.memref_slice %arg5[%add3A_4] : memref<64000xi32, #tpu.memory_space<hbm>> -> memref<40xi32, #tpu.memory_space<hbm>>
    %dma_start3A_7 = tpu.memref_slice %arg5[%add3A_4] : memref<64000xi32, #tpu.memory_space<hbm>> -> memref<40xi32, #tpu.memory_space<hbm>>
    tpu.enqueue_dma source(%dma_start3A_7 : memref<40xi32, #tpu.memory_space<hbm>>) target(%arg12 : memref<40xi32, #tpu.memory_space<vmem>>) target_semaphore(%arg22 : memref<!tpu.dma_semaphore, #tpu.memory_space<semaphore_mem>>)
    %mul3A_8 = arith.constant 2000 : i32
    %mul3A_9 = arith.muli %add3A, %mul3A_8 : i32
    %add3A_10 = arith.constant 0 : i32
    %add3A_11 = arith.addi %mul3A_9, %add3A_10 : i32
    %dma_wait3A = tpu.memref_slice %arg4[%add3A_11] : memref<64000xi32, #tpu.memory_space<hbm>> -> memref<40xi32, #tpu.memory_space<hbm>>
    %dma_wait3A_12 = tpu.memref_slice %arg4[%add3A_11] : memref<64000xi32, #tpu.memory_space<hbm>> -> memref<40xi32, #tpu.memory_space<hbm>>
    tpu.wait_dma2 semaphore(%arg22 : memref<!tpu.dma_semaphore, #tpu.memory_space<semaphore_mem>>) src(%dma_wait3A_12 : memref<40xi32, #tpu.memory_space<hbm>>) dst(%arg7 : memref<40xi32, #tpu.memory_space<vmem>>)
    %dma_wait3A_13 = tpu.memref_slice %arg5[%add3A_11] : memref<64000xi32, #tpu.memory_space<hbm>> -> memref<40xi32, #tpu.memory_space<hbm>>
    %dma_wait3A_14 = tpu.memref_slice %arg5[%add3A_11] : memref<64000xi32, #tpu.memory_space<hbm>> -> memref<40xi32, #tpu.memory_space<hbm>>
    tpu.wait_dma2 semaphore(%arg22 : memref<!tpu.dma_semaphore, #tpu.memory_space<semaphore_mem>>) src(%dma_wait3A_14 : memref<40xi32, #tpu.memory_space<hbm>>) dst(%arg12 : memref<40xi32, #tpu.memory_space<vmem>>)
    %dma_start3A_15 = arith.constant 0 : i32
    %dma_start3A_16 = arith.constant 0 : i32
    %dma_start3A_17 = tpu.memref_slice %arg2[%dma_start3A_15, %dma_start3A_16] : memref<10000x128xf32, #tpu.memory_space<hbm>> -> memref<10000x128xf32, #tpu.memory_space<hbm>>
    tpu.enqueue_indirect_dma source(%dma_start3A_17 : memref<10000x128xf32, #tpu.memory_space<hbm>>) target(%arg17 : memref<40x128xf32, #tpu.memory_space<vmem>>) offsets(%arg7 : memref<40xi32, #tpu.memory_space<vmem>>) semaphore(%arg27 : memref<!tpu.dma_semaphore, #tpu.memory_space<semaphore_mem>>)
    %mul3A_18 = arith.constant 2000 : i32
    %mul3A_19 = arith.muli %add3A, %mul3A_18 : i32
    %add3A_20 = arith.constant 40 : i32
    %add3A_21 = arith.addi %mul3A_19, %add3A_20 : i32
    %dma_start3A_22 = tpu.memref_slice %arg4[%add3A_21] : memref<64000xi32, #tpu.memory_space<hbm>> -> memref<40xi32, #tpu.memory_space<hbm>>
    %dma_start3A_23 = tpu.memref_slice %arg4[%add3A_21] : memref<64000xi32, #tpu.memory_space<hbm>> -> memref<40xi32, #tpu.memory_space<hbm>>
    tpu.enqueue_dma source(%dma_start3A_23 : memref<40xi32, #tpu.memory_space<hbm>>) target(%arg8 : memref<40xi32, #tpu.memory_space<vmem>>) target_semaphore(%arg23 : memref<!tpu.dma_semaphore, #tpu.memory_space<semaphore_mem>>)
    %dma_start3A_24 = tpu.memref_slice %arg5[%add3A_21] : memref<64000xi32, #tpu.memory_space<hbm>> -> memref<40xi32, #tpu.memory_space<hbm>>
    %dma_start3A_25 = tpu.memref_slice %arg5[%add3A_21] : memref<64000xi32, #tpu.memory_space<hbm>> -> memref<40xi32, #tpu.memory_space<hbm>>
    tpu.enqueue_dma source(%dma_start3A_25 : memref<40xi32, #tpu.memory_space<hbm>>) target(%arg13 : memref<40xi32, #tpu.memory_space<vmem>>) target_semaphore(%arg23 : memref<!tpu.dma_semaphore, #tpu.memory_space<semaphore_mem>>)
    %mul3A_26 = arith.constant 2000 : i32
    %mul3A_27 = arith.muli %add3A, %mul3A_26 : i32
    %add3A_28 = arith.constant 80 : i32
    %add3A_29 = arith.addi %mul3A_27, %add3A_28 : i32
    %dma_start3A_30 = tpu.memref_slice %arg4[%add3A_29] : memref<64000xi32, #tpu.memory_space<hbm>> -> memref<40xi32, #tpu.memory_space<hbm>>
    %dma_start3A_31 = tpu.memref_slice %arg4[%add3A_29] : memref<64000xi32, #tpu.memory_space<hbm>> -> memref<40xi32, #tpu.memory_space<hbm>>
    tpu.enqueue_dma source(%dma_start3A_31 : memref<40xi32, #tpu.memory_space<hbm>>) target(%arg9 : memref<40xi32, #tpu.memory_space<vmem>>) target_semaphore(%arg24 : memref<!tpu.dma_semaphore, #tpu.memory_space<semaphore_mem>>)
    %dma_start3A_32 = tpu.memref_slice %arg5[%add3A_29] : memref<64000xi32, #tpu.memory_space<hbm>> -> memref<40xi32, #tpu.memory_space<hbm>>
    %dma_start3A_33 = tpu.memref_slice %arg5[%add3A_29] : memref<64000xi32, #tpu.memory_space<hbm>> -> memref<40xi32, #tpu.memory_space<hbm>>
    tpu.enqueue_dma source(%dma_start3A_33 : memref<40xi32, #tpu.memory_space<hbm>>) target(%arg14 : memref<40xi32, #tpu.memory_space<vmem>>) target_semaphore(%arg24 : memref<!tpu.dma_semaphore, #tpu.memory_space<semaphore_mem>>)
    %scan3A = arith.constant 0 : i32
    %scan3A_34 = arith.constant 0 : i32
    %scan3A_35 = arith.constant 10 : i32
    %scan3A_36 = arith.addi %scan3A_34, %scan3A_35 : i32
    %scan3A_37 = arith.constant 1 : i32
    scf.for %scan3A_66 = %scan3A_34 to %scan3A_36 step %scan3A_37  : i32 {
      %mul3A_67 = arith.constant 5 : i32
      %mul3A_68 = arith.muli %mul3A_67, %scan3A_66 : i32
      %add3A_69 = arith.constant 0 : i32
      %add3A_70 = arith.addi %mul3A_68, %add3A_69 : i32
      %add3A_71 = arith.constant 1 : i32
      %add3A_72 = arith.addi %add3A_70, %add3A_71 : i32
      %le3A = arith.constant 49 : i32
      %le3A_73 = arith.cmpi sle, %add3A_72, %le3A : i32
      %convert_element_type3A = arith.extui %le3A_73 : i1 to i32
      %cond3A = arith.constant 0 : i32
      %cond3A_74 = arith.cmpi ne, %convert_element_type3A, %cond3A : i32
      scf.if %cond3A_74 {
        %add3A_233 = arith.constant 1 : i32
        %add3A_234 = arith.addi %add3A_70, %add3A_233 : i32
        %mul3A_235 = arith.constant 2000 : i32
        %mul3A_236 = arith.muli %add3A, %mul3A_235 : i32
        %mul3A_237 = arith.constant 40 : i32
        %mul3A_238 = arith.muli %add3A_234, %mul3A_237 : i32
        %add3A_239 = arith.addi %mul3A_236, %mul3A_238 : i32
        %dma_wait3A_240 = tpu.memref_slice %arg4[%add3A_239] : memref<64000xi32, #tpu.memory_space<hbm>> -> memref<40xi32, #tpu.memory_space<hbm>>
        %dma_wait3A_241 = tpu.memref_slice %arg4[%add3A_239] : memref<64000xi32, #tpu.memory_space<hbm>> -> memref<40xi32, #tpu.memory_space<hbm>>
        tpu.wait_dma2 semaphore(%arg23 : memref<!tpu.dma_semaphore, #tpu.memory_space<semaphore_mem>>) src(%dma_wait3A_241 : memref<40xi32, #tpu.memory_space<hbm>>) dst(%arg8 : memref<40xi32, #tpu.memory_space<vmem>>)
        %dma_wait3A_242 = tpu.memref_slice %arg5[%add3A_239] : memref<64000xi32, #tpu.memory_space<hbm>> -> memref<40xi32, #tpu.memory_space<hbm>>
        %dma_wait3A_243 = tpu.memref_slice %arg5[%add3A_239] : memref<64000xi32, #tpu.memory_space<hbm>> -> memref<40xi32, #tpu.memory_space<hbm>>
        tpu.wait_dma2 semaphore(%arg23 : memref<!tpu.dma_semaphore, #tpu.memory_space<semaphore_mem>>) src(%dma_wait3A_243 : memref<40xi32, #tpu.memory_space<hbm>>) dst(%arg13 : memref<40xi32, #tpu.memory_space<vmem>>)
        %dma_start3A_244 = arith.constant 0 : i32
        %dma_start3A_245 = arith.constant 0 : i32
        %dma_start3A_246 = tpu.memref_slice %arg2[%dma_start3A_244, %dma_start3A_245] : memref<10000x128xf32, #tpu.memory_space<hbm>> -> memref<10000x128xf32, #tpu.memory_space<hbm>>
        tpu.enqueue_indirect_dma source(%dma_start3A_246 : memref<10000x128xf32, #tpu.memory_space<hbm>>) target(%arg18 : memref<40x128xf32, #tpu.memory_space<vmem>>) offsets(%arg8 : memref<40xi32, #tpu.memory_space<vmem>>) semaphore(%arg28 : memref<!tpu.dma_semaphore, #tpu.memory_space<semaphore_mem>>)
      } else {
      }
      %dma_wait3A_75 = arith.constant 0 : i32
      %dma_wait3A_76 = arith.constant 0 : i32
      %dma_wait3A_77 = tpu.memref_slice %arg2[%dma_wait3A_75, %dma_wait3A_76] : memref<10000x128xf32, #tpu.memory_space<hbm>> -> memref<10000x128xf32, #tpu.memory_space<hbm>>
      tpu.wait_indirect_dma semaphore(%arg27 : memref<!tpu.dma_semaphore, #tpu.memory_space<semaphore_mem>>) src(%dma_wait3A_77 : memref<10000x128xf32, #tpu.memory_space<hbm>>) dst(%arg17 : memref<40x128xf32, #tpu.memory_space<vmem>>)
      %dma_start3A_78 = arith.constant 0 : i32
      %dma_start3A_79 = arith.constant 0 : i32
      %dma_start3A_80 = tpu.memref_slice %arg3[%dma_start3A_78, %dma_start3A_79] : memref<10000x128xf32, #tpu.memory_space<hbm>> -> memref<10000x128xf32, #tpu.memory_space<hbm>>
      tpu.enqueue_indirect_dma source(%dma_start3A_80 : memref<10000x128xf32, #tpu.memory_space<hbm>>) target(%arg17 : memref<40x128xf32, #tpu.memory_space<vmem>>) offsets(%arg12 : memref<40xi32, #tpu.memory_space<vmem>>) semaphore(%arg32 : memref<!tpu.dma_semaphore, #tpu.memory_space<semaphore_mem>>) {add = true}
      %ge3A = arith.constant 1 : i32
      %ge3A_81 = arith.cmpi sge, %add3A_70, %ge3A : i32
      %convert_element_type3A_82 = arith.extui %ge3A_81 : i1 to i32
      %cond3A_83 = arith.constant 0 : i32
      %cond3A_84 = arith.cmpi ne, %convert_element_type3A_82, %cond3A_83 : i32
      scf.if %cond3A_84 {
        %dma_wait3A_233 = arith.constant 0 : i32
        %dma_wait3A_234 = arith.constant 0 : i32
        %dma_wait3A_235 = tpu.memref_slice %arg3[%dma_wait3A_233, %dma_wait3A_234] : memref<10000x128xf32, #tpu.memory_space<hbm>> -> memref<10000x128xf32, #tpu.memory_space<hbm>>
        tpu.wait_indirect_dma semaphore(%arg36 : memref<!tpu.dma_semaphore, #tpu.memory_space<semaphore_mem>>) src(%dma_wait3A_235 : memref<10000x128xf32, #tpu.memory_space<hbm>>) dst(%arg21 : memref<40x128xf32, #tpu.memory_space<vmem>>)
        %sub3A = arith.constant 1 : i32
        %sub3A_236 = arith.subi %add3A_70, %sub3A : i32
        %mul3A_237 = arith.constant 2000 : i32
        %mul3A_238 = arith.muli %add3A, %mul3A_237 : i32
        %mul3A_239 = arith.constant 40 : i32
        %mul3A_240 = arith.muli %sub3A_236, %mul3A_239 : i32
        %add3A_241 = arith.addi %mul3A_238, %mul3A_240 : i32
        %dma_start3A_242 = arith.constant 0 : i32
        %dma_start3A_243 = tpu.memref_slice %arg6[%add3A_241, %dma_start3A_242] : memref<64000x128xf32, #tpu.memory_space<hbm>> -> memref<40x128xf32, #tpu.memory_space<hbm>>
        %dma_start3A_244 = arith.constant 0 : i32
        %dma_start3A_245 = tpu.memref_slice %arg6[%add3A_241, %dma_start3A_244] : memref<64000x128xf32, #tpu.memory_space<hbm>> -> memref<40x128xf32, #tpu.memory_space<hbm>>
        tpu.enqueue_dma source(%arg21 : memref<40x128xf32, #tpu.memory_space<vmem>>) target(%dma_start3A_245 : memref<40x128xf32, #tpu.memory_space<hbm>>) target_semaphore(%arg41 : memref<!tpu.dma_semaphore, #tpu.memory_space<semaphore_mem>>)
      } else {
      }
      %ge3A_85 = arith.constant 2 : i32
      %ge3A_86 = arith.cmpi sge, %add3A_70, %ge3A_85 : i32
      %convert_element_type3A_87 = arith.extui %ge3A_86 : i1 to i32
      %cond3A_88 = arith.constant 0 : i32
      %cond3A_89 = arith.cmpi ne, %convert_element_type3A_87, %cond3A_88 : i32
      scf.if %cond3A_89 {
        %sub3A = arith.constant 2 : i32
        %sub3A_233 = arith.subi %add3A_70, %sub3A : i32
        %mul3A_234 = arith.constant 2000 : i32
        %mul3A_235 = arith.muli %add3A, %mul3A_234 : i32
        %mul3A_236 = arith.constant 40 : i32
        %mul3A_237 = arith.muli %sub3A_233, %mul3A_236 : i32
        %add3A_238 = arith.addi %mul3A_235, %mul3A_237 : i32
        %dma_wait3A_239 = arith.constant 0 : i32
        %dma_wait3A_240 = tpu.memref_slice %arg6[%add3A_238, %dma_wait3A_239] : memref<64000x128xf32, #tpu.memory_space<hbm>> -> memref<40x128xf32, #tpu.memory_space<hbm>>
        %dma_wait3A_241 = arith.constant 0 : i32
        %dma_wait3A_242 = tpu.memref_slice %arg6[%add3A_238, %dma_wait3A_241] : memref<64000x128xf32, #tpu.memory_space<hbm>> -> memref<40x128xf32, #tpu.memory_space<hbm>>
        tpu.wait_dma2 semaphore(%arg40 : memref<!tpu.dma_semaphore, #tpu.memory_space<semaphore_mem>>) src(%arg20 : memref<40x128xf32, #tpu.memory_space<vmem>>) dst(%dma_wait3A_242 : memref<40x128xf32, #tpu.memory_space<hbm>>)
      } else {
      }
      %add3A_90 = arith.constant 3 : i32
      %add3A_91 = arith.addi %add3A_70, %add3A_90 : i32
      %le3A_92 = arith.constant 49 : i32
      %le3A_93 = arith.cmpi sle, %add3A_91, %le3A_92 : i32
      %convert_element_type3A_94 = arith.extui %le3A_93 : i1 to i32
      %cond3A_95 = arith.constant 0 : i32
      %cond3A_96 = arith.cmpi ne, %convert_element_type3A_94, %cond3A_95 : i32
      scf.if %cond3A_96 {
        %add3A_233 = arith.constant 3 : i32
        %add3A_234 = arith.addi %add3A_70, %add3A_233 : i32
        %mul3A_235 = arith.constant 2000 : i32
        %mul3A_236 = arith.muli %add3A, %mul3A_235 : i32
        %mul3A_237 = arith.constant 40 : i32
        %mul3A_238 = arith.muli %add3A_234, %mul3A_237 : i32
        %add3A_239 = arith.addi %mul3A_236, %mul3A_238 : i32
        %dma_start3A_240 = tpu.memref_slice %arg4[%add3A_239] : memref<64000xi32, #tpu.memory_space<hbm>> -> memref<40xi32, #tpu.memory_space<hbm>>
        %dma_start3A_241 = tpu.memref_slice %arg4[%add3A_239] : memref<64000xi32, #tpu.memory_space<hbm>> -> memref<40xi32, #tpu.memory_space<hbm>>
        tpu.enqueue_dma source(%dma_start3A_241 : memref<40xi32, #tpu.memory_space<hbm>>) target(%arg10 : memref<40xi32, #tpu.memory_space<vmem>>) target_semaphore(%arg25 : memref<!tpu.dma_semaphore, #tpu.memory_space<semaphore_mem>>)
        %dma_start3A_242 = tpu.memref_slice %arg5[%add3A_239] : memref<64000xi32, #tpu.memory_space<hbm>> -> memref<40xi32, #tpu.memory_space<hbm>>
        %dma_start3A_243 = tpu.memref_slice %arg5[%add3A_239] : memref<64000xi32, #tpu.memory_space<hbm>> -> memref<40xi32, #tpu.memory_space<hbm>>
        tpu.enqueue_dma source(%dma_start3A_243 : memref<40xi32, #tpu.memory_space<hbm>>) target(%arg15 : memref<40xi32, #tpu.memory_space<vmem>>) target_semaphore(%arg25 : memref<!tpu.dma_semaphore, #tpu.memory_space<semaphore_mem>>)
      } else {
      }
      %mul3A_97 = arith.constant 5 : i32
      %mul3A_98 = arith.muli %mul3A_97, %scan3A_66 : i32
      %add3A_99 = arith.constant 1 : i32
      %add3A_100 = arith.addi %mul3A_98, %add3A_99 : i32
      %add3A_101 = arith.constant 1 : i32
      %add3A_102 = arith.addi %add3A_100, %add3A_101 : i32
      %le3A_103 = arith.constant 49 : i32
      %le3A_104 = arith.cmpi sle, %add3A_102, %le3A_103 : i32
      %convert_element_type3A_105 = arith.extui %le3A_104 : i1 to i32
      %cond3A_106 = arith.constant 0 : i32
      %cond3A_107 = arith.cmpi ne, %convert_element_type3A_105, %cond3A_106 : i32
      scf.if %cond3A_107 {
        %add3A_233 = arith.constant 1 : i32
        %add3A_234 = arith.addi %add3A_100, %add3A_233 : i32
        %mul3A_235 = arith.constant 2000 : i32
        %mul3A_236 = arith.muli %add3A, %mul3A_235 : i32
        %mul3A_237 = arith.constant 40 : i32
        %mul3A_238 = arith.muli %add3A_234, %mul3A_237 : i32
        %add3A_239 = arith.addi %mul3A_236, %mul3A_238 : i32
        %dma_wait3A_240 = tpu.memref_slice %arg4[%add3A_239] : memref<64000xi32, #tpu.memory_space<hbm>> -> memref<40xi32, #tpu.memory_space<hbm>>
        %dma_wait3A_241 = tpu.memref_slice %arg4[%add3A_239] : memref<64000xi32, #tpu.memory_space<hbm>> -> memref<40xi32, #tpu.memory_space<hbm>>
        tpu.wait_dma2 semaphore(%arg24 : memref<!tpu.dma_semaphore, #tpu.memory_space<semaphore_mem>>) src(%dma_wait3A_241 : memref<40xi32, #tpu.memory_space<hbm>>) dst(%arg9 : memref<40xi32, #tpu.memory_space<vmem>>)
        %dma_wait3A_242 = tpu.memref_slice %arg5[%add3A_239] : memref<64000xi32, #tpu.memory_space<hbm>> -> memref<40xi32, #tpu.memory_space<hbm>>
        %dma_wait3A_243 = tpu.memref_slice %arg5[%add3A_239] : memref<64000xi32, #tpu.memory_space<hbm>> -> memref<40xi32, #tpu.memory_space<hbm>>
        tpu.wait_dma2 semaphore(%arg24 : memref<!tpu.dma_semaphore, #tpu.memory_space<semaphore_mem>>) src(%dma_wait3A_243 : memref<40xi32, #tpu.memory_space<hbm>>) dst(%arg14 : memref<40xi32, #tpu.memory_space<vmem>>)
        %dma_start3A_244 = arith.constant 0 : i32
        %dma_start3A_245 = arith.constant 0 : i32
        %dma_start3A_246 = tpu.memref_slice %arg2[%dma_start3A_244, %dma_start3A_245] : memref<10000x128xf32, #tpu.memory_space<hbm>> -> memref<10000x128xf32, #tpu.memory_space<hbm>>
        tpu.enqueue_indirect_dma source(%dma_start3A_246 : memref<10000x128xf32, #tpu.memory_space<hbm>>) target(%arg19 : memref<40x128xf32, #tpu.memory_space<vmem>>) offsets(%arg9 : memref<40xi32, #tpu.memory_space<vmem>>) semaphore(%arg29 : memref<!tpu.dma_semaphore, #tpu.memory_space<semaphore_mem>>)
      } else {
      }
      %dma_wait3A_108 = arith.constant 0 : i32
      %dma_wait3A_109 = arith.constant 0 : i32
      %dma_wait3A_110 = tpu.memref_slice %arg2[%dma_wait3A_108, %dma_wait3A_109] : memref<10000x128xf32, #tpu.memory_space<hbm>> -> memref<10000x128xf32, #tpu.memory_space<hbm>>
      tpu.wait_indirect_dma semaphore(%arg28 : memref<!tpu.dma_semaphore, #tpu.memory_space<semaphore_mem>>) src(%dma_wait3A_110 : memref<10000x128xf32, #tpu.memory_space<hbm>>) dst(%arg18 : memref<40x128xf32, #tpu.memory_space<vmem>>)
      %dma_start3A_111 = arith.constant 0 : i32
      %dma_start3A_112 = arith.constant 0 : i32
      %dma_start3A_113 = tpu.memref_slice %arg3[%dma_start3A_111, %dma_start3A_112] : memref<10000x128xf32, #tpu.memory_space<hbm>> -> memref<10000x128xf32, #tpu.memory_space<hbm>>
      tpu.enqueue_indirect_dma source(%dma_start3A_113 : memref<10000x128xf32, #tpu.memory_space<hbm>>) target(%arg18 : memref<40x128xf32, #tpu.memory_space<vmem>>) offsets(%arg13 : memref<40xi32, #tpu.memory_space<vmem>>) semaphore(%arg33 : memref<!tpu.dma_semaphore, #tpu.memory_space<semaphore_mem>>) {add = true}
      %ge3A_114 = arith.constant 1 : i32
      %ge3A_115 = arith.cmpi sge, %add3A_100, %ge3A_114 : i32
      %convert_element_type3A_116 = arith.extui %ge3A_115 : i1 to i32
      %cond3A_117 = arith.constant 0 : i32
      %cond3A_118 = arith.cmpi ne, %convert_element_type3A_116, %cond3A_117 : i32
      scf.if %cond3A_118 {
        %dma_wait3A_233 = arith.constant 0 : i32
        %dma_wait3A_234 = arith.constant 0 : i32
        %dma_wait3A_235 = tpu.memref_slice %arg3[%dma_wait3A_233, %dma_wait3A_234] : memref<10000x128xf32, #tpu.memory_space<hbm>> -> memref<10000x128xf32, #tpu.memory_space<hbm>>
        tpu.wait_indirect_dma semaphore(%arg32 : memref<!tpu.dma_semaphore, #tpu.memory_space<semaphore_mem>>) src(%dma_wait3A_235 : memref<10000x128xf32, #tpu.memory_space<hbm>>) dst(%arg17 : memref<40x128xf32, #tpu.memory_space<vmem>>)
        %sub3A = arith.constant 1 : i32
        %sub3A_236 = arith.subi %add3A_100, %sub3A : i32
        %mul3A_237 = arith.constant 2000 : i32
        %mul3A_238 = arith.muli %add3A, %mul3A_237 : i32
        %mul3A_239 = arith.constant 40 : i32
        %mul3A_240 = arith.muli %sub3A_236, %mul3A_239 : i32
        %add3A_241 = arith.addi %mul3A_238, %mul3A_240 : i32
        %dma_start3A_242 = arith.constant 0 : i32
        %dma_start3A_243 = tpu.memref_slice %arg6[%add3A_241, %dma_start3A_242] : memref<64000x128xf32, #tpu.memory_space<hbm>> -> memref<40x128xf32, #tpu.memory_space<hbm>>
        %dma_start3A_244 = arith.constant 0 : i32
        %dma_start3A_245 = tpu.memref_slice %arg6[%add3A_241, %dma_start3A_244] : memref<64000x128xf32, #tpu.memory_space<hbm>> -> memref<40x128xf32, #tpu.memory_space<hbm>>
        tpu.enqueue_dma source(%arg17 : memref<40x128xf32, #tpu.memory_space<vmem>>) target(%dma_start3A_245 : memref<40x128xf32, #tpu.memory_space<hbm>>) target_semaphore(%arg37 : memref<!tpu.dma_semaphore, #tpu.memory_space<semaphore_mem>>)
      } else {
      }
      %ge3A_119 = arith.constant 2 : i32
      %ge3A_120 = arith.cmpi sge, %add3A_100, %ge3A_119 : i32
      %convert_element_type3A_121 = arith.extui %ge3A_120 : i1 to i32
      %cond3A_122 = arith.constant 0 : i32
      %cond3A_123 = arith.cmpi ne, %convert_element_type3A_121, %cond3A_122 : i32
      scf.if %cond3A_123 {
        %sub3A = arith.constant 2 : i32
        %sub3A_233 = arith.subi %add3A_100, %sub3A : i32
        %mul3A_234 = arith.constant 2000 : i32
        %mul3A_235 = arith.muli %add3A, %mul3A_234 : i32
        %mul3A_236 = arith.constant 40 : i32
        %mul3A_237 = arith.muli %sub3A_233, %mul3A_236 : i32
        %add3A_238 = arith.addi %mul3A_235, %mul3A_237 : i32
        %dma_wait3A_239 = arith.constant 0 : i32
        %dma_wait3A_240 = tpu.memref_slice %arg6[%add3A_238, %dma_wait3A_239] : memref<64000x128xf32, #tpu.memory_space<hbm>> -> memref<40x128xf32, #tpu.memory_space<hbm>>
        %dma_wait3A_241 = arith.constant 0 : i32
        %dma_wait3A_242 = tpu.memref_slice %arg6[%add3A_238, %dma_wait3A_241] : memref<64000x128xf32, #tpu.memory_space<hbm>> -> memref<40x128xf32, #tpu.memory_space<hbm>>
        tpu.wait_dma2 semaphore(%arg41 : memref<!tpu.dma_semaphore, #tpu.memory_space<semaphore_mem>>) src(%arg21 : memref<40x128xf32, #tpu.memory_space<vmem>>) dst(%dma_wait3A_242 : memref<40x128xf32, #tpu.memory_space<hbm>>)
      } else {
      }
      %add3A_124 = arith.constant 3 : i32
      %add3A_125 = arith.addi %add3A_100, %add3A_124 : i32
      %le3A_126 = arith.constant 49 : i32
      %le3A_127 = arith.cmpi sle, %add3A_125, %le3A_126 : i32
      %convert_element_type3A_128 = arith.extui %le3A_127 : i1 to i32
      %cond3A_129 = arith.constant 0 : i32
      %cond3A_130 = arith.cmpi ne, %convert_element_type3A_128, %cond3A_129 : i32
      scf.if %cond3A_130 {
        %add3A_233 = arith.constant 3 : i32
        %add3A_234 = arith.addi %add3A_100, %add3A_233 : i32
        %mul3A_235 = arith.constant 2000 : i32
        %mul3A_236 = arith.muli %add3A, %mul3A_235 : i32
        %mul3A_237 = arith.constant 40 : i32
        %mul3A_238 = arith.muli %add3A_234, %mul3A_237 : i32
        %add3A_239 = arith.addi %mul3A_236, %mul3A_238 : i32
        %dma_start3A_240 = tpu.memref_slice %arg4[%add3A_239] : memref<64000xi32, #tpu.memory_space<hbm>> -> memref<40xi32, #tpu.memory_space<hbm>>
        %dma_start3A_241 = tpu.memref_slice %arg4[%add3A_239] : memref<64000xi32, #tpu.memory_space<hbm>> -> memref<40xi32, #tpu.memory_space<hbm>>
        tpu.enqueue_dma source(%dma_start3A_241 : memref<40xi32, #tpu.memory_space<hbm>>) target(%arg11 : memref<40xi32, #tpu.memory_space<vmem>>) target_semaphore(%arg26 : memref<!tpu.dma_semaphore, #tpu.memory_space<semaphore_mem>>)
        %dma_start3A_242 = tpu.memref_slice %arg5[%add3A_239] : memref<64000xi32, #tpu.memory_space<hbm>> -> memref<40xi32, #tpu.memory_space<hbm>>
        %dma_start3A_243 = tpu.memref_slice %arg5[%add3A_239] : memref<64000xi32, #tpu.memory_space<hbm>> -> memref<40xi32, #tpu.memory_space<hbm>>
        tpu.enqueue_dma source(%dma_start3A_243 : memref<40xi32, #tpu.memory_space<hbm>>) target(%arg16 : memref<40xi32, #tpu.memory_space<vmem>>) target_semaphore(%arg26 : memref<!tpu.dma_semaphore, #tpu.memory_space<semaphore_mem>>)
      } else {
      }
      %mul3A_131 = arith.constant 5 : i32
      %mul3A_132 = arith.muli %mul3A_131, %scan3A_66 : i32
      %add3A_133 = arith.constant 2 : i32
      %add3A_134 = arith.addi %mul3A_132, %add3A_133 : i32
      %add3A_135 = arith.constant 1 : i32
      %add3A_136 = arith.addi %add3A_134, %add3A_135 : i32
      %le3A_137 = arith.constant 49 : i32
      %le3A_138 = arith.cmpi sle, %add3A_136, %le3A_137 : i32
      %convert_element_type3A_139 = arith.extui %le3A_138 : i1 to i32
      %cond3A_140 = arith.constant 0 : i32
      %cond3A_141 = arith.cmpi ne, %convert_element_type3A_139, %cond3A_140 : i32
      scf.if %cond3A_141 {
        %add3A_233 = arith.constant 1 : i32
        %add3A_234 = arith.addi %add3A_134, %add3A_233 : i32
        %mul3A_235 = arith.constant 2000 : i32
        %mul3A_236 = arith.muli %add3A, %mul3A_235 : i32
        %mul3A_237 = arith.constant 40 : i32
        %mul3A_238 = arith.muli %add3A_234, %mul3A_237 : i32
        %add3A_239 = arith.addi %mul3A_236, %mul3A_238 : i32
        %dma_wait3A_240 = tpu.memref_slice %arg4[%add3A_239] : memref<64000xi32, #tpu.memory_space<hbm>> -> memref<40xi32, #tpu.memory_space<hbm>>
        %dma_wait3A_241 = tpu.memref_slice %arg4[%add3A_239] : memref<64000xi32, #tpu.memory_space<hbm>> -> memref<40xi32, #tpu.memory_space<hbm>>
        tpu.wait_dma2 semaphore(%arg25 : memref<!tpu.dma_semaphore, #tpu.memory_space<semaphore_mem>>) src(%dma_wait3A_241 : memref<40xi32, #tpu.memory_space<hbm>>) dst(%arg10 : memref<40xi32, #tpu.memory_space<vmem>>)
        %dma_wait3A_242 = tpu.memref_slice %arg5[%add3A_239] : memref<64000xi32, #tpu.memory_space<hbm>> -> memref<40xi32, #tpu.memory_space<hbm>>
        %dma_wait3A_243 = tpu.memref_slice %arg5[%add3A_239] : memref<64000xi32, #tpu.memory_space<hbm>> -> memref<40xi32, #tpu.memory_space<hbm>>
        tpu.wait_dma2 semaphore(%arg25 : memref<!tpu.dma_semaphore, #tpu.memory_space<semaphore_mem>>) src(%dma_wait3A_243 : memref<40xi32, #tpu.memory_space<hbm>>) dst(%arg15 : memref<40xi32, #tpu.memory_space<vmem>>)
        %dma_start3A_244 = arith.constant 0 : i32
        %dma_start3A_245 = arith.constant 0 : i32
        %dma_start3A_246 = tpu.memref_slice %arg2[%dma_start3A_244, %dma_start3A_245] : memref<10000x128xf32, #tpu.memory_space<hbm>> -> memref<10000x128xf32, #tpu.memory_space<hbm>>
        tpu.enqueue_indirect_dma source(%dma_start3A_246 : memref<10000x128xf32, #tpu.memory_space<hbm>>) target(%arg20 : memref<40x128xf32, #tpu.memory_space<vmem>>) offsets(%arg10 : memref<40xi32, #tpu.memory_space<vmem>>) semaphore(%arg30 : memref<!tpu.dma_semaphore, #tpu.memory_space<semaphore_mem>>)
      } else {
      }
      %dma_wait3A_142 = arith.constant 0 : i32
      %dma_wait3A_143 = arith.constant 0 : i32
      %dma_wait3A_144 = tpu.memref_slice %arg2[%dma_wait3A_142, %dma_wait3A_143] : memref<10000x128xf32, #tpu.memory_space<hbm>> -> memref<10000x128xf32, #tpu.memory_space<hbm>>
      tpu.wait_indirect_dma semaphore(%arg29 : memref<!tpu.dma_semaphore, #tpu.memory_space<semaphore_mem>>) src(%dma_wait3A_144 : memref<10000x128xf32, #tpu.memory_space<hbm>>) dst(%arg19 : memref<40x128xf32, #tpu.memory_space<vmem>>)
      %dma_start3A_145 = arith.constant 0 : i32
      %dma_start3A_146 = arith.constant 0 : i32
      %dma_start3A_147 = tpu.memref_slice %arg3[%dma_start3A_145, %dma_start3A_146] : memref<10000x128xf32, #tpu.memory_space<hbm>> -> memref<10000x128xf32, #tpu.memory_space<hbm>>
      tpu.enqueue_indirect_dma source(%dma_start3A_147 : memref<10000x128xf32, #tpu.memory_space<hbm>>) target(%arg19 : memref<40x128xf32, #tpu.memory_space<vmem>>) offsets(%arg14 : memref<40xi32, #tpu.memory_space<vmem>>) semaphore(%arg34 : memref<!tpu.dma_semaphore, #tpu.memory_space<semaphore_mem>>) {add = true}
      %ge3A_148 = arith.constant 1 : i32
      %ge3A_149 = arith.cmpi sge, %add3A_134, %ge3A_148 : i32
      %convert_element_type3A_150 = arith.extui %ge3A_149 : i1 to i32
      %cond3A_151 = arith.constant 0 : i32
      %cond3A_152 = arith.cmpi ne, %convert_element_type3A_150, %cond3A_151 : i32
      scf.if %cond3A_152 {
        %dma_wait3A_233 = arith.constant 0 : i32
        %dma_wait3A_234 = arith.constant 0 : i32
        %dma_wait3A_235 = tpu.memref_slice %arg3[%dma_wait3A_233, %dma_wait3A_234] : memref<10000x128xf32, #tpu.memory_space<hbm>> -> memref<10000x128xf32, #tpu.memory_space<hbm>>
        tpu.wait_indirect_dma semaphore(%arg33 : memref<!tpu.dma_semaphore, #tpu.memory_space<semaphore_mem>>) src(%dma_wait3A_235 : memref<10000x128xf32, #tpu.memory_space<hbm>>) dst(%arg18 : memref<40x128xf32, #tpu.memory_space<vmem>>)
        %sub3A = arith.constant 1 : i32
        %sub3A_236 = arith.subi %add3A_134, %sub3A : i32
        %mul3A_237 = arith.constant 2000 : i32
        %mul3A_238 = arith.muli %add3A, %mul3A_237 : i32
        %mul3A_239 = arith.constant 40 : i32
        %mul3A_240 = arith.muli %sub3A_236, %mul3A_239 : i32
        %add3A_241 = arith.addi %mul3A_238, %mul3A_240 : i32
        %dma_start3A_242 = arith.constant 0 : i32
        %dma_start3A_243 = tpu.memref_slice %arg6[%add3A_241, %dma_start3A_242] : memref<64000x128xf32, #tpu.memory_space<hbm>> -> memref<40x128xf32, #tpu.memory_space<hbm>>
        %dma_start3A_244 = arith.constant 0 : i32
        %dma_start3A_245 = tpu.memref_slice %arg6[%add3A_241, %dma_start3A_244] : memref<64000x128xf32, #tpu.memory_space<hbm>> -> memref<40x128xf32, #tpu.memory_space<hbm>>
        tpu.enqueue_dma source(%arg18 : memref<40x128xf32, #tpu.memory_space<vmem>>) target(%dma_start3A_245 : memref<40x128xf32, #tpu.memory_space<hbm>>) target_semaphore(%arg38 : memref<!tpu.dma_semaphore, #tpu.memory_space<semaphore_mem>>)
      } else {
      }
      %ge3A_153 = arith.constant 2 : i32
      %ge3A_154 = arith.cmpi sge, %add3A_134, %ge3A_153 : i32
      %convert_element_type3A_155 = arith.extui %ge3A_154 : i1 to i32
      %cond3A_156 = arith.constant 0 : i32
      %cond3A_157 = arith.cmpi ne, %convert_element_type3A_155, %cond3A_156 : i32
      scf.if %cond3A_157 {
        %sub3A = arith.constant 2 : i32
        %sub3A_233 = arith.subi %add3A_134, %sub3A : i32
        %mul3A_234 = arith.constant 2000 : i32
        %mul3A_235 = arith.muli %add3A, %mul3A_234 : i32
        %mul3A_236 = arith.constant 40 : i32
        %mul3A_237 = arith.muli %sub3A_233, %mul3A_236 : i32
        %add3A_238 = arith.addi %mul3A_235, %mul3A_237 : i32
        %dma_wait3A_239 = arith.constant 0 : i32
        %dma_wait3A_240 = tpu.memref_slice %arg6[%add3A_238, %dma_wait3A_239] : memref<64000x128xf32, #tpu.memory_space<hbm>> -> memref<40x128xf32, #tpu.memory_space<hbm>>
        %dma_wait3A_241 = arith.constant 0 : i32
        %dma_wait3A_242 = tpu.memref_slice %arg6[%add3A_238, %dma_wait3A_241] : memref<64000x128xf32, #tpu.memory_space<hbm>> -> memref<40x128xf32, #tpu.memory_space<hbm>>
        tpu.wait_dma2 semaphore(%arg37 : memref<!tpu.dma_semaphore, #tpu.memory_space<semaphore_mem>>) src(%arg17 : memref<40x128xf32, #tpu.memory_space<vmem>>) dst(%dma_wait3A_242 : memref<40x128xf32, #tpu.memory_space<hbm>>)
      } else {
      }
      %add3A_158 = arith.constant 3 : i32
      %add3A_159 = arith.addi %add3A_134, %add3A_158 : i32
      %le3A_160 = arith.constant 49 : i32
      %le3A_161 = arith.cmpi sle, %add3A_159, %le3A_160 : i32
      %convert_element_type3A_162 = arith.extui %le3A_161 : i1 to i32
      %cond3A_163 = arith.constant 0 : i32
      %cond3A_164 = arith.cmpi ne, %convert_element_type3A_162, %cond3A_163 : i32
      scf.if %cond3A_164 {
        %add3A_233 = arith.constant 3 : i32
        %add3A_234 = arith.addi %add3A_134, %add3A_233 : i32
        %mul3A_235 = arith.constant 2000 : i32
        %mul3A_236 = arith.muli %add3A, %mul3A_235 : i32
        %mul3A_237 = arith.constant 40 : i32
        %mul3A_238 = arith.muli %add3A_234, %mul3A_237 : i32
        %add3A_239 = arith.addi %mul3A_236, %mul3A_238 : i32
        %dma_start3A_240 = tpu.memref_slice %arg4[%add3A_239] : memref<64000xi32, #tpu.memory_space<hbm>> -> memref<40xi32, #tpu.memory_space<hbm>>
        %dma_start3A_241 = tpu.memref_slice %arg4[%add3A_239] : memref<64000xi32, #tpu.memory_space<hbm>> -> memref<40xi32, #tpu.memory_space<hbm>>
        tpu.enqueue_dma source(%dma_start3A_241 : memref<40xi32, #tpu.memory_space<hbm>>) target(%arg7 : memref<40xi32, #tpu.memory_space<vmem>>) target_semaphore(%arg22 : memref<!tpu.dma_semaphore, #tpu.memory_space<semaphore_mem>>)
        %dma_start3A_242 = tpu.memref_slice %arg5[%add3A_239] : memref<64000xi32, #tpu.memory_space<hbm>> -> memref<40xi32, #tpu.memory_space<hbm>>
        %dma_start3A_243 = tpu.memref_slice %arg5[%add3A_239] : memref<64000xi32, #tpu.memory_space<hbm>> -> memref<40xi32, #tpu.memory_space<hbm>>
        tpu.enqueue_dma source(%dma_start3A_243 : memref<40xi32, #tpu.memory_space<hbm>>) target(%arg12 : memref<40xi32, #tpu.memory_space<vmem>>) target_semaphore(%arg22 : memref<!tpu.dma_semaphore, #tpu.memory_space<semaphore_mem>>)
      } else {
      }
      %mul3A_165 = arith.constant 5 : i32
      %mul3A_166 = arith.muli %mul3A_165, %scan3A_66 : i32
      %add3A_167 = arith.constant 3 : i32
      %add3A_168 = arith.addi %mul3A_166, %add3A_167 : i32
      %add3A_169 = arith.constant 1 : i32
      %add3A_170 = arith.addi %add3A_168, %add3A_169 : i32
      %le3A_171 = arith.constant 49 : i32
      %le3A_172 = arith.cmpi sle, %add3A_170, %le3A_171 : i32
      %convert_element_type3A_173 = arith.extui %le3A_172 : i1 to i32
      %cond3A_174 = arith.constant 0 : i32
      %cond3A_175 = arith.cmpi ne, %convert_element_type3A_173, %cond3A_174 : i32
      scf.if %cond3A_175 {
        %add3A_233 = arith.constant 1 : i32
        %add3A_234 = arith.addi %add3A_168, %add3A_233 : i32
        %mul3A_235 = arith.constant 2000 : i32
        %mul3A_236 = arith.muli %add3A, %mul3A_235 : i32
        %mul3A_237 = arith.constant 40 : i32
        %mul3A_238 = arith.muli %add3A_234, %mul3A_237 : i32
        %add3A_239 = arith.addi %mul3A_236, %mul3A_238 : i32
        %dma_wait3A_240 = tpu.memref_slice %arg4[%add3A_239] : memref<64000xi32, #tpu.memory_space<hbm>> -> memref<40xi32, #tpu.memory_space<hbm>>
        %dma_wait3A_241 = tpu.memref_slice %arg4[%add3A_239] : memref<64000xi32, #tpu.memory_space<hbm>> -> memref<40xi32, #tpu.memory_space<hbm>>
        tpu.wait_dma2 semaphore(%arg26 : memref<!tpu.dma_semaphore, #tpu.memory_space<semaphore_mem>>) src(%dma_wait3A_241 : memref<40xi32, #tpu.memory_space<hbm>>) dst(%arg11 : memref<40xi32, #tpu.memory_space<vmem>>)
        %dma_wait3A_242 = tpu.memref_slice %arg5[%add3A_239] : memref<64000xi32, #tpu.memory_space<hbm>> -> memref<40xi32, #tpu.memory_space<hbm>>
        %dma_wait3A_243 = tpu.memref_slice %arg5[%add3A_239] : memref<64000xi32, #tpu.memory_space<hbm>> -> memref<40xi32, #tpu.memory_space<hbm>>
        tpu.wait_dma2 semaphore(%arg26 : memref<!tpu.dma_semaphore, #tpu.memory_space<semaphore_mem>>) src(%dma_wait3A_243 : memref<40xi32, #tpu.memory_space<hbm>>) dst(%arg16 : memref<40xi32, #tpu.memory_space<vmem>>)
        %dma_start3A_244 = arith.constant 0 : i32
        %dma_start3A_245 = arith.constant 0 : i32
        %dma_start3A_246 = tpu.memref_slice %arg2[%dma_start3A_244, %dma_start3A_245] : memref<10000x128xf32, #tpu.memory_space<hbm>> -> memref<10000x128xf32, #tpu.memory_space<hbm>>
        tpu.enqueue_indirect_dma source(%dma_start3A_246 : memref<10000x128xf32, #tpu.memory_space<hbm>>) target(%arg21 : memref<40x128xf32, #tpu.memory_space<vmem>>) offsets(%arg11 : memref<40xi32, #tpu.memory_space<vmem>>) semaphore(%arg31 : memref<!tpu.dma_semaphore, #tpu.memory_space<semaphore_mem>>)
      } else {
      }
      %dma_wait3A_176 = arith.constant 0 : i32
      %dma_wait3A_177 = arith.constant 0 : i32
      %dma_wait3A_178 = tpu.memref_slice %arg2[%dma_wait3A_176, %dma_wait3A_177] : memref<10000x128xf32, #tpu.memory_space<hbm>> -> memref<10000x128xf32, #tpu.memory_space<hbm>>
      tpu.wait_indirect_dma semaphore(%arg30 : memref<!tpu.dma_semaphore, #tpu.memory_space<semaphore_mem>>) src(%dma_wait3A_178 : memref<10000x128xf32, #tpu.memory_space<hbm>>) dst(%arg20 : memref<40x128xf32, #tpu.memory_space<vmem>>)
      %dma_start3A_179 = arith.constant 0 : i32
      %dma_start3A_180 = arith.constant 0 : i32
      %dma_start3A_181 = tpu.memref_slice %arg3[%dma_start3A_179, %dma_start3A_180] : memref<10000x128xf32, #tpu.memory_space<hbm>> -> memref<10000x128xf32, #tpu.memory_space<hbm>>
      tpu.enqueue_indirect_dma source(%dma_start3A_181 : memref<10000x128xf32, #tpu.memory_space<hbm>>) target(%arg20 : memref<40x128xf32, #tpu.memory_space<vmem>>) offsets(%arg15 : memref<40xi32, #tpu.memory_space<vmem>>) semaphore(%arg35 : memref<!tpu.dma_semaphore, #tpu.memory_space<semaphore_mem>>) {add = true}
      %ge3A_182 = arith.constant 1 : i32
      %ge3A_183 = arith.cmpi sge, %add3A_168, %ge3A_182 : i32
      %convert_element_type3A_184 = arith.extui %ge3A_183 : i1 to i32
      %cond3A_185 = arith.constant 0 : i32
      %cond3A_186 = arith.cmpi ne, %convert_element_type3A_184, %cond3A_185 : i32
      scf.if %cond3A_186 {
        %dma_wait3A_233 = arith.constant 0 : i32
        %dma_wait3A_234 = arith.constant 0 : i32
        %dma_wait3A_235 = tpu.memref_slice %arg3[%dma_wait3A_233, %dma_wait3A_234] : memref<10000x128xf32, #tpu.memory_space<hbm>> -> memref<10000x128xf32, #tpu.memory_space<hbm>>
        tpu.wait_indirect_dma semaphore(%arg34 : memref<!tpu.dma_semaphore, #tpu.memory_space<semaphore_mem>>) src(%dma_wait3A_235 : memref<10000x128xf32, #tpu.memory_space<hbm>>) dst(%arg19 : memref<40x128xf32, #tpu.memory_space<vmem>>)
        %sub3A = arith.constant 1 : i32
        %sub3A_236 = arith.subi %add3A_168, %sub3A : i32
        %mul3A_237 = arith.constant 2000 : i32
        %mul3A_238 = arith.muli %add3A, %mul3A_237 : i32
        %mul3A_239 = arith.constant 40 : i32
        %mul3A_240 = arith.muli %sub3A_236, %mul3A_239 : i32
        %add3A_241 = arith.addi %mul3A_238, %mul3A_240 : i32
        %dma_start3A_242 = arith.constant 0 : i32
        %dma_start3A_243 = tpu.memref_slice %arg6[%add3A_241, %dma_start3A_242] : memref<64000x128xf32, #tpu.memory_space<hbm>> -> memref<40x128xf32, #tpu.memory_space<hbm>>
        %dma_start3A_244 = arith.constant 0 : i32
        %dma_start3A_245 = tpu.memref_slice %arg6[%add3A_241, %dma_start3A_244] : memref<64000x128xf32, #tpu.memory_space<hbm>> -> memref<40x128xf32, #tpu.memory_space<hbm>>
        tpu.enqueue_dma source(%arg19 : memref<40x128xf32, #tpu.memory_space<vmem>>) target(%dma_start3A_245 : memref<40x128xf32, #tpu.memory_space<hbm>>) target_semaphore(%arg39 : memref<!tpu.dma_semaphore, #tpu.memory_space<semaphore_mem>>)
      } else {
      }
      %ge3A_187 = arith.constant 2 : i32
      %ge3A_188 = arith.cmpi sge, %add3A_168, %ge3A_187 : i32
      %convert_element_type3A_189 = arith.extui %ge3A_188 : i1 to i32
      %cond3A_190 = arith.constant 0 : i32
      %cond3A_191 = arith.cmpi ne, %convert_element_type3A_189, %cond3A_190 : i32
      scf.if %cond3A_191 {
        %sub3A = arith.constant 2 : i32
        %sub3A_233 = arith.subi %add3A_168, %sub3A : i32
        %mul3A_234 = arith.constant 2000 : i32
        %mul3A_235 = arith.muli %add3A, %mul3A_234 : i32
        %mul3A_236 = arith.constant 40 : i32
        %mul3A_237 = arith.muli %sub3A_233, %mul3A_236 : i32
        %add3A_238 = arith.addi %mul3A_235, %mul3A_237 : i32
        %dma_wait3A_239 = arith.constant 0 : i32
        %dma_wait3A_240 = tpu.memref_slice %arg6[%add3A_238, %dma_wait3A_239] : memref<64000x128xf32, #tpu.memory_space<hbm>> -> memref<40x128xf32, #tpu.memory_space<hbm>>
        %dma_wait3A_241 = arith.constant 0 : i32
        %dma_wait3A_242 = tpu.memref_slice %arg6[%add3A_238, %dma_wait3A_241] : memref<64000x128xf32, #tpu.memory_space<hbm>> -> memref<40x128xf32, #tpu.memory_space<hbm>>
        tpu.wait_dma2 semaphore(%arg38 : memref<!tpu.dma_semaphore, #tpu.memory_space<semaphore_mem>>) src(%arg18 : memref<40x128xf32, #tpu.memory_space<vmem>>) dst(%dma_wait3A_242 : memref<40x128xf32, #tpu.memory_space<hbm>>)
      } else {
      }
      %add3A_192 = arith.constant 3 : i32
      %add3A_193 = arith.addi %add3A_168, %add3A_192 : i32
      %le3A_194 = arith.constant 49 : i32
      %le3A_195 = arith.cmpi sle, %add3A_193, %le3A_194 : i32
      %convert_element_type3A_196 = arith.extui %le3A_195 : i1 to i32
      %cond3A_197 = arith.constant 0 : i32
      %cond3A_198 = arith.cmpi ne, %convert_element_type3A_196, %cond3A_197 : i32
      scf.if %cond3A_198 {
        %add3A_233 = arith.constant 3 : i32
        %add3A_234 = arith.addi %add3A_168, %add3A_233 : i32
        %mul3A_235 = arith.constant 2000 : i32
        %mul3A_236 = arith.muli %add3A, %mul3A_235 : i32
        %mul3A_237 = arith.constant 40 : i32
        %mul3A_238 = arith.muli %add3A_234, %mul3A_237 : i32
        %add3A_239 = arith.addi %mul3A_236, %mul3A_238 : i32
        %dma_start3A_240 = tpu.memref_slice %arg4[%add3A_239] : memref<64000xi32, #tpu.memory_space<hbm>> -> memref<40xi32, #tpu.memory_space<hbm>>
        %dma_start3A_241 = tpu.memref_slice %arg4[%add3A_239] : memref<64000xi32, #tpu.memory_space<hbm>> -> memref<40xi32, #tpu.memory_space<hbm>>
        tpu.enqueue_dma source(%dma_start3A_241 : memref<40xi32, #tpu.memory_space<hbm>>) target(%arg8 : memref<40xi32, #tpu.memory_space<vmem>>) target_semaphore(%arg23 : memref<!tpu.dma_semaphore, #tpu.memory_space<semaphore_mem>>)
        %dma_start3A_242 = tpu.memref_slice %arg5[%add3A_239] : memref<64000xi32, #tpu.memory_space<hbm>> -> memref<40xi32, #tpu.memory_space<hbm>>
        %dma_start3A_243 = tpu.memref_slice %arg5[%add3A_239] : memref<64000xi32, #tpu.memory_space<hbm>> -> memref<40xi32, #tpu.memory_space<hbm>>
        tpu.enqueue_dma source(%dma_start3A_243 : memref<40xi32, #tpu.memory_space<hbm>>) target(%arg13 : memref<40xi32, #tpu.memory_space<vmem>>) target_semaphore(%arg23 : memref<!tpu.dma_semaphore, #tpu.memory_space<semaphore_mem>>)
      } else {
      }
      %mul3A_199 = arith.constant 5 : i32
      %mul3A_200 = arith.muli %mul3A_199, %scan3A_66 : i32
      %add3A_201 = arith.constant 4 : i32
      %add3A_202 = arith.addi %mul3A_200, %add3A_201 : i32
      %add3A_203 = arith.constant 1 : i32
      %add3A_204 = arith.addi %add3A_202, %add3A_203 : i32
      %le3A_205 = arith.constant 49 : i32
      %le3A_206 = arith.cmpi sle, %add3A_204, %le3A_205 : i32
      %convert_element_type3A_207 = arith.extui %le3A_206 : i1 to i32
      %cond3A_208 = arith.constant 0 : i32
      %cond3A_209 = arith.cmpi ne, %convert_element_type3A_207, %cond3A_208 : i32
      scf.if %cond3A_209 {
        %add3A_233 = arith.constant 1 : i32
        %add3A_234 = arith.addi %add3A_202, %add3A_233 : i32
        %mul3A_235 = arith.constant 2000 : i32
        %mul3A_236 = arith.muli %add3A, %mul3A_235 : i32
        %mul3A_237 = arith.constant 40 : i32
        %mul3A_238 = arith.muli %add3A_234, %mul3A_237 : i32
        %add3A_239 = arith.addi %mul3A_236, %mul3A_238 : i32
        %dma_wait3A_240 = tpu.memref_slice %arg4[%add3A_239] : memref<64000xi32, #tpu.memory_space<hbm>> -> memref<40xi32, #tpu.memory_space<hbm>>
        %dma_wait3A_241 = tpu.memref_slice %arg4[%add3A_239] : memref<64000xi32, #tpu.memory_space<hbm>> -> memref<40xi32, #tpu.memory_space<hbm>>
        tpu.wait_dma2 semaphore(%arg22 : memref<!tpu.dma_semaphore, #tpu.memory_space<semaphore_mem>>) src(%dma_wait3A_241 : memref<40xi32, #tpu.memory_space<hbm>>) dst(%arg7 : memref<40xi32, #tpu.memory_space<vmem>>)
        %dma_wait3A_242 = tpu.memref_slice %arg5[%add3A_239] : memref<64000xi32, #tpu.memory_space<hbm>> -> memref<40xi32, #tpu.memory_space<hbm>>
        %dma_wait3A_243 = tpu.memref_slice %arg5[%add3A_239] : memref<64000xi32, #tpu.memory_space<hbm>> -> memref<40xi32, #tpu.memory_space<hbm>>
        tpu.wait_dma2 semaphore(%arg22 : memref<!tpu.dma_semaphore, #tpu.memory_space<semaphore_mem>>) src(%dma_wait3A_243 : memref<40xi32, #tpu.memory_space<hbm>>) dst(%arg12 : memref<40xi32, #tpu.memory_space<vmem>>)
        %dma_start3A_244 = arith.constant 0 : i32
        %dma_start3A_245 = arith.constant 0 : i32
        %dma_start3A_246 = tpu.memref_slice %arg2[%dma_start3A_244, %dma_start3A_245] : memref<10000x128xf32, #tpu.memory_space<hbm>> -> memref<10000x128xf32, #tpu.memory_space<hbm>>
        tpu.enqueue_indirect_dma source(%dma_start3A_246 : memref<10000x128xf32, #tpu.memory_space<hbm>>) target(%arg17 : memref<40x128xf32, #tpu.memory_space<vmem>>) offsets(%arg7 : memref<40xi32, #tpu.memory_space<vmem>>) semaphore(%arg27 : memref<!tpu.dma_semaphore, #tpu.memory_space<semaphore_mem>>)
      } else {
      }
      %dma_wait3A_210 = arith.constant 0 : i32
      %dma_wait3A_211 = arith.constant 0 : i32
      %dma_wait3A_212 = tpu.memref_slice %arg2[%dma_wait3A_210, %dma_wait3A_211] : memref<10000x128xf32, #tpu.memory_space<hbm>> -> memref<10000x128xf32, #tpu.memory_space<hbm>>
      tpu.wait_indirect_dma semaphore(%arg31 : memref<!tpu.dma_semaphore, #tpu.memory_space<semaphore_mem>>) src(%dma_wait3A_212 : memref<10000x128xf32, #tpu.memory_space<hbm>>) dst(%arg21 : memref<40x128xf32, #tpu.memory_space<vmem>>)
      %dma_start3A_213 = arith.constant 0 : i32
      %dma_start3A_214 = arith.constant 0 : i32
      %dma_start3A_215 = tpu.memref_slice %arg3[%dma_start3A_213, %dma_start3A_214] : memref<10000x128xf32, #tpu.memory_space<hbm>> -> memref<10000x128xf32, #tpu.memory_space<hbm>>
      tpu.enqueue_indirect_dma source(%dma_start3A_215 : memref<10000x128xf32, #tpu.memory_space<hbm>>) target(%arg21 : memref<40x128xf32, #tpu.memory_space<vmem>>) offsets(%arg16 : memref<40xi32, #tpu.memory_space<vmem>>) semaphore(%arg36 : memref<!tpu.dma_semaphore, #tpu.memory_space<semaphore_mem>>) {add = true}
      %ge3A_216 = arith.constant 1 : i32
      %ge3A_217 = arith.cmpi sge, %add3A_202, %ge3A_216 : i32
      %convert_element_type3A_218 = arith.extui %ge3A_217 : i1 to i32
      %cond3A_219 = arith.constant 0 : i32
      %cond3A_220 = arith.cmpi ne, %convert_element_type3A_218, %cond3A_219 : i32
      scf.if %cond3A_220 {
        %dma_wait3A_233 = arith.constant 0 : i32
        %dma_wait3A_234 = arith.constant 0 : i32
        %dma_wait3A_235 = tpu.memref_slice %arg3[%dma_wait3A_233, %dma_wait3A_234] : memref<10000x128xf32, #tpu.memory_space<hbm>> -> memref<10000x128xf32, #tpu.memory_space<hbm>>
        tpu.wait_indirect_dma semaphore(%arg35 : memref<!tpu.dma_semaphore, #tpu.memory_space<semaphore_mem>>) src(%dma_wait3A_235 : memref<10000x128xf32, #tpu.memory_space<hbm>>) dst(%arg20 : memref<40x128xf32, #tpu.memory_space<vmem>>)
        %sub3A = arith.constant 1 : i32
        %sub3A_236 = arith.subi %add3A_202, %sub3A : i32
        %mul3A_237 = arith.constant 2000 : i32
        %mul3A_238 = arith.muli %add3A, %mul3A_237 : i32
        %mul3A_239 = arith.constant 40 : i32
        %mul3A_240 = arith.muli %sub3A_236, %mul3A_239 : i32
        %add3A_241 = arith.addi %mul3A_238, %mul3A_240 : i32
        %dma_start3A_242 = arith.constant 0 : i32
        %dma_start3A_243 = tpu.memref_slice %arg6[%add3A_241, %dma_start3A_242] : memref<64000x128xf32, #tpu.memory_space<hbm>> -> memref<40x128xf32, #tpu.memory_space<hbm>>
        %dma_start3A_244 = arith.constant 0 : i32
        %dma_start3A_245 = tpu.memref_slice %arg6[%add3A_241, %dma_start3A_244] : memref<64000x128xf32, #tpu.memory_space<hbm>> -> memref<40x128xf32, #tpu.memory_space<hbm>>
        tpu.enqueue_dma source(%arg20 : memref<40x128xf32, #tpu.memory_space<vmem>>) target(%dma_start3A_245 : memref<40x128xf32, #tpu.memory_space<hbm>>) target_semaphore(%arg40 : memref<!tpu.dma_semaphore, #tpu.memory_space<semaphore_mem>>)
      } else {
      }
      %ge3A_221 = arith.constant 2 : i32
      %ge3A_222 = arith.cmpi sge, %add3A_202, %ge3A_221 : i32
      %convert_element_type3A_223 = arith.extui %ge3A_222 : i1 to i32
      %cond3A_224 = arith.constant 0 : i32
      %cond3A_225 = arith.cmpi ne, %convert_element_type3A_223, %cond3A_224 : i32
      scf.if %cond3A_225 {
        %sub3A = arith.constant 2 : i32
        %sub3A_233 = arith.subi %add3A_202, %sub3A : i32
        %mul3A_234 = arith.constant 2000 : i32
        %mul3A_235 = arith.muli %add3A, %mul3A_234 : i32
        %mul3A_236 = arith.constant 40 : i32
        %mul3A_237 = arith.muli %sub3A_233, %mul3A_236 : i32
        %add3A_238 = arith.addi %mul3A_235, %mul3A_237 : i32
        %dma_wait3A_239 = arith.constant 0 : i32
        %dma_wait3A_240 = tpu.memref_slice %arg6[%add3A_238, %dma_wait3A_239] : memref<64000x128xf32, #tpu.memory_space<hbm>> -> memref<40x128xf32, #tpu.memory_space<hbm>>
        %dma_wait3A_241 = arith.constant 0 : i32
        %dma_wait3A_242 = tpu.memref_slice %arg6[%add3A_238, %dma_wait3A_241] : memref<64000x128xf32, #tpu.memory_space<hbm>> -> memref<40x128xf32, #tpu.memory_space<hbm>>
        tpu.wait_dma2 semaphore(%arg39 : memref<!tpu.dma_semaphore, #tpu.memory_space<semaphore_mem>>) src(%arg19 : memref<40x128xf32, #tpu.memory_space<vmem>>) dst(%dma_wait3A_242 : memref<40x128xf32, #tpu.memory_space<hbm>>)
      } else {
      }
      %add3A_226 = arith.constant 3 : i32
      %add3A_227 = arith.addi %add3A_202, %add3A_226 : i32
      %le3A_228 = arith.constant 49 : i32
      %le3A_229 = arith.cmpi sle, %add3A_227, %le3A_228 : i32
      %convert_element_type3A_230 = arith.extui %le3A_229 : i1 to i32
      %cond3A_231 = arith.constant 0 : i32
      %cond3A_232 = arith.cmpi ne, %convert_element_type3A_230, %cond3A_231 : i32
      scf.if %cond3A_232 {
        %add3A_233 = arith.constant 3 : i32
        %add3A_234 = arith.addi %add3A_202, %add3A_233 : i32
        %mul3A_235 = arith.constant 2000 : i32
        %mul3A_236 = arith.muli %add3A, %mul3A_235 : i32
        %mul3A_237 = arith.constant 40 : i32
        %mul3A_238 = arith.muli %add3A_234, %mul3A_237 : i32
        %add3A_239 = arith.addi %mul3A_236, %mul3A_238 : i32
        %dma_start3A_240 = tpu.memref_slice %arg4[%add3A_239] : memref<64000xi32, #tpu.memory_space<hbm>> -> memref<40xi32, #tpu.memory_space<hbm>>
        %dma_start3A_241 = tpu.memref_slice %arg4[%add3A_239] : memref<64000xi32, #tpu.memory_space<hbm>> -> memref<40xi32, #tpu.memory_space<hbm>>
        tpu.enqueue_dma source(%dma_start3A_241 : memref<40xi32, #tpu.memory_space<hbm>>) target(%arg9 : memref<40xi32, #tpu.memory_space<vmem>>) target_semaphore(%arg24 : memref<!tpu.dma_semaphore, #tpu.memory_space<semaphore_mem>>)
        %dma_start3A_242 = tpu.memref_slice %arg5[%add3A_239] : memref<64000xi32, #tpu.memory_space<hbm>> -> memref<40xi32, #tpu.memory_space<hbm>>
        %dma_start3A_243 = tpu.memref_slice %arg5[%add3A_239] : memref<64000xi32, #tpu.memory_space<hbm>> -> memref<40xi32, #tpu.memory_space<hbm>>
        tpu.enqueue_dma source(%dma_start3A_243 : memref<40xi32, #tpu.memory_space<hbm>>) target(%arg14 : memref<40xi32, #tpu.memory_space<vmem>>) target_semaphore(%arg24 : memref<!tpu.dma_semaphore, #tpu.memory_space<semaphore_mem>>)
      } else {
      }
    }
    %scan3A_38 = arith.constant 10 : i32
    %dma_wait3A_39 = arith.constant 0 : i32
    %dma_wait3A_40 = arith.constant 0 : i32
    %dma_wait3A_41 = tpu.memref_slice %arg3[%dma_wait3A_39, %dma_wait3A_40] : memref<10000x128xf32, #tpu.memory_space<hbm>> -> memref<10000x128xf32, #tpu.memory_space<hbm>>
    tpu.wait_indirect_dma semaphore(%arg36 : memref<!tpu.dma_semaphore, #tpu.memory_space<semaphore_mem>>) src(%dma_wait3A_41 : memref<10000x128xf32, #tpu.memory_space<hbm>>) dst(%arg21 : memref<40x128xf32, #tpu.memory_space<vmem>>)
    %mul3A_42 = arith.constant 2000 : i32
    %mul3A_43 = arith.muli %add3A, %mul3A_42 : i32
    %add3A_44 = arith.constant 1960 : i32
    %add3A_45 = arith.addi %mul3A_43, %add3A_44 : i32
    %dma_start3A_46 = arith.constant 0 : i32
    %dma_start3A_47 = tpu.memref_slice %arg6[%add3A_45, %dma_start3A_46] : memref<64000x128xf32, #tpu.memory_space<hbm>> -> memref<40x128xf32, #tpu.memory_space<hbm>>
    %dma_start3A_48 = arith.constant 0 : i32
    %dma_start3A_49 = tpu.memref_slice %arg6[%add3A_45, %dma_start3A_48] : memref<64000x128xf32, #tpu.memory_space<hbm>> -> memref<40x128xf32, #tpu.memory_space<hbm>>
    tpu.enqueue_dma source(%arg21 : memref<40x128xf32, #tpu.memory_space<vmem>>) target(%dma_start3A_49 : memref<40x128xf32, #tpu.memory_space<hbm>>) target_semaphore(%arg41 : memref<!tpu.dma_semaphore, #tpu.memory_space<semaphore_mem>>)
    %mul3A_50 = arith.constant 2000 : i32
    %mul3A_51 = arith.muli %add3A, %mul3A_50 : i32
    %add3A_52 = arith.constant 1920 : i32
    %add3A_53 = arith.addi %mul3A_51, %add3A_52 : i32
    %dma_wait3A_54 = arith.constant 0 : i32
    %dma_wait3A_55 = tpu.memref_slice %arg6[%add3A_53, %dma_wait3A_54] : memref<64000x128xf32, #tpu.memory_space<hbm>> -> memref<40x128xf32, #tpu.memory_space<hbm>>
    %dma_wait3A_56 = arith.constant 0 : i32
    %dma_wait3A_57 = tpu.memref_slice %arg6[%add3A_53, %dma_wait3A_56] : memref<64000x128xf32, #tpu.memory_space<hbm>> -> memref<40x128xf32, #tpu.memory_space<hbm>>
    tpu.wait_dma2 semaphore(%arg40 : memref<!tpu.dma_semaphore, #tpu.memory_space<semaphore_mem>>) src(%arg20 : memref<40x128xf32, #tpu.memory_space<vmem>>) dst(%dma_wait3A_57 : memref<40x128xf32, #tpu.memory_space<hbm>>)
    %mul3A_58 = arith.constant 2000 : i32
    %mul3A_59 = arith.muli %add3A, %mul3A_58 : i32
    %add3A_60 = arith.constant 1960 : i32
    %add3A_61 = arith.addi %mul3A_59, %add3A_60 : i32
    %dma_wait3A_62 = arith.constant 0 : i32
    %dma_wait3A_63 = tpu.memref_slice %arg6[%add3A_61, %dma_wait3A_62] : memref<64000x128xf32, #tpu.memory_space<hbm>> -> memref<40x128xf32, #tpu.memory_space<hbm>>
    %dma_wait3A_64 = arith.constant 0 : i32
    %dma_wait3A_65 = tpu.memref_slice %arg6[%add3A_61, %dma_wait3A_64] : memref<64000x128xf32, #tpu.memory_space<hbm>> -> memref<40x128xf32, #tpu.memory_space<hbm>>
    tpu.wait_dma2 semaphore(%arg41 : memref<!tpu.dma_semaphore, #tpu.memory_space<semaphore_mem>>) src(%arg21 : memref<40x128xf32, #tpu.memory_space<vmem>>) dst(%dma_wait3A_65 : memref<40x128xf32, #tpu.memory_space<hbm>>)
    return
  }
}

#map = affine_map<(d0, d1) -> (0, 0)>
#map1 = affine_map<(d0, d1) -> (0)>
module attributes {stable_mosaic.version = 14 : i64} {
  func.func @gather_k(%arg0: i32, %arg1: i32, %arg2: memref<10000x128xf32, #tpu.memory_space<hbm>>, %arg3: memref<10000x128xf32, #tpu.memory_space<hbm>>, %arg4: memref<64000xi32, #tpu.memory_space<hbm>>, %arg5: memref<64000xi32, #tpu.memory_space<hbm>>, %arg6: memref<64000x128xf32, #tpu.memory_space<hbm>>, %arg7: memref<40xi32, #tpu.memory_space<vmem>>, %arg8: memref<40xi32, #tpu.memory_space<vmem>>, %arg9: memref<40xi32, #tpu.memory_space<vmem>>, %arg10: memref<40xi32, #tpu.memory_space<vmem>>, %arg11: memref<40xi32, #tpu.memory_space<vmem>>, %arg12: memref<40xi32, #tpu.memory_space<vmem>>, %arg13: memref<40xi32, #tpu.memory_space<vmem>>, %arg14: memref<40xi32, #tpu.memory_space<vmem>>, %arg15: memref<40xi32, #tpu.memory_space<vmem>>, %arg16: memref<40xi32, #tpu.memory_space<vmem>>, %arg17: memref<40x128xf32, #tpu.memory_space<vmem>>, %arg18: memref<40x128xf32, #tpu.memory_space<vmem>>, %arg19: memref<40x128xf32, #tpu.memory_space<vmem>>, %arg20: memref<40x128xf32, #tpu.memory_space<vmem>>, %arg21: memref<40x128xf32, #tpu.memory_space<vmem>>, %arg22: memref<!tpu.dma_semaphore, #tpu.memory_space<semaphore_mem>>, %arg23: memref<!tpu.dma_semaphore, #tpu.memory_space<semaphore_mem>>, %arg24: memref<!tpu.dma_semaphore, #tpu.memory_space<semaphore_mem>>, %arg25: memref<!tpu.dma_semaphore, #tpu.memory_space<semaphore_mem>>, %arg26: memref<!tpu.dma_semaphore, #tpu.memory_space<semaphore_mem>>, %arg27: memref<!tpu.dma_semaphore, #tpu.memory_space<semaphore_mem>>, %arg28: memref<!tpu.dma_semaphore, #tpu.memory_space<semaphore_mem>>, %arg29: memref<!tpu.dma_semaphore, #tpu.memory_space<semaphore_mem>>, %arg30: memref<!tpu.dma_semaphore, #tpu.memory_space<semaphore_mem>>, %arg31: memref<!tpu.dma_semaphore, #tpu.memory_space<semaphore_mem>>, %arg32: memref<!tpu.dma_semaphore, #tpu.memory_space<semaphore_mem>>, %arg33: memref<!tpu.dma_semaphore, #tpu.memory_space<semaphore_mem>>, %arg34: memref<!tpu.dma_semaphore, #tpu.memory_space<semaphore_mem>>, %arg35: memref<!tpu.dma_semaphore, #tpu.memory_space<semaphore_mem>>, %arg36: memref<!tpu.dma_semaphore, #tpu.memory_space<semaphore_mem>>, %arg37: memref<!tpu.dma_semaphore, #tpu.memory_space<semaphore_mem>>, %arg38: memref<!tpu.dma_semaphore, #tpu.memory_space<semaphore_mem>>, %arg39: memref<!tpu.dma_semaphore, #tpu.memory_space<semaphore_mem>>, %arg40: memref<!tpu.dma_semaphore, #tpu.memory_space<semaphore_mem>>, %arg41: memref<!tpu.dma_semaphore, #tpu.memory_space<semaphore_mem>>) attributes {dimension_semantics = [#tpu.dimension_semantics<core_parallel>, #tpu.dimension_semantics<subcore_parallel>], iteration_bounds = array<i64: 2, 16>, scalar_prefetch = 0 : i64, scratch_operands = 35 : i64, tpu.core_type = #tpu.core_type<sc_vector_subcore>, window_params = [{transform_indices = #map}, {transform_indices = #map}, {transform_indices = #map1}, {transform_indices = #map1}, {transform_indices = #map}]} {
    %mul3A = arith.constant 2 : i32
    %mul3A_0 = arith.muli %arg1, %mul3A : i32
    %add3A = arith.addi %mul3A_0, %arg0 : i32
    %mul3A_1 = arith.constant 2000 : i32
    %mul3A_2 = arith.muli %add3A, %mul3A_1 : i32
    %add3A_3 = arith.constant 0 : i32
    %add3A_4 = arith.addi %mul3A_2, %add3A_3 : i32
    %dma_start3A = tpu.memref_slice %arg4[%add3A_4] : memref<64000xi32, #tpu.memory_space<hbm>> -> memref<40xi32, #tpu.memory_space<hbm>>
    %dma_start3A_5 = tpu.memref_slice %arg4[%add3A_4] : memref<64000xi32, #tpu.memory_space<hbm>> -> memref<40xi32, #tpu.memory_space<hbm>>
    tpu.enqueue_dma source(%dma_start3A_5 : memref<40xi32, #tpu.memory_space<hbm>>) target(%arg7 : memref<40xi32, #tpu.memory_space<vmem>>) target_semaphore(%arg22 : memref<!tpu.dma_semaphore, #tpu.memory_space<semaphore_mem>>)
    %dma_start3A_6 = tpu.memref_slice %arg5[%add3A_4] : memref<64000xi32, #tpu.memory_space<hbm>> -> memref<40xi32, #tpu.memory_space<hbm>>
    %dma_start3A_7 = tpu.memref_slice %arg5[%add3A_4] : memref<64000xi32, #tpu.memory_space<hbm>> -> memref<40xi32, #tpu.memory_space<hbm>>
    tpu.enqueue_dma source(%dma_start3A_7 : memref<40xi32, #tpu.memory_space<hbm>>) target(%arg12 : memref<40xi32, #tpu.memory_space<vmem>>) target_semaphore(%arg22 : memref<!tpu.dma_semaphore, #tpu.memory_space<semaphore_mem>>)
    %mul3A_8 = arith.constant 2000 : i32
    %mul3A_9 = arith.muli %add3A, %mul3A_8 : i32
    %add3A_10 = arith.constant 0 : i32
    %add3A_11 = arith.addi %mul3A_9, %add3A_10 : i32
    %dma_wait3A = tpu.memref_slice %arg4[%add3A_11] : memref<64000xi32, #tpu.memory_space<hbm>> -> memref<40xi32, #tpu.memory_space<hbm>>
    %dma_wait3A_12 = tpu.memref_slice %arg4[%add3A_11] : memref<64000xi32, #tpu.memory_space<hbm>> -> memref<40xi32, #tpu.memory_space<hbm>>
    tpu.wait_dma2 semaphore(%arg22 : memref<!tpu.dma_semaphore, #tpu.memory_space<semaphore_mem>>) src(%dma_wait3A_12 : memref<40xi32, #tpu.memory_space<hbm>>) dst(%arg7 : memref<40xi32, #tpu.memory_space<vmem>>)
    %dma_wait3A_13 = tpu.memref_slice %arg5[%add3A_11] : memref<64000xi32, #tpu.memory_space<hbm>> -> memref<40xi32, #tpu.memory_space<hbm>>
    %dma_wait3A_14 = tpu.memref_slice %arg5[%add3A_11] : memref<64000xi32, #tpu.memory_space<hbm>> -> memref<40xi32, #tpu.memory_space<hbm>>
    tpu.wait_dma2 semaphore(%arg22 : memref<!tpu.dma_semaphore, #tpu.memory_space<semaphore_mem>>) src(%dma_wait3A_14 : memref<40xi32, #tpu.memory_space<hbm>>) dst(%arg12 : memref<40xi32, #tpu.memory_space<vmem>>)
    %dma_start3A_15 = arith.constant 0 : i32
    %dma_start3A_16 = arith.constant 0 : i32
    %dma_start3A_17 = tpu.memref_slice %arg2[%dma_start3A_15, %dma_start3A_16] : memref<10000x128xf32, #tpu.memory_space<hbm>> -> memref<10000x128xf32, #tpu.memory_space<hbm>>
    tpu.enqueue_indirect_dma source(%dma_start3A_17 : memref<10000x128xf32, #tpu.memory_space<hbm>>) target(%arg17 : memref<40x128xf32, #tpu.memory_space<vmem>>) offsets(%arg7 : memref<40xi32, #tpu.memory_space<vmem>>) semaphore(%arg27 : memref<!tpu.dma_semaphore, #tpu.memory_space<semaphore_mem>>)
    %mul3A_18 = arith.constant 2000 : i32
    %mul3A_19 = arith.muli %add3A, %mul3A_18 : i32
    %add3A_20 = arith.constant 40 : i32
    %add3A_21 = arith.addi %mul3A_19, %add3A_20 : i32
    %dma_start3A_22 = tpu.memref_slice %arg4[%add3A_21] : memref<64000xi32, #tpu.memory_space<hbm>> -> memref<40xi32, #tpu.memory_space<hbm>>
    %dma_start3A_23 = tpu.memref_slice %arg4[%add3A_21] : memref<64000xi32, #tpu.memory_space<hbm>> -> memref<40xi32, #tpu.memory_space<hbm>>
    tpu.enqueue_dma source(%dma_start3A_23 : memref<40xi32, #tpu.memory_space<hbm>>) target(%arg8 : memref<40xi32, #tpu.memory_space<vmem>>) target_semaphore(%arg23 : memref<!tpu.dma_semaphore, #tpu.memory_space<semaphore_mem>>)
    %dma_start3A_24 = tpu.memref_slice %arg5[%add3A_21] : memref<64000xi32, #tpu.memory_space<hbm>> -> memref<40xi32, #tpu.memory_space<hbm>>
    %dma_start3A_25 = tpu.memref_slice %arg5[%add3A_21] : memref<64000xi32, #tpu.memory_space<hbm>> -> memref<40xi32, #tpu.memory_space<hbm>>
    tpu.enqueue_dma source(%dma_start3A_25 : memref<40xi32, #tpu.memory_space<hbm>>) target(%arg13 : memref<40xi32, #tpu.memory_space<vmem>>) target_semaphore(%arg23 : memref<!tpu.dma_semaphore, #tpu.memory_space<semaphore_mem>>)
    %mul3A_26 = arith.constant 2000 : i32
    %mul3A_27 = arith.muli %add3A, %mul3A_26 : i32
    %add3A_28 = arith.constant 80 : i32
    %add3A_29 = arith.addi %mul3A_27, %add3A_28 : i32
    %dma_start3A_30 = tpu.memref_slice %arg4[%add3A_29] : memref<64000xi32, #tpu.memory_space<hbm>> -> memref<40xi32, #tpu.memory_space<hbm>>
    %dma_start3A_31 = tpu.memref_slice %arg4[%add3A_29] : memref<64000xi32, #tpu.memory_space<hbm>> -> memref<40xi32, #tpu.memory_space<hbm>>
    tpu.enqueue_dma source(%dma_start3A_31 : memref<40xi32, #tpu.memory_space<hbm>>) target(%arg9 : memref<40xi32, #tpu.memory_space<vmem>>) target_semaphore(%arg24 : memref<!tpu.dma_semaphore, #tpu.memory_space<semaphore_mem>>)
    %dma_start3A_32 = tpu.memref_slice %arg5[%add3A_29] : memref<64000xi32, #tpu.memory_space<hbm>> -> memref<40xi32, #tpu.memory_space<hbm>>
    %dma_start3A_33 = tpu.memref_slice %arg5[%add3A_29] : memref<64000xi32, #tpu.memory_space<hbm>> -> memref<40xi32, #tpu.memory_space<hbm>>
    tpu.enqueue_dma source(%dma_start3A_33 : memref<40xi32, #tpu.memory_space<hbm>>) target(%arg14 : memref<40xi32, #tpu.memory_space<vmem>>) target_semaphore(%arg24 : memref<!tpu.dma_semaphore, #tpu.memory_space<semaphore_mem>>)
    %scan3A = arith.constant 0 : i32
    %scan3A_34 = arith.constant 0 : i32
    %scan3A_35 = arith.constant 10 : i32
    %scan3A_36 = arith.addi %scan3A_34, %scan3A_35 : i32
    %scan3A_37 = arith.constant 1 : i32
    scf.for %scan3A_66 = %scan3A_34 to %scan3A_36 step %scan3A_37  : i32 {
      %mul3A_67 = arith.constant 5 : i32
      %mul3A_68 = arith.muli %mul3A_67, %scan3A_66 : i32
      %add3A_69 = arith.constant 0 : i32
      %add3A_70 = arith.addi %mul3A_68, %add3A_69 : i32
      %add3A_71 = arith.constant 1 : i32
      %add3A_72 = arith.addi %add3A_70, %add3A_71 : i32
      %le3A = arith.constant 49 : i32
      %le3A_73 = arith.cmpi sle, %add3A_72, %le3A : i32
      %convert_element_type3A = arith.extui %le3A_73 : i1 to i32
      %cond3A = arith.constant 0 : i32
      %cond3A_74 = arith.cmpi ne, %convert_element_type3A, %cond3A : i32
      scf.if %cond3A_74 {
        %add3A_233 = arith.constant 1 : i32
        %add3A_234 = arith.addi %add3A_70, %add3A_233 : i32
        %mul3A_235 = arith.constant 2000 : i32
        %mul3A_236 = arith.muli %add3A, %mul3A_235 : i32
        %mul3A_237 = arith.constant 40 : i32
        %mul3A_238 = arith.muli %add3A_234, %mul3A_237 : i32
        %add3A_239 = arith.addi %mul3A_236, %mul3A_238 : i32
        %dma_wait3A_240 = tpu.memref_slice %arg4[%add3A_239] : memref<64000xi32, #tpu.memory_space<hbm>> -> memref<40xi32, #tpu.memory_space<hbm>>
        %dma_wait3A_241 = tpu.memref_slice %arg4[%add3A_239] : memref<64000xi32, #tpu.memory_space<hbm>> -> memref<40xi32, #tpu.memory_space<hbm>>
        tpu.wait_dma2 semaphore(%arg23 : memref<!tpu.dma_semaphore, #tpu.memory_space<semaphore_mem>>) src(%dma_wait3A_241 : memref<40xi32, #tpu.memory_space<hbm>>) dst(%arg8 : memref<40xi32, #tpu.memory_space<vmem>>)
        %dma_wait3A_242 = tpu.memref_slice %arg5[%add3A_239] : memref<64000xi32, #tpu.memory_space<hbm>> -> memref<40xi32, #tpu.memory_space<hbm>>
        %dma_wait3A_243 = tpu.memref_slice %arg5[%add3A_239] : memref<64000xi32, #tpu.memory_space<hbm>> -> memref<40xi32, #tpu.memory_space<hbm>>
        tpu.wait_dma2 semaphore(%arg23 : memref<!tpu.dma_semaphore, #tpu.memory_space<semaphore_mem>>) src(%dma_wait3A_243 : memref<40xi32, #tpu.memory_space<hbm>>) dst(%arg13 : memref<40xi32, #tpu.memory_space<vmem>>)
        %dma_start3A_244 = arith.constant 0 : i32
        %dma_start3A_245 = arith.constant 0 : i32
        %dma_start3A_246 = tpu.memref_slice %arg2[%dma_start3A_244, %dma_start3A_245] : memref<10000x128xf32, #tpu.memory_space<hbm>> -> memref<10000x128xf32, #tpu.memory_space<hbm>>
        tpu.enqueue_indirect_dma source(%dma_start3A_246 : memref<10000x128xf32, #tpu.memory_space<hbm>>) target(%arg18 : memref<40x128xf32, #tpu.memory_space<vmem>>) offsets(%arg8 : memref<40xi32, #tpu.memory_space<vmem>>) semaphore(%arg28 : memref<!tpu.dma_semaphore, #tpu.memory_space<semaphore_mem>>)
      } else {
      }
      %dma_wait3A_75 = arith.constant 0 : i32
      %dma_wait3A_76 = arith.constant 0 : i32
      %dma_wait3A_77 = tpu.memref_slice %arg2[%dma_wait3A_75, %dma_wait3A_76] : memref<10000x128xf32, #tpu.memory_space<hbm>> -> memref<10000x128xf32, #tpu.memory_space<hbm>>
      tpu.wait_indirect_dma semaphore(%arg27 : memref<!tpu.dma_semaphore, #tpu.memory_space<semaphore_mem>>) src(%dma_wait3A_77 : memref<10000x128xf32, #tpu.memory_space<hbm>>) dst(%arg17 : memref<40x128xf32, #tpu.memory_space<vmem>>)
      %dma_start3A_78 = arith.constant 0 : i32
      %dma_start3A_79 = arith.constant 0 : i32
      %dma_start3A_80 = tpu.memref_slice %arg3[%dma_start3A_78, %dma_start3A_79] : memref<10000x128xf32, #tpu.memory_space<hbm>> -> memref<10000x128xf32, #tpu.memory_space<hbm>>
      tpu.enqueue_indirect_dma source(%dma_start3A_80 : memref<10000x128xf32, #tpu.memory_space<hbm>>) target(%arg17 : memref<40x128xf32, #tpu.memory_space<vmem>>) offsets(%arg12 : memref<40xi32, #tpu.memory_space<vmem>>) semaphore(%arg32 : memref<!tpu.dma_semaphore, #tpu.memory_space<semaphore_mem>>) {add = true}
      %ge3A = arith.constant 1 : i32
      %ge3A_81 = arith.cmpi sge, %add3A_70, %ge3A : i32
      %convert_element_type3A_82 = arith.extui %ge3A_81 : i1 to i32
      %cond3A_83 = arith.constant 0 : i32
      %cond3A_84 = arith.cmpi ne, %convert_element_type3A_82, %cond3A_83 : i32
      scf.if %cond3A_84 {
        %dma_wait3A_233 = arith.constant 0 : i32
        %dma_wait3A_234 = arith.constant 0 : i32
        %dma_wait3A_235 = tpu.memref_slice %arg3[%dma_wait3A_233, %dma_wait3A_234] : memref<10000x128xf32, #tpu.memory_space<hbm>> -> memref<10000x128xf32, #tpu.memory_space<hbm>>
        tpu.wait_indirect_dma semaphore(%arg36 : memref<!tpu.dma_semaphore, #tpu.memory_space<semaphore_mem>>) src(%dma_wait3A_235 : memref<10000x128xf32, #tpu.memory_space<hbm>>) dst(%arg21 : memref<40x128xf32, #tpu.memory_space<vmem>>)
        %sub3A = arith.constant 1 : i32
        %sub3A_236 = arith.subi %add3A_70, %sub3A : i32
        %mul3A_237 = arith.constant 2000 : i32
        %mul3A_238 = arith.muli %add3A, %mul3A_237 : i32
        %mul3A_239 = arith.constant 40 : i32
        %mul3A_240 = arith.muli %sub3A_236, %mul3A_239 : i32
        %add3A_241 = arith.addi %mul3A_238, %mul3A_240 : i32
        %dma_start3A_242 = arith.constant 0 : i32
        %dma_start3A_243 = tpu.memref_slice %arg6[%add3A_241, %dma_start3A_242] : memref<64000x128xf32, #tpu.memory_space<hbm>> -> memref<40x128xf32, #tpu.memory_space<hbm>>
        %dma_start3A_244 = arith.constant 0 : i32
        %dma_start3A_245 = tpu.memref_slice %arg6[%add3A_241, %dma_start3A_244] : memref<64000x128xf32, #tpu.memory_space<hbm>> -> memref<40x128xf32, #tpu.memory_space<hbm>>
        tpu.enqueue_dma source(%arg21 : memref<40x128xf32, #tpu.memory_space<vmem>>) target(%dma_start3A_245 : memref<40x128xf32, #tpu.memory_space<hbm>>) target_semaphore(%arg41 : memref<!tpu.dma_semaphore, #tpu.memory_space<semaphore_mem>>)
      } else {
      }
      %ge3A_85 = arith.constant 2 : i32
      %ge3A_86 = arith.cmpi sge, %add3A_70, %ge3A_85 : i32
      %convert_element_type3A_87 = arith.extui %ge3A_86 : i1 to i32
      %cond3A_88 = arith.constant 0 : i32
      %cond3A_89 = arith.cmpi ne, %convert_element_type3A_87, %cond3A_88 : i32
      scf.if %cond3A_89 {
        %sub3A = arith.constant 2 : i32
        %sub3A_233 = arith.subi %add3A_70, %sub3A : i32
        %mul3A_234 = arith.constant 2000 : i32
        %mul3A_235 = arith.muli %add3A, %mul3A_234 : i32
        %mul3A_236 = arith.constant 40 : i32
        %mul3A_237 = arith.muli %sub3A_233, %mul3A_236 : i32
        %add3A_238 = arith.addi %mul3A_235, %mul3A_237 : i32
        %dma_wait3A_239 = arith.constant 0 : i32
        %dma_wait3A_240 = tpu.memref_slice %arg6[%add3A_238, %dma_wait3A_239] : memref<64000x128xf32, #tpu.memory_space<hbm>> -> memref<40x128xf32, #tpu.memory_space<hbm>>
        %dma_wait3A_241 = arith.constant 0 : i32
        %dma_wait3A_242 = tpu.memref_slice %arg6[%add3A_238, %dma_wait3A_241] : memref<64000x128xf32, #tpu.memory_space<hbm>> -> memref<40x128xf32, #tpu.memory_space<hbm>>
        tpu.wait_dma2 semaphore(%arg40 : memref<!tpu.dma_semaphore, #tpu.memory_space<semaphore_mem>>) src(%arg20 : memref<40x128xf32, #tpu.memory_space<vmem>>) dst(%dma_wait3A_242 : memref<40x128xf32, #tpu.memory_space<hbm>>)
      } else {
      }
      %add3A_90 = arith.constant 3 : i32
      %add3A_91 = arith.addi %add3A_70, %add3A_90 : i32
      %le3A_92 = arith.constant 49 : i32
      %le3A_93 = arith.cmpi sle, %add3A_91, %le3A_92 : i32
      %convert_element_type3A_94 = arith.extui %le3A_93 : i1 to i32
      %cond3A_95 = arith.constant 0 : i32
      %cond3A_96 = arith.cmpi ne, %convert_element_type3A_94, %cond3A_95 : i32
      scf.if %cond3A_96 {
        %add3A_233 = arith.constant 3 : i32
        %add3A_234 = arith.addi %add3A_70, %add3A_233 : i32
        %mul3A_235 = arith.constant 2000 : i32
        %mul3A_236 = arith.muli %add3A, %mul3A_235 : i32
        %mul3A_237 = arith.constant 40 : i32
        %mul3A_238 = arith.muli %add3A_234, %mul3A_237 : i32
        %add3A_239 = arith.addi %mul3A_236, %mul3A_238 : i32
        %dma_start3A_240 = tpu.memref_slice %arg4[%add3A_239] : memref<64000xi32, #tpu.memory_space<hbm>> -> memref<40xi32, #tpu.memory_space<hbm>>
        %dma_start3A_241 = tpu.memref_slice %arg4[%add3A_239] : memref<64000xi32, #tpu.memory_space<hbm>> -> memref<40xi32, #tpu.memory_space<hbm>>
        tpu.enqueue_dma source(%dma_start3A_241 : memref<40xi32, #tpu.memory_space<hbm>>) target(%arg10 : memref<40xi32, #tpu.memory_space<vmem>>) target_semaphore(%arg25 : memref<!tpu.dma_semaphore, #tpu.memory_space<semaphore_mem>>)
        %dma_start3A_242 = tpu.memref_slice %arg5[%add3A_239] : memref<64000xi32, #tpu.memory_space<hbm>> -> memref<40xi32, #tpu.memory_space<hbm>>
        %dma_start3A_243 = tpu.memref_slice %arg5[%add3A_239] : memref<64000xi32, #tpu.memory_space<hbm>> -> memref<40xi32, #tpu.memory_space<hbm>>
        tpu.enqueue_dma source(%dma_start3A_243 : memref<40xi32, #tpu.memory_space<hbm>>) target(%arg15 : memref<40xi32, #tpu.memory_space<vmem>>) target_semaphore(%arg25 : memref<!tpu.dma_semaphore, #tpu.memory_space<semaphore_mem>>)
      } else {
      }
      %mul3A_97 = arith.constant 5 : i32
      %mul3A_98 = arith.muli %mul3A_97, %scan3A_66 : i32
      %add3A_99 = arith.constant 1 : i32
      %add3A_100 = arith.addi %mul3A_98, %add3A_99 : i32
      %add3A_101 = arith.constant 1 : i32
      %add3A_102 = arith.addi %add3A_100, %add3A_101 : i32
      %le3A_103 = arith.constant 49 : i32
      %le3A_104 = arith.cmpi sle, %add3A_102, %le3A_103 : i32
      %convert_element_type3A_105 = arith.extui %le3A_104 : i1 to i32
      %cond3A_106 = arith.constant 0 : i32
      %cond3A_107 = arith.cmpi ne, %convert_element_type3A_105, %cond3A_106 : i32
      scf.if %cond3A_107 {
        %add3A_233 = arith.constant 1 : i32
        %add3A_234 = arith.addi %add3A_100, %add3A_233 : i32
        %mul3A_235 = arith.constant 2000 : i32
        %mul3A_236 = arith.muli %add3A, %mul3A_235 : i32
        %mul3A_237 = arith.constant 40 : i32
        %mul3A_238 = arith.muli %add3A_234, %mul3A_237 : i32
        %add3A_239 = arith.addi %mul3A_236, %mul3A_238 : i32
        %dma_wait3A_240 = tpu.memref_slice %arg4[%add3A_239] : memref<64000xi32, #tpu.memory_space<hbm>> -> memref<40xi32, #tpu.memory_space<hbm>>
        %dma_wait3A_241 = tpu.memref_slice %arg4[%add3A_239] : memref<64000xi32, #tpu.memory_space<hbm>> -> memref<40xi32, #tpu.memory_space<hbm>>
        tpu.wait_dma2 semaphore(%arg24 : memref<!tpu.dma_semaphore, #tpu.memory_space<semaphore_mem>>) src(%dma_wait3A_241 : memref<40xi32, #tpu.memory_space<hbm>>) dst(%arg9 : memref<40xi32, #tpu.memory_space<vmem>>)
        %dma_wait3A_242 = tpu.memref_slice %arg5[%add3A_239] : memref<64000xi32, #tpu.memory_space<hbm>> -> memref<40xi32, #tpu.memory_space<hbm>>
        %dma_wait3A_243 = tpu.memref_slice %arg5[%add3A_239] : memref<64000xi32, #tpu.memory_space<hbm>> -> memref<40xi32, #tpu.memory_space<hbm>>
        tpu.wait_dma2 semaphore(%arg24 : memref<!tpu.dma_semaphore, #tpu.memory_space<semaphore_mem>>) src(%dma_wait3A_243 : memref<40xi32, #tpu.memory_space<hbm>>) dst(%arg14 : memref<40xi32, #tpu.memory_space<vmem>>)
        %dma_start3A_244 = arith.constant 0 : i32
        %dma_start3A_245 = arith.constant 0 : i32
        %dma_start3A_246 = tpu.memref_slice %arg2[%dma_start3A_244, %dma_start3A_245] : memref<10000x128xf32, #tpu.memory_space<hbm>> -> memref<10000x128xf32, #tpu.memory_space<hbm>>
        tpu.enqueue_indirect_dma source(%dma_start3A_246 : memref<10000x128xf32, #tpu.memory_space<hbm>>) target(%arg19 : memref<40x128xf32, #tpu.memory_space<vmem>>) offsets(%arg9 : memref<40xi32, #tpu.memory_space<vmem>>) semaphore(%arg29 : memref<!tpu.dma_semaphore, #tpu.memory_space<semaphore_mem>>)
      } else {
      }
      %dma_wait3A_108 = arith.constant 0 : i32
      %dma_wait3A_109 = arith.constant 0 : i32
      %dma_wait3A_110 = tpu.memref_slice %arg2[%dma_wait3A_108, %dma_wait3A_109] : memref<10000x128xf32, #tpu.memory_space<hbm>> -> memref<10000x128xf32, #tpu.memory_space<hbm>>
      tpu.wait_indirect_dma semaphore(%arg28 : memref<!tpu.dma_semaphore, #tpu.memory_space<semaphore_mem>>) src(%dma_wait3A_110 : memref<10000x128xf32, #tpu.memory_space<hbm>>) dst(%arg18 : memref<40x128xf32, #tpu.memory_space<vmem>>)
      %dma_start3A_111 = arith.constant 0 : i32
      %dma_start3A_112 = arith.constant 0 : i32
      %dma_start3A_113 = tpu.memref_slice %arg3[%dma_start3A_111, %dma_start3A_112] : memref<10000x128xf32, #tpu.memory_space<hbm>> -> memref<10000x128xf32, #tpu.memory_space<hbm>>
      tpu.enqueue_indirect_dma source(%dma_start3A_113 : memref<10000x128xf32, #tpu.memory_space<hbm>>) target(%arg18 : memref<40x128xf32, #tpu.memory_space<vmem>>) offsets(%arg13 : memref<40xi32, #tpu.memory_space<vmem>>) semaphore(%arg33 : memref<!tpu.dma_semaphore, #tpu.memory_space<semaphore_mem>>) {add = true}
      %ge3A_114 = arith.constant 1 : i32
      %ge3A_115 = arith.cmpi sge, %add3A_100, %ge3A_114 : i32
      %convert_element_type3A_116 = arith.extui %ge3A_115 : i1 to i32
      %cond3A_117 = arith.constant 0 : i32
      %cond3A_118 = arith.cmpi ne, %convert_element_type3A_116, %cond3A_117 : i32
      scf.if %cond3A_118 {
        %dma_wait3A_233 = arith.constant 0 : i32
        %dma_wait3A_234 = arith.constant 0 : i32
        %dma_wait3A_235 = tpu.memref_slice %arg3[%dma_wait3A_233, %dma_wait3A_234] : memref<10000x128xf32, #tpu.memory_space<hbm>> -> memref<10000x128xf32, #tpu.memory_space<hbm>>
        tpu.wait_indirect_dma semaphore(%arg32 : memref<!tpu.dma_semaphore, #tpu.memory_space<semaphore_mem>>) src(%dma_wait3A_235 : memref<10000x128xf32, #tpu.memory_space<hbm>>) dst(%arg17 : memref<40x128xf32, #tpu.memory_space<vmem>>)
        %sub3A = arith.constant 1 : i32
        %sub3A_236 = arith.subi %add3A_100, %sub3A : i32
        %mul3A_237 = arith.constant 2000 : i32
        %mul3A_238 = arith.muli %add3A, %mul3A_237 : i32
        %mul3A_239 = arith.constant 40 : i32
        %mul3A_240 = arith.muli %sub3A_236, %mul3A_239 : i32
        %add3A_241 = arith.addi %mul3A_238, %mul3A_240 : i32
        %dma_start3A_242 = arith.constant 0 : i32
        %dma_start3A_243 = tpu.memref_slice %arg6[%add3A_241, %dma_start3A_242] : memref<64000x128xf32, #tpu.memory_space<hbm>> -> memref<40x128xf32, #tpu.memory_space<hbm>>
        %dma_start3A_244 = arith.constant 0 : i32
        %dma_start3A_245 = tpu.memref_slice %arg6[%add3A_241, %dma_start3A_244] : memref<64000x128xf32, #tpu.memory_space<hbm>> -> memref<40x128xf32, #tpu.memory_space<hbm>>
        tpu.enqueue_dma source(%arg17 : memref<40x128xf32, #tpu.memory_space<vmem>>) target(%dma_start3A_245 : memref<40x128xf32, #tpu.memory_space<hbm>>) target_semaphore(%arg37 : memref<!tpu.dma_semaphore, #tpu.memory_space<semaphore_mem>>)
      } else {
      }
      %ge3A_119 = arith.constant 2 : i32
      %ge3A_120 = arith.cmpi sge, %add3A_100, %ge3A_119 : i32
      %convert_element_type3A_121 = arith.extui %ge3A_120 : i1 to i32
      %cond3A_122 = arith.constant 0 : i32
      %cond3A_123 = arith.cmpi ne, %convert_element_type3A_121, %cond3A_122 : i32
      scf.if %cond3A_123 {
        %sub3A = arith.constant 2 : i32
        %sub3A_233 = arith.subi %add3A_100, %sub3A : i32
        %mul3A_234 = arith.constant 2000 : i32
        %mul3A_235 = arith.muli %add3A, %mul3A_234 : i32
        %mul3A_236 = arith.constant 40 : i32
        %mul3A_237 = arith.muli %sub3A_233, %mul3A_236 : i32
        %add3A_238 = arith.addi %mul3A_235, %mul3A_237 : i32
        %dma_wait3A_239 = arith.constant 0 : i32
        %dma_wait3A_240 = tpu.memref_slice %arg6[%add3A_238, %dma_wait3A_239] : memref<64000x128xf32, #tpu.memory_space<hbm>> -> memref<40x128xf32, #tpu.memory_space<hbm>>
        %dma_wait3A_241 = arith.constant 0 : i32
        %dma_wait3A_242 = tpu.memref_slice %arg6[%add3A_238, %dma_wait3A_241] : memref<64000x128xf32, #tpu.memory_space<hbm>> -> memref<40x128xf32, #tpu.memory_space<hbm>>
        tpu.wait_dma2 semaphore(%arg41 : memref<!tpu.dma_semaphore, #tpu.memory_space<semaphore_mem>>) src(%arg21 : memref<40x128xf32, #tpu.memory_space<vmem>>) dst(%dma_wait3A_242 : memref<40x128xf32, #tpu.memory_space<hbm>>)
      } else {
      }
      %add3A_124 = arith.constant 3 : i32
      %add3A_125 = arith.addi %add3A_100, %add3A_124 : i32
      %le3A_126 = arith.constant 49 : i32
      %le3A_127 = arith.cmpi sle, %add3A_125, %le3A_126 : i32
      %convert_element_type3A_128 = arith.extui %le3A_127 : i1 to i32
      %cond3A_129 = arith.constant 0 : i32
      %cond3A_130 = arith.cmpi ne, %convert_element_type3A_128, %cond3A_129 : i32
      scf.if %cond3A_130 {
        %add3A_233 = arith.constant 3 : i32
        %add3A_234 = arith.addi %add3A_100, %add3A_233 : i32
        %mul3A_235 = arith.constant 2000 : i32
        %mul3A_236 = arith.muli %add3A, %mul3A_235 : i32
        %mul3A_237 = arith.constant 40 : i32
        %mul3A_238 = arith.muli %add3A_234, %mul3A_237 : i32
        %add3A_239 = arith.addi %mul3A_236, %mul3A_238 : i32
        %dma_start3A_240 = tpu.memref_slice %arg4[%add3A_239] : memref<64000xi32, #tpu.memory_space<hbm>> -> memref<40xi32, #tpu.memory_space<hbm>>
        %dma_start3A_241 = tpu.memref_slice %arg4[%add3A_239] : memref<64000xi32, #tpu.memory_space<hbm>> -> memref<40xi32, #tpu.memory_space<hbm>>
        tpu.enqueue_dma source(%dma_start3A_241 : memref<40xi32, #tpu.memory_space<hbm>>) target(%arg11 : memref<40xi32, #tpu.memory_space<vmem>>) target_semaphore(%arg26 : memref<!tpu.dma_semaphore, #tpu.memory_space<semaphore_mem>>)
        %dma_start3A_242 = tpu.memref_slice %arg5[%add3A_239] : memref<64000xi32, #tpu.memory_space<hbm>> -> memref<40xi32, #tpu.memory_space<hbm>>
        %dma_start3A_243 = tpu.memref_slice %arg5[%add3A_239] : memref<64000xi32, #tpu.memory_space<hbm>> -> memref<40xi32, #tpu.memory_space<hbm>>
        tpu.enqueue_dma source(%dma_start3A_243 : memref<40xi32, #tpu.memory_space<hbm>>) target(%arg16 : memref<40xi32, #tpu.memory_space<vmem>>) target_semaphore(%arg26 : memref<!tpu.dma_semaphore, #tpu.memory_space<semaphore_mem>>)
      } else {
      }
      %mul3A_131 = arith.constant 5 : i32
      %mul3A_132 = arith.muli %mul3A_131, %scan3A_66 : i32
      %add3A_133 = arith.constant 2 : i32
      %add3A_134 = arith.addi %mul3A_132, %add3A_133 : i32
      %add3A_135 = arith.constant 1 : i32
      %add3A_136 = arith.addi %add3A_134, %add3A_135 : i32
      %le3A_137 = arith.constant 49 : i32
      %le3A_138 = arith.cmpi sle, %add3A_136, %le3A_137 : i32
      %convert_element_type3A_139 = arith.extui %le3A_138 : i1 to i32
      %cond3A_140 = arith.constant 0 : i32
      %cond3A_141 = arith.cmpi ne, %convert_element_type3A_139, %cond3A_140 : i32
      scf.if %cond3A_141 {
        %add3A_233 = arith.constant 1 : i32
        %add3A_234 = arith.addi %add3A_134, %add3A_233 : i32
        %mul3A_235 = arith.constant 2000 : i32
        %mul3A_236 = arith.muli %add3A, %mul3A_235 : i32
        %mul3A_237 = arith.constant 40 : i32
        %mul3A_238 = arith.muli %add3A_234, %mul3A_237 : i32
        %add3A_239 = arith.addi %mul3A_236, %mul3A_238 : i32
        %dma_wait3A_240 = tpu.memref_slice %arg4[%add3A_239] : memref<64000xi32, #tpu.memory_space<hbm>> -> memref<40xi32, #tpu.memory_space<hbm>>
        %dma_wait3A_241 = tpu.memref_slice %arg4[%add3A_239] : memref<64000xi32, #tpu.memory_space<hbm>> -> memref<40xi32, #tpu.memory_space<hbm>>
        tpu.wait_dma2 semaphore(%arg25 : memref<!tpu.dma_semaphore, #tpu.memory_space<semaphore_mem>>) src(%dma_wait3A_241 : memref<40xi32, #tpu.memory_space<hbm>>) dst(%arg10 : memref<40xi32, #tpu.memory_space<vmem>>)
        %dma_wait3A_242 = tpu.memref_slice %arg5[%add3A_239] : memref<64000xi32, #tpu.memory_space<hbm>> -> memref<40xi32, #tpu.memory_space<hbm>>
        %dma_wait3A_243 = tpu.memref_slice %arg5[%add3A_239] : memref<64000xi32, #tpu.memory_space<hbm>> -> memref<40xi32, #tpu.memory_space<hbm>>
        tpu.wait_dma2 semaphore(%arg25 : memref<!tpu.dma_semaphore, #tpu.memory_space<semaphore_mem>>) src(%dma_wait3A_243 : memref<40xi32, #tpu.memory_space<hbm>>) dst(%arg15 : memref<40xi32, #tpu.memory_space<vmem>>)
        %dma_start3A_244 = arith.constant 0 : i32
        %dma_start3A_245 = arith.constant 0 : i32
        %dma_start3A_246 = tpu.memref_slice %arg2[%dma_start3A_244, %dma_start3A_245] : memref<10000x128xf32, #tpu.memory_space<hbm>> -> memref<10000x128xf32, #tpu.memory_space<hbm>>
        tpu.enqueue_indirect_dma source(%dma_start3A_246 : memref<10000x128xf32, #tpu.memory_space<hbm>>) target(%arg20 : memref<40x128xf32, #tpu.memory_space<vmem>>) offsets(%arg10 : memref<40xi32, #tpu.memory_space<vmem>>) semaphore(%arg30 : memref<!tpu.dma_semaphore, #tpu.memory_space<semaphore_mem>>)
      } else {
      }
      %dma_wait3A_142 = arith.constant 0 : i32
      %dma_wait3A_143 = arith.constant 0 : i32
      %dma_wait3A_144 = tpu.memref_slice %arg2[%dma_wait3A_142, %dma_wait3A_143] : memref<10000x128xf32, #tpu.memory_space<hbm>> -> memref<10000x128xf32, #tpu.memory_space<hbm>>
      tpu.wait_indirect_dma semaphore(%arg29 : memref<!tpu.dma_semaphore, #tpu.memory_space<semaphore_mem>>) src(%dma_wait3A_144 : memref<10000x128xf32, #tpu.memory_space<hbm>>) dst(%arg19 : memref<40x128xf32, #tpu.memory_space<vmem>>)
      %dma_start3A_145 = arith.constant 0 : i32
      %dma_start3A_146 = arith.constant 0 : i32
      %dma_start3A_147 = tpu.memref_slice %arg3[%dma_start3A_145, %dma_start3A_146] : memref<10000x128xf32, #tpu.memory_space<hbm>> -> memref<10000x128xf32, #tpu.memory_space<hbm>>
      tpu.enqueue_indirect_dma source(%dma_start3A_147 : memref<10000x128xf32, #tpu.memory_space<hbm>>) target(%arg19 : memref<40x128xf32, #tpu.memory_space<vmem>>) offsets(%arg14 : memref<40xi32, #tpu.memory_space<vmem>>) semaphore(%arg34 : memref<!tpu.dma_semaphore, #tpu.memory_space<semaphore_mem>>) {add = true}
      %ge3A_148 = arith.constant 1 : i32
      %ge3A_149 = arith.cmpi sge, %add3A_134, %ge3A_148 : i32
      %convert_element_type3A_150 = arith.extui %ge3A_149 : i1 to i32
      %cond3A_151 = arith.constant 0 : i32
      %cond3A_152 = arith.cmpi ne, %convert_element_type3A_150, %cond3A_151 : i32
      scf.if %cond3A_152 {
        %dma_wait3A_233 = arith.constant 0 : i32
        %dma_wait3A_234 = arith.constant 0 : i32
        %dma_wait3A_235 = tpu.memref_slice %arg3[%dma_wait3A_233, %dma_wait3A_234] : memref<10000x128xf32, #tpu.memory_space<hbm>> -> memref<10000x128xf32, #tpu.memory_space<hbm>>
        tpu.wait_indirect_dma semaphore(%arg33 : memref<!tpu.dma_semaphore, #tpu.memory_space<semaphore_mem>>) src(%dma_wait3A_235 : memref<10000x128xf32, #tpu.memory_space<hbm>>) dst(%arg18 : memref<40x128xf32, #tpu.memory_space<vmem>>)
        %sub3A = arith.constant 1 : i32
        %sub3A_236 = arith.subi %add3A_134, %sub3A : i32
        %mul3A_237 = arith.constant 2000 : i32
        %mul3A_238 = arith.muli %add3A, %mul3A_237 : i32
        %mul3A_239 = arith.constant 40 : i32
        %mul3A_240 = arith.muli %sub3A_236, %mul3A_239 : i32
        %add3A_241 = arith.addi %mul3A_238, %mul3A_240 : i32
        %dma_start3A_242 = arith.constant 0 : i32
        %dma_start3A_243 = tpu.memref_slice %arg6[%add3A_241, %dma_start3A_242] : memref<64000x128xf32, #tpu.memory_space<hbm>> -> memref<40x128xf32, #tpu.memory_space<hbm>>
        %dma_start3A_244 = arith.constant 0 : i32
        %dma_start3A_245 = tpu.memref_slice %arg6[%add3A_241, %dma_start3A_244] : memref<64000x128xf32, #tpu.memory_space<hbm>> -> memref<40x128xf32, #tpu.memory_space<hbm>>
        tpu.enqueue_dma source(%arg18 : memref<40x128xf32, #tpu.memory_space<vmem>>) target(%dma_start3A_245 : memref<40x128xf32, #tpu.memory_space<hbm>>) target_semaphore(%arg38 : memref<!tpu.dma_semaphore, #tpu.memory_space<semaphore_mem>>)
      } else {
      }
      %ge3A_153 = arith.constant 2 : i32
      %ge3A_154 = arith.cmpi sge, %add3A_134, %ge3A_153 : i32
      %convert_element_type3A_155 = arith.extui %ge3A_154 : i1 to i32
      %cond3A_156 = arith.constant 0 : i32
      %cond3A_157 = arith.cmpi ne, %convert_element_type3A_155, %cond3A_156 : i32
      scf.if %cond3A_157 {
        %sub3A = arith.constant 2 : i32
        %sub3A_233 = arith.subi %add3A_134, %sub3A : i32
        %mul3A_234 = arith.constant 2000 : i32
        %mul3A_235 = arith.muli %add3A, %mul3A_234 : i32
        %mul3A_236 = arith.constant 40 : i32
        %mul3A_237 = arith.muli %sub3A_233, %mul3A_236 : i32
        %add3A_238 = arith.addi %mul3A_235, %mul3A_237 : i32
        %dma_wait3A_239 = arith.constant 0 : i32
        %dma_wait3A_240 = tpu.memref_slice %arg6[%add3A_238, %dma_wait3A_239] : memref<64000x128xf32, #tpu.memory_space<hbm>> -> memref<40x128xf32, #tpu.memory_space<hbm>>
        %dma_wait3A_241 = arith.constant 0 : i32
        %dma_wait3A_242 = tpu.memref_slice %arg6[%add3A_238, %dma_wait3A_241] : memref<64000x128xf32, #tpu.memory_space<hbm>> -> memref<40x128xf32, #tpu.memory_space<hbm>>
        tpu.wait_dma2 semaphore(%arg37 : memref<!tpu.dma_semaphore, #tpu.memory_space<semaphore_mem>>) src(%arg17 : memref<40x128xf32, #tpu.memory_space<vmem>>) dst(%dma_wait3A_242 : memref<40x128xf32, #tpu.memory_space<hbm>>)
      } else {
      }
      %add3A_158 = arith.constant 3 : i32
      %add3A_159 = arith.addi %add3A_134, %add3A_158 : i32
      %le3A_160 = arith.constant 49 : i32
      %le3A_161 = arith.cmpi sle, %add3A_159, %le3A_160 : i32
      %convert_element_type3A_162 = arith.extui %le3A_161 : i1 to i32
      %cond3A_163 = arith.constant 0 : i32
      %cond3A_164 = arith.cmpi ne, %convert_element_type3A_162, %cond3A_163 : i32
      scf.if %cond3A_164 {
        %add3A_233 = arith.constant 3 : i32
        %add3A_234 = arith.addi %add3A_134, %add3A_233 : i32
        %mul3A_235 = arith.constant 2000 : i32
        %mul3A_236 = arith.muli %add3A, %mul3A_235 : i32
        %mul3A_237 = arith.constant 40 : i32
        %mul3A_238 = arith.muli %add3A_234, %mul3A_237 : i32
        %add3A_239 = arith.addi %mul3A_236, %mul3A_238 : i32
        %dma_start3A_240 = tpu.memref_slice %arg4[%add3A_239] : memref<64000xi32, #tpu.memory_space<hbm>> -> memref<40xi32, #tpu.memory_space<hbm>>
        %dma_start3A_241 = tpu.memref_slice %arg4[%add3A_239] : memref<64000xi32, #tpu.memory_space<hbm>> -> memref<40xi32, #tpu.memory_space<hbm>>
        tpu.enqueue_dma source(%dma_start3A_241 : memref<40xi32, #tpu.memory_space<hbm>>) target(%arg7 : memref<40xi32, #tpu.memory_space<vmem>>) target_semaphore(%arg22 : memref<!tpu.dma_semaphore, #tpu.memory_space<semaphore_mem>>)
        %dma_start3A_242 = tpu.memref_slice %arg5[%add3A_239] : memref<64000xi32, #tpu.memory_space<hbm>> -> memref<40xi32, #tpu.memory_space<hbm>>
        %dma_start3A_243 = tpu.memref_slice %arg5[%add3A_239] : memref<64000xi32, #tpu.memory_space<hbm>> -> memref<40xi32, #tpu.memory_space<hbm>>
        tpu.enqueue_dma source(%dma_start3A_243 : memref<40xi32, #tpu.memory_space<hbm>>) target(%arg12 : memref<40xi32, #tpu.memory_space<vmem>>) target_semaphore(%arg22 : memref<!tpu.dma_semaphore, #tpu.memory_space<semaphore_mem>>)
      } else {
      }
      %mul3A_165 = arith.constant 5 : i32
      %mul3A_166 = arith.muli %mul3A_165, %scan3A_66 : i32
      %add3A_167 = arith.constant 3 : i32
      %add3A_168 = arith.addi %mul3A_166, %add3A_167 : i32
      %add3A_169 = arith.constant 1 : i32
      %add3A_170 = arith.addi %add3A_168, %add3A_169 : i32
      %le3A_171 = arith.constant 49 : i32
      %le3A_172 = arith.cmpi sle, %add3A_170, %le3A_171 : i32
      %convert_element_type3A_173 = arith.extui %le3A_172 : i1 to i32
      %cond3A_174 = arith.constant 0 : i32
      %cond3A_175 = arith.cmpi ne, %convert_element_type3A_173, %cond3A_174 : i32
      scf.if %cond3A_175 {
        %add3A_233 = arith.constant 1 : i32
        %add3A_234 = arith.addi %add3A_168, %add3A_233 : i32
        %mul3A_235 = arith.constant 2000 : i32
        %mul3A_236 = arith.muli %add3A, %mul3A_235 : i32
        %mul3A_237 = arith.constant 40 : i32
        %mul3A_238 = arith.muli %add3A_234, %mul3A_237 : i32
        %add3A_239 = arith.addi %mul3A_236, %mul3A_238 : i32
        %dma_wait3A_240 = tpu.memref_slice %arg4[%add3A_239] : memref<64000xi32, #tpu.memory_space<hbm>> -> memref<40xi32, #tpu.memory_space<hbm>>
        %dma_wait3A_241 = tpu.memref_slice %arg4[%add3A_239] : memref<64000xi32, #tpu.memory_space<hbm>> -> memref<40xi32, #tpu.memory_space<hbm>>
        tpu.wait_dma2 semaphore(%arg26 : memref<!tpu.dma_semaphore, #tpu.memory_space<semaphore_mem>>) src(%dma_wait3A_241 : memref<40xi32, #tpu.memory_space<hbm>>) dst(%arg11 : memref<40xi32, #tpu.memory_space<vmem>>)
        %dma_wait3A_242 = tpu.memref_slice %arg5[%add3A_239] : memref<64000xi32, #tpu.memory_space<hbm>> -> memref<40xi32, #tpu.memory_space<hbm>>
        %dma_wait3A_243 = tpu.memref_slice %arg5[%add3A_239] : memref<64000xi32, #tpu.memory_space<hbm>> -> memref<40xi32, #tpu.memory_space<hbm>>
        tpu.wait_dma2 semaphore(%arg26 : memref<!tpu.dma_semaphore, #tpu.memory_space<semaphore_mem>>) src(%dma_wait3A_243 : memref<40xi32, #tpu.memory_space<hbm>>) dst(%arg16 : memref<40xi32, #tpu.memory_space<vmem>>)
        %dma_start3A_244 = arith.constant 0 : i32
        %dma_start3A_245 = arith.constant 0 : i32
        %dma_start3A_246 = tpu.memref_slice %arg2[%dma_start3A_244, %dma_start3A_245] : memref<10000x128xf32, #tpu.memory_space<hbm>> -> memref<10000x128xf32, #tpu.memory_space<hbm>>
        tpu.enqueue_indirect_dma source(%dma_start3A_246 : memref<10000x128xf32, #tpu.memory_space<hbm>>) target(%arg21 : memref<40x128xf32, #tpu.memory_space<vmem>>) offsets(%arg11 : memref<40xi32, #tpu.memory_space<vmem>>) semaphore(%arg31 : memref<!tpu.dma_semaphore, #tpu.memory_space<semaphore_mem>>)
      } else {
      }
      %dma_wait3A_176 = arith.constant 0 : i32
      %dma_wait3A_177 = arith.constant 0 : i32
      %dma_wait3A_178 = tpu.memref_slice %arg2[%dma_wait3A_176, %dma_wait3A_177] : memref<10000x128xf32, #tpu.memory_space<hbm>> -> memref<10000x128xf32, #tpu.memory_space<hbm>>
      tpu.wait_indirect_dma semaphore(%arg30 : memref<!tpu.dma_semaphore, #tpu.memory_space<semaphore_mem>>) src(%dma_wait3A_178 : memref<10000x128xf32, #tpu.memory_space<hbm>>) dst(%arg20 : memref<40x128xf32, #tpu.memory_space<vmem>>)
      %dma_start3A_179 = arith.constant 0 : i32
      %dma_start3A_180 = arith.constant 0 : i32
      %dma_start3A_181 = tpu.memref_slice %arg3[%dma_start3A_179, %dma_start3A_180] : memref<10000x128xf32, #tpu.memory_space<hbm>> -> memref<10000x128xf32, #tpu.memory_space<hbm>>
      tpu.enqueue_indirect_dma source(%dma_start3A_181 : memref<10000x128xf32, #tpu.memory_space<hbm>>) target(%arg20 : memref<40x128xf32, #tpu.memory_space<vmem>>) offsets(%arg15 : memref<40xi32, #tpu.memory_space<vmem>>) semaphore(%arg35 : memref<!tpu.dma_semaphore, #tpu.memory_space<semaphore_mem>>) {add = true}
      %ge3A_182 = arith.constant 1 : i32
      %ge3A_183 = arith.cmpi sge, %add3A_168, %ge3A_182 : i32
      %convert_element_type3A_184 = arith.extui %ge3A_183 : i1 to i32
      %cond3A_185 = arith.constant 0 : i32
      %cond3A_186 = arith.cmpi ne, %convert_element_type3A_184, %cond3A_185 : i32
      scf.if %cond3A_186 {
        %dma_wait3A_233 = arith.constant 0 : i32
        %dma_wait3A_234 = arith.constant 0 : i32
        %dma_wait3A_235 = tpu.memref_slice %arg3[%dma_wait3A_233, %dma_wait3A_234] : memref<10000x128xf32, #tpu.memory_space<hbm>> -> memref<10000x128xf32, #tpu.memory_space<hbm>>
        tpu.wait_indirect_dma semaphore(%arg34 : memref<!tpu.dma_semaphore, #tpu.memory_space<semaphore_mem>>) src(%dma_wait3A_235 : memref<10000x128xf32, #tpu.memory_space<hbm>>) dst(%arg19 : memref<40x128xf32, #tpu.memory_space<vmem>>)
        %sub3A = arith.constant 1 : i32
        %sub3A_236 = arith.subi %add3A_168, %sub3A : i32
        %mul3A_237 = arith.constant 2000 : i32
        %mul3A_238 = arith.muli %add3A, %mul3A_237 : i32
        %mul3A_239 = arith.constant 40 : i32
        %mul3A_240 = arith.muli %sub3A_236, %mul3A_239 : i32
        %add3A_241 = arith.addi %mul3A_238, %mul3A_240 : i32
        %dma_start3A_242 = arith.constant 0 : i32
        %dma_start3A_243 = tpu.memref_slice %arg6[%add3A_241, %dma_start3A_242] : memref<64000x128xf32, #tpu.memory_space<hbm>> -> memref<40x128xf32, #tpu.memory_space<hbm>>
        %dma_start3A_244 = arith.constant 0 : i32
        %dma_start3A_245 = tpu.memref_slice %arg6[%add3A_241, %dma_start3A_244] : memref<64000x128xf32, #tpu.memory_space<hbm>> -> memref<40x128xf32, #tpu.memory_space<hbm>>
        tpu.enqueue_dma source(%arg19 : memref<40x128xf32, #tpu.memory_space<vmem>>) target(%dma_start3A_245 : memref<40x128xf32, #tpu.memory_space<hbm>>) target_semaphore(%arg39 : memref<!tpu.dma_semaphore, #tpu.memory_space<semaphore_mem>>)
      } else {
      }
      %ge3A_187 = arith.constant 2 : i32
      %ge3A_188 = arith.cmpi sge, %add3A_168, %ge3A_187 : i32
      %convert_element_type3A_189 = arith.extui %ge3A_188 : i1 to i32
      %cond3A_190 = arith.constant 0 : i32
      %cond3A_191 = arith.cmpi ne, %convert_element_type3A_189, %cond3A_190 : i32
      scf.if %cond3A_191 {
        %sub3A = arith.constant 2 : i32
        %sub3A_233 = arith.subi %add3A_168, %sub3A : i32
        %mul3A_234 = arith.constant 2000 : i32
        %mul3A_235 = arith.muli %add3A, %mul3A_234 : i32
        %mul3A_236 = arith.constant 40 : i32
        %mul3A_237 = arith.muli %sub3A_233, %mul3A_236 : i32
        %add3A_238 = arith.addi %mul3A_235, %mul3A_237 : i32
        %dma_wait3A_239 = arith.constant 0 : i32
        %dma_wait3A_240 = tpu.memref_slice %arg6[%add3A_238, %dma_wait3A_239] : memref<64000x128xf32, #tpu.memory_space<hbm>> -> memref<40x128xf32, #tpu.memory_space<hbm>>
        %dma_wait3A_241 = arith.constant 0 : i32
        %dma_wait3A_242 = tpu.memref_slice %arg6[%add3A_238, %dma_wait3A_241] : memref<64000x128xf32, #tpu.memory_space<hbm>> -> memref<40x128xf32, #tpu.memory_space<hbm>>
        tpu.wait_dma2 semaphore(%arg38 : memref<!tpu.dma_semaphore, #tpu.memory_space<semaphore_mem>>) src(%arg18 : memref<40x128xf32, #tpu.memory_space<vmem>>) dst(%dma_wait3A_242 : memref<40x128xf32, #tpu.memory_space<hbm>>)
      } else {
      }
      %add3A_192 = arith.constant 3 : i32
      %add3A_193 = arith.addi %add3A_168, %add3A_192 : i32
      %le3A_194 = arith.constant 49 : i32
      %le3A_195 = arith.cmpi sle, %add3A_193, %le3A_194 : i32
      %convert_element_type3A_196 = arith.extui %le3A_195 : i1 to i32
      %cond3A_197 = arith.constant 0 : i32
      %cond3A_198 = arith.cmpi ne, %convert_element_type3A_196, %cond3A_197 : i32
      scf.if %cond3A_198 {
        %add3A_233 = arith.constant 3 : i32
        %add3A_234 = arith.addi %add3A_168, %add3A_233 : i32
        %mul3A_235 = arith.constant 2000 : i32
        %mul3A_236 = arith.muli %add3A, %mul3A_235 : i32
        %mul3A_237 = arith.constant 40 : i32
        %mul3A_238 = arith.muli %add3A_234, %mul3A_237 : i32
        %add3A_239 = arith.addi %mul3A_236, %mul3A_238 : i32
        %dma_start3A_240 = tpu.memref_slice %arg4[%add3A_239] : memref<64000xi32, #tpu.memory_space<hbm>> -> memref<40xi32, #tpu.memory_space<hbm>>
        %dma_start3A_241 = tpu.memref_slice %arg4[%add3A_239] : memref<64000xi32, #tpu.memory_space<hbm>> -> memref<40xi32, #tpu.memory_space<hbm>>
        tpu.enqueue_dma source(%dma_start3A_241 : memref<40xi32, #tpu.memory_space<hbm>>) target(%arg8 : memref<40xi32, #tpu.memory_space<vmem>>) target_semaphore(%arg23 : memref<!tpu.dma_semaphore, #tpu.memory_space<semaphore_mem>>)
        %dma_start3A_242 = tpu.memref_slice %arg5[%add3A_239] : memref<64000xi32, #tpu.memory_space<hbm>> -> memref<40xi32, #tpu.memory_space<hbm>>
        %dma_start3A_243 = tpu.memref_slice %arg5[%add3A_239] : memref<64000xi32, #tpu.memory_space<hbm>> -> memref<40xi32, #tpu.memory_space<hbm>>
        tpu.enqueue_dma source(%dma_start3A_243 : memref<40xi32, #tpu.memory_space<hbm>>) target(%arg13 : memref<40xi32, #tpu.memory_space<vmem>>) target_semaphore(%arg23 : memref<!tpu.dma_semaphore, #tpu.memory_space<semaphore_mem>>)
      } else {
      }
      %mul3A_199 = arith.constant 5 : i32
      %mul3A_200 = arith.muli %mul3A_199, %scan3A_66 : i32
      %add3A_201 = arith.constant 4 : i32
      %add3A_202 = arith.addi %mul3A_200, %add3A_201 : i32
      %add3A_203 = arith.constant 1 : i32
      %add3A_204 = arith.addi %add3A_202, %add3A_203 : i32
      %le3A_205 = arith.constant 49 : i32
      %le3A_206 = arith.cmpi sle, %add3A_204, %le3A_205 : i32
      %convert_element_type3A_207 = arith.extui %le3A_206 : i1 to i32
      %cond3A_208 = arith.constant 0 : i32
      %cond3A_209 = arith.cmpi ne, %convert_element_type3A_207, %cond3A_208 : i32
      scf.if %cond3A_209 {
        %add3A_233 = arith.constant 1 : i32
        %add3A_234 = arith.addi %add3A_202, %add3A_233 : i32
        %mul3A_235 = arith.constant 2000 : i32
        %mul3A_236 = arith.muli %add3A, %mul3A_235 : i32
        %mul3A_237 = arith.constant 40 : i32
        %mul3A_238 = arith.muli %add3A_234, %mul3A_237 : i32
        %add3A_239 = arith.addi %mul3A_236, %mul3A_238 : i32
        %dma_wait3A_240 = tpu.memref_slice %arg4[%add3A_239] : memref<64000xi32, #tpu.memory_space<hbm>> -> memref<40xi32, #tpu.memory_space<hbm>>
        %dma_wait3A_241 = tpu.memref_slice %arg4[%add3A_239] : memref<64000xi32, #tpu.memory_space<hbm>> -> memref<40xi32, #tpu.memory_space<hbm>>
        tpu.wait_dma2 semaphore(%arg22 : memref<!tpu.dma_semaphore, #tpu.memory_space<semaphore_mem>>) src(%dma_wait3A_241 : memref<40xi32, #tpu.memory_space<hbm>>) dst(%arg7 : memref<40xi32, #tpu.memory_space<vmem>>)
        %dma_wait3A_242 = tpu.memref_slice %arg5[%add3A_239] : memref<64000xi32, #tpu.memory_space<hbm>> -> memref<40xi32, #tpu.memory_space<hbm>>
        %dma_wait3A_243 = tpu.memref_slice %arg5[%add3A_239] : memref<64000xi32, #tpu.memory_space<hbm>> -> memref<40xi32, #tpu.memory_space<hbm>>
        tpu.wait_dma2 semaphore(%arg22 : memref<!tpu.dma_semaphore, #tpu.memory_space<semaphore_mem>>) src(%dma_wait3A_243 : memref<40xi32, #tpu.memory_space<hbm>>) dst(%arg12 : memref<40xi32, #tpu.memory_space<vmem>>)
        %dma_start3A_244 = arith.constant 0 : i32
        %dma_start3A_245 = arith.constant 0 : i32
        %dma_start3A_246 = tpu.memref_slice %arg2[%dma_start3A_244, %dma_start3A_245] : memref<10000x128xf32, #tpu.memory_space<hbm>> -> memref<10000x128xf32, #tpu.memory_space<hbm>>
        tpu.enqueue_indirect_dma source(%dma_start3A_246 : memref<10000x128xf32, #tpu.memory_space<hbm>>) target(%arg17 : memref<40x128xf32, #tpu.memory_space<vmem>>) offsets(%arg7 : memref<40xi32, #tpu.memory_space<vmem>>) semaphore(%arg27 : memref<!tpu.dma_semaphore, #tpu.memory_space<semaphore_mem>>)
      } else {
      }
      %dma_wait3A_210 = arith.constant 0 : i32
      %dma_wait3A_211 = arith.constant 0 : i32
      %dma_wait3A_212 = tpu.memref_slice %arg2[%dma_wait3A_210, %dma_wait3A_211] : memref<10000x128xf32, #tpu.memory_space<hbm>> -> memref<10000x128xf32, #tpu.memory_space<hbm>>
      tpu.wait_indirect_dma semaphore(%arg31 : memref<!tpu.dma_semaphore, #tpu.memory_space<semaphore_mem>>) src(%dma_wait3A_212 : memref<10000x128xf32, #tpu.memory_space<hbm>>) dst(%arg21 : memref<40x128xf32, #tpu.memory_space<vmem>>)
      %dma_start3A_213 = arith.constant 0 : i32
      %dma_start3A_214 = arith.constant 0 : i32
      %dma_start3A_215 = tpu.memref_slice %arg3[%dma_start3A_213, %dma_start3A_214] : memref<10000x128xf32, #tpu.memory_space<hbm>> -> memref<10000x128xf32, #tpu.memory_space<hbm>>
      tpu.enqueue_indirect_dma source(%dma_start3A_215 : memref<10000x128xf32, #tpu.memory_space<hbm>>) target(%arg21 : memref<40x128xf32, #tpu.memory_space<vmem>>) offsets(%arg16 : memref<40xi32, #tpu.memory_space<vmem>>) semaphore(%arg36 : memref<!tpu.dma_semaphore, #tpu.memory_space<semaphore_mem>>) {add = true}
      %ge3A_216 = arith.constant 1 : i32
      %ge3A_217 = arith.cmpi sge, %add3A_202, %ge3A_216 : i32
      %convert_element_type3A_218 = arith.extui %ge3A_217 : i1 to i32
      %cond3A_219 = arith.constant 0 : i32
      %cond3A_220 = arith.cmpi ne, %convert_element_type3A_218, %cond3A_219 : i32
      scf.if %cond3A_220 {
        %dma_wait3A_233 = arith.constant 0 : i32
        %dma_wait3A_234 = arith.constant 0 : i32
        %dma_wait3A_235 = tpu.memref_slice %arg3[%dma_wait3A_233, %dma_wait3A_234] : memref<10000x128xf32, #tpu.memory_space<hbm>> -> memref<10000x128xf32, #tpu.memory_space<hbm>>
        tpu.wait_indirect_dma semaphore(%arg35 : memref<!tpu.dma_semaphore, #tpu.memory_space<semaphore_mem>>) src(%dma_wait3A_235 : memref<10000x128xf32, #tpu.memory_space<hbm>>) dst(%arg20 : memref<40x128xf32, #tpu.memory_space<vmem>>)
        %sub3A = arith.constant 1 : i32
        %sub3A_236 = arith.subi %add3A_202, %sub3A : i32
        %mul3A_237 = arith.constant 2000 : i32
        %mul3A_238 = arith.muli %add3A, %mul3A_237 : i32
        %mul3A_239 = arith.constant 40 : i32
        %mul3A_240 = arith.muli %sub3A_236, %mul3A_239 : i32
        %add3A_241 = arith.addi %mul3A_238, %mul3A_240 : i32
        %dma_start3A_242 = arith.constant 0 : i32
        %dma_start3A_243 = tpu.memref_slice %arg6[%add3A_241, %dma_start3A_242] : memref<64000x128xf32, #tpu.memory_space<hbm>> -> memref<40x128xf32, #tpu.memory_space<hbm>>
        %dma_start3A_244 = arith.constant 0 : i32
        %dma_start3A_245 = tpu.memref_slice %arg6[%add3A_241, %dma_start3A_244] : memref<64000x128xf32, #tpu.memory_space<hbm>> -> memref<40x128xf32, #tpu.memory_space<hbm>>
        tpu.enqueue_dma source(%arg20 : memref<40x128xf32, #tpu.memory_space<vmem>>) target(%dma_start3A_245 : memref<40x128xf32, #tpu.memory_space<hbm>>) target_semaphore(%arg40 : memref<!tpu.dma_semaphore, #tpu.memory_space<semaphore_mem>>)
      } else {
      }
      %ge3A_221 = arith.constant 2 : i32
      %ge3A_222 = arith.cmpi sge, %add3A_202, %ge3A_221 : i32
      %convert_element_type3A_223 = arith.extui %ge3A_222 : i1 to i32
      %cond3A_224 = arith.constant 0 : i32
      %cond3A_225 = arith.cmpi ne, %convert_element_type3A_223, %cond3A_224 : i32
      scf.if %cond3A_225 {
        %sub3A = arith.constant 2 : i32
        %sub3A_233 = arith.subi %add3A_202, %sub3A : i32
        %mul3A_234 = arith.constant 2000 : i32
        %mul3A_235 = arith.muli %add3A, %mul3A_234 : i32
        %mul3A_236 = arith.constant 40 : i32
        %mul3A_237 = arith.muli %sub3A_233, %mul3A_236 : i32
        %add3A_238 = arith.addi %mul3A_235, %mul3A_237 : i32
        %dma_wait3A_239 = arith.constant 0 : i32
        %dma_wait3A_240 = tpu.memref_slice %arg6[%add3A_238, %dma_wait3A_239] : memref<64000x128xf32, #tpu.memory_space<hbm>> -> memref<40x128xf32, #tpu.memory_space<hbm>>
        %dma_wait3A_241 = arith.constant 0 : i32
        %dma_wait3A_242 = tpu.memref_slice %arg6[%add3A_238, %dma_wait3A_241] : memref<64000x128xf32, #tpu.memory_space<hbm>> -> memref<40x128xf32, #tpu.memory_space<hbm>>
        tpu.wait_dma2 semaphore(%arg39 : memref<!tpu.dma_semaphore, #tpu.memory_space<semaphore_mem>>) src(%arg19 : memref<40x128xf32, #tpu.memory_space<vmem>>) dst(%dma_wait3A_242 : memref<40x128xf32, #tpu.memory_space<hbm>>)
      } else {
      }
      %add3A_226 = arith.constant 3 : i32
      %add3A_227 = arith.addi %add3A_202, %add3A_226 : i32
      %le3A_228 = arith.constant 49 : i32
      %le3A_229 = arith.cmpi sle, %add3A_227, %le3A_228 : i32
      %convert_element_type3A_230 = arith.extui %le3A_229 : i1 to i32
      %cond3A_231 = arith.constant 0 : i32
      %cond3A_232 = arith.cmpi ne, %convert_element_type3A_230, %cond3A_231 : i32
      scf.if %cond3A_232 {
        %add3A_233 = arith.constant 3 : i32
        %add3A_234 = arith.addi %add3A_202, %add3A_233 : i32
        %mul3A_235 = arith.constant 2000 : i32
        %mul3A_236 = arith.muli %add3A, %mul3A_235 : i32
        %mul3A_237 = arith.constant 40 : i32
        %mul3A_238 = arith.muli %add3A_234, %mul3A_237 : i32
        %add3A_239 = arith.addi %mul3A_236, %mul3A_238 : i32
        %dma_start3A_240 = tpu.memref_slice %arg4[%add3A_239] : memref<64000xi32, #tpu.memory_space<hbm>> -> memref<40xi32, #tpu.memory_space<hbm>>
        %dma_start3A_241 = tpu.memref_slice %arg4[%add3A_239] : memref<64000xi32, #tpu.memory_space<hbm>> -> memref<40xi32, #tpu.memory_space<hbm>>
        tpu.enqueue_dma source(%dma_start3A_241 : memref<40xi32, #tpu.memory_space<hbm>>) target(%arg9 : memref<40xi32, #tpu.memory_space<vmem>>) target_semaphore(%arg24 : memref<!tpu.dma_semaphore, #tpu.memory_space<semaphore_mem>>)
        %dma_start3A_242 = tpu.memref_slice %arg5[%add3A_239] : memref<64000xi32, #tpu.memory_space<hbm>> -> memref<40xi32, #tpu.memory_space<hbm>>
        %dma_start3A_243 = tpu.memref_slice %arg5[%add3A_239] : memref<64000xi32, #tpu.memory_space<hbm>> -> memref<40xi32, #tpu.memory_space<hbm>>
        tpu.enqueue_dma source(%dma_start3A_243 : memref<40xi32, #tpu.memory_space<hbm>>) target(%arg14 : memref<40xi32, #tpu.memory_space<vmem>>) target_semaphore(%arg24 : memref<!tpu.dma_semaphore, #tpu.memory_space<semaphore_mem>>)
      } else {
      }
    }
    %scan3A_38 = arith.constant 10 : i32
    %dma_wait3A_39 = arith.constant 0 : i32
    %dma_wait3A_40 = arith.constant 0 : i32
    %dma_wait3A_41 = tpu.memref_slice %arg3[%dma_wait3A_39, %dma_wait3A_40] : memref<10000x128xf32, #tpu.memory_space<hbm>> -> memref<10000x128xf32, #tpu.memory_space<hbm>>
    tpu.wait_indirect_dma semaphore(%arg36 : memref<!tpu.dma_semaphore, #tpu.memory_space<semaphore_mem>>) src(%dma_wait3A_41 : memref<10000x128xf32, #tpu.memory_space<hbm>>) dst(%arg21 : memref<40x128xf32, #tpu.memory_space<vmem>>)
    %mul3A_42 = arith.constant 2000 : i32
    %mul3A_43 = arith.muli %add3A, %mul3A_42 : i32
    %add3A_44 = arith.constant 1960 : i32
    %add3A_45 = arith.addi %mul3A_43, %add3A_44 : i32
    %dma_start3A_46 = arith.constant 0 : i32
    %dma_start3A_47 = tpu.memref_slice %arg6[%add3A_45, %dma_start3A_46] : memref<64000x128xf32, #tpu.memory_space<hbm>> -> memref<40x128xf32, #tpu.memory_space<hbm>>
    %dma_start3A_48 = arith.constant 0 : i32
    %dma_start3A_49 = tpu.memref_slice %arg6[%add3A_45, %dma_start3A_48] : memref<64000x128xf32, #tpu.memory_space<hbm>> -> memref<40x128xf32, #tpu.memory_space<hbm>>
    tpu.enqueue_dma source(%arg21 : memref<40x128xf32, #tpu.memory_space<vmem>>) target(%dma_start3A_49 : memref<40x128xf32, #tpu.memory_space<hbm>>) target_semaphore(%arg41 : memref<!tpu.dma_semaphore, #tpu.memory_space<semaphore_mem>>)
    %mul3A_50 = arith.constant 2000 : i32
    %mul3A_51 = arith.muli %add3A, %mul3A_50 : i32
    %add3A_52 = arith.constant 1920 : i32
    %add3A_53 = arith.addi %mul3A_51, %add3A_52 : i32
    %dma_wait3A_54 = arith.constant 0 : i32
    %dma_wait3A_55 = tpu.memref_slice %arg6[%add3A_53, %dma_wait3A_54] : memref<64000x128xf32, #tpu.memory_space<hbm>> -> memref<40x128xf32, #tpu.memory_space<hbm>>
    %dma_wait3A_56 = arith.constant 0 : i32
    %dma_wait3A_57 = tpu.memref_slice %arg6[%add3A_53, %dma_wait3A_56] : memref<64000x128xf32, #tpu.memory_space<hbm>> -> memref<40x128xf32, #tpu.memory_space<hbm>>
    tpu.wait_dma2 semaphore(%arg40 : memref<!tpu.dma_semaphore, #tpu.memory_space<semaphore_mem>>) src(%arg20 : memref<40x128xf32, #tpu.memory_space<vmem>>) dst(%dma_wait3A_57 : memref<40x128xf32, #tpu.memory_space<hbm>>)
    %mul3A_58 = arith.constant 2000 : i32
    %mul3A_59 = arith.muli %add3A, %mul3A_58 : i32
    %add3A_60 = arith.constant 1960 : i32
    %add3A_61 = arith.addi %mul3A_59, %add3A_60 : i32
    %dma_wait3A_62 = arith.constant 0 : i32
    %dma_wait3A_63 = tpu.memref_slice %arg6[%add3A_61, %dma_wait3A_62] : memref<64000x128xf32, #tpu.memory_space<hbm>> -> memref<40x128xf32, #tpu.memory_space<hbm>>
    %dma_wait3A_64 = arith.constant 0 : i32
    %dma_wait3A_65 = tpu.memref_slice %arg6[%add3A_61, %dma_wait3A_64] : memref<64000x128xf32, #tpu.memory_space<hbm>> -> memref<40x128xf32, #tpu.memory_space<hbm>>
    tpu.wait_dma2 semaphore(%arg41 : memref<!tpu.dma_semaphore, #tpu.memory_space<semaphore_mem>>) src(%arg21 : memref<40x128xf32, #tpu.memory_space<vmem>>) dst(%dma_wait3A_65 : memref<40x128xf32, #tpu.memory_space<hbm>>)
    return
  }
}

#map = affine_map<(d0, d1) -> (0, 0)>
#map1 = affine_map<(d0, d1) -> (0)>
module attributes {stable_mosaic.version = 14 : i64} {
  func.func @gather_k(%arg0: i32, %arg1: i32, %arg2: memref<10000x128xf32, #tpu.memory_space<hbm>>, %arg3: memref<10000x128xf32, #tpu.memory_space<hbm>>, %arg4: memref<64000xi32, #tpu.memory_space<hbm>>, %arg5: memref<64000xi32, #tpu.memory_space<hbm>>, %arg6: memref<64000x128xf32, #tpu.memory_space<hbm>>, %arg7: memref<40xi32, #tpu.memory_space<vmem>>, %arg8: memref<40xi32, #tpu.memory_space<vmem>>, %arg9: memref<40xi32, #tpu.memory_space<vmem>>, %arg10: memref<40xi32, #tpu.memory_space<vmem>>, %arg11: memref<40xi32, #tpu.memory_space<vmem>>, %arg12: memref<40xi32, #tpu.memory_space<vmem>>, %arg13: memref<40xi32, #tpu.memory_space<vmem>>, %arg14: memref<40xi32, #tpu.memory_space<vmem>>, %arg15: memref<40xi32, #tpu.memory_space<vmem>>, %arg16: memref<40xi32, #tpu.memory_space<vmem>>, %arg17: memref<40x128xf32, #tpu.memory_space<vmem>>, %arg18: memref<40x128xf32, #tpu.memory_space<vmem>>, %arg19: memref<40x128xf32, #tpu.memory_space<vmem>>, %arg20: memref<40x128xf32, #tpu.memory_space<vmem>>, %arg21: memref<40x128xf32, #tpu.memory_space<vmem>>, %arg22: memref<!tpu.dma_semaphore, #tpu.memory_space<semaphore_mem>>, %arg23: memref<!tpu.dma_semaphore, #tpu.memory_space<semaphore_mem>>, %arg24: memref<!tpu.dma_semaphore, #tpu.memory_space<semaphore_mem>>, %arg25: memref<!tpu.dma_semaphore, #tpu.memory_space<semaphore_mem>>, %arg26: memref<!tpu.dma_semaphore, #tpu.memory_space<semaphore_mem>>, %arg27: memref<!tpu.dma_semaphore, #tpu.memory_space<semaphore_mem>>, %arg28: memref<!tpu.dma_semaphore, #tpu.memory_space<semaphore_mem>>, %arg29: memref<!tpu.dma_semaphore, #tpu.memory_space<semaphore_mem>>, %arg30: memref<!tpu.dma_semaphore, #tpu.memory_space<semaphore_mem>>, %arg31: memref<!tpu.dma_semaphore, #tpu.memory_space<semaphore_mem>>, %arg32: memref<!tpu.dma_semaphore, #tpu.memory_space<semaphore_mem>>, %arg33: memref<!tpu.dma_semaphore, #tpu.memory_space<semaphore_mem>>, %arg34: memref<!tpu.dma_semaphore, #tpu.memory_space<semaphore_mem>>, %arg35: memref<!tpu.dma_semaphore, #tpu.memory_space<semaphore_mem>>, %arg36: memref<!tpu.dma_semaphore, #tpu.memory_space<semaphore_mem>>, %arg37: memref<!tpu.dma_semaphore, #tpu.memory_space<semaphore_mem>>, %arg38: memref<!tpu.dma_semaphore, #tpu.memory_space<semaphore_mem>>, %arg39: memref<!tpu.dma_semaphore, #tpu.memory_space<semaphore_mem>>, %arg40: memref<!tpu.dma_semaphore, #tpu.memory_space<semaphore_mem>>, %arg41: memref<!tpu.dma_semaphore, #tpu.memory_space<semaphore_mem>>) attributes {dimension_semantics = [#tpu.dimension_semantics<core_parallel>, #tpu.dimension_semantics<subcore_parallel>], iteration_bounds = array<i64: 2, 16>, scalar_prefetch = 0 : i64, scratch_operands = 35 : i64, tpu.core_type = #tpu.core_type<sc_vector_subcore>, window_params = [{transform_indices = #map}, {transform_indices = #map}, {transform_indices = #map1}, {transform_indices = #map1}, {transform_indices = #map}]} {
    %mul3A = arith.constant 2 : i32
    %mul3A_0 = arith.muli %arg1, %mul3A : i32
    %add3A = arith.addi %mul3A_0, %arg0 : i32
    %mul3A_1 = arith.constant 2000 : i32
    %mul3A_2 = arith.muli %add3A, %mul3A_1 : i32
    %add3A_3 = arith.constant 0 : i32
    %add3A_4 = arith.addi %mul3A_2, %add3A_3 : i32
    %dma_start3A = tpu.memref_slice %arg4[%add3A_4] : memref<64000xi32, #tpu.memory_space<hbm>> -> memref<40xi32, #tpu.memory_space<hbm>>
    %dma_start3A_5 = tpu.memref_slice %arg4[%add3A_4] : memref<64000xi32, #tpu.memory_space<hbm>> -> memref<40xi32, #tpu.memory_space<hbm>>
    tpu.enqueue_dma source(%dma_start3A_5 : memref<40xi32, #tpu.memory_space<hbm>>) target(%arg7 : memref<40xi32, #tpu.memory_space<vmem>>) target_semaphore(%arg22 : memref<!tpu.dma_semaphore, #tpu.memory_space<semaphore_mem>>)
    %dma_start3A_6 = tpu.memref_slice %arg5[%add3A_4] : memref<64000xi32, #tpu.memory_space<hbm>> -> memref<40xi32, #tpu.memory_space<hbm>>
    %dma_start3A_7 = tpu.memref_slice %arg5[%add3A_4] : memref<64000xi32, #tpu.memory_space<hbm>> -> memref<40xi32, #tpu.memory_space<hbm>>
    tpu.enqueue_dma source(%dma_start3A_7 : memref<40xi32, #tpu.memory_space<hbm>>) target(%arg12 : memref<40xi32, #tpu.memory_space<vmem>>) target_semaphore(%arg22 : memref<!tpu.dma_semaphore, #tpu.memory_space<semaphore_mem>>)
    %mul3A_8 = arith.constant 2000 : i32
    %mul3A_9 = arith.muli %add3A, %mul3A_8 : i32
    %add3A_10 = arith.constant 0 : i32
    %add3A_11 = arith.addi %mul3A_9, %add3A_10 : i32
    %dma_wait3A = tpu.memref_slice %arg4[%add3A_11] : memref<64000xi32, #tpu.memory_space<hbm>> -> memref<40xi32, #tpu.memory_space<hbm>>
    %dma_wait3A_12 = tpu.memref_slice %arg4[%add3A_11] : memref<64000xi32, #tpu.memory_space<hbm>> -> memref<40xi32, #tpu.memory_space<hbm>>
    tpu.wait_dma2 semaphore(%arg22 : memref<!tpu.dma_semaphore, #tpu.memory_space<semaphore_mem>>) src(%dma_wait3A_12 : memref<40xi32, #tpu.memory_space<hbm>>) dst(%arg7 : memref<40xi32, #tpu.memory_space<vmem>>)
    %dma_wait3A_13 = tpu.memref_slice %arg5[%add3A_11] : memref<64000xi32, #tpu.memory_space<hbm>> -> memref<40xi32, #tpu.memory_space<hbm>>
    %dma_wait3A_14 = tpu.memref_slice %arg5[%add3A_11] : memref<64000xi32, #tpu.memory_space<hbm>> -> memref<40xi32, #tpu.memory_space<hbm>>
    tpu.wait_dma2 semaphore(%arg22 : memref<!tpu.dma_semaphore, #tpu.memory_space<semaphore_mem>>) src(%dma_wait3A_14 : memref<40xi32, #tpu.memory_space<hbm>>) dst(%arg12 : memref<40xi32, #tpu.memory_space<vmem>>)
    %dma_start3A_15 = arith.constant 0 : i32
    %dma_start3A_16 = arith.constant 0 : i32
    %dma_start3A_17 = tpu.memref_slice %arg2[%dma_start3A_15, %dma_start3A_16] : memref<10000x128xf32, #tpu.memory_space<hbm>> -> memref<10000x128xf32, #tpu.memory_space<hbm>>
    tpu.enqueue_indirect_dma source(%dma_start3A_17 : memref<10000x128xf32, #tpu.memory_space<hbm>>) target(%arg17 : memref<40x128xf32, #tpu.memory_space<vmem>>) offsets(%arg7 : memref<40xi32, #tpu.memory_space<vmem>>) semaphore(%arg27 : memref<!tpu.dma_semaphore, #tpu.memory_space<semaphore_mem>>)
    %mul3A_18 = arith.constant 2000 : i32
    %mul3A_19 = arith.muli %add3A, %mul3A_18 : i32
    %add3A_20 = arith.constant 40 : i32
    %add3A_21 = arith.addi %mul3A_19, %add3A_20 : i32
    %dma_start3A_22 = tpu.memref_slice %arg4[%add3A_21] : memref<64000xi32, #tpu.memory_space<hbm>> -> memref<40xi32, #tpu.memory_space<hbm>>
    %dma_start3A_23 = tpu.memref_slice %arg4[%add3A_21] : memref<64000xi32, #tpu.memory_space<hbm>> -> memref<40xi32, #tpu.memory_space<hbm>>
    tpu.enqueue_dma source(%dma_start3A_23 : memref<40xi32, #tpu.memory_space<hbm>>) target(%arg8 : memref<40xi32, #tpu.memory_space<vmem>>) target_semaphore(%arg23 : memref<!tpu.dma_semaphore, #tpu.memory_space<semaphore_mem>>)
    %dma_start3A_24 = tpu.memref_slice %arg5[%add3A_21] : memref<64000xi32, #tpu.memory_space<hbm>> -> memref<40xi32, #tpu.memory_space<hbm>>
    %dma_start3A_25 = tpu.memref_slice %arg5[%add3A_21] : memref<64000xi32, #tpu.memory_space<hbm>> -> memref<40xi32, #tpu.memory_space<hbm>>
    tpu.enqueue_dma source(%dma_start3A_25 : memref<40xi32, #tpu.memory_space<hbm>>) target(%arg13 : memref<40xi32, #tpu.memory_space<vmem>>) target_semaphore(%arg23 : memref<!tpu.dma_semaphore, #tpu.memory_space<semaphore_mem>>)
    %mul3A_26 = arith.constant 2000 : i32
    %mul3A_27 = arith.muli %add3A, %mul3A_26 : i32
    %add3A_28 = arith.constant 80 : i32
    %add3A_29 = arith.addi %mul3A_27, %add3A_28 : i32
    %dma_start3A_30 = tpu.memref_slice %arg4[%add3A_29] : memref<64000xi32, #tpu.memory_space<hbm>> -> memref<40xi32, #tpu.memory_space<hbm>>
    %dma_start3A_31 = tpu.memref_slice %arg4[%add3A_29] : memref<64000xi32, #tpu.memory_space<hbm>> -> memref<40xi32, #tpu.memory_space<hbm>>
    tpu.enqueue_dma source(%dma_start3A_31 : memref<40xi32, #tpu.memory_space<hbm>>) target(%arg9 : memref<40xi32, #tpu.memory_space<vmem>>) target_semaphore(%arg24 : memref<!tpu.dma_semaphore, #tpu.memory_space<semaphore_mem>>)
    %dma_start3A_32 = tpu.memref_slice %arg5[%add3A_29] : memref<64000xi32, #tpu.memory_space<hbm>> -> memref<40xi32, #tpu.memory_space<hbm>>
    %dma_start3A_33 = tpu.memref_slice %arg5[%add3A_29] : memref<64000xi32, #tpu.memory_space<hbm>> -> memref<40xi32, #tpu.memory_space<hbm>>
    tpu.enqueue_dma source(%dma_start3A_33 : memref<40xi32, #tpu.memory_space<hbm>>) target(%arg14 : memref<40xi32, #tpu.memory_space<vmem>>) target_semaphore(%arg24 : memref<!tpu.dma_semaphore, #tpu.memory_space<semaphore_mem>>)
    %scan3A = arith.constant 0 : i32
    %scan3A_34 = arith.constant 0 : i32
    %scan3A_35 = arith.constant 10 : i32
    %scan3A_36 = arith.addi %scan3A_34, %scan3A_35 : i32
    %scan3A_37 = arith.constant 1 : i32
    scf.for %scan3A_66 = %scan3A_34 to %scan3A_36 step %scan3A_37  : i32 {
      %mul3A_67 = arith.constant 5 : i32
      %mul3A_68 = arith.muli %mul3A_67, %scan3A_66 : i32
      %add3A_69 = arith.constant 0 : i32
      %add3A_70 = arith.addi %mul3A_68, %add3A_69 : i32
      %add3A_71 = arith.constant 1 : i32
      %add3A_72 = arith.addi %add3A_70, %add3A_71 : i32
      %le3A = arith.constant 49 : i32
      %le3A_73 = arith.cmpi sle, %add3A_72, %le3A : i32
      %convert_element_type3A = arith.extui %le3A_73 : i1 to i32
      %cond3A = arith.constant 0 : i32
      %cond3A_74 = arith.cmpi ne, %convert_element_type3A, %cond3A : i32
      scf.if %cond3A_74 {
        %add3A_233 = arith.constant 1 : i32
        %add3A_234 = arith.addi %add3A_70, %add3A_233 : i32
        %mul3A_235 = arith.constant 2000 : i32
        %mul3A_236 = arith.muli %add3A, %mul3A_235 : i32
        %mul3A_237 = arith.constant 40 : i32
        %mul3A_238 = arith.muli %add3A_234, %mul3A_237 : i32
        %add3A_239 = arith.addi %mul3A_236, %mul3A_238 : i32
        %dma_wait3A_240 = tpu.memref_slice %arg4[%add3A_239] : memref<64000xi32, #tpu.memory_space<hbm>> -> memref<40xi32, #tpu.memory_space<hbm>>
        %dma_wait3A_241 = tpu.memref_slice %arg4[%add3A_239] : memref<64000xi32, #tpu.memory_space<hbm>> -> memref<40xi32, #tpu.memory_space<hbm>>
        tpu.wait_dma2 semaphore(%arg23 : memref<!tpu.dma_semaphore, #tpu.memory_space<semaphore_mem>>) src(%dma_wait3A_241 : memref<40xi32, #tpu.memory_space<hbm>>) dst(%arg8 : memref<40xi32, #tpu.memory_space<vmem>>)
        %dma_wait3A_242 = tpu.memref_slice %arg5[%add3A_239] : memref<64000xi32, #tpu.memory_space<hbm>> -> memref<40xi32, #tpu.memory_space<hbm>>
        %dma_wait3A_243 = tpu.memref_slice %arg5[%add3A_239] : memref<64000xi32, #tpu.memory_space<hbm>> -> memref<40xi32, #tpu.memory_space<hbm>>
        tpu.wait_dma2 semaphore(%arg23 : memref<!tpu.dma_semaphore, #tpu.memory_space<semaphore_mem>>) src(%dma_wait3A_243 : memref<40xi32, #tpu.memory_space<hbm>>) dst(%arg13 : memref<40xi32, #tpu.memory_space<vmem>>)
        %dma_start3A_244 = arith.constant 0 : i32
        %dma_start3A_245 = arith.constant 0 : i32
        %dma_start3A_246 = tpu.memref_slice %arg2[%dma_start3A_244, %dma_start3A_245] : memref<10000x128xf32, #tpu.memory_space<hbm>> -> memref<10000x128xf32, #tpu.memory_space<hbm>>
        tpu.enqueue_indirect_dma source(%dma_start3A_246 : memref<10000x128xf32, #tpu.memory_space<hbm>>) target(%arg18 : memref<40x128xf32, #tpu.memory_space<vmem>>) offsets(%arg8 : memref<40xi32, #tpu.memory_space<vmem>>) semaphore(%arg28 : memref<!tpu.dma_semaphore, #tpu.memory_space<semaphore_mem>>)
      } else {
      }
      %dma_wait3A_75 = arith.constant 0 : i32
      %dma_wait3A_76 = arith.constant 0 : i32
      %dma_wait3A_77 = tpu.memref_slice %arg2[%dma_wait3A_75, %dma_wait3A_76] : memref<10000x128xf32, #tpu.memory_space<hbm>> -> memref<10000x128xf32, #tpu.memory_space<hbm>>
      tpu.wait_indirect_dma semaphore(%arg27 : memref<!tpu.dma_semaphore, #tpu.memory_space<semaphore_mem>>) src(%dma_wait3A_77 : memref<10000x128xf32, #tpu.memory_space<hbm>>) dst(%arg17 : memref<40x128xf32, #tpu.memory_space<vmem>>)
      %dma_start3A_78 = arith.constant 0 : i32
      %dma_start3A_79 = arith.constant 0 : i32
      %dma_start3A_80 = tpu.memref_slice %arg3[%dma_start3A_78, %dma_start3A_79] : memref<10000x128xf32, #tpu.memory_space<hbm>> -> memref<10000x128xf32, #tpu.memory_space<hbm>>
      tpu.enqueue_indirect_dma source(%dma_start3A_80 : memref<10000x128xf32, #tpu.memory_space<hbm>>) target(%arg17 : memref<40x128xf32, #tpu.memory_space<vmem>>) offsets(%arg12 : memref<40xi32, #tpu.memory_space<vmem>>) semaphore(%arg32 : memref<!tpu.dma_semaphore, #tpu.memory_space<semaphore_mem>>) {add = true}
      %ge3A = arith.constant 1 : i32
      %ge3A_81 = arith.cmpi sge, %add3A_70, %ge3A : i32
      %convert_element_type3A_82 = arith.extui %ge3A_81 : i1 to i32
      %cond3A_83 = arith.constant 0 : i32
      %cond3A_84 = arith.cmpi ne, %convert_element_type3A_82, %cond3A_83 : i32
      scf.if %cond3A_84 {
        %dma_wait3A_233 = arith.constant 0 : i32
        %dma_wait3A_234 = arith.constant 0 : i32
        %dma_wait3A_235 = tpu.memref_slice %arg3[%dma_wait3A_233, %dma_wait3A_234] : memref<10000x128xf32, #tpu.memory_space<hbm>> -> memref<10000x128xf32, #tpu.memory_space<hbm>>
        tpu.wait_indirect_dma semaphore(%arg36 : memref<!tpu.dma_semaphore, #tpu.memory_space<semaphore_mem>>) src(%dma_wait3A_235 : memref<10000x128xf32, #tpu.memory_space<hbm>>) dst(%arg21 : memref<40x128xf32, #tpu.memory_space<vmem>>)
        %sub3A = arith.constant 1 : i32
        %sub3A_236 = arith.subi %add3A_70, %sub3A : i32
        %mul3A_237 = arith.constant 2000 : i32
        %mul3A_238 = arith.muli %add3A, %mul3A_237 : i32
        %mul3A_239 = arith.constant 40 : i32
        %mul3A_240 = arith.muli %sub3A_236, %mul3A_239 : i32
        %add3A_241 = arith.addi %mul3A_238, %mul3A_240 : i32
        %dma_start3A_242 = arith.constant 0 : i32
        %dma_start3A_243 = tpu.memref_slice %arg6[%add3A_241, %dma_start3A_242] : memref<64000x128xf32, #tpu.memory_space<hbm>> -> memref<40x128xf32, #tpu.memory_space<hbm>>
        %dma_start3A_244 = arith.constant 0 : i32
        %dma_start3A_245 = tpu.memref_slice %arg6[%add3A_241, %dma_start3A_244] : memref<64000x128xf32, #tpu.memory_space<hbm>> -> memref<40x128xf32, #tpu.memory_space<hbm>>
        tpu.enqueue_dma source(%arg21 : memref<40x128xf32, #tpu.memory_space<vmem>>) target(%dma_start3A_245 : memref<40x128xf32, #tpu.memory_space<hbm>>) target_semaphore(%arg41 : memref<!tpu.dma_semaphore, #tpu.memory_space<semaphore_mem>>)
      } else {
      }
      %ge3A_85 = arith.constant 2 : i32
      %ge3A_86 = arith.cmpi sge, %add3A_70, %ge3A_85 : i32
      %convert_element_type3A_87 = arith.extui %ge3A_86 : i1 to i32
      %cond3A_88 = arith.constant 0 : i32
      %cond3A_89 = arith.cmpi ne, %convert_element_type3A_87, %cond3A_88 : i32
      scf.if %cond3A_89 {
        %sub3A = arith.constant 2 : i32
        %sub3A_233 = arith.subi %add3A_70, %sub3A : i32
        %mul3A_234 = arith.constant 2000 : i32
        %mul3A_235 = arith.muli %add3A, %mul3A_234 : i32
        %mul3A_236 = arith.constant 40 : i32
        %mul3A_237 = arith.muli %sub3A_233, %mul3A_236 : i32
        %add3A_238 = arith.addi %mul3A_235, %mul3A_237 : i32
        %dma_wait3A_239 = arith.constant 0 : i32
        %dma_wait3A_240 = tpu.memref_slice %arg6[%add3A_238, %dma_wait3A_239] : memref<64000x128xf32, #tpu.memory_space<hbm>> -> memref<40x128xf32, #tpu.memory_space<hbm>>
        %dma_wait3A_241 = arith.constant 0 : i32
        %dma_wait3A_242 = tpu.memref_slice %arg6[%add3A_238, %dma_wait3A_241] : memref<64000x128xf32, #tpu.memory_space<hbm>> -> memref<40x128xf32, #tpu.memory_space<hbm>>
        tpu.wait_dma2 semaphore(%arg40 : memref<!tpu.dma_semaphore, #tpu.memory_space<semaphore_mem>>) src(%arg20 : memref<40x128xf32, #tpu.memory_space<vmem>>) dst(%dma_wait3A_242 : memref<40x128xf32, #tpu.memory_space<hbm>>)
      } else {
      }
      %add3A_90 = arith.constant 3 : i32
      %add3A_91 = arith.addi %add3A_70, %add3A_90 : i32
      %le3A_92 = arith.constant 49 : i32
      %le3A_93 = arith.cmpi sle, %add3A_91, %le3A_92 : i32
      %convert_element_type3A_94 = arith.extui %le3A_93 : i1 to i32
      %cond3A_95 = arith.constant 0 : i32
      %cond3A_96 = arith.cmpi ne, %convert_element_type3A_94, %cond3A_95 : i32
      scf.if %cond3A_96 {
        %add3A_233 = arith.constant 3 : i32
        %add3A_234 = arith.addi %add3A_70, %add3A_233 : i32
        %mul3A_235 = arith.constant 2000 : i32
        %mul3A_236 = arith.muli %add3A, %mul3A_235 : i32
        %mul3A_237 = arith.constant 40 : i32
        %mul3A_238 = arith.muli %add3A_234, %mul3A_237 : i32
        %add3A_239 = arith.addi %mul3A_236, %mul3A_238 : i32
        %dma_start3A_240 = tpu.memref_slice %arg4[%add3A_239] : memref<64000xi32, #tpu.memory_space<hbm>> -> memref<40xi32, #tpu.memory_space<hbm>>
        %dma_start3A_241 = tpu.memref_slice %arg4[%add3A_239] : memref<64000xi32, #tpu.memory_space<hbm>> -> memref<40xi32, #tpu.memory_space<hbm>>
        tpu.enqueue_dma source(%dma_start3A_241 : memref<40xi32, #tpu.memory_space<hbm>>) target(%arg10 : memref<40xi32, #tpu.memory_space<vmem>>) target_semaphore(%arg25 : memref<!tpu.dma_semaphore, #tpu.memory_space<semaphore_mem>>)
        %dma_start3A_242 = tpu.memref_slice %arg5[%add3A_239] : memref<64000xi32, #tpu.memory_space<hbm>> -> memref<40xi32, #tpu.memory_space<hbm>>
        %dma_start3A_243 = tpu.memref_slice %arg5[%add3A_239] : memref<64000xi32, #tpu.memory_space<hbm>> -> memref<40xi32, #tpu.memory_space<hbm>>
        tpu.enqueue_dma source(%dma_start3A_243 : memref<40xi32, #tpu.memory_space<hbm>>) target(%arg15 : memref<40xi32, #tpu.memory_space<vmem>>) target_semaphore(%arg25 : memref<!tpu.dma_semaphore, #tpu.memory_space<semaphore_mem>>)
      } else {
      }
      %mul3A_97 = arith.constant 5 : i32
      %mul3A_98 = arith.muli %mul3A_97, %scan3A_66 : i32
      %add3A_99 = arith.constant 1 : i32
      %add3A_100 = arith.addi %mul3A_98, %add3A_99 : i32
      %add3A_101 = arith.constant 1 : i32
      %add3A_102 = arith.addi %add3A_100, %add3A_101 : i32
      %le3A_103 = arith.constant 49 : i32
      %le3A_104 = arith.cmpi sle, %add3A_102, %le3A_103 : i32
      %convert_element_type3A_105 = arith.extui %le3A_104 : i1 to i32
      %cond3A_106 = arith.constant 0 : i32
      %cond3A_107 = arith.cmpi ne, %convert_element_type3A_105, %cond3A_106 : i32
      scf.if %cond3A_107 {
        %add3A_233 = arith.constant 1 : i32
        %add3A_234 = arith.addi %add3A_100, %add3A_233 : i32
        %mul3A_235 = arith.constant 2000 : i32
        %mul3A_236 = arith.muli %add3A, %mul3A_235 : i32
        %mul3A_237 = arith.constant 40 : i32
        %mul3A_238 = arith.muli %add3A_234, %mul3A_237 : i32
        %add3A_239 = arith.addi %mul3A_236, %mul3A_238 : i32
        %dma_wait3A_240 = tpu.memref_slice %arg4[%add3A_239] : memref<64000xi32, #tpu.memory_space<hbm>> -> memref<40xi32, #tpu.memory_space<hbm>>
        %dma_wait3A_241 = tpu.memref_slice %arg4[%add3A_239] : memref<64000xi32, #tpu.memory_space<hbm>> -> memref<40xi32, #tpu.memory_space<hbm>>
        tpu.wait_dma2 semaphore(%arg24 : memref<!tpu.dma_semaphore, #tpu.memory_space<semaphore_mem>>) src(%dma_wait3A_241 : memref<40xi32, #tpu.memory_space<hbm>>) dst(%arg9 : memref<40xi32, #tpu.memory_space<vmem>>)
        %dma_wait3A_242 = tpu.memref_slice %arg5[%add3A_239] : memref<64000xi32, #tpu.memory_space<hbm>> -> memref<40xi32, #tpu.memory_space<hbm>>
        %dma_wait3A_243 = tpu.memref_slice %arg5[%add3A_239] : memref<64000xi32, #tpu.memory_space<hbm>> -> memref<40xi32, #tpu.memory_space<hbm>>
        tpu.wait_dma2 semaphore(%arg24 : memref<!tpu.dma_semaphore, #tpu.memory_space<semaphore_mem>>) src(%dma_wait3A_243 : memref<40xi32, #tpu.memory_space<hbm>>) dst(%arg14 : memref<40xi32, #tpu.memory_space<vmem>>)
        %dma_start3A_244 = arith.constant 0 : i32
        %dma_start3A_245 = arith.constant 0 : i32
        %dma_start3A_246 = tpu.memref_slice %arg2[%dma_start3A_244, %dma_start3A_245] : memref<10000x128xf32, #tpu.memory_space<hbm>> -> memref<10000x128xf32, #tpu.memory_space<hbm>>
        tpu.enqueue_indirect_dma source(%dma_start3A_246 : memref<10000x128xf32, #tpu.memory_space<hbm>>) target(%arg19 : memref<40x128xf32, #tpu.memory_space<vmem>>) offsets(%arg9 : memref<40xi32, #tpu.memory_space<vmem>>) semaphore(%arg29 : memref<!tpu.dma_semaphore, #tpu.memory_space<semaphore_mem>>)
      } else {
      }
      %dma_wait3A_108 = arith.constant 0 : i32
      %dma_wait3A_109 = arith.constant 0 : i32
      %dma_wait3A_110 = tpu.memref_slice %arg2[%dma_wait3A_108, %dma_wait3A_109] : memref<10000x128xf32, #tpu.memory_space<hbm>> -> memref<10000x128xf32, #tpu.memory_space<hbm>>
      tpu.wait_indirect_dma semaphore(%arg28 : memref<!tpu.dma_semaphore, #tpu.memory_space<semaphore_mem>>) src(%dma_wait3A_110 : memref<10000x128xf32, #tpu.memory_space<hbm>>) dst(%arg18 : memref<40x128xf32, #tpu.memory_space<vmem>>)
      %dma_start3A_111 = arith.constant 0 : i32
      %dma_start3A_112 = arith.constant 0 : i32
      %dma_start3A_113 = tpu.memref_slice %arg3[%dma_start3A_111, %dma_start3A_112] : memref<10000x128xf32, #tpu.memory_space<hbm>> -> memref<10000x128xf32, #tpu.memory_space<hbm>>
      tpu.enqueue_indirect_dma source(%dma_start3A_113 : memref<10000x128xf32, #tpu.memory_space<hbm>>) target(%arg18 : memref<40x128xf32, #tpu.memory_space<vmem>>) offsets(%arg13 : memref<40xi32, #tpu.memory_space<vmem>>) semaphore(%arg33 : memref<!tpu.dma_semaphore, #tpu.memory_space<semaphore_mem>>) {add = true}
      %ge3A_114 = arith.constant 1 : i32
      %ge3A_115 = arith.cmpi sge, %add3A_100, %ge3A_114 : i32
      %convert_element_type3A_116 = arith.extui %ge3A_115 : i1 to i32
      %cond3A_117 = arith.constant 0 : i32
      %cond3A_118 = arith.cmpi ne, %convert_element_type3A_116, %cond3A_117 : i32
      scf.if %cond3A_118 {
        %dma_wait3A_233 = arith.constant 0 : i32
        %dma_wait3A_234 = arith.constant 0 : i32
        %dma_wait3A_235 = tpu.memref_slice %arg3[%dma_wait3A_233, %dma_wait3A_234] : memref<10000x128xf32, #tpu.memory_space<hbm>> -> memref<10000x128xf32, #tpu.memory_space<hbm>>
        tpu.wait_indirect_dma semaphore(%arg32 : memref<!tpu.dma_semaphore, #tpu.memory_space<semaphore_mem>>) src(%dma_wait3A_235 : memref<10000x128xf32, #tpu.memory_space<hbm>>) dst(%arg17 : memref<40x128xf32, #tpu.memory_space<vmem>>)
        %sub3A = arith.constant 1 : i32
        %sub3A_236 = arith.subi %add3A_100, %sub3A : i32
        %mul3A_237 = arith.constant 2000 : i32
        %mul3A_238 = arith.muli %add3A, %mul3A_237 : i32
        %mul3A_239 = arith.constant 40 : i32
        %mul3A_240 = arith.muli %sub3A_236, %mul3A_239 : i32
        %add3A_241 = arith.addi %mul3A_238, %mul3A_240 : i32
        %dma_start3A_242 = arith.constant 0 : i32
        %dma_start3A_243 = tpu.memref_slice %arg6[%add3A_241, %dma_start3A_242] : memref<64000x128xf32, #tpu.memory_space<hbm>> -> memref<40x128xf32, #tpu.memory_space<hbm>>
        %dma_start3A_244 = arith.constant 0 : i32
        %dma_start3A_245 = tpu.memref_slice %arg6[%add3A_241, %dma_start3A_244] : memref<64000x128xf32, #tpu.memory_space<hbm>> -> memref<40x128xf32, #tpu.memory_space<hbm>>
        tpu.enqueue_dma source(%arg17 : memref<40x128xf32, #tpu.memory_space<vmem>>) target(%dma_start3A_245 : memref<40x128xf32, #tpu.memory_space<hbm>>) target_semaphore(%arg37 : memref<!tpu.dma_semaphore, #tpu.memory_space<semaphore_mem>>)
      } else {
      }
      %ge3A_119 = arith.constant 2 : i32
      %ge3A_120 = arith.cmpi sge, %add3A_100, %ge3A_119 : i32
      %convert_element_type3A_121 = arith.extui %ge3A_120 : i1 to i32
      %cond3A_122 = arith.constant 0 : i32
      %cond3A_123 = arith.cmpi ne, %convert_element_type3A_121, %cond3A_122 : i32
      scf.if %cond3A_123 {
        %sub3A = arith.constant 2 : i32
        %sub3A_233 = arith.subi %add3A_100, %sub3A : i32
        %mul3A_234 = arith.constant 2000 : i32
        %mul3A_235 = arith.muli %add3A, %mul3A_234 : i32
        %mul3A_236 = arith.constant 40 : i32
        %mul3A_237 = arith.muli %sub3A_233, %mul3A_236 : i32
        %add3A_238 = arith.addi %mul3A_235, %mul3A_237 : i32
        %dma_wait3A_239 = arith.constant 0 : i32
        %dma_wait3A_240 = tpu.memref_slice %arg6[%add3A_238, %dma_wait3A_239] : memref<64000x128xf32, #tpu.memory_space<hbm>> -> memref<40x128xf32, #tpu.memory_space<hbm>>
        %dma_wait3A_241 = arith.constant 0 : i32
        %dma_wait3A_242 = tpu.memref_slice %arg6[%add3A_238, %dma_wait3A_241] : memref<64000x128xf32, #tpu.memory_space<hbm>> -> memref<40x128xf32, #tpu.memory_space<hbm>>
        tpu.wait_dma2 semaphore(%arg41 : memref<!tpu.dma_semaphore, #tpu.memory_space<semaphore_mem>>) src(%arg21 : memref<40x128xf32, #tpu.memory_space<vmem>>) dst(%dma_wait3A_242 : memref<40x128xf32, #tpu.memory_space<hbm>>)
      } else {
      }
      %add3A_124 = arith.constant 3 : i32
      %add3A_125 = arith.addi %add3A_100, %add3A_124 : i32
      %le3A_126 = arith.constant 49 : i32
      %le3A_127 = arith.cmpi sle, %add3A_125, %le3A_126 : i32
      %convert_element_type3A_128 = arith.extui %le3A_127 : i1 to i32
      %cond3A_129 = arith.constant 0 : i32
      %cond3A_130 = arith.cmpi ne, %convert_element_type3A_128, %cond3A_129 : i32
      scf.if %cond3A_130 {
        %add3A_233 = arith.constant 3 : i32
        %add3A_234 = arith.addi %add3A_100, %add3A_233 : i32
        %mul3A_235 = arith.constant 2000 : i32
        %mul3A_236 = arith.muli %add3A, %mul3A_235 : i32
        %mul3A_237 = arith.constant 40 : i32
        %mul3A_238 = arith.muli %add3A_234, %mul3A_237 : i32
        %add3A_239 = arith.addi %mul3A_236, %mul3A_238 : i32
        %dma_start3A_240 = tpu.memref_slice %arg4[%add3A_239] : memref<64000xi32, #tpu.memory_space<hbm>> -> memref<40xi32, #tpu.memory_space<hbm>>
        %dma_start3A_241 = tpu.memref_slice %arg4[%add3A_239] : memref<64000xi32, #tpu.memory_space<hbm>> -> memref<40xi32, #tpu.memory_space<hbm>>
        tpu.enqueue_dma source(%dma_start3A_241 : memref<40xi32, #tpu.memory_space<hbm>>) target(%arg11 : memref<40xi32, #tpu.memory_space<vmem>>) target_semaphore(%arg26 : memref<!tpu.dma_semaphore, #tpu.memory_space<semaphore_mem>>)
        %dma_start3A_242 = tpu.memref_slice %arg5[%add3A_239] : memref<64000xi32, #tpu.memory_space<hbm>> -> memref<40xi32, #tpu.memory_space<hbm>>
        %dma_start3A_243 = tpu.memref_slice %arg5[%add3A_239] : memref<64000xi32, #tpu.memory_space<hbm>> -> memref<40xi32, #tpu.memory_space<hbm>>
        tpu.enqueue_dma source(%dma_start3A_243 : memref<40xi32, #tpu.memory_space<hbm>>) target(%arg16 : memref<40xi32, #tpu.memory_space<vmem>>) target_semaphore(%arg26 : memref<!tpu.dma_semaphore, #tpu.memory_space<semaphore_mem>>)
      } else {
      }
      %mul3A_131 = arith.constant 5 : i32
      %mul3A_132 = arith.muli %mul3A_131, %scan3A_66 : i32
      %add3A_133 = arith.constant 2 : i32
      %add3A_134 = arith.addi %mul3A_132, %add3A_133 : i32
      %add3A_135 = arith.constant 1 : i32
      %add3A_136 = arith.addi %add3A_134, %add3A_135 : i32
      %le3A_137 = arith.constant 49 : i32
      %le3A_138 = arith.cmpi sle, %add3A_136, %le3A_137 : i32
      %convert_element_type3A_139 = arith.extui %le3A_138 : i1 to i32
      %cond3A_140 = arith.constant 0 : i32
      %cond3A_141 = arith.cmpi ne, %convert_element_type3A_139, %cond3A_140 : i32
      scf.if %cond3A_141 {
        %add3A_233 = arith.constant 1 : i32
        %add3A_234 = arith.addi %add3A_134, %add3A_233 : i32
        %mul3A_235 = arith.constant 2000 : i32
        %mul3A_236 = arith.muli %add3A, %mul3A_235 : i32
        %mul3A_237 = arith.constant 40 : i32
        %mul3A_238 = arith.muli %add3A_234, %mul3A_237 : i32
        %add3A_239 = arith.addi %mul3A_236, %mul3A_238 : i32
        %dma_wait3A_240 = tpu.memref_slice %arg4[%add3A_239] : memref<64000xi32, #tpu.memory_space<hbm>> -> memref<40xi32, #tpu.memory_space<hbm>>
        %dma_wait3A_241 = tpu.memref_slice %arg4[%add3A_239] : memref<64000xi32, #tpu.memory_space<hbm>> -> memref<40xi32, #tpu.memory_space<hbm>>
        tpu.wait_dma2 semaphore(%arg25 : memref<!tpu.dma_semaphore, #tpu.memory_space<semaphore_mem>>) src(%dma_wait3A_241 : memref<40xi32, #tpu.memory_space<hbm>>) dst(%arg10 : memref<40xi32, #tpu.memory_space<vmem>>)
        %dma_wait3A_242 = tpu.memref_slice %arg5[%add3A_239] : memref<64000xi32, #tpu.memory_space<hbm>> -> memref<40xi32, #tpu.memory_space<hbm>>
        %dma_wait3A_243 = tpu.memref_slice %arg5[%add3A_239] : memref<64000xi32, #tpu.memory_space<hbm>> -> memref<40xi32, #tpu.memory_space<hbm>>
        tpu.wait_dma2 semaphore(%arg25 : memref<!tpu.dma_semaphore, #tpu.memory_space<semaphore_mem>>) src(%dma_wait3A_243 : memref<40xi32, #tpu.memory_space<hbm>>) dst(%arg15 : memref<40xi32, #tpu.memory_space<vmem>>)
        %dma_start3A_244 = arith.constant 0 : i32
        %dma_start3A_245 = arith.constant 0 : i32
        %dma_start3A_246 = tpu.memref_slice %arg2[%dma_start3A_244, %dma_start3A_245] : memref<10000x128xf32, #tpu.memory_space<hbm>> -> memref<10000x128xf32, #tpu.memory_space<hbm>>
        tpu.enqueue_indirect_dma source(%dma_start3A_246 : memref<10000x128xf32, #tpu.memory_space<hbm>>) target(%arg20 : memref<40x128xf32, #tpu.memory_space<vmem>>) offsets(%arg10 : memref<40xi32, #tpu.memory_space<vmem>>) semaphore(%arg30 : memref<!tpu.dma_semaphore, #tpu.memory_space<semaphore_mem>>)
      } else {
      }
      %dma_wait3A_142 = arith.constant 0 : i32
      %dma_wait3A_143 = arith.constant 0 : i32
      %dma_wait3A_144 = tpu.memref_slice %arg2[%dma_wait3A_142, %dma_wait3A_143] : memref<10000x128xf32, #tpu.memory_space<hbm>> -> memref<10000x128xf32, #tpu.memory_space<hbm>>
      tpu.wait_indirect_dma semaphore(%arg29 : memref<!tpu.dma_semaphore, #tpu.memory_space<semaphore_mem>>) src(%dma_wait3A_144 : memref<10000x128xf32, #tpu.memory_space<hbm>>) dst(%arg19 : memref<40x128xf32, #tpu.memory_space<vmem>>)
      %dma_start3A_145 = arith.constant 0 : i32
      %dma_start3A_146 = arith.constant 0 : i32
      %dma_start3A_147 = tpu.memref_slice %arg3[%dma_start3A_145, %dma_start3A_146] : memref<10000x128xf32, #tpu.memory_space<hbm>> -> memref<10000x128xf32, #tpu.memory_space<hbm>>
      tpu.enqueue_indirect_dma source(%dma_start3A_147 : memref<10000x128xf32, #tpu.memory_space<hbm>>) target(%arg19 : memref<40x128xf32, #tpu.memory_space<vmem>>) offsets(%arg14 : memref<40xi32, #tpu.memory_space<vmem>>) semaphore(%arg34 : memref<!tpu.dma_semaphore, #tpu.memory_space<semaphore_mem>>) {add = true}
      %ge3A_148 = arith.constant 1 : i32
      %ge3A_149 = arith.cmpi sge, %add3A_134, %ge3A_148 : i32
      %convert_element_type3A_150 = arith.extui %ge3A_149 : i1 to i32
      %cond3A_151 = arith.constant 0 : i32
      %cond3A_152 = arith.cmpi ne, %convert_element_type3A_150, %cond3A_151 : i32
      scf.if %cond3A_152 {
        %dma_wait3A_233 = arith.constant 0 : i32
        %dma_wait3A_234 = arith.constant 0 : i32
        %dma_wait3A_235 = tpu.memref_slice %arg3[%dma_wait3A_233, %dma_wait3A_234] : memref<10000x128xf32, #tpu.memory_space<hbm>> -> memref<10000x128xf32, #tpu.memory_space<hbm>>
        tpu.wait_indirect_dma semaphore(%arg33 : memref<!tpu.dma_semaphore, #tpu.memory_space<semaphore_mem>>) src(%dma_wait3A_235 : memref<10000x128xf32, #tpu.memory_space<hbm>>) dst(%arg18 : memref<40x128xf32, #tpu.memory_space<vmem>>)
        %sub3A = arith.constant 1 : i32
        %sub3A_236 = arith.subi %add3A_134, %sub3A : i32
        %mul3A_237 = arith.constant 2000 : i32
        %mul3A_238 = arith.muli %add3A, %mul3A_237 : i32
        %mul3A_239 = arith.constant 40 : i32
        %mul3A_240 = arith.muli %sub3A_236, %mul3A_239 : i32
        %add3A_241 = arith.addi %mul3A_238, %mul3A_240 : i32
        %dma_start3A_242 = arith.constant 0 : i32
        %dma_start3A_243 = tpu.memref_slice %arg6[%add3A_241, %dma_start3A_242] : memref<64000x128xf32, #tpu.memory_space<hbm>> -> memref<40x128xf32, #tpu.memory_space<hbm>>
        %dma_start3A_244 = arith.constant 0 : i32
        %dma_start3A_245 = tpu.memref_slice %arg6[%add3A_241, %dma_start3A_244] : memref<64000x128xf32, #tpu.memory_space<hbm>> -> memref<40x128xf32, #tpu.memory_space<hbm>>
        tpu.enqueue_dma source(%arg18 : memref<40x128xf32, #tpu.memory_space<vmem>>) target(%dma_start3A_245 : memref<40x128xf32, #tpu.memory_space<hbm>>) target_semaphore(%arg38 : memref<!tpu.dma_semaphore, #tpu.memory_space<semaphore_mem>>)
      } else {
      }
      %ge3A_153 = arith.constant 2 : i32
      %ge3A_154 = arith.cmpi sge, %add3A_134, %ge3A_153 : i32
      %convert_element_type3A_155 = arith.extui %ge3A_154 : i1 to i32
      %cond3A_156 = arith.constant 0 : i32
      %cond3A_157 = arith.cmpi ne, %convert_element_type3A_155, %cond3A_156 : i32
      scf.if %cond3A_157 {
        %sub3A = arith.constant 2 : i32
        %sub3A_233 = arith.subi %add3A_134, %sub3A : i32
        %mul3A_234 = arith.constant 2000 : i32
        %mul3A_235 = arith.muli %add3A, %mul3A_234 : i32
        %mul3A_236 = arith.constant 40 : i32
        %mul3A_237 = arith.muli %sub3A_233, %mul3A_236 : i32
        %add3A_238 = arith.addi %mul3A_235, %mul3A_237 : i32
        %dma_wait3A_239 = arith.constant 0 : i32
        %dma_wait3A_240 = tpu.memref_slice %arg6[%add3A_238, %dma_wait3A_239] : memref<64000x128xf32, #tpu.memory_space<hbm>> -> memref<40x128xf32, #tpu.memory_space<hbm>>
        %dma_wait3A_241 = arith.constant 0 : i32
        %dma_wait3A_242 = tpu.memref_slice %arg6[%add3A_238, %dma_wait3A_241] : memref<64000x128xf32, #tpu.memory_space<hbm>> -> memref<40x128xf32, #tpu.memory_space<hbm>>
        tpu.wait_dma2 semaphore(%arg37 : memref<!tpu.dma_semaphore, #tpu.memory_space<semaphore_mem>>) src(%arg17 : memref<40x128xf32, #tpu.memory_space<vmem>>) dst(%dma_wait3A_242 : memref<40x128xf32, #tpu.memory_space<hbm>>)
      } else {
      }
      %add3A_158 = arith.constant 3 : i32
      %add3A_159 = arith.addi %add3A_134, %add3A_158 : i32
      %le3A_160 = arith.constant 49 : i32
      %le3A_161 = arith.cmpi sle, %add3A_159, %le3A_160 : i32
      %convert_element_type3A_162 = arith.extui %le3A_161 : i1 to i32
      %cond3A_163 = arith.constant 0 : i32
      %cond3A_164 = arith.cmpi ne, %convert_element_type3A_162, %cond3A_163 : i32
      scf.if %cond3A_164 {
        %add3A_233 = arith.constant 3 : i32
        %add3A_234 = arith.addi %add3A_134, %add3A_233 : i32
        %mul3A_235 = arith.constant 2000 : i32
        %mul3A_236 = arith.muli %add3A, %mul3A_235 : i32
        %mul3A_237 = arith.constant 40 : i32
        %mul3A_238 = arith.muli %add3A_234, %mul3A_237 : i32
        %add3A_239 = arith.addi %mul3A_236, %mul3A_238 : i32
        %dma_start3A_240 = tpu.memref_slice %arg4[%add3A_239] : memref<64000xi32, #tpu.memory_space<hbm>> -> memref<40xi32, #tpu.memory_space<hbm>>
        %dma_start3A_241 = tpu.memref_slice %arg4[%add3A_239] : memref<64000xi32, #tpu.memory_space<hbm>> -> memref<40xi32, #tpu.memory_space<hbm>>
        tpu.enqueue_dma source(%dma_start3A_241 : memref<40xi32, #tpu.memory_space<hbm>>) target(%arg7 : memref<40xi32, #tpu.memory_space<vmem>>) target_semaphore(%arg22 : memref<!tpu.dma_semaphore, #tpu.memory_space<semaphore_mem>>)
        %dma_start3A_242 = tpu.memref_slice %arg5[%add3A_239] : memref<64000xi32, #tpu.memory_space<hbm>> -> memref<40xi32, #tpu.memory_space<hbm>>
        %dma_start3A_243 = tpu.memref_slice %arg5[%add3A_239] : memref<64000xi32, #tpu.memory_space<hbm>> -> memref<40xi32, #tpu.memory_space<hbm>>
        tpu.enqueue_dma source(%dma_start3A_243 : memref<40xi32, #tpu.memory_space<hbm>>) target(%arg12 : memref<40xi32, #tpu.memory_space<vmem>>) target_semaphore(%arg22 : memref<!tpu.dma_semaphore, #tpu.memory_space<semaphore_mem>>)
      } else {
      }
      %mul3A_165 = arith.constant 5 : i32
      %mul3A_166 = arith.muli %mul3A_165, %scan3A_66 : i32
      %add3A_167 = arith.constant 3 : i32
      %add3A_168 = arith.addi %mul3A_166, %add3A_167 : i32
      %add3A_169 = arith.constant 1 : i32
      %add3A_170 = arith.addi %add3A_168, %add3A_169 : i32
      %le3A_171 = arith.constant 49 : i32
      %le3A_172 = arith.cmpi sle, %add3A_170, %le3A_171 : i32
      %convert_element_type3A_173 = arith.extui %le3A_172 : i1 to i32
      %cond3A_174 = arith.constant 0 : i32
      %cond3A_175 = arith.cmpi ne, %convert_element_type3A_173, %cond3A_174 : i32
      scf.if %cond3A_175 {
        %add3A_233 = arith.constant 1 : i32
        %add3A_234 = arith.addi %add3A_168, %add3A_233 : i32
        %mul3A_235 = arith.constant 2000 : i32
        %mul3A_236 = arith.muli %add3A, %mul3A_235 : i32
        %mul3A_237 = arith.constant 40 : i32
        %mul3A_238 = arith.muli %add3A_234, %mul3A_237 : i32
        %add3A_239 = arith.addi %mul3A_236, %mul3A_238 : i32
        %dma_wait3A_240 = tpu.memref_slice %arg4[%add3A_239] : memref<64000xi32, #tpu.memory_space<hbm>> -> memref<40xi32, #tpu.memory_space<hbm>>
        %dma_wait3A_241 = tpu.memref_slice %arg4[%add3A_239] : memref<64000xi32, #tpu.memory_space<hbm>> -> memref<40xi32, #tpu.memory_space<hbm>>
        tpu.wait_dma2 semaphore(%arg26 : memref<!tpu.dma_semaphore, #tpu.memory_space<semaphore_mem>>) src(%dma_wait3A_241 : memref<40xi32, #tpu.memory_space<hbm>>) dst(%arg11 : memref<40xi32, #tpu.memory_space<vmem>>)
        %dma_wait3A_242 = tpu.memref_slice %arg5[%add3A_239] : memref<64000xi32, #tpu.memory_space<hbm>> -> memref<40xi32, #tpu.memory_space<hbm>>
        %dma_wait3A_243 = tpu.memref_slice %arg5[%add3A_239] : memref<64000xi32, #tpu.memory_space<hbm>> -> memref<40xi32, #tpu.memory_space<hbm>>
        tpu.wait_dma2 semaphore(%arg26 : memref<!tpu.dma_semaphore, #tpu.memory_space<semaphore_mem>>) src(%dma_wait3A_243 : memref<40xi32, #tpu.memory_space<hbm>>) dst(%arg16 : memref<40xi32, #tpu.memory_space<vmem>>)
        %dma_start3A_244 = arith.constant 0 : i32
        %dma_start3A_245 = arith.constant 0 : i32
        %dma_start3A_246 = tpu.memref_slice %arg2[%dma_start3A_244, %dma_start3A_245] : memref<10000x128xf32, #tpu.memory_space<hbm>> -> memref<10000x128xf32, #tpu.memory_space<hbm>>
        tpu.enqueue_indirect_dma source(%dma_start3A_246 : memref<10000x128xf32, #tpu.memory_space<hbm>>) target(%arg21 : memref<40x128xf32, #tpu.memory_space<vmem>>) offsets(%arg11 : memref<40xi32, #tpu.memory_space<vmem>>) semaphore(%arg31 : memref<!tpu.dma_semaphore, #tpu.memory_space<semaphore_mem>>)
      } else {
      }
      %dma_wait3A_176 = arith.constant 0 : i32
      %dma_wait3A_177 = arith.constant 0 : i32
      %dma_wait3A_178 = tpu.memref_slice %arg2[%dma_wait3A_176, %dma_wait3A_177] : memref<10000x128xf32, #tpu.memory_space<hbm>> -> memref<10000x128xf32, #tpu.memory_space<hbm>>
      tpu.wait_indirect_dma semaphore(%arg30 : memref<!tpu.dma_semaphore, #tpu.memory_space<semaphore_mem>>) src(%dma_wait3A_178 : memref<10000x128xf32, #tpu.memory_space<hbm>>) dst(%arg20 : memref<40x128xf32, #tpu.memory_space<vmem>>)
      %dma_start3A_179 = arith.constant 0 : i32
      %dma_start3A_180 = arith.constant 0 : i32
      %dma_start3A_181 = tpu.memref_slice %arg3[%dma_start3A_179, %dma_start3A_180] : memref<10000x128xf32, #tpu.memory_space<hbm>> -> memref<10000x128xf32, #tpu.memory_space<hbm>>
      tpu.enqueue_indirect_dma source(%dma_start3A_181 : memref<10000x128xf32, #tpu.memory_space<hbm>>) target(%arg20 : memref<40x128xf32, #tpu.memory_space<vmem>>) offsets(%arg15 : memref<40xi32, #tpu.memory_space<vmem>>) semaphore(%arg35 : memref<!tpu.dma_semaphore, #tpu.memory_space<semaphore_mem>>) {add = true}
      %ge3A_182 = arith.constant 1 : i32
      %ge3A_183 = arith.cmpi sge, %add3A_168, %ge3A_182 : i32
      %convert_element_type3A_184 = arith.extui %ge3A_183 : i1 to i32
      %cond3A_185 = arith.constant 0 : i32
      %cond3A_186 = arith.cmpi ne, %convert_element_type3A_184, %cond3A_185 : i32
      scf.if %cond3A_186 {
        %dma_wait3A_233 = arith.constant 0 : i32
        %dma_wait3A_234 = arith.constant 0 : i32
        %dma_wait3A_235 = tpu.memref_slice %arg3[%dma_wait3A_233, %dma_wait3A_234] : memref<10000x128xf32, #tpu.memory_space<hbm>> -> memref<10000x128xf32, #tpu.memory_space<hbm>>
        tpu.wait_indirect_dma semaphore(%arg34 : memref<!tpu.dma_semaphore, #tpu.memory_space<semaphore_mem>>) src(%dma_wait3A_235 : memref<10000x128xf32, #tpu.memory_space<hbm>>) dst(%arg19 : memref<40x128xf32, #tpu.memory_space<vmem>>)
        %sub3A = arith.constant 1 : i32
        %sub3A_236 = arith.subi %add3A_168, %sub3A : i32
        %mul3A_237 = arith.constant 2000 : i32
        %mul3A_238 = arith.muli %add3A, %mul3A_237 : i32
        %mul3A_239 = arith.constant 40 : i32
        %mul3A_240 = arith.muli %sub3A_236, %mul3A_239 : i32
        %add3A_241 = arith.addi %mul3A_238, %mul3A_240 : i32
        %dma_start3A_242 = arith.constant 0 : i32
        %dma_start3A_243 = tpu.memref_slice %arg6[%add3A_241, %dma_start3A_242] : memref<64000x128xf32, #tpu.memory_space<hbm>> -> memref<40x128xf32, #tpu.memory_space<hbm>>
        %dma_start3A_244 = arith.constant 0 : i32
        %dma_start3A_245 = tpu.memref_slice %arg6[%add3A_241, %dma_start3A_244] : memref<64000x128xf32, #tpu.memory_space<hbm>> -> memref<40x128xf32, #tpu.memory_space<hbm>>
        tpu.enqueue_dma source(%arg19 : memref<40x128xf32, #tpu.memory_space<vmem>>) target(%dma_start3A_245 : memref<40x128xf32, #tpu.memory_space<hbm>>) target_semaphore(%arg39 : memref<!tpu.dma_semaphore, #tpu.memory_space<semaphore_mem>>)
      } else {
      }
      %ge3A_187 = arith.constant 2 : i32
      %ge3A_188 = arith.cmpi sge, %add3A_168, %ge3A_187 : i32
      %convert_element_type3A_189 = arith.extui %ge3A_188 : i1 to i32
      %cond3A_190 = arith.constant 0 : i32
      %cond3A_191 = arith.cmpi ne, %convert_element_type3A_189, %cond3A_190 : i32
      scf.if %cond3A_191 {
        %sub3A = arith.constant 2 : i32
        %sub3A_233 = arith.subi %add3A_168, %sub3A : i32
        %mul3A_234 = arith.constant 2000 : i32
        %mul3A_235 = arith.muli %add3A, %mul3A_234 : i32
        %mul3A_236 = arith.constant 40 : i32
        %mul3A_237 = arith.muli %sub3A_233, %mul3A_236 : i32
        %add3A_238 = arith.addi %mul3A_235, %mul3A_237 : i32
        %dma_wait3A_239 = arith.constant 0 : i32
        %dma_wait3A_240 = tpu.memref_slice %arg6[%add3A_238, %dma_wait3A_239] : memref<64000x128xf32, #tpu.memory_space<hbm>> -> memref<40x128xf32, #tpu.memory_space<hbm>>
        %dma_wait3A_241 = arith.constant 0 : i32
        %dma_wait3A_242 = tpu.memref_slice %arg6[%add3A_238, %dma_wait3A_241] : memref<64000x128xf32, #tpu.memory_space<hbm>> -> memref<40x128xf32, #tpu.memory_space<hbm>>
        tpu.wait_dma2 semaphore(%arg38 : memref<!tpu.dma_semaphore, #tpu.memory_space<semaphore_mem>>) src(%arg18 : memref<40x128xf32, #tpu.memory_space<vmem>>) dst(%dma_wait3A_242 : memref<40x128xf32, #tpu.memory_space<hbm>>)
      } else {
      }
      %add3A_192 = arith.constant 3 : i32
      %add3A_193 = arith.addi %add3A_168, %add3A_192 : i32
      %le3A_194 = arith.constant 49 : i32
      %le3A_195 = arith.cmpi sle, %add3A_193, %le3A_194 : i32
      %convert_element_type3A_196 = arith.extui %le3A_195 : i1 to i32
      %cond3A_197 = arith.constant 0 : i32
      %cond3A_198 = arith.cmpi ne, %convert_element_type3A_196, %cond3A_197 : i32
      scf.if %cond3A_198 {
        %add3A_233 = arith.constant 3 : i32
        %add3A_234 = arith.addi %add3A_168, %add3A_233 : i32
        %mul3A_235 = arith.constant 2000 : i32
        %mul3A_236 = arith.muli %add3A, %mul3A_235 : i32
        %mul3A_237 = arith.constant 40 : i32
        %mul3A_238 = arith.muli %add3A_234, %mul3A_237 : i32
        %add3A_239 = arith.addi %mul3A_236, %mul3A_238 : i32
        %dma_start3A_240 = tpu.memref_slice %arg4[%add3A_239] : memref<64000xi32, #tpu.memory_space<hbm>> -> memref<40xi32, #tpu.memory_space<hbm>>
        %dma_start3A_241 = tpu.memref_slice %arg4[%add3A_239] : memref<64000xi32, #tpu.memory_space<hbm>> -> memref<40xi32, #tpu.memory_space<hbm>>
        tpu.enqueue_dma source(%dma_start3A_241 : memref<40xi32, #tpu.memory_space<hbm>>) target(%arg8 : memref<40xi32, #tpu.memory_space<vmem>>) target_semaphore(%arg23 : memref<!tpu.dma_semaphore, #tpu.memory_space<semaphore_mem>>)
        %dma_start3A_242 = tpu.memref_slice %arg5[%add3A_239] : memref<64000xi32, #tpu.memory_space<hbm>> -> memref<40xi32, #tpu.memory_space<hbm>>
        %dma_start3A_243 = tpu.memref_slice %arg5[%add3A_239] : memref<64000xi32, #tpu.memory_space<hbm>> -> memref<40xi32, #tpu.memory_space<hbm>>
        tpu.enqueue_dma source(%dma_start3A_243 : memref<40xi32, #tpu.memory_space<hbm>>) target(%arg13 : memref<40xi32, #tpu.memory_space<vmem>>) target_semaphore(%arg23 : memref<!tpu.dma_semaphore, #tpu.memory_space<semaphore_mem>>)
      } else {
      }
      %mul3A_199 = arith.constant 5 : i32
      %mul3A_200 = arith.muli %mul3A_199, %scan3A_66 : i32
      %add3A_201 = arith.constant 4 : i32
      %add3A_202 = arith.addi %mul3A_200, %add3A_201 : i32
      %add3A_203 = arith.constant 1 : i32
      %add3A_204 = arith.addi %add3A_202, %add3A_203 : i32
      %le3A_205 = arith.constant 49 : i32
      %le3A_206 = arith.cmpi sle, %add3A_204, %le3A_205 : i32
      %convert_element_type3A_207 = arith.extui %le3A_206 : i1 to i32
      %cond3A_208 = arith.constant 0 : i32
      %cond3A_209 = arith.cmpi ne, %convert_element_type3A_207, %cond3A_208 : i32
      scf.if %cond3A_209 {
        %add3A_233 = arith.constant 1 : i32
        %add3A_234 = arith.addi %add3A_202, %add3A_233 : i32
        %mul3A_235 = arith.constant 2000 : i32
        %mul3A_236 = arith.muli %add3A, %mul3A_235 : i32
        %mul3A_237 = arith.constant 40 : i32
        %mul3A_238 = arith.muli %add3A_234, %mul3A_237 : i32
        %add3A_239 = arith.addi %mul3A_236, %mul3A_238 : i32
        %dma_wait3A_240 = tpu.memref_slice %arg4[%add3A_239] : memref<64000xi32, #tpu.memory_space<hbm>> -> memref<40xi32, #tpu.memory_space<hbm>>
        %dma_wait3A_241 = tpu.memref_slice %arg4[%add3A_239] : memref<64000xi32, #tpu.memory_space<hbm>> -> memref<40xi32, #tpu.memory_space<hbm>>
        tpu.wait_dma2 semaphore(%arg22 : memref<!tpu.dma_semaphore, #tpu.memory_space<semaphore_mem>>) src(%dma_wait3A_241 : memref<40xi32, #tpu.memory_space<hbm>>) dst(%arg7 : memref<40xi32, #tpu.memory_space<vmem>>)
        %dma_wait3A_242 = tpu.memref_slice %arg5[%add3A_239] : memref<64000xi32, #tpu.memory_space<hbm>> -> memref<40xi32, #tpu.memory_space<hbm>>
        %dma_wait3A_243 = tpu.memref_slice %arg5[%add3A_239] : memref<64000xi32, #tpu.memory_space<hbm>> -> memref<40xi32, #tpu.memory_space<hbm>>
        tpu.wait_dma2 semaphore(%arg22 : memref<!tpu.dma_semaphore, #tpu.memory_space<semaphore_mem>>) src(%dma_wait3A_243 : memref<40xi32, #tpu.memory_space<hbm>>) dst(%arg12 : memref<40xi32, #tpu.memory_space<vmem>>)
        %dma_start3A_244 = arith.constant 0 : i32
        %dma_start3A_245 = arith.constant 0 : i32
        %dma_start3A_246 = tpu.memref_slice %arg2[%dma_start3A_244, %dma_start3A_245] : memref<10000x128xf32, #tpu.memory_space<hbm>> -> memref<10000x128xf32, #tpu.memory_space<hbm>>
        tpu.enqueue_indirect_dma source(%dma_start3A_246 : memref<10000x128xf32, #tpu.memory_space<hbm>>) target(%arg17 : memref<40x128xf32, #tpu.memory_space<vmem>>) offsets(%arg7 : memref<40xi32, #tpu.memory_space<vmem>>) semaphore(%arg27 : memref<!tpu.dma_semaphore, #tpu.memory_space<semaphore_mem>>)
      } else {
      }
      %dma_wait3A_210 = arith.constant 0 : i32
      %dma_wait3A_211 = arith.constant 0 : i32
      %dma_wait3A_212 = tpu.memref_slice %arg2[%dma_wait3A_210, %dma_wait3A_211] : memref<10000x128xf32, #tpu.memory_space<hbm>> -> memref<10000x128xf32, #tpu.memory_space<hbm>>
      tpu.wait_indirect_dma semaphore(%arg31 : memref<!tpu.dma_semaphore, #tpu.memory_space<semaphore_mem>>) src(%dma_wait3A_212 : memref<10000x128xf32, #tpu.memory_space<hbm>>) dst(%arg21 : memref<40x128xf32, #tpu.memory_space<vmem>>)
      %dma_start3A_213 = arith.constant 0 : i32
      %dma_start3A_214 = arith.constant 0 : i32
      %dma_start3A_215 = tpu.memref_slice %arg3[%dma_start3A_213, %dma_start3A_214] : memref<10000x128xf32, #tpu.memory_space<hbm>> -> memref<10000x128xf32, #tpu.memory_space<hbm>>
      tpu.enqueue_indirect_dma source(%dma_start3A_215 : memref<10000x128xf32, #tpu.memory_space<hbm>>) target(%arg21 : memref<40x128xf32, #tpu.memory_space<vmem>>) offsets(%arg16 : memref<40xi32, #tpu.memory_space<vmem>>) semaphore(%arg36 : memref<!tpu.dma_semaphore, #tpu.memory_space<semaphore_mem>>) {add = true}
      %ge3A_216 = arith.constant 1 : i32
      %ge3A_217 = arith.cmpi sge, %add3A_202, %ge3A_216 : i32
      %convert_element_type3A_218 = arith.extui %ge3A_217 : i1 to i32
      %cond3A_219 = arith.constant 0 : i32
      %cond3A_220 = arith.cmpi ne, %convert_element_type3A_218, %cond3A_219 : i32
      scf.if %cond3A_220 {
        %dma_wait3A_233 = arith.constant 0 : i32
        %dma_wait3A_234 = arith.constant 0 : i32
        %dma_wait3A_235 = tpu.memref_slice %arg3[%dma_wait3A_233, %dma_wait3A_234] : memref<10000x128xf32, #tpu.memory_space<hbm>> -> memref<10000x128xf32, #tpu.memory_space<hbm>>
        tpu.wait_indirect_dma semaphore(%arg35 : memref<!tpu.dma_semaphore, #tpu.memory_space<semaphore_mem>>) src(%dma_wait3A_235 : memref<10000x128xf32, #tpu.memory_space<hbm>>) dst(%arg20 : memref<40x128xf32, #tpu.memory_space<vmem>>)
        %sub3A = arith.constant 1 : i32
        %sub3A_236 = arith.subi %add3A_202, %sub3A : i32
        %mul3A_237 = arith.constant 2000 : i32
        %mul3A_238 = arith.muli %add3A, %mul3A_237 : i32
        %mul3A_239 = arith.constant 40 : i32
        %mul3A_240 = arith.muli %sub3A_236, %mul3A_239 : i32
        %add3A_241 = arith.addi %mul3A_238, %mul3A_240 : i32
        %dma_start3A_242 = arith.constant 0 : i32
        %dma_start3A_243 = tpu.memref_slice %arg6[%add3A_241, %dma_start3A_242] : memref<64000x128xf32, #tpu.memory_space<hbm>> -> memref<40x128xf32, #tpu.memory_space<hbm>>
        %dma_start3A_244 = arith.constant 0 : i32
        %dma_start3A_245 = tpu.memref_slice %arg6[%add3A_241, %dma_start3A_244] : memref<64000x128xf32, #tpu.memory_space<hbm>> -> memref<40x128xf32, #tpu.memory_space<hbm>>
        tpu.enqueue_dma source(%arg20 : memref<40x128xf32, #tpu.memory_space<vmem>>) target(%dma_start3A_245 : memref<40x128xf32, #tpu.memory_space<hbm>>) target_semaphore(%arg40 : memref<!tpu.dma_semaphore, #tpu.memory_space<semaphore_mem>>)
      } else {
      }
      %ge3A_221 = arith.constant 2 : i32
      %ge3A_222 = arith.cmpi sge, %add3A_202, %ge3A_221 : i32
      %convert_element_type3A_223 = arith.extui %ge3A_222 : i1 to i32
      %cond3A_224 = arith.constant 0 : i32
      %cond3A_225 = arith.cmpi ne, %convert_element_type3A_223, %cond3A_224 : i32
      scf.if %cond3A_225 {
        %sub3A = arith.constant 2 : i32
        %sub3A_233 = arith.subi %add3A_202, %sub3A : i32
        %mul3A_234 = arith.constant 2000 : i32
        %mul3A_235 = arith.muli %add3A, %mul3A_234 : i32
        %mul3A_236 = arith.constant 40 : i32
        %mul3A_237 = arith.muli %sub3A_233, %mul3A_236 : i32
        %add3A_238 = arith.addi %mul3A_235, %mul3A_237 : i32
        %dma_wait3A_239 = arith.constant 0 : i32
        %dma_wait3A_240 = tpu.memref_slice %arg6[%add3A_238, %dma_wait3A_239] : memref<64000x128xf32, #tpu.memory_space<hbm>> -> memref<40x128xf32, #tpu.memory_space<hbm>>
        %dma_wait3A_241 = arith.constant 0 : i32
        %dma_wait3A_242 = tpu.memref_slice %arg6[%add3A_238, %dma_wait3A_241] : memref<64000x128xf32, #tpu.memory_space<hbm>> -> memref<40x128xf32, #tpu.memory_space<hbm>>
        tpu.wait_dma2 semaphore(%arg39 : memref<!tpu.dma_semaphore, #tpu.memory_space<semaphore_mem>>) src(%arg19 : memref<40x128xf32, #tpu.memory_space<vmem>>) dst(%dma_wait3A_242 : memref<40x128xf32, #tpu.memory_space<hbm>>)
      } else {
      }
      %add3A_226 = arith.constant 3 : i32
      %add3A_227 = arith.addi %add3A_202, %add3A_226 : i32
      %le3A_228 = arith.constant 49 : i32
      %le3A_229 = arith.cmpi sle, %add3A_227, %le3A_228 : i32
      %convert_element_type3A_230 = arith.extui %le3A_229 : i1 to i32
      %cond3A_231 = arith.constant 0 : i32
      %cond3A_232 = arith.cmpi ne, %convert_element_type3A_230, %cond3A_231 : i32
      scf.if %cond3A_232 {
        %add3A_233 = arith.constant 3 : i32
        %add3A_234 = arith.addi %add3A_202, %add3A_233 : i32
        %mul3A_235 = arith.constant 2000 : i32
        %mul3A_236 = arith.muli %add3A, %mul3A_235 : i32
        %mul3A_237 = arith.constant 40 : i32
        %mul3A_238 = arith.muli %add3A_234, %mul3A_237 : i32
        %add3A_239 = arith.addi %mul3A_236, %mul3A_238 : i32
        %dma_start3A_240 = tpu.memref_slice %arg4[%add3A_239] : memref<64000xi32, #tpu.memory_space<hbm>> -> memref<40xi32, #tpu.memory_space<hbm>>
        %dma_start3A_241 = tpu.memref_slice %arg4[%add3A_239] : memref<64000xi32, #tpu.memory_space<hbm>> -> memref<40xi32, #tpu.memory_space<hbm>>
        tpu.enqueue_dma source(%dma_start3A_241 : memref<40xi32, #tpu.memory_space<hbm>>) target(%arg9 : memref<40xi32, #tpu.memory_space<vmem>>) target_semaphore(%arg24 : memref<!tpu.dma_semaphore, #tpu.memory_space<semaphore_mem>>)
        %dma_start3A_242 = tpu.memref_slice %arg5[%add3A_239] : memref<64000xi32, #tpu.memory_space<hbm>> -> memref<40xi32, #tpu.memory_space<hbm>>
        %dma_start3A_243 = tpu.memref_slice %arg5[%add3A_239] : memref<64000xi32, #tpu.memory_space<hbm>> -> memref<40xi32, #tpu.memory_space<hbm>>
        tpu.enqueue_dma source(%dma_start3A_243 : memref<40xi32, #tpu.memory_space<hbm>>) target(%arg14 : memref<40xi32, #tpu.memory_space<vmem>>) target_semaphore(%arg24 : memref<!tpu.dma_semaphore, #tpu.memory_space<semaphore_mem>>)
      } else {
      }
    }
    %scan3A_38 = arith.constant 10 : i32
    %dma_wait3A_39 = arith.constant 0 : i32
    %dma_wait3A_40 = arith.constant 0 : i32
    %dma_wait3A_41 = tpu.memref_slice %arg3[%dma_wait3A_39, %dma_wait3A_40] : memref<10000x128xf32, #tpu.memory_space<hbm>> -> memref<10000x128xf32, #tpu.memory_space<hbm>>
    tpu.wait_indirect_dma semaphore(%arg36 : memref<!tpu.dma_semaphore, #tpu.memory_space<semaphore_mem>>) src(%dma_wait3A_41 : memref<10000x128xf32, #tpu.memory_space<hbm>>) dst(%arg21 : memref<40x128xf32, #tpu.memory_space<vmem>>)
    %mul3A_42 = arith.constant 2000 : i32
    %mul3A_43 = arith.muli %add3A, %mul3A_42 : i32
    %add3A_44 = arith.constant 1960 : i32
    %add3A_45 = arith.addi %mul3A_43, %add3A_44 : i32
    %dma_start3A_46 = arith.constant 0 : i32
    %dma_start3A_47 = tpu.memref_slice %arg6[%add3A_45, %dma_start3A_46] : memref<64000x128xf32, #tpu.memory_space<hbm>> -> memref<40x128xf32, #tpu.memory_space<hbm>>
    %dma_start3A_48 = arith.constant 0 : i32
    %dma_start3A_49 = tpu.memref_slice %arg6[%add3A_45, %dma_start3A_48] : memref<64000x128xf32, #tpu.memory_space<hbm>> -> memref<40x128xf32, #tpu.memory_space<hbm>>
    tpu.enqueue_dma source(%arg21 : memref<40x128xf32, #tpu.memory_space<vmem>>) target(%dma_start3A_49 : memref<40x128xf32, #tpu.memory_space<hbm>>) target_semaphore(%arg41 : memref<!tpu.dma_semaphore, #tpu.memory_space<semaphore_mem>>)
    %mul3A_50 = arith.constant 2000 : i32
    %mul3A_51 = arith.muli %add3A, %mul3A_50 : i32
    %add3A_52 = arith.constant 1920 : i32
    %add3A_53 = arith.addi %mul3A_51, %add3A_52 : i32
    %dma_wait3A_54 = arith.constant 0 : i32
    %dma_wait3A_55 = tpu.memref_slice %arg6[%add3A_53, %dma_wait3A_54] : memref<64000x128xf32, #tpu.memory_space<hbm>> -> memref<40x128xf32, #tpu.memory_space<hbm>>
    %dma_wait3A_56 = arith.constant 0 : i32
    %dma_wait3A_57 = tpu.memref_slice %arg6[%add3A_53, %dma_wait3A_56] : memref<64000x128xf32, #tpu.memory_space<hbm>> -> memref<40x128xf32, #tpu.memory_space<hbm>>
    tpu.wait_dma2 semaphore(%arg40 : memref<!tpu.dma_semaphore, #tpu.memory_space<semaphore_mem>>) src(%arg20 : memref<40x128xf32, #tpu.memory_space<vmem>>) dst(%dma_wait3A_57 : memref<40x128xf32, #tpu.memory_space<hbm>>)
    %mul3A_58 = arith.constant 2000 : i32
    %mul3A_59 = arith.muli %add3A, %mul3A_58 : i32
    %add3A_60 = arith.constant 1960 : i32
    %add3A_61 = arith.addi %mul3A_59, %add3A_60 : i32
    %dma_wait3A_62 = arith.constant 0 : i32
    %dma_wait3A_63 = tpu.memref_slice %arg6[%add3A_61, %dma_wait3A_62] : memref<64000x128xf32, #tpu.memory_space<hbm>> -> memref<40x128xf32, #tpu.memory_space<hbm>>
    %dma_wait3A_64 = arith.constant 0 : i32
    %dma_wait3A_65 = tpu.memref_slice %arg6[%add3A_61, %dma_wait3A_64] : memref<64000x128xf32, #tpu.memory_space<hbm>> -> memref<40x128xf32, #tpu.memory_space<hbm>>
    tpu.wait_dma2 semaphore(%arg41 : memref<!tpu.dma_semaphore, #tpu.memory_space<semaphore_mem>>) src(%arg21 : memref<40x128xf32, #tpu.memory_space<vmem>>) dst(%dma_wait3A_65 : memref<40x128xf32, #tpu.memory_space<hbm>>)
    return
  }
}

module attributes {stable_mosaic.version = 14 : i64} {
  func.func @_node_proj_body(%arg0: memref<10000x128xf32, #tpu.memory_space<vmem>>, %arg1: memref<128x128xf32, #tpu.memory_space<vmem>>, %arg2: memref<128x128xf32, #tpu.memory_space<vmem>>, %arg3: memref<10000x128xf32, #tpu.memory_space<vmem>>, %arg4: memref<10000x128xf32, #tpu.memory_space<vmem>>) attributes {dimension_semantics = [], scalar_prefetch = 0 : i64, scratch_operands = 0 : i64, tpu.core_type = #tpu.core_type<tc>} {
    %get3A = arith.constant 0 : index
    %get3A_0 = arith.constant 0 : index
    %get3A_1 = vector.load %arg0[%get3A, %get3A_0] : memref<10000x128xf32, #tpu.memory_space<vmem>>, vector<10000x128xf32>
    %get3A_2 = arith.constant 0 : index
    %get3A_3 = arith.constant 0 : index
    %get3A_4 = vector.load %arg1[%get3A_2, %get3A_3] : memref<128x128xf32, #tpu.memory_space<vmem>>, vector<128x128xf32>
    %dot_general3A = arith.constant dense<0.000000e+00> : vector<10000x128xf32>
    %dot_general3A_5 = tpu.matmul %get3A_1, %get3A_4, %dot_general3A {dimension_numbers = #tpu.dot_dimension_numbers<[1], [0], [0], [1], [0, 0, 1, 1], [], []>, transpose_lhs_hint = false} : vector<10000x128xf32>, vector<128x128xf32>, vector<10000x128xf32> -> vector<10000x128xf32>
    %swap3A = arith.constant 0 : index
    %swap3A_6 = arith.constant 0 : index
    %swap3A_7 = vector.load %arg3[%swap3A, %swap3A_6] : memref<10000x128xf32, #tpu.memory_space<vmem>>, vector<10000x128xf32>
    tpu.vector_store %arg3[%swap3A, %swap3A_6], %dot_general3A_5 {strides = array<i32>} : memref<10000x128xf32, #tpu.memory_space<vmem>>, vector<10000x128xf32>,
    %get3A_8 = arith.constant 0 : index
    %get3A_9 = arith.constant 0 : index
    %get3A_10 = vector.load %arg2[%get3A_8, %get3A_9] : memref<128x128xf32, #tpu.memory_space<vmem>>, vector<128x128xf32>
    %dot_general3A_11 = arith.constant dense<0.000000e+00> : vector<10000x128xf32>
    %dot_general3A_12 = tpu.matmul %get3A_1, %get3A_10, %dot_general3A_11 {dimension_numbers = #tpu.dot_dimension_numbers<[1], [0], [0], [1], [0, 0, 1, 1], [], []>, transpose_lhs_hint = false} : vector<10000x128xf32>, vector<128x128xf32>, vector<10000x128xf32> -> vector<10000x128xf32>
    %swap3A_13 = arith.constant 0 : index
    %swap3A_14 = arith.constant 0 : index
    %swap3A_15 = vector.load %arg4[%swap3A_13, %swap3A_14] : memref<10000x128xf32, #tpu.memory_space<vmem>>, vector<10000x128xf32>
    tpu.vector_store %arg4[%swap3A_13, %swap3A_14], %dot_general3A_12 {strides = array<i32>} : memref<10000x128xf32, #tpu.memory_space<vmem>>, vector<10000x128xf32>,
    return
  }
}

module attributes {stable_mosaic.version = 14 : i64} {
  func.func @_edge_partial_body(%arg0: i32, %arg1: memref<2560x128xf32, #tpu.memory_space<vmem>>, %arg2: memref<2560x16xf32, #tpu.memory_space<vmem>>, %arg3: memref<16x128xf32, #tpu.memory_space<vmem>>, %arg4: memref<1x128xf32, #tpu.memory_space<vmem>>, %arg5: memref<128x128xbf16, #tpu.memory_space<vmem>>, %arg6: memref<1x128xf32, #tpu.memory_space<vmem>>, %arg7: memref<1x128xf32, #tpu.memory_space<vmem>>, %arg8: memref<1x128xf32, #tpu.memory_space<vmem>>) attributes {dimension_semantics = [#tpu.dimension_semantics<arbitrary>], iteration_bounds = array<i64: 25>, scalar_prefetch = 0 : i64, scratch_operands = 1 : i64, tpu.core_type = #tpu.core_type<tc>, window_params = [{transform_indices = @transform_0, window_bounds = array<i64: 2560, 128>}, {transform_indices = @transform_1, window_bounds = array<i64: 2560, 16>}, {pipeline_mode = #tpu.pipeline_mode<synchronous>, transform_indices = @transform_2, window_bounds = array<i64: 16, 128>}, {pipeline_mode = #tpu.pipeline_mode<synchronous>, transform_indices = @transform_3, window_bounds = array<i64: 1, 128>}, {pipeline_mode = #tpu.pipeline_mode<synchronous>, transform_indices = @transform_4, window_bounds = array<i64: 128, 128>}, {pipeline_mode = #tpu.pipeline_mode<synchronous>, transform_indices = @transform_5, window_bounds = array<i64: 1, 128>}, {pipeline_mode = #tpu.pipeline_mode<synchronous>, transform_indices = @transform_6, window_bounds = array<i64: 1, 128>}]} {
    %eq3A = arith.constant 0 : i32
    %eq3A_0 = arith.cmpi eq, %arg0, %eq3A : i32
    %convert_element_type3A = arith.extui %eq3A_0 : i1 to i32
    %cond3A = arith.constant 0 : i32
    %cond3A_1 = arith.cmpi ne, %convert_element_type3A, %cond3A : i32
    scf.if %cond3A_1 {
      %broadcast_in_dim3A_44 = arith.constant 0.000000e+00 : f32
      %broadcast_in_dim3A_45 = vector.broadcast %broadcast_in_dim3A_44 : f32 to vector<1x128xf32>
      %swap3A_46 = arith.constant 0 : index
      %swap3A_47 = arith.constant 0 : index
      %swap3A_48 = vector.load %arg8[%swap3A_46, %swap3A_47] : memref<1x128xf32, #tpu.memory_space<vmem>>, vector<1x128xf32>
      tpu.vector_store %arg8[%swap3A_46, %swap3A_47], %broadcast_in_dim3A_45 {strides = array<i32>} : memref<1x128xf32, #tpu.memory_space<vmem>>, vector<1x128xf32>,
    } else {
    }
    %get3A = arith.constant 0 : index
    %get3A_2 = arith.constant 0 : index
    %get3A_3 = vector.load %arg1[%get3A, %get3A_2] : memref<2560x128xf32, #tpu.memory_space<vmem>>, vector<2560x128xf32>
    %get3A_4 = arith.constant 0 : index
    %get3A_5 = arith.constant 0 : index
    %get3A_6 = vector.load %arg4[%get3A_4, %get3A_5] : memref<1x128xf32, #tpu.memory_space<vmem>>, vector<1x128xf32>
    %add3A = vector.broadcast %get3A_6 : vector<1x128xf32> to vector<2560x128xf32>
    %add3A_7 = arith.addf %get3A_3, %add3A : vector<2560x128xf32>
    %get3A_8 = arith.constant 0 : index
    %get3A_9 = arith.constant 0 : index
    %get3A_10 = vector.load %arg2[%get3A_8, %get3A_9] : memref<2560x16xf32, #tpu.memory_space<vmem>>, vector<2560x16xf32>
    %get3A_11 = arith.constant 0 : index
    %get3A_12 = arith.constant 0 : index
    %get3A_13 = vector.load %arg3[%get3A_11, %get3A_12] : memref<16x128xf32, #tpu.memory_space<vmem>>, vector<16x128xf32>
    %dot_general3A = arith.constant dense<0.000000e+00> : vector<2560x128xf32>
    %dot_general3A_14 = tpu.matmul %get3A_10, %get3A_13, %dot_general3A {dimension_numbers = #tpu.dot_dimension_numbers<[1], [0], [0], [1], [0, 0, 1, 1], [], []>, transpose_lhs_hint = false} : vector<2560x16xf32>, vector<16x128xf32>, vector<2560x128xf32> -> vector<2560x128xf32>
    %add3A_15 = arith.addf %add3A_7, %dot_general3A_14 : vector<2560x128xf32>
    %max3A = arith.constant 0.000000e+00 : f32
    %max3A_16 = vector.broadcast %max3A : f32 to vector<2560x128xf32>
    %max3A_17 = arith.maximumf %add3A_15, %max3A_16 : vector<2560x128xf32>
    %convert_element_type3A_18 = arith.truncf %max3A_17 : vector<2560x128xf32> to vector<2560x128xbf16>
    %get3A_19 = arith.constant 0 : index
    %get3A_20 = arith.constant 0 : index
    %get3A_21 = vector.load %arg5[%get3A_19, %get3A_20] : memref<128x128xbf16, #tpu.memory_space<vmem>>, vector<128x128xbf16>
    %dot_general3A_22 = arith.constant dense<0.000000e+00> : vector<2560x128xf32>
    %dot_general3A_23 = tpu.matmul %convert_element_type3A_18, %get3A_21, %dot_general3A_22 {dimension_numbers = #tpu.dot_dimension_numbers<[1], [0], [0], [1], [0, 0, 1, 1], [], []>, transpose_lhs_hint = false} : vector<2560x128xbf16>, vector<128x128xbf16>, vector<2560x128xf32> -> vector<2560x128xf32>
    %get3A_24 = arith.constant 0 : index
    %get3A_25 = arith.constant 0 : index
    %get3A_26 = vector.load %arg6[%get3A_24, %get3A_25] : memref<1x128xf32, #tpu.memory_space<vmem>>, vector<1x128xf32>
    %add3A_27 = vector.broadcast %get3A_26 : vector<1x128xf32> to vector<2560x128xf32>
    %add3A_28 = arith.addf %dot_general3A_23, %add3A_27 : vector<2560x128xf32>
    %max3A_29 = arith.constant 0.000000e+00 : f32
    %max3A_30 = vector.broadcast %max3A_29 : f32 to vector<2560x128xf32>
    %max3A_31 = arith.maximumf %add3A_28, %max3A_30 : vector<2560x128xf32>
    %get3A_32 = arith.constant 0 : index
    %get3A_33 = arith.constant 0 : index
    %get3A_34 = vector.load %arg8[%get3A_32, %get3A_33] : memref<1x128xf32, #tpu.memory_space<vmem>>, vector<1x128xf32>
    %reduce_sum3A = arith.constant dense<0.000000e+00> : vector<128xf32>
    %reduce_sum3A_35 = vector.multi_reduction <add>, %max3A_31, %reduce_sum3A [0] : vector<2560x128xf32> to vector<128xf32>
    %broadcast_in_dim3A = vector.shape_cast %reduce_sum3A_35 : vector<128xf32> to vector<1x128xf32>
    %add3A_36 = arith.addf %get3A_34, %broadcast_in_dim3A : vector<1x128xf32>
    %swap3A = arith.constant 0 : index
    %swap3A_37 = arith.constant 0 : index
    %swap3A_38 = vector.load %arg8[%swap3A, %swap3A_37] : memref<1x128xf32, #tpu.memory_space<vmem>>, vector<1x128xf32>
    tpu.vector_store %arg8[%swap3A, %swap3A_37], %add3A_36 {strides = array<i32>} : memref<1x128xf32, #tpu.memory_space<vmem>>, vector<1x128xf32>,
    %eq3A_39 = arith.constant 24 : i32
    %eq3A_40 = arith.cmpi eq, %arg0, %eq3A_39 : i32
    %convert_element_type3A_41 = arith.extui %eq3A_40 : i1 to i32
    %cond3A_42 = arith.constant 0 : i32
    %cond3A_43 = arith.cmpi ne, %convert_element_type3A_41, %cond3A_42 : i32
    scf.if %cond3A_43 {
      %get3A_44 = arith.constant 0 : index
      %get3A_45 = arith.constant 0 : index
      %get3A_46 = vector.load %arg8[%get3A_44, %get3A_45] : memref<1x128xf32, #tpu.memory_space<vmem>>, vector<1x128xf32>
      %swap3A_47 = arith.constant 0 : index
      %swap3A_48 = arith.constant 0 : index
      %swap3A_49 = vector.load %arg7[%swap3A_47, %swap3A_48] : memref<1x128xf32, #tpu.memory_space<vmem>>, vector<1x128xf32>
      tpu.vector_store %arg7[%swap3A_47, %swap3A_48], %get3A_46 {strides = array<i32>} : memref<1x128xf32, #tpu.memory_space<vmem>>, vector<1x128xf32>,
    } else {
    }
    return
  }
  func.func @transform_0(%arg0: i32) -> (i32, i32) {
    %c0_i32 = arith.constant 0 : i32
    %c0_i32_0 = arith.constant 0 : i32
    return %arg0, %c0_i32 : i32, i32
  }
  func.func @transform_1(%arg0: i32) -> (i32, i32) {
    %c0_i32 = arith.constant 0 : i32
    %c0_i32_0 = arith.constant 0 : i32
    return %arg0, %c0_i32 : i32, i32
  }
  func.func @transform_2(%arg0: i32) -> (i32, i32) {
    %c0_i32 = arith.constant 0 : i32
    %c0_i32_0 = arith.constant 0 : i32
    %c0_i32_1 = arith.constant 0 : i32
    return %c0_i32, %c0_i32_0 : i32, i32
  }
  func.func @transform_3(%arg0: i32) -> (i32, i32) {
    %c0_i32 = arith.constant 0 : i32
    %c0_i32_0 = arith.constant 0 : i32
    %c0_i32_1 = arith.constant 0 : i32
    return %c0_i32, %c0_i32_0 : i32, i32
  }
  func.func @transform_4(%arg0: i32) -> (i32, i32) {
    %c0_i32 = arith.constant 0 : i32
    %c0_i32_0 = arith.constant 0 : i32
    %c0_i32_1 = arith.constant 0 : i32
    return %c0_i32, %c0_i32_0 : i32, i32
  }
  func.func @transform_5(%arg0: i32) -> (i32, i32) {
    %c0_i32 = arith.constant 0 : i32
    %c0_i32_0 = arith.constant 0 : i32
    %c0_i32_1 = arith.constant 0 : i32
    return %c0_i32, %c0_i32_0 : i32, i32
  }
  func.func @transform_6(%arg0: i32) -> (i32, i32) {
    %c0_i32 = arith.constant 0 : i32
    %c0_i32_0 = arith.constant 0 : i32
    %c0_i32_1 = arith.constant 0 : i32
    return %c0_i32, %c0_i32_0 : i32, i32
  }
}

module attributes {stable_mosaic.version = 14 : i64} {
  func.func @_final_body(%arg0: memref<8x128xf32, #tpu.memory_space<vmem>>, %arg1: memref<128x128xf32, #tpu.memory_space<vmem>>, %arg2: memref<1x128xf32, #tpu.memory_space<vmem>>, %arg3: memref<256x128xf32, #tpu.memory_space<vmem>>, %arg4: memref<1x128xf32, #tpu.memory_space<vmem>>, %arg5: memref<1x128xf32, #tpu.memory_space<vmem>>, %arg6: memref<1x128xf32, #tpu.memory_space<vmem>>) attributes {dimension_semantics = [], scalar_prefetch = 0 : i64, scratch_operands = 0 : i64, tpu.core_type = #tpu.core_type<tc>} {
    %get3A = arith.constant 0 : index
    %get3A_0 = arith.constant 0 : index
    %get3A_1 = vector.load %arg0[%get3A, %get3A_0] : memref<8x128xf32, #tpu.memory_space<vmem>>, vector<8x128xf32>
    %reduce_sum3A = arith.constant dense<0.000000e+00> : vector<128xf32>
    %reduce_sum3A_2 = vector.multi_reduction <add>, %get3A_1, %reduce_sum3A [0] : vector<8x128xf32> to vector<128xf32>
    %broadcast_in_dim3A = vector.shape_cast %reduce_sum3A_2 : vector<128xf32> to vector<1x128xf32>
    %get3A_3 = arith.constant 0 : index
    %get3A_4 = arith.constant 0 : index
    %get3A_5 = vector.load %arg1[%get3A_3, %get3A_4] : memref<128x128xf32, #tpu.memory_space<vmem>>, vector<128x128xf32>
    %dot_general3A = arith.constant dense<0.000000e+00> : vector<1x128xf32>
    %dot_general3A_6 = tpu.matmul %broadcast_in_dim3A, %get3A_5, %dot_general3A {dimension_numbers = #tpu.dot_dimension_numbers<[1], [0], [0], [1], [0, 0, 1, 1], [], []>, transpose_lhs_hint = false} : vector<1x128xf32>, vector<128x128xf32>, vector<1x128xf32> -> vector<1x128xf32>
    %get3A_7 = arith.constant 0 : index
    %get3A_8 = arith.constant 0 : index
    %get3A_9 = vector.load %arg2[%get3A_7, %get3A_8] : memref<1x128xf32, #tpu.memory_space<vmem>>, vector<1x128xf32>
    %mul3A = arith.constant 1.000000e+04 : f32
    %mul3A_10 = vector.broadcast %mul3A : f32 to vector<1x128xf32>
    %mul3A_11 = arith.mulf %mul3A_10, %get3A_9 : vector<1x128xf32>
    %add3A = arith.addf %dot_general3A_6, %mul3A_11 : vector<1x128xf32>
    %get3A_12 = arith.constant 0 : index
    %get3A_13 = arith.constant 0 : index
    %get3A_14 = vector.load %arg5[%get3A_12, %get3A_13] : memref<1x128xf32, #tpu.memory_space<vmem>>, vector<1x128xf32>
    %get3A_15 = arith.constant 0 : index
    %get3A_16 = arith.constant 0 : index
    %get3A_17 = vector.load %arg3[%get3A_15, %get3A_16] : memref<256x128xf32, #tpu.memory_space<vmem>>, vector<128x128xf32>
    %dot_general3A_18 = arith.constant dense<0.000000e+00> : vector<1x128xf32>
    %dot_general3A_19 = tpu.matmul %get3A_14, %get3A_17, %dot_general3A_18 {dimension_numbers = #tpu.dot_dimension_numbers<[1], [0], [0], [1], [0, 0, 1, 1], [], []>, transpose_lhs_hint = false} : vector<1x128xf32>, vector<128x128xf32>, vector<1x128xf32> -> vector<1x128xf32>
    %get3A_20 = arith.constant 128 : index
    %get3A_21 = arith.constant 0 : index
    %get3A_22 = vector.load %arg3[%get3A_20, %get3A_21] : memref<256x128xf32, #tpu.memory_space<vmem>>, vector<128x128xf32>
    %dot_general3A_23 = arith.constant dense<0.000000e+00> : vector<1x128xf32>
    %dot_general3A_24 = tpu.matmul %add3A, %get3A_22, %dot_general3A_23 {dimension_numbers = #tpu.dot_dimension_numbers<[1], [0], [0], [1], [0, 0, 1, 1], [], []>, transpose_lhs_hint = false} : vector<1x128xf32>, vector<128x128xf32>, vector<1x128xf32> -> vector<1x128xf32>
    %add3A_25 = arith.addf %dot_general3A_19, %dot_general3A_24 : vector<1x128xf32>
    %get3A_26 = arith.constant 0 : index
    %get3A_27 = arith.constant 0 : index
    %get3A_28 = vector.load %arg4[%get3A_26, %get3A_27] : memref<1x128xf32, #tpu.memory_space<vmem>>, vector<1x128xf32>
    %add3A_29 = arith.addf %add3A_25, %get3A_28 : vector<1x128xf32>
    %max3A = arith.constant 0.000000e+00 : f32
    %max3A_30 = vector.broadcast %max3A : f32 to vector<1x128xf32>
    %max3A_31 = arith.maximumf %add3A_29, %max3A_30 : vector<1x128xf32>
    %swap3A = arith.constant 0 : index
    %swap3A_32 = arith.constant 0 : index
    %swap3A_33 = vector.load %arg6[%swap3A, %swap3A_32] : memref<1x128xf32, #tpu.memory_space<vmem>>, vector<1x128xf32>
    tpu.vector_store %arg6[%swap3A, %swap3A_32], %max3A_31 {strides = array<i32>} : memref<1x128xf32, #tpu.memory_space<vmem>>, vector<1x128xf32>,
    return
  }
}

</mosaic_0001>

<sc_bundles>
// kernel: kernel.14.cloned.1.call-start
scs
__scs_entry_jumppad:
0x0: {  	(pc) =	sbr.rel $0x88, $3  }
0x1: {  	(tag) =	ssettag $0x0;
	lr =	simm.s32 $0x1  }
0x2: {  	[smem:$0x3F95] =	sst lr;
	_ =	strace $0xD0000000  }
0x3: {  	_ = 	snop  }
0x4: {  	_ = 	snop  }
0x5: {  	_ = 	snop  }
0x6: {  	_ = 	snop  }
0x7: {  	_ = 	snop  }
__scs_overlays_trampoline_lowered:
0x8: {  	[smem:$0x3FA4] =	sst s0  }
0x9: {  	[smem:$0x3FA5] =	sst s1  }
0xa: {  	[smem:$0x3FA6] =	sst s2  }
0xb: {  	[smem:$0x3FA7] =	sst s3  }
0xc: {  	[smem:$0x3FA8] =	sst s4  }
0xd: {  	[smem:$0x3FA9] =	sst s5  }
0xe: {  	[smem:$0x3FAA] =	sst s6  }
0xf: {  	[smem:$0x3FAB] =	sst s7  }
0x10: {  	[smem:$0x3FAC] =	sst s8  }
0x11: {  	[smem:$0x3FAD] =	sst s9;
	s0 =	simm.s32 @!p0 $0x0  }
0x12: {  	s1 =	sld [smem:$0x3F93];
	s0 =	simm.s32 @p0 $0x1  }
0x13: {  	[smem:$0x3FAE] =	sst s0;
	s0 =	simm.s32 @!p1 $0x0  }
0x14: {  	s2 =	sld [smem:$0x3F92];
	s0 =	simm.s32 @p1 $0x1  }
0x15: {  	[smem:$0x3FAF] =	sst s0;
	s0 =	simm.s32 @!p2 $0x0  }
0x16: {  	s3 =	sld [smem:$0x3FDB];
	s0 =	simm.s32 @p2 $0x1  }
0x17: {  	s4 =	simm.s32 $0x1BF5;
	[smem:$0x3FB1] =	sst s0  }
0x18: {  	s0 =	sld [smem:$0x3F94];
	_ =	swait.ge [sflag:s4], $0x0  }
0x19: {  	s7 =	sld [smem:$0x3F95]  }
0x1a: {  	s8 =	sadd.s32 $0xFFFFE003, lr  }
0x1b: {  	s9 =	sadd.s32 $0xFFFFFEF7, lr;
	s5 =	simm.s32 $0xFFFFFFFF;
	p2 =	slt.u32 s8, $0xFFFFF086  }
0x1c: {  	p1 =	slt.u32 s9, $0xF7A;
	s5 =	simm.s32 @!p2 $0x0  }
0x1d: {  	s5 =	simm.s32 @p1 $0x1;
	p0 =	seq.s32 s7, s2  }
0x1e: {  	s7 =	smul.u32 @!p0 $0xF7A, s2;
	p2 =	seq.s32 @!p0 s5, $0x0  }
0x1f: {  	s9 =	smul.u32 $0xF7A, s1;
	s8 =	simm.s32 @!p0 $0x1BF5;
	p2 =	por !p2, p0  }
0x20: {  	[sflag:s8] =	ssyncset.s32 @!p0 $0xFFFFF086;
	s6 =	sadd.s32 @!p0 s3, s7;
	s7 =	simm.s32 @!p0 $0x108  }
0x21: {  	s3 =	sadd.s32 s3, s9;
	s6 =	sadd.s32 @!p0 $0x88, s6;
	s7 =	simm.s32 @p2 $0x1082  }
0x22: {  	[simem:s7], [sflag:s8] =	dma.local @!p0 [hbm:s6], $0xF7A  }
0x23: {  	s9 =	sor.u32 $0xD0000000, s2;
	s6 =	simm.s32 $0x108;
	_ =	swait.ge @!p0 [sflag:s8], $0x0  }
0x24: {  	s3 =	sadd.s32 $0x88, s3;
	s6 =	simm.s32 @!p1 $0x1082;
	[sflag:s4] =	ssyncset.s32 $0xFFFFF086  }
0x25: {  	[simem:s6], [sflag:s4] =	dma.local [hbm:s3], $0xF7A  }
0x26: {  	[smem:$0x3F95] =	sst s1;
	(tag) =	ssettag s2;
	_ =	strace s9  }
0x27: {  	s1 =	sld [smem:$0x3FA5]  }
0x28: {  	s2 =	sld [smem:$0x3FA6]  }
0x29: {  	s4 =	sld [smem:$0x3FA8]  }
0x2a: {  	p0 =	seq.s32 s5, $0x0;
	s5 =	sld [smem:$0x3FA9]  }
0x2b: {  	s6 =	sld [smem:$0x3FAA]  }
0x2c: {  	s7 =	sld [smem:$0x3FAB]  }
0x2d: {  	s3 =	simm.s32 $0x108;
	s8 =	sld [smem:$0x3FAC]  }
0x2e: {  	s3 =	simm.s32 @!p0 $0x1082;
	s9 =	sld [smem:$0x3FAD]  }
0x2f: {  	lr =	sadd.s32 s0, s3;
	s0 =	sld [smem:$0x3FA4]  }
0x30: {  	s3 =	sld [smem:$0x3FA7]  }
0x31: {  	[smem:$0x3FB0] =	sst s10  }
0x32: {  	s10 =	sld [smem:$0x3FAE];
	_ =	sdelay $0x3  }
0x33: {  	p0 =	seq.s32 s10, $0x1;
	s10 =	sld [smem:$0x3FB0];
	_ =	sdelay $0x3  }
0x34: {  	[smem:$0x3FB0] =	sst s10  }
0x35: {  	s10 =	sld [smem:$0x3FAF];
	_ =	sdelay $0x3  }
0x36: {  	p1 =	seq.s32 s10, $0x1;
	s10 =	sld [smem:$0x3FB0];
	_ =	sdelay $0x3  }
0x37: {  	[smem:$0x3FB0] =	sst s10  }
0x38: {  	s10 =	sld [smem:$0x3FB1]  }
0x39: {  	_ = 	snop;
	(pc) =	sbr.ind lr, $3  }
0x3a: {  	_ = 	snop  }
0x3b: {  	_ = 	snop  }
0x3c: {  	p2 =	seq.s32 s10, $0x1;
	s10 =	sld [smem:$0x3FB0]  }
0x3d: {  	_ =	shalt  }
0x3e: {  	_ =	shalt  }
0x3f: {  	_ =	shalt  }
0x40: {  	_ =	shalt  }
0x41: {  	_ =	shalt  }
0x42: {  	_ =	shalt  }
0x43: {  	_ =	shalt  }
0x44: {  	_ =	shalt  }
0x45: {  	_ =	shalt  }
0x46: {  	_ =	shalt  }
0x47: {  	_ =	shalt  }
0x48: {  	_ =	shalt  }
0x49: {  	_ =	shalt  }
0x4a: {  	_ =	shalt  }
0x4b: {  	_ =	shalt  }
0x4c: {  	_ =	shalt  }
0x4d: {  	_ =	shalt  }
0x4e: {  	_ =	shalt  }
0x4f: {  	_ =	shalt  }
0x50: {  	_ =	shalt  }
0x51: {  	_ =	shalt  }
0x52: {  	_ =	shalt  }
0x53: {  	_ =	shalt  }
0x54: {  	_ =	shalt  }
0x55: {  	_ =	shalt  }
0x56: {  	_ =	shalt  }
0x57: {  	_ =	shalt  }
0x58: {  	_ =	shalt  }
0x59: {  	_ =	shalt  }
0x5a: {  	_ =	shalt  }
0x5b: {  	_ =	shalt  }
0x5c: {  	_ =	shalt  }
0x5d: {  	_ =	shalt  }
0x5e: {  	_ =	shalt  }
0x5f: {  	_ =	shalt  }
0x60: {  	_ =	shalt  }
0x61: {  	_ =	shalt  }
0x62: {  	_ =	shalt  }
0x63: {  	_ =	shalt  }
0x64: {  	_ =	shalt  }
0x65: {  	_ =	shalt  }
0x66: {  	_ =	shalt  }
0x67: {  	_ =	shalt  }
0x68: {  	_ =	shalt  }
0x69: {  	_ =	shalt  }
0x6a: {  	_ =	shalt  }
0x6b: {  	_ =	shalt  }
0x6c: {  	_ =	shalt  }
0x6d: {  	_ =	shalt  }
0x6e: {  	_ =	shalt  }
0x6f: {  	_ =	shalt  }
0x70: {  	_ =	shalt  }
0x71: {  	_ =	shalt  }
0x72: {  	_ =	shalt  }
0x73: {  	_ =	shalt  }
0x74: {  	_ =	shalt  }
0x75: {  	_ =	shalt  }
0x76: {  	_ =	shalt  }
0x77: {  	_ =	shalt  }
0x78: {  	_ =	shalt  }
0x79: {  	_ =	shalt  }
0x7a: {  	_ =	shalt  }
0x7b: {  	_ =	shalt  }
0x7c: {  	_ =	shalt  }
0x7d: {  	_ =	shalt  }
0x7e: {  	_ =	shalt  }
0x7f: {  	_ =	shalt  }
0x80: {  	_ =	shalt  }
0x81: {  	_ =	shalt  }
0x82: {  	_ =	shalt  }
0x83: {  	_ =	shalt  }
0x84: {  	_ =	shalt  }
0x85: {  	_ =	shalt  }
0x86: {  	_ =	shalt  }
0x87: {  	_ =	shalt  }
.Lfunc_end0:
.L_simem_size_0:
called_computation_lowered:
.L_overlay_start_0:
0x88: {  	s2 =	sld [smem:$0x3FD9]  }
0x89: {  	s3 =	sld [smem:$0x3FFE];
	_ =	sdelay $0x1  }
0x8a: {  	s1 =	srdreg.scid  }
0x8b: {  	s0 =	sand.u32 $0x1, s1  }
0x8c: {  	s16 =	sshll.u32 s0, $0xA;
	s2 =	sadd.s32 s3, s2  }
0x8d: {  	s2 =	sadd.s32 s2, s16  }
0x8e: {  	[smem:$0x3FBC] =	sst s2  }
0x8f: {  	_ = 	snop  }
0x90: {  	(tm) =	ssettm $0x1  }
0x91: {  	s17 =	sld [smem:$0x3FFB];
	_ =	sdelay $0x3  }
0x92: {  	_ =	strace s17  }
0x93: {  	s2 =	sld [smem:$0x3FFC];
	_ =	sdelay $0x3  }
0x94: {  	_ =	strace s2  }
0x95: {  	s2 =	sld [smem:$0x3FFD];
	_ =	sdelay $0x3  }
0x96: {  	_ =	strace s2  }
0x97: {  	_ =	strace $0x8FFFFFFF  }
0x98: {  	s18 =	sld [smem:$0x3FDB];
	_ =	sdelay $0x1  }
0x99: {  	s19 =	simm.s32 $_scs_section_size  }
0x9a: {  	s4 =	simm.s32 $_size__tile_overlayer_lowered;
	s5 =	simm.s32 $_tile_overlayer_lowered  }
0x9b: {  	s22 =	simm.s32 $0x1BFF;
	s21 =	sshll.u32 s5, $0x1;
	s2 =	sadd.s32 s19, s18  }
0x9c: {  	s6 =	simm.s32 $0x0;
	s20 =	sshll.u32 s4, $0x1;
	s4 =	sadd.s32 s21, s2  }
0x9d: {  	[timem:s6], [sflag:s22] =	dma.local [hbm:s4], s20  }
0x9e: {  	_ =	swait.ge [sflag:s22], s20  }
0x9f: {  	s3 =	ssub.s32 $0x0, s20;
	[sflag:s22] =	ssyncset.done $0x0  }
0xa0: {  	[sflag:s22] =	ssyncadd.s32 s3;
	_ =	sdelay $0x1  }
0xa1: {  	s23 =	simm.s32 $0x1B8B  }
0xa2: {  	_ =	swait.ge [sflag:s23], $0x1  }
0xa3: {  	[sflag:s23] =	ssyncset.done $0x0  }
0xa4: {  	s25 =	simm.s32 $0x1B8E;
	s24 =	sld [smem:$0x3FFE];
	[sflag:s23] =	ssyncadd.s32 $0xFFFFFFFF  }
0xa5: {  	s26 =	simm.s32 $execute0_lowered;
	[smem:$0x3FD2] =	sst s25  }
0xa6: {  	s4 =	sshll.u32 s26, $0x1;
	_ =	strace $0x80000046;
	[dreg:$0x1] =	wrdreg $0xFFFFFFFF  }
0xa7: {  	s28 =	simm.s32 $_size_execute0_lowered;
	s2 =	sadd.s32 s2, s4;
	[dreg:$0x0] =	wrdreg $0x0  }
0xa8: {  	s4 =	sshll.u32 s28, $0x1;
	[dreg:$0x2] =	wrdreg s2  }
0xa9: {  	[dreg:$0x3] =	wrdreg s4  }
0xaa: {  	[dreg:$0x4] =	wrdreg $0xC0  }
0xab: {  	_ =	task [dreg:s6], $0x5FFFF  }
0xac: {  	[dreg:$0x1] =	wrdreg $0xFFFFFFFF  }
0xad: {  	[dreg:$0x0] =	wrdreg $0x60  }
0xae: {  	[dreg:$0x2] =	wrdreg s24  }
0xaf: {  	[dreg:$0x3] =	wrdreg $0x9  }
0xb0: {  	_ =	task.clear_ibuf [dreg:s6], $0x4FFFF;
	_ =	strace $0x90000046  }
0xb1: {  	s29 =	simm.s32 $0x9;
	_ =	strace $0x80000048  }
0xb2: {  	_ =	swait.ge [sflag:s29], $0x1  }
0xb3: {  	[sflag:s29] =	ssyncadd.s32 $0xFFFFFFFF  }
0xb4: {  	_ =	strace $0x90000048  }
0xb5: {  	_ =	sfence  }
0xb6: {  	s30 =	sld [smem:$0x0];
	_ =	sdelay $0x2  }
0xb7: {  	s31 =	sshll.u32 s1, $0xD;
	s1 =	sshrl.u32 s1, $0x2  }
0xb8: {  	s3 =	sand.u32 $0x4000, s31;
	s1 =	sadd.s32 s1, s30  }
0xb9: {  	s0 =	sor.u32 s3, s0;
	s1 =	sshll.u32 s1, $0x11  }
0xba: {  	s0 =	sor.u32 s1, s0  }
0xbb: {  	s0 =	sadd.s32 $0x8F2B, s0  }
0xbc: {  	[sflag:s0] =	ssyncadd.remote.s32 $0x1  }
0xbd: {  	_ =	sfence.sel $0xFFFF  }
0xbe: {  	[dreg:$0x0] =	wrdreg $0xFFFFFFFF;
	(pc) =	sbr.abs _section_cstart, $3  }
0xbf: {  	[dreg:$0x1] =	wrdreg $0xFFFFFFFF  }
0xc0: {  	_ =	task.clear_ibuf [dreg:s6], $0x2FFFF;
	_ =	strace $0x9FFFFFFF  }
0xc1: {  	(tm) =	ssettm $0x7FFFFFFF  }
tec
execute0_lowered:
.L_overlay_start_1:
0x0: {  	(tag) =	ssettag $0x1  }
0x1: {  	s0 =	rddreg [dreg:$0x0];
	s2 =	simm.s32 $0x0;
	s1 =	srdreg.scid  }
0x2: {  	s11 =	stileid.u32;
	s28 =	simm.s32 $0x28;
	s30 =	simm.s32 $0x4  }
0x3: {  	s29 =	simm.s32 $0xE;
	[smem:$0x7FF] =	sst s2;
	s1 =	sand.u32 $0x1, s1  }
0x4: {  	s5 =	sshll.u32 s11, $0x1;
	s3 =	sadd.s32 $0x7800, s0;
	s4 =	sadd.s32 $0x2EA00, s0  }
0x5: {  	s7 =	sadd.s32 $0x3800, s0;
	s22 =	smul.u32 $0xFA00, s11;
	s6 =	sor.u32 s1, s5  }
0x6: {  	s8 =	sadd.s32 $0x55C00, s0;
	s11 =	simm.s32 $0x2D00;
	s12 =	smul.u32 $0x7D0, s6  }
0x7: {  	_ =	strace $0x80000047;
	s5 =	sadd.s32 $0x5800, s0;
	s9 =	ssub.s32 $0x2, s1  }
0x8: {  	s1 =	smul.u32 $0x7D00, s1;
	s10 =	sadd.s32 $0x28, s12;
	[dreg:$0x2] =	wrdreg s12  }
0x9: {  	s15 =	sshrl.u32 s9, $0x1;
	s17 =	sadd.s32 $0x50, s12;
	[dreg:$0x3] =	wrdreg s10  }
0xa: {  	s6 =	smul.u32 $0x3E800, s6;
	s21 =	sadd.s32 $0x78, s12;
	[dreg:$0x5] =	wrdreg s17  }
0xb: {  	s0 =	ssub.s32 s9, s15;
	s23 =	sadd.s32 $0xA0, s12;
	[dreg:$0xb] =	wrdreg s21  }
0xc: {  	s16 =	sshrl.u32 s12, $0x3;
	s24 =	sadd.s32 $0xC8, s12;
	[dreg:$0xc] =	wrdreg s23  }
0xd: {  	s25 =	sadd.s32 $0xF0, s12;
	s6 =	sshrl.u32 s6, $0x3;
	[dreg:$0xd] =	wrdreg s24  }
0xe: {  	s26 =	sadd.s32 $0x118, s12;
	s0 =	smax.u32 s0, $0x1;
	[dreg:$0xe] =	wrdreg s25  }
0xf: {  	s13 =	sadd.s32 s5, s16;
	s10 =	sshrl.u32 s10, $0x3;
	[dreg:$0xf] =	wrdreg s26  }
0x10: {  	s9 =	sadd.s32 s7, s16;
	s19 =	sshrl.u32 s17, $0x3;
	[dreg:$0x11] =	wrdreg s0  }
0x11: {  	s6 =	sadd.s32 s8, s6;
	s23 =	simm.s32 $0x500;
	[dreg:$0x4] =	wrdreg s13  }
0x12: {  	s24 =	simm.s32 $0x380;
	[dreg:$0x6] =	wrdreg s9;
	s18 =	sadd.s32 s5, s10  }
0x13: {  	s16 =	simm.s32 $0x3;
	s10 =	sadd.s32 s7, s10;
	[dreg:$0x7] =	wrdreg s18  }
0x14: {  	s21 =	simm.s32 $0x5;
	s20 =	sadd.s32 s5, s19;
	[dreg:$0x8] =	wrdreg s10  }
0x15: {  	s0 =	simm.s32 $0xA;
	s9 =	sadd.s32 s7, s19;
	[dreg:$0x9] =	wrdreg s20  }
.Ltmp0:
0x16: {  	s6 =	sadd.s32 $0x7A80, s6;
	[dreg:$0xa] =	wrdreg s9;
	(pc) =	sbr.rel .LBB2_1-.Ltmp0, $4  }
0x17: {  	s19 =	simm.s32 $0x4100;
	s9 =	sadd.s32 s22, s8;
	[dreg:$0x10] =	wrdreg s6  }
0x18: {  	s22 =	simm.s32 $0x100;
	s10 =	simm.s32 $0x2;
	s1 =	sadd.s32 s1, s9  }
0x19: {  	s18 =	simm.s32 $0x480;
	s20 =	simm.s32 $0x5500;
	s31 =	sadd.s32 $0xFFFFFD80, s1  }
0x1a: {  	s9 =	simm.s32 $0x0;
	s1 =	simm.s32 $0x12;
	[dreg:$0x12] =	wrdreg s31  }
.LBB2_4:
0x1b: {  	s9 =	simm.s32 $0xF  }
0x1c: {  	_ =	swait.ge [sflag:s9], $0x1400  }
0x1d: {  	[sflag:s9] =	ssyncset.done $0x0  }
0x1e: {  	s24 =	simm.s32 $0x13;
	s12 =	rddreg [dreg:$0x10];
	[sflag:s9] =	ssyncadd.s32 $0xFFFFEC00  }
0x1f: {  	[hbm4b:s12+s2] =	stream.linear.scatter [tilespmem:s6], [sflag:$0x14], $0x1400, $0x38;
	[tilespmem:$0x6900] =	vst v63  }
0x20: {  	_ =	swait.ge [sflag:s24], $0x1400  }
0x21: {  	[sflag:s24] =	ssyncset.done $0x0  }
0x22: {  	s25 =	simm.s32 $0x14;
	[sflag:s24] =	ssyncadd.s32 $0xFFFFEC00  }
0x23: {  	_ =	swait.ge [sflag:s25], $0x1400  }
0x24: {  	s26 =	rddreg [dreg:$0x13]  }
0x25: {  	s31 =	rddreg [dreg:$0x11];
	s9 =	sadd.s32 $0x1, s26  }
0x26: {  	p0 =	sne.s32 s9, s31  }
.Ltmp1:
0x27: {  	_ = 	snop;
	(pc) =	sbr.rel @!p0 .LBB2_5-.Ltmp1, $3  }
0x28: {  	_ =	sdelay $0x1  }
0x29: {  	[sflag:s25] =	ssyncset.done $0x0  }
0x2a: {  	s22 =	simm.s32 $0x100;
	s24 =	simm.s32 $0x380;
	[sflag:s25] =	ssyncadd.s32 $0xFFFFEC00  }
.LBB2_1:
0x2b: {  	[dreg:$0x13] =	wrdreg s9  }
0x2c: {  	s12 =	rddreg [dreg:$0x4]  }
0x2d: {  	[tilespmem:s2], [sflag:$0x1] =	stream.linear.gather [hbm4b:s12+s2], $0x28, $0x38;
	[tilespmem:$0x6900] =	vst v63  }
0x2e: {  	s9 =	rddreg [dreg:$0x6];
	s13 =	simm.s32 $0x280;
	s14 =	simm.s32 $0x1  }
0x2f: {  	[tilespmem:s13], [sflag:$0x1] =	stream.linear.gather [hbm4b:s9+s2], $0x28, $0x38;
	[tilespmem:$0x6900] =	vst v63  }
0x30: {  	_ =	swait.ge [sflag:s14], $0x28  }
0x31: {  	[sflag:s14] =	ssyncset.done $0x0  }
0x32: {  	[sflag:s14] =	ssyncadd.s32 $0xFFFFFFD8  }
0x33: {  	_ =	swait.ge [sflag:s14], $0x28  }
0x34: {  	[sflag:s14] =	ssyncset.done $0x0  }
0x35: {  	s15 =	rddreg [dreg:$0x7];
	[sflag:s14] =	ssyncadd.s32 $0xFFFFFFD8  }
0x36: {  	[tilespmem:s23], [sflag:$0x6] =	stream.indirect.gather [hbm4b:s3+s28], $0x80, s2, s28, $0xb8;
	[tilespmem:$0x6900] =	vst v63  }
0x37: {  	s17 =	simm.s32 $0x80;
	s26 =	rddreg [dreg:$0x9]  }
0x38: {  	[tilespmem:s17], [sflag:$0x2] =	stream.linear.gather [hbm4b:s15+s2], $0x28, $0x38;
	[tilespmem:$0x6900] =	vst v63  }
0x39: {  	s25 =	simm.s32 $0x300;
	s23 =	rddreg [dreg:$0x8]  }
0x3a: {  	[tilespmem:s25], [sflag:$0x2] =	stream.linear.gather [hbm4b:s23+s2], $0x28, $0x38;
	[tilespmem:$0x6900] =	vst v63  }
0x3b: {  	s31 =	rddreg [dreg:$0xa]  }
0x3c: {  	[tilespmem:s22], [sflag:$0x3] =	stream.linear.gather [hbm4b:s26+s2], $0x28, $0x38;
	[tilespmem:$0x6900] =	vst v63  }
0x3d: {  	s14 =	rddreg [dreg:$0x12];
	s26 =	simm.s32 $0x0  }
0x3e: {  	[tilespmem:s24], [sflag:$0x3] =	stream.linear.gather [hbm4b:s31+s2], $0x28, $0x38;
	[tilespmem:$0x6900] =	vst v63  }
.LBB2_2:
0x3f: {  	_ =	swait.ge [sflag:s10], $0x28  }
0x40: {  	[sflag:s10] =	ssyncset.done $0x0  }
0x41: {  	[sflag:s10] =	ssyncadd.s32 $0xFFFFFFD8  }
0x42: {  	_ =	swait.ge [sflag:s10], $0x28  }
0x43: {  	s12 =	simm.s32 $0x80;
	[sflag:s10] =	ssyncset.done $0x0  }
0x44: {  	s31 =	simm.s32 $0x1900;
	s23 =	simm.s32 $0x6;
	[sflag:s10] =	ssyncadd.s32 $0xFFFFFFD8  }
0x45: {  	[tilespmem:s31], [sflag:$0x7] =	stream.indirect.gather [hbm4b:s3+s28], $0x80, s12, s28, $0xb8;
	[tilespmem:$0x6900] =	vst v63  }
0x46: {  	_ =	swait.ge [sflag:s23], $0x1400  }
0x47: {  	s25 =	simm.s32 $0x280;
	p0 =	seq.s32 s26, $0x0;
	[sflag:s23] =	ssyncset.done $0x0  }
0x48: {  	s13 =	simm.s32 $0x500;
	s15 =	simm.s32 @!p0 $0xF;
	[sflag:s23] =	ssyncadd.s32 $0xFFFFEC00  }
0x49: {  	[tilespmem:s13], [sflag:$0xB] =	stream.indirect.gather.add.f32 [hbm:s4], $0x80, s25, s28, $0xb8;
	[tilespmem:$0x6900] =	vst v63  }
0x4a: {  	_ =	swait.ge @!p0 [sflag:s15], $0x1400  }
0x4b: {  	s17 =	simm.s32 @!p0 $0x13;
	[sflag:s15] =	ssyncset.done @!p0 $0x0  }
0x4c: {  	s25 =	simm.s32 @!p0 $0x5500;
	[sflag:s15] =	ssyncadd.s32 @!p0 $0xFFFFEC00;
	s15 =	simm.s32 @!p0 $0x0  }
0x4d: {  	[hbm4b:s14+s15] =	stream.linear.scatter @!p0 [tilespmem:s25], [sflag:$0x14], $0x1400, $0x38;
	[tilespmem:$0x6900] =	vst v63  }
0x4e: {  	s15 =	smov.u32 s26;
	_ =	swait.ge @!p0 [sflag:s17], $0x1400  }
0x4f: {  	s15 =	simm.s32 @p0 $0x0;
	s6 =	rddreg [dreg:$0xb]  }
0x50: {  	s25 =	sadd.s32 s15, s6  }
0x51: {  	[sflag:s17] =	ssyncset.done @!p0 $0x0;
	s12 =	sshrl.u32 s25, $0x3  }
0x52: {  	[sflag:s17] =	ssyncadd.s32 @!p0 $0xFFFFEC00;
	s6 =	simm.s32 $0x180;
	s9 =	sadd.s32 s5, s12  }
0x53: {  	[tilespmem:s6], [sflag:$0x4] =	stream.linear.gather [hbm4b:s9+s2], $0x28, $0x38;
	[tilespmem:$0x6900] =	vst v63  }
0x54: {  	s12 =	sadd.s32 s7, s12;
	s9 =	simm.s32 $0x400  }
0x55: {  	[tilespmem:s9], [sflag:$0x4] =	stream.linear.gather [hbm4b:s12+s2], $0x28, $0x38;
	[tilespmem:$0x6900] =	vst v63  }
0x56: {  	_ =	swait.ge [sflag:s16], $0x28  }
0x57: {  	[sflag:s16] =	ssyncset.done $0x0  }
0x58: {  	[sflag:s16] =	ssyncadd.s32 $0xFFFFFFD8  }
0x59: {  	_ =	swait.ge [sflag:s16], $0x28  }
0x5a: {  	[sflag:s16] =	ssyncset.done $0x0  }
0x5b: {  	s23 =	simm.s32 $0x7;
	[sflag:s16] =	ssyncadd.s32 $0xFFFFFFD8  }
0x5c: {  	[tilespmem:s11], [sflag:$0x8] =	stream.indirect.gather [hbm4b:s3+s28], $0x80, s22, s28, $0xb8;
	[tilespmem:$0x6900] =	vst v63  }
0x5d: {  	_ =	swait.ge [sflag:s23], $0x1400  }
0x5e: {  	[sflag:s23] =	ssyncset.done $0x0  }
0x5f: {  	s17 =	simm.s32 $0x300;
	s22 =	simm.s32 $0xB;
	[sflag:s23] =	ssyncadd.s32 $0xFFFFEC00  }
0x60: {  	[tilespmem:s31], [sflag:$0xC] =	stream.indirect.gather.add.f32 [hbm:s4], $0x80, s17, s28, $0xb8;
	[tilespmem:$0x6900] =	vst v63  }
0x61: {  	_ =	swait.ge [sflag:s22], $0x1400  }
0x62: {  	s23 =	rddreg [dreg:$0x2]  }
0x63: {  	s12 =	sadd.s32 s23, s15  }
0x64: {  	[sflag:s22] =	ssyncset.done $0x0;
	s12 =	sshll.u32 s12, $0x4  }
0x65: {  	[sflag:s22] =	ssyncadd.s32 $0xFFFFEC00;
	s12 =	sadd.s32 s8, s12  }
0x66: {  	[hbm4b:s12+s2] =	stream.linear.scatter [tilespmem:s13], [sflag:$0x10], $0x1400, $0x38;
	[tilespmem:$0x6900] =	vst v63  }
0x67: {  	s12 =	simm.s32 @!p0 $0x14  }
0x68: {  	_ =	swait.ge @!p0 [sflag:s12], $0x1400  }
0x69: {  	s17 =	rddreg [dreg:$0xc]  }
0x6a: {  	s22 =	sadd.s32 s15, s17  }
0x6b: {  	[sflag:s12] =	ssyncset.done @!p0 $0x0;
	s17 =	sshrl.u32 s22, $0x3  }
0x6c: {  	[sflag:s12] =	ssyncadd.s32 @!p0 $0xFFFFEC00;
	s22 =	simm.s32 $0x200;
	s13 =	sadd.s32 s5, s17  }
0x6d: {  	[tilespmem:s22], [sflag:$0x5] =	stream.linear.gather [hbm4b:s13+s2], $0x28, $0x38;
	[tilespmem:$0x6900] =	vst v63  }
0x6e: {  	s17 =	sadd.s32 s7, s17  }
0x6f: {  	[tilespmem:s18], [sflag:$0x5] =	stream.linear.gather [hbm4b:s17+s2], $0x28, $0x38;
	[tilespmem:$0x6900] =	vst v63  }
0x70: {  	_ =	swait.ge [sflag:s30], $0x28  }
0x71: {  	[sflag:s30] =	ssyncset.done $0x0  }
0x72: {  	[sflag:s30] =	ssyncadd.s32 $0xFFFFFFD8  }
0x73: {  	_ =	swait.ge [sflag:s30], $0x28  }
0x74: {  	[sflag:s30] =	ssyncset.done $0x0  }
0x75: {  	s12 =	simm.s32 $0x8;
	[sflag:s30] =	ssyncadd.s32 $0xFFFFFFD8  }
0x76: {  	[tilespmem:s19], [sflag:$0x9] =	stream.indirect.gather [hbm4b:s3+s28], $0x80, s6, s28, $0xb8;
	[tilespmem:$0x6900] =	vst v63  }
0x77: {  	_ =	swait.ge [sflag:s12], $0x1400  }
0x78: {  	[sflag:s12] =	ssyncset.done $0x0  }
0x79: {  	s13 =	simm.s32 $0xC;
	[sflag:s12] =	ssyncadd.s32 $0xFFFFEC00  }
0x7a: {  	[tilespmem:s11], [sflag:$0xD] =	stream.indirect.gather.add.f32 [hbm:s4], $0x80, s24, s28, $0xb8;
	[tilespmem:$0x6900] =	vst v63  }
0x7b: {  	_ =	swait.ge [sflag:s13], $0x1400  }
0x7c: {  	s17 =	rddreg [dreg:$0x3]  }
0x7d: {  	s12 =	sadd.s32 s15, s17  }
0x7e: {  	[sflag:s13] =	ssyncset.done $0x0;
	s12 =	sshll.u32 s12, $0x4  }
0x7f: {  	s24 =	simm.s32 $0x10;
	[sflag:s13] =	ssyncadd.s32 $0xFFFFEC00;
	s12 =	sadd.s32 s8, s12  }
0x80: {  	[hbm4b:s12+s2] =	stream.linear.scatter [tilespmem:s31], [sflag:$0x11], $0x1400, $0x38;
	[tilespmem:$0x6900] =	vst v63  }
0x81: {  	_ =	swait.ge [sflag:s24], $0x1400  }
0x82: {  	p0 =	seq.s32 s26, $0x708;
	s12 =	rddreg [dreg:$0xd]  }
0x83: {  	s12 =	sadd.s32 @!p0 s15, s12  }
0x84: {  	[sflag:s24] =	ssyncset.done $0x0;
	s12 =	sshrl.u32 @!p0 s12, $0x3  }
0x85: {  	s13 =	simm.s32 @!p0 $0x0;
	[sflag:s24] =	ssyncadd.s32 $0xFFFFEC00;
	s17 =	sadd.s32 @!p0 s5, s12  }
0x86: {  	[tilespmem:s13], [sflag:$0x1] =	stream.linear.gather @!p0 [hbm4b:s17+s13], $0x28, $0x38;
	[tilespmem:$0x6900] =	vst v63  }
0x87: {  	s12 =	sadd.s32 @!p0 s7, s12;
	s17 =	simm.s32 @!p0 $0x280  }
0x88: {  	[tilespmem:s17], [sflag:$0x1] =	stream.linear.gather @!p0 [hbm4b:s12+s13], $0x28, $0x38;
	[tilespmem:$0x6900] =	vst v63  }
0x89: {  	_ =	swait.ge [sflag:s21], $0x28  }
0x8a: {  	[sflag:s21] =	ssyncset.done $0x0  }
0x8b: {  	[sflag:s21] =	ssyncadd.s32 $0xFFFFFFD8  }
0x8c: {  	_ =	swait.ge [sflag:s21], $0x28  }
0x8d: {  	[sflag:s21] =	ssyncset.done $0x0  }
0x8e: {  	s12 =	simm.s32 $0x9;
	[sflag:s21] =	ssyncadd.s32 $0xFFFFFFD8  }
0x8f: {  	[tilespmem:s20], [sflag:$0xA] =	stream.indirect.gather [hbm4b:s3+s28], $0x80, s22, s28, $0xb8;
	[tilespmem:$0x6900] =	vst v63  }
0x90: {  	_ =	swait.ge [sflag:s12], $0x1400  }
0x91: {  	[sflag:s12] =	ssyncset.done $0x0  }
0x92: {  	s17 =	simm.s32 $0xD;
	[sflag:s12] =	ssyncadd.s32 $0xFFFFEC00  }
0x93: {  	[tilespmem:s19], [sflag:$0xE] =	stream.indirect.gather.add.f32 [hbm:s4], $0x80, s9, s28, $0xb8;
	[tilespmem:$0x6900] =	vst v63  }
0x94: {  	_ =	swait.ge [sflag:s17], $0x1400  }
0x95: {  	s22 =	rddreg [dreg:$0x5]  }
0x96: {  	s12 =	sadd.s32 s15, s22  }
0x97: {  	[sflag:s17] =	ssyncset.done $0x0;
	s12 =	sshll.u32 s12, $0x4  }
0x98: {  	s24 =	simm.s32 $0x11;
	[sflag:s17] =	ssyncadd.s32 $0xFFFFEC00;
	s12 =	sadd.s32 s8, s12  }
0x99: {  	[hbm4b:s12+s2] =	stream.linear.scatter [tilespmem:s11], [sflag:$0x12], $0x1400, $0x38;
	[tilespmem:$0x6900] =	vst v63  }
0x9a: {  	_ =	swait.ge [sflag:s24], $0x1400  }
0x9b: {  	s12 =	rddreg [dreg:$0xe]  }
0x9c: {  	s12 =	sadd.s32 @!p0 s15, s12  }
0x9d: {  	[sflag:s24] =	ssyncset.done $0x0;
	s12 =	sshrl.u32 @!p0 s12, $0x3  }
0x9e: {  	s22 =	simm.s32 @!p0 $0x80;
	[sflag:s24] =	ssyncadd.s32 $0xFFFFEC00;
	s17 =	sadd.s32 @!p0 s5, s12  }
0x9f: {  	[tilespmem:s22], [sflag:$0x2] =	stream.linear.gather @!p0 [hbm4b:s17+s13], $0x28, $0x38;
	[tilespmem:$0x6900] =	vst v63  }
0xa0: {  	s12 =	sadd.s32 @!p0 s7, s12;
	s17 =	simm.s32 @!p0 $0x300  }
0xa1: {  	[tilespmem:s17], [sflag:$0x2] =	stream.linear.gather @!p0 [hbm4b:s12+s13], $0x28, $0x38;
	[tilespmem:$0x6900] =	vst v63  }
0xa2: {  	s12 =	simm.s32 @!p0 $0x1  }
0xa3: {  	_ =	swait.ge @!p0 [sflag:s12], $0x28  }
0xa4: {  	[sflag:s12] =	ssyncset.done @!p0 $0x0  }
0xa5: {  	[sflag:s12] =	ssyncadd.s32 @!p0 $0xFFFFFFD8  }
0xa6: {  	_ =	swait.ge @!p0 [sflag:s12], $0x28  }
0xa7: {  	[sflag:s12] =	ssyncset.done @!p0 $0x0  }
0xa8: {  	s17 =	simm.s32 @!p0 $0x500;
	[sflag:s12] =	ssyncadd.s32 @!p0 $0xFFFFFFD8;
	s12 =	simm.s32 @!p0 $0x28  }
0xa9: {  	[tilespmem:s17], [sflag:$0x6] =	stream.indirect.gather @!p0 [hbm4b:s3+s12], $0x80, s13, s12, $0xb8;
	[tilespmem:$0x6900] =	vst v63  }
0xaa: {  	_ =	swait.ge [sflag:s0], $0x1400  }
0xab: {  	[sflag:s0] =	ssyncset.done $0x0  }
0xac: {  	[sflag:s0] =	ssyncadd.s32 $0xFFFFEC00  }
0xad: {  	[tilespmem:s20], [sflag:$0xF] =	stream.indirect.gather.add.f32 [hbm:s4], $0x80, s18, s28, $0xb8;
	[tilespmem:$0x6900] =	vst v63  }
0xae: {  	_ =	swait.ge [sflag:s29], $0x1400  }
0xaf: {  	s25 =	sshll.u32 s25, $0x4;
	[sflag:s29] =	ssyncset.done $0x0  }
.Ltmp2:
0xb0: {  	s12 =	sadd.s32 s8, s25;
	[sflag:s29] =	ssyncadd.s32 $0xFFFFEC00;
	(pc) =	sbr.rel @p0 .LBB2_4-.Ltmp2, $4  }
0xb1: {  	[hbm4b:s12+s2] =	stream.linear.scatter [tilespmem:s19], [sflag:$0x13], $0x1400, $0x38;
	[tilespmem:$0x6900] =	vst v63  }
0xb2: {  	_ =	swait.ge [sflag:s1], $0x1400  }
0xb3: {  	s23 =	simm.s32 $0x500;
	s6 =	simm.s32 $0x5500;
	[sflag:s1] =	ssyncset.done $0x0  }
0xb4: {  	s31 =	simm.s32 $0x380;
	s24 =	simm.s32 $0x100;
	[sflag:s1] =	ssyncadd.s32 $0xFFFFEC00  }
0xb5: {  	s12 =	rddreg [dreg:$0xf]  }
0xb6: {  	s12 =	sadd.s32 s15, s12  }
.Ltmp3:
0xb7: {  	s12 =	sshrl.u32 s12, $0x3;
	(pc) =	sbr.rel .LBB2_2-.Ltmp3, $4  }
0xb8: {  	s26 =	sadd.s32 $0xC8, s26;
	s14 =	sadd.s32 $0xC80, s14;
	s13 =	sadd.s32 s5, s12  }
0xb9: {  	[tilespmem:s24], [sflag:$0x3] =	stream.linear.gather [hbm4b:s13+s2], $0x28, $0x38;
	[tilespmem:$0x6900] =	vst v63  }
0xba: {  	s22 =	simm.s32 $0x100;
	s12 =	sadd.s32 s7, s12;
	s24 =	simm.s32 $0x380  }
0xbb: {  	[tilespmem:s31], [sflag:$0x3] =	stream.linear.gather [hbm4b:s12+s2], $0x28, $0x38;
	[tilespmem:$0x6900] =	vst v63  }
.LBB2_5:
0xbc: {  	_ =	sfence.sel $0x180000  }
0xbd: {  	[bflag:$0x0] =	sbarrier.arrive $0xFFFF  }
0xbe: {  	_ =	strace $0x90000047  }
0xbf: {  	s0 =	stileid.u32;
	[bflag:$0x2] =	sbarrier.arrive $0xFFFF  }
0xc0: {  	p0 =	sne.s32 s0, $0x0;
	s0 =	rddreg [dreg:$0x1]  }
0xc1: {  	s0 =	sadd.s32 @!p0 $0x100000, s0  }
0xc2: {  	[sflag:s0] =	ssyncadd.tile.s32 @!p0 $0x1;
	_ =	shalt  }
.Lfunc_end2:
_tile_overlayer_lowered:
.L_overlay_start_2:
0xc3: {  	(tag) =	ssettag $0x2  }
0xc4: {  	s0 =	rddreg [dreg:$0x0];
	s2 =	stileid.u32  }
0xc5: {  	s1 =	rddreg [dreg:$0x1];
	p0 =	sne.s32 s2, $0x0  }
0xc6: {  	s3 =	rddreg [dreg:$0x2];
	[bflag:$0x3] =	sbarrier.arrive $0xFFFF;
	s2 =	simm.s32 @!p0 $0x1C15  }
0xc7: {  	[timem:s3], [sflag:s2] =	dma.local @!p0 [hbm:s0], s1  }
0xc8: {  	s0 =	simm.s32 @!p0 $0x15  }
0xc9: {  	_ =	swait.ge @!p0 [sflag:s0], s1  }
0xca: {  	s1 =	ssub.s32 @!p0 $0x0, s1;
	[sflag:s0] =	ssyncset.done @!p0 $0x0  }
0xcb: {  	[sflag:s0] =	ssyncadd.s32 @!p0 s1  }
0xcc: {  	[bflag:$0x3] =	sbarrier.arrive $0xFFFF  }
0xcd: {  	_ =	shalt  }

// kernel: kernel.17.cloned.1.call-start
scs
__scs_entry_jumppad:
0x0: {  	(pc) =	sbr.rel $0x88, $3  }
0x1: {  	(tag) =	ssettag $0x0;
	lr =	simm.s32 $0x1  }
0x2: {  	[smem:$0x3F95] =	sst lr;
	_ =	strace $0xD0000000  }
0x3: {  	_ = 	snop  }
0x4: {  	_ = 	snop  }
0x5: {  	_ = 	snop  }
0x6: {  	_ = 	snop  }
0x7: {  	_ = 	snop  }
__scs_overlays_trampoline_lowered:
0x8: {  	[smem:$0x3FA4] =	sst s0  }
0x9: {  	[smem:$0x3FA5] =	sst s1  }
0xa: {  	[smem:$0x3FA6] =	sst s2  }
0xb: {  	[smem:$0x3FA7] =	sst s3  }
0xc: {  	[smem:$0x3FA8] =	sst s4  }
0xd: {  	[smem:$0x3FA9] =	sst s5  }
0xe: {  	[smem:$0x3FAA] =	sst s6  }
0xf: {  	[smem:$0x3FAB] =	sst s7  }
0x10: {  	[smem:$0x3FAC] =	sst s8  }
0x11: {  	[smem:$0x3FAD] =	sst s9;
	s0 =	simm.s32 @!p0 $0x0  }
0x12: {  	s1 =	sld [smem:$0x3F93];
	s0 =	simm.s32 @p0 $0x1  }
0x13: {  	[smem:$0x3FAE] =	sst s0;
	s0 =	simm.s32 @!p1 $0x0  }
0x14: {  	s2 =	sld [smem:$0x3F92];
	s0 =	simm.s32 @p1 $0x1  }
0x15: {  	[smem:$0x3FAF] =	sst s0;
	s0 =	simm.s32 @!p2 $0x0  }
0x16: {  	s3 =	sld [smem:$0x3FDB];
	s0 =	simm.s32 @p2 $0x1  }
0x17: {  	s4 =	simm.s32 $0x1BF5;
	[smem:$0x3FB1] =	sst s0  }
0x18: {  	s0 =	sld [smem:$0x3F94];
	_ =	swait.ge [sflag:s4], $0x0  }
0x19: {  	s7 =	sld [smem:$0x3F95]  }
0x1a: {  	s8 =	sadd.s32 $0xFFFFE003, lr  }
0x1b: {  	s9 =	sadd.s32 $0xFFFFFEF7, lr;
	s5 =	simm.s32 $0xFFFFFFFF;
	p2 =	slt.u32 s8, $0xFFFFF086  }
0x1c: {  	p1 =	slt.u32 s9, $0xF7A;
	s5 =	simm.s32 @!p2 $0x0  }
0x1d: {  	s5 =	simm.s32 @p1 $0x1;
	p0 =	seq.s32 s7, s2  }
0x1e: {  	s7 =	smul.u32 @!p0 $0xF7A, s2;
	p2 =	seq.s32 @!p0 s5, $0x0  }
0x1f: {  	s9 =	smul.u32 $0xF7A, s1;
	s8 =	simm.s32 @!p0 $0x1BF5;
	p2 =	por !p2, p0  }
0x20: {  	[sflag:s8] =	ssyncset.s32 @!p0 $0xFFFFF086;
	s6 =	sadd.s32 @!p0 s3, s7;
	s7 =	simm.s32 @!p0 $0x108  }
0x21: {  	s3 =	sadd.s32 s3, s9;
	s6 =	sadd.s32 @!p0 $0x88, s6;
	s7 =	simm.s32 @p2 $0x1082  }
0x22: {  	[simem:s7], [sflag:s8] =	dma.local @!p0 [hbm:s6], $0xF7A  }
0x23: {  	s9 =	sor.u32 $0xD0000000, s2;
	s6 =	simm.s32 $0x108;
	_ =	swait.ge @!p0 [sflag:s8], $0x0  }
0x24: {  	s3 =	sadd.s32 $0x88, s3;
	s6 =	simm.s32 @!p1 $0x1082;
	[sflag:s4] =	ssyncset.s32 $0xFFFFF086  }
0x25: {  	[simem:s6], [sflag:s4] =	dma.local [hbm:s3], $0xF7A  }
0x26: {  	[smem:$0x3F95] =	sst s1;
	(tag) =	ssettag s2;
	_ =	strace s9  }
0x27: {  	s1 =	sld [smem:$0x3FA5]  }
0x28: {  	s2 =	sld [smem:$0x3FA6]  }
0x29: {  	s4 =	sld [smem:$0x3FA8]  }
0x2a: {  	p0 =	seq.s32 s5, $0x0;
	s5 =	sld [smem:$0x3FA9]  }
0x2b: {  	s6 =	sld [smem:$0x3FAA]  }
0x2c: {  	s7 =	sld [smem:$0x3FAB]  }
0x2d: {  	s3 =	simm.s32 $0x108;
	s8 =	sld [smem:$0x3FAC]  }
0x2e: {  	s3 =	simm.s32 @!p0 $0x1082;
	s9 =	sld [smem:$0x3FAD]  }
0x2f: {  	lr =	sadd.s32 s0, s3;
	s0 =	sld [smem:$0x3FA4]  }
0x30: {  	s3 =	sld [smem:$0x3FA7]  }
0x31: {  	[smem:$0x3FB0] =	sst s10  }
0x32: {  	s10 =	sld [smem:$0x3FAE];
	_ =	sdelay $0x3  }
0x33: {  	p0 =	seq.s32 s10, $0x1;
	s10 =	sld [smem:$0x3FB0];
	_ =	sdelay $0x3  }
0x34: {  	[smem:$0x3FB0] =	sst s10  }
0x35: {  	s10 =	sld [smem:$0x3FAF];
	_ =	sdelay $0x3  }
0x36: {  	p1 =	seq.s32 s10, $0x1;
	s10 =	sld [smem:$0x3FB0];
	_ =	sdelay $0x3  }
0x37: {  	[smem:$0x3FB0] =	sst s10  }
0x38: {  	s10 =	sld [smem:$0x3FB1]  }
0x39: {  	_ = 	snop;
	(pc) =	sbr.ind lr, $3  }
0x3a: {  	_ = 	snop  }
0x3b: {  	_ = 	snop  }
0x3c: {  	p2 =	seq.s32 s10, $0x1;
	s10 =	sld [smem:$0x3FB0]  }
0x3d: {  	_ =	shalt  }
0x3e: {  	_ =	shalt  }
0x3f: {  	_ =	shalt  }
0x40: {  	_ =	shalt  }
0x41: {  	_ =	shalt  }
0x42: {  	_ =	shalt  }
0x43: {  	_ =	shalt  }
0x44: {  	_ =	shalt  }
0x45: {  	_ =	shalt  }
0x46: {  	_ =	shalt  }
0x47: {  	_ =	shalt  }
0x48: {  	_ =	shalt  }
0x49: {  	_ =	shalt  }
0x4a: {  	_ =	shalt  }
0x4b: {  	_ =	shalt  }
0x4c: {  	_ =	shalt  }
0x4d: {  	_ =	shalt  }
0x4e: {  	_ =	shalt  }
0x4f: {  	_ =	shalt  }
0x50: {  	_ =	shalt  }
0x51: {  	_ =	shalt  }
0x52: {  	_ =	shalt  }
0x53: {  	_ =	shalt  }
0x54: {  	_ =	shalt  }
0x55: {  	_ =	shalt  }
0x56: {  	_ =	shalt  }
0x57: {  	_ =	shalt  }
0x58: {  	_ =	shalt  }
0x59: {  	_ =	shalt  }
0x5a: {  	_ =	shalt  }
0x5b: {  	_ =	shalt  }
0x5c: {  	_ =	shalt  }
0x5d: {  	_ =	shalt  }
0x5e: {  	_ =	shalt  }
0x5f: {  	_ =	shalt  }
0x60: {  	_ =	shalt  }
0x61: {  	_ =	shalt  }
0x62: {  	_ =	shalt  }
0x63: {  	_ =	shalt  }
0x64: {  	_ =	shalt  }
0x65: {  	_ =	shalt  }
0x66: {  	_ =	shalt  }
0x67: {  	_ =	shalt  }
0x68: {  	_ =	shalt  }
0x69: {  	_ =	shalt  }
0x6a: {  	_ =	shalt  }
0x6b: {  	_ =	shalt  }
0x6c: {  	_ =	shalt  }
0x6d: {  	_ =	shalt  }
0x6e: {  	_ =	shalt  }
0x6f: {  	_ =	shalt  }
0x70: {  	_ =	shalt  }
0x71: {  	_ =	shalt  }
0x72: {  	_ =	shalt  }
0x73: {  	_ =	shalt  }
0x74: {  	_ =	shalt  }
0x75: {  	_ =	shalt  }
0x76: {  	_ =	shalt  }
0x77: {  	_ =	shalt  }
0x78: {  	_ =	shalt  }
0x79: {  	_ =	shalt  }
0x7a: {  	_ =	shalt  }
0x7b: {  	_ =	shalt  }
0x7c: {  	_ =	shalt  }
0x7d: {  	_ =	shalt  }
0x7e: {  	_ =	shalt  }
0x7f: {  	_ =	shalt  }
0x80: {  	_ =	shalt  }
0x81: {  	_ =	shalt  }
0x82: {  	_ =	shalt  }
0x83: {  	_ =	shalt  }
0x84: {  	_ =	shalt  }
0x85: {  	_ =	shalt  }
0x86: {  	_ =	shalt  }
0x87: {  	_ =	shalt  }
.Lfunc_end0:
.L_simem_size_0:
called_computation.1_lowered:
.L_overlay_start_0:
0x88: {  	s2 =	sld [smem:$0x3FD9]  }
0x89: {  	s3 =	sld [smem:$0x3FFE];
	_ =	sdelay $0x1  }
0x8a: {  	s1 =	srdreg.scid  }
0x8b: {  	s0 =	sand.u32 $0x1, s1  }
0x8c: {  	s17 =	sshll.u32 s0, $0xA;
	s2 =	sadd.s32 s3, s2  }
0x8d: {  	s2 =	sadd.s32 s2, s17  }
0x8e: {  	[smem:$0x3FBC] =	sst s2  }
0x8f: {  	_ = 	snop  }
0x90: {  	(tm) =	ssettm $0x1  }
0x91: {  	s18 =	sld [smem:$0x3FFB];
	_ =	sdelay $0x3  }
0x92: {  	_ =	strace s18  }
0x93: {  	s2 =	sld [smem:$0x3FFC];
	_ =	sdelay $0x3  }
0x94: {  	_ =	strace s2  }
0x95: {  	s2 =	sld [smem:$0x3FFD];
	_ =	sdelay $0x3  }
0x96: {  	_ =	strace s2  }
0x97: {  	_ =	strace $0x8FFFFFFF  }
0x98: {  	s19 =	sld [smem:$0x3FDB];
	_ =	sdelay $0x1  }
0x99: {  	s20 =	simm.s32 $_scs_section_size  }
0x9a: {  	s4 =	simm.s32 $_size__tile_overlayer_lowered;
	s5 =	simm.s32 $_tile_overlayer_lowered  }
0x9b: {  	s6 =	simm.s32 $0x1BFF;
	s21 =	sshll.u32 s5, $0x1;
	s3 =	sadd.s32 s20, s19  }
0x9c: {  	s22 =	simm.s32 $0x0;
	s4 =	sshll.u32 s4, $0x1;
	s5 =	sadd.s32 s21, s3  }
0x9d: {  	[timem:s22], [sflag:s6] =	dma.local [hbm:s5], s4  }
0x9e: {  	_ =	swait.ge [sflag:s6], s4  }
0x9f: {  	s4 =	ssub.s32 $0x0, s4;
	[sflag:s6] =	ssyncset.done $0x0  }
0xa0: {  	[sflag:s6] =	ssyncadd.s32 s4;
	_ =	sdelay $0x1  }
0xa1: {  	s23 =	simm.s32 $0x1B8B  }
0xa2: {  	_ =	swait.ge [sflag:s23], $0x1  }
0xa3: {  	[sflag:s23] =	ssyncset.done $0x0  }
0xa4: {  	[sflag:s23] =	ssyncadd.s32 $0xFFFFFFFF  }
0xa5: {  	s4 =	sld [smem:$0x0]  }
0xa6: {  	s5 =	sand.u32 $0xFFFFFFFE, s1  }
0xa7: {  	p0 =	sne.s32 s1, s5  }
0xa8: {  	s5 =	sshll.u32 @p0 s5, $0xE  }
0xa9: {  	s5 =	sadd.s32 @p0 $0x11B8D, s5;
	s6 =	sshll.u32 @p0 s4, $0x11  }
0xaa: {  	s5 =	sor.u32 @p0 s6, s5  }
0xab: {  	[sflag:s5] =	ssyncadd.remote.s32 @p0 $0x1;
	_ =	sdelay $0x1  }
0xac: {  	s5 =	simm.s32 @p0 $0x1B8D  }
0xad: {  	_ =	swait.eq @p0 [sflag:s5], $0x1  }
0xae: {  	[sflag:s5] =	ssyncadd.s32 @p0 $0xFFFFFFFF  }
0xaf: {  	s6 =	sshll.u32 @!p0 s1, $0xE  }
0xb0: {  	s6 =	sor.u32 @!p0 $0x4000, s6;
	s5 =	simm.s32 @!p0 $0x1B8D  }
0xb1: {  	s4 =	sshll.u32 @!p0 s4, $0x11;
	s6 =	sadd.s32 @!p0 $0x11B8D, s6;
	_ =	swait.eq @!p0 [sflag:s5], $0x1  }
0xb2: {  	s4 =	sor.u32 @!p0 s4, s6;
	[sflag:s5] =	ssyncadd.s32 @!p0 $0xFFFFFFFF  }
0xb3: {  	s25 =	simm.s32 $0x1B8E;
	s24 =	sld [smem:$0x3FFE];
	[sflag:s4] =	ssyncadd.remote.s32 @!p0 $0x1  }
0xb4: {  	s26 =	simm.s32 $execute0_lowered;
	[smem:$0x3FD2] =	sst s25  }
0xb5: {  	s5 =	sshll.u32 s26, $0x1;
	_ =	strace $0x80000049;
	[dreg:$0x1] =	wrdreg $0xFFFFFFFF  }
0xb6: {  	s28 =	simm.s32 $_size_execute0_lowered;
	s3 =	sadd.s32 s3, s5;
	[dreg:$0x0] =	wrdreg $0x0  }
0xb7: {  	s5 =	sshll.u32 s28, $0x1;
	[dreg:$0x2] =	wrdreg s3  }
0xb8: {  	[dreg:$0x3] =	wrdreg s5  }
0xb9: {  	[dreg:$0x4] =	wrdreg $0xC0  }
0xba: {  	_ =	task [dreg:s22], $0x5FFFF  }
0xbb: {  	[dreg:$0x1] =	wrdreg $0xFFFFFFFF  }
0xbc: {  	[dreg:$0x0] =	wrdreg $0x60  }
0xbd: {  	[dreg:$0x2] =	wrdreg s24  }
0xbe: {  	[dreg:$0x3] =	wrdreg $0xA  }
0xbf: {  	_ =	task.clear_ibuf [dreg:s22], $0x4FFFF;
	_ =	strace $0x90000049  }
0xc0: {  	s29 =	simm.s32 $0xA;
	_ =	strace $0x8000004B  }
0xc1: {  	_ =	swait.ge [sflag:s29], $0x1  }
0xc2: {  	[sflag:s29] =	ssyncadd.s32 $0xFFFFFFFF  }
0xc3: {  	_ =	strace $0x9000004B  }
0xc4: {  	_ =	sfence  }
0xc5: {  	s30 =	sld [smem:$0x0];
	_ =	sdelay $0x2  }
0xc6: {  	s31 =	sshll.u32 s1, $0xD;
	s1 =	sshrl.u32 s1, $0x2  }
0xc7: {  	s4 =	sand.u32 $0x4000, s31;
	s1 =	sadd.s32 s1, s30  }
0xc8: {  	s0 =	sor.u32 s4, s0;
	s1 =	sshll.u32 s1, $0x11  }
0xc9: {  	s0 =	sor.u32 s1, s0  }
0xca: {  	s0 =	sadd.s32 $0x8F2B, s0  }
0xcb: {  	[sflag:s0] =	ssyncadd.remote.s32 $0x1  }
0xcc: {  	_ =	sfence.sel $0xFFFF  }
0xcd: {  	[dreg:$0x0] =	wrdreg $0xFFFFFFFF;
	(pc) =	sbr.abs _section_cstart, $3  }
0xce: {  	[dreg:$0x1] =	wrdreg $0xFFFFFFFF  }
0xcf: {  	_ =	task.clear_ibuf [dreg:s22], $0x2FFFF;
	_ =	strace $0x9FFFFFFF  }
0xd0: {  	(tm) =	ssettm $0x7FFFFFFF  }
0xd1: {  	_ =	shalt  }
tec
execute0_lowered:
.L_overlay_start_1:
0x0: {  	(tag) =	ssettag $0x1  }
0x1: {  	s0 =	rddreg [dreg:$0x0];
	s2 =	simm.s32 $0x0;
	s1 =	srdreg.scid  }
0x2: {  	s11 =	stileid.u32;
	s28 =	simm.s32 $0x28;
	s30 =	simm.s32 $0x4  }
0x3: {  	s29 =	simm.s32 $0xE;
	[smem:$0x7FF] =	sst s2;
	s1 =	sand.u32 $0x1, s1  }
0x4: {  	s5 =	sshll.u32 s11, $0x1;
	s3 =	sadd.s32 $0x7800, s0;
	s4 =	sadd.s32 $0x2EA00, s0  }
0x5: {  	s7 =	sadd.s32 $0x14FC00, s0;
	s22 =	smul.u32 $0xFA00, s11;
	s6 =	sor.u32 s1, s5  }
0x6: {  	s8 =	sadd.s32 $0x15FC00, s0;
	s11 =	simm.s32 $0x2D00;
	s12 =	smul.u32 $0x7D0, s6  }
0x7: {  	_ =	strace $0x8000004A;
	s5 =	sadd.s32 $0x151C00, s0;
	s9 =	ssub.s32 $0x2, s1  }
0x8: {  	s1 =	smul.u32 $0x7D00, s1;
	s10 =	sadd.s32 $0x28, s12;
	[dreg:$0x2] =	wrdreg s12  }
0x9: {  	s15 =	sshrl.u32 s9, $0x1;
	s17 =	sadd.s32 $0x50, s12;
	[dreg:$0x3] =	wrdreg s10  }
0xa: {  	s6 =	smul.u32 $0x3E800, s6;
	s21 =	sadd.s32 $0x78, s12;
	[dreg:$0x5] =	wrdreg s17  }
0xb: {  	s0 =	ssub.s32 s9, s15;
	s23 =	sadd.s32 $0xA0, s12;
	[dreg:$0xb] =	wrdreg s21  }
0xc: {  	s16 =	sshrl.u32 s12, $0x3;
	s24 =	sadd.s32 $0xC8, s12;
	[dreg:$0xc] =	wrdreg s23  }
0xd: {  	s25 =	sadd.s32 $0xF0, s12;
	s6 =	sshrl.u32 s6, $0x3;
	[dreg:$0xd] =	wrdreg s24  }
0xe: {  	s26 =	sadd.s32 $0x118, s12;
	s0 =	smax.u32 s0, $0x1;
	[dreg:$0xe] =	wrdreg s25  }
0xf: {  	s13 =	sadd.s32 s5, s16;
	s10 =	sshrl.u32 s10, $0x3;
	[dreg:$0xf] =	wrdreg s26  }
0x10: {  	s9 =	sadd.s32 s7, s16;
	s19 =	sshrl.u32 s17, $0x3;
	[dreg:$0x11] =	wrdreg s0  }
0x11: {  	s6 =	sadd.s32 s8, s6;
	s23 =	simm.s32 $0x500;
	[dreg:$0x4] =	wrdreg s13  }
0x12: {  	s24 =	simm.s32 $0x380;
	[dreg:$0x6] =	wrdreg s9;
	s18 =	sadd.s32 s5, s10  }
0x13: {  	s16 =	simm.s32 $0x3;
	s10 =	sadd.s32 s7, s10;
	[dreg:$0x7] =	wrdreg s18  }
0x14: {  	s21 =	simm.s32 $0x5;
	s20 =	sadd.s32 s5, s19;
	[dreg:$0x8] =	wrdreg s10  }
0x15: {  	s0 =	simm.s32 $0xA;
	s9 =	sadd.s32 s7, s19;
	[dreg:$0x9] =	wrdreg s20  }
.Ltmp0:
0x16: {  	s6 =	sadd.s32 $0x7A80, s6;
	[dreg:$0xa] =	wrdreg s9;
	(pc) =	sbr.rel .LBB2_1-.Ltmp0, $4  }
0x17: {  	s19 =	simm.s32 $0x4100;
	s9 =	sadd.s32 s22, s8;
	[dreg:$0x10] =	wrdreg s6  }
0x18: {  	s22 =	simm.s32 $0x100;
	s10 =	simm.s32 $0x2;
	s1 =	sadd.s32 s1, s9  }
0x19: {  	s18 =	simm.s32 $0x480;
	s20 =	simm.s32 $0x5500;
	s31 =	sadd.s32 $0xFFFFFD80, s1  }
0x1a: {  	s9 =	simm.s32 $0x0;
	s1 =	simm.s32 $0x12;
	[dreg:$0x12] =	wrdreg s31  }
.LBB2_4:
0x1b: {  	s9 =	simm.s32 $0xF  }
0x1c: {  	_ =	swait.ge [sflag:s9], $0x1400  }
0x1d: {  	[sflag:s9] =	ssyncset.done $0x0  }
0x1e: {  	s24 =	simm.s32 $0x13;
	s12 =	rddreg [dreg:$0x10];
	[sflag:s9] =	ssyncadd.s32 $0xFFFFEC00  }
0x1f: {  	[hbm4b:s12+s2] =	stream.linear.scatter [tilespmem:s6], [sflag:$0x14], $0x1400, $0x38;
	[tilespmem:$0x6900] =	vst v63  }
0x20: {  	_ =	swait.ge [sflag:s24], $0x1400  }
0x21: {  	[sflag:s24] =	ssyncset.done $0x0  }
0x22: {  	s25 =	simm.s32 $0x14;
	[sflag:s24] =	ssyncadd.s32 $0xFFFFEC00  }
0x23: {  	_ =	swait.ge [sflag:s25], $0x1400  }
0x24: {  	s26 =	rddreg [dreg:$0x13]  }
0x25: {  	s31 =	rddreg [dreg:$0x11];
	s9 =	sadd.s32 $0x1, s26  }
0x26: {  	p0 =	sne.s32 s9, s31  }
.Ltmp1:
0x27: {  	_ = 	snop;
	(pc) =	sbr.rel @!p0 .LBB2_5-.Ltmp1, $3  }
0x28: {  	_ =	sdelay $0x1  }
0x29: {  	[sflag:s25] =	ssyncset.done $0x0  }
0x2a: {  	s22 =	simm.s32 $0x100;
	s24 =	simm.s32 $0x380;
	[sflag:s25] =	ssyncadd.s32 $0xFFFFEC00  }
.LBB2_1:
0x2b: {  	[dreg:$0x13] =	wrdreg s9  }
0x2c: {  	s12 =	rddreg [dreg:$0x4]  }
0x2d: {  	[tilespmem:s2], [sflag:$0x1] =	stream.linear.gather [hbm4b:s12+s2], $0x28, $0x38;
	[tilespmem:$0x6900] =	vst v63  }
0x2e: {  	s9 =	rddreg [dreg:$0x6];
	s13 =	simm.s32 $0x280;
	s14 =	simm.s32 $0x1  }
0x2f: {  	[tilespmem:s13], [sflag:$0x1] =	stream.linear.gather [hbm4b:s9+s2], $0x28, $0x38;
	[tilespmem:$0x6900] =	vst v63  }
0x30: {  	_ =	swait.ge [sflag:s14], $0x28  }
0x31: {  	[sflag:s14] =	ssyncset.done $0x0  }
0x32: {  	[sflag:s14] =	ssyncadd.s32 $0xFFFFFFD8  }
0x33: {  	_ =	swait.ge [sflag:s14], $0x28  }
0x34: {  	[sflag:s14] =	ssyncset.done $0x0  }
0x35: {  	s15 =	rddreg [dreg:$0x7];
	[sflag:s14] =	ssyncadd.s32 $0xFFFFFFD8  }
0x36: {  	[tilespmem:s23], [sflag:$0x6] =	stream.indirect.gather [hbm4b:s3+s28], $0x80, s2, s28, $0xb8;
	[tilespmem:$0x6900] =	vst v63  }
0x37: {  	s17 =	simm.s32 $0x80;
	s26 =	rddreg [dreg:$0x9]  }
0x38: {  	[tilespmem:s17], [sflag:$0x2] =	stream.linear.gather [hbm4b:s15+s2], $0x28, $0x38;
	[tilespmem:$0x6900] =	vst v63  }
0x39: {  	s25 =	simm.s32 $0x300;
	s23 =	rddreg [dreg:$0x8]  }
0x3a: {  	[tilespmem:s25], [sflag:$0x2] =	stream.linear.gather [hbm4b:s23+s2], $0x28, $0x38;
	[tilespmem:$0x6900] =	vst v63  }
0x3b: {  	s31 =	rddreg [dreg:$0xa]  }
0x3c: {  	[tilespmem:s22], [sflag:$0x3] =	stream.linear.gather [hbm4b:s26+s2], $0x28, $0x38;
	[tilespmem:$0x6900] =	vst v63  }
0x3d: {  	s14 =	rddreg [dreg:$0x12];
	s26 =	simm.s32 $0x0  }
0x3e: {  	[tilespmem:s24], [sflag:$0x3] =	stream.linear.gather [hbm4b:s31+s2], $0x28, $0x38;
	[tilespmem:$0x6900] =	vst v63  }
.LBB2_2:
0x3f: {  	_ =	swait.ge [sflag:s10], $0x28  }
0x40: {  	[sflag:s10] =	ssyncset.done $0x0  }
0x41: {  	[sflag:s10] =	ssyncadd.s32 $0xFFFFFFD8  }
0x42: {  	_ =	swait.ge [sflag:s10], $0x28  }
0x43: {  	s12 =	simm.s32 $0x80;
	[sflag:s10] =	ssyncset.done $0x0  }
0x44: {  	s31 =	simm.s32 $0x1900;
	s23 =	simm.s32 $0x6;
	[sflag:s10] =	ssyncadd.s32 $0xFFFFFFD8  }
0x45: {  	[tilespmem:s31], [sflag:$0x7] =	stream.indirect.gather [hbm4b:s3+s28], $0x80, s12, s28, $0xb8;
	[tilespmem:$0x6900] =	vst v63  }
0x46: {  	_ =	swait.ge [sflag:s23], $0x1400  }
0x47: {  	s25 =	simm.s32 $0x280;
	p0 =	seq.s32 s26, $0x0;
	[sflag:s23] =	ssyncset.done $0x0  }
0x48: {  	s13 =	simm.s32 $0x500;
	s15 =	simm.s32 @!p0 $0xF;
	[sflag:s23] =	ssyncadd.s32 $0xFFFFEC00  }
0x49: {  	[tilespmem:s13], [sflag:$0xB] =	stream.indirect.gather.add.f32 [hbm:s4], $0x80, s25, s28, $0xb8;
	[tilespmem:$0x6900] =	vst v63  }
0x4a: {  	_ =	swait.ge @!p0 [sflag:s15], $0x1400  }
0x4b: {  	s17 =	simm.s32 @!p0 $0x13;
	[sflag:s15] =	ssyncset.done @!p0 $0x0  }
0x4c: {  	s25 =	simm.s32 @!p0 $0x5500;
	[sflag:s15] =	ssyncadd.s32 @!p0 $0xFFFFEC00;
	s15 =	simm.s32 @!p0 $0x0  }
0x4d: {  	[hbm4b:s14+s15] =	stream.linear.scatter @!p0 [tilespmem:s25], [sflag:$0x14], $0x1400, $0x38;
	[tilespmem:$0x6900] =	vst v63  }
0x4e: {  	s15 =	smov.u32 s26;
	_ =	swait.ge @!p0 [sflag:s17], $0x1400  }
0x4f: {  	s15 =	simm.s32 @p0 $0x0;
	s6 =	rddreg [dreg:$0xb]  }
0x50: {  	s25 =	sadd.s32 s15, s6  }
0x51: {  	[sflag:s17] =	ssyncset.done @!p0 $0x0;
	s12 =	sshrl.u32 s25, $0x3  }
0x52: {  	[sflag:s17] =	ssyncadd.s32 @!p0 $0xFFFFEC00;
	s6 =	simm.s32 $0x180;
	s9 =	sadd.s32 s5, s12  }
0x53: {  	[tilespmem:s6], [sflag:$0x4] =	stream.linear.gather [hbm4b:s9+s2], $0x28, $0x38;
	[tilespmem:$0x6900] =	vst v63  }
0x54: {  	s12 =	sadd.s32 s7, s12;
	s9 =	simm.s32 $0x400  }
0x55: {  	[tilespmem:s9], [sflag:$0x4] =	stream.linear.gather [hbm4b:s12+s2], $0x28, $0x38;
	[tilespmem:$0x6900] =	vst v63  }
0x56: {  	_ =	swait.ge [sflag:s16], $0x28  }
0x57: {  	[sflag:s16] =	ssyncset.done $0x0  }
0x58: {  	[sflag:s16] =	ssyncadd.s32 $0xFFFFFFD8  }
0x59: {  	_ =	swait.ge [sflag:s16], $0x28  }
0x5a: {  	[sflag:s16] =	ssyncset.done $0x0  }
0x5b: {  	s23 =	simm.s32 $0x7;
	[sflag:s16] =	ssyncadd.s32 $0xFFFFFFD8  }
0x5c: {  	[tilespmem:s11], [sflag:$0x8] =	stream.indirect.gather [hbm4b:s3+s28], $0x80, s22, s28, $0xb8;
	[tilespmem:$0x6900] =	vst v63  }
0x5d: {  	_ =	swait.ge [sflag:s23], $0x1400  }
0x5e: {  	[sflag:s23] =	ssyncset.done $0x0  }
0x5f: {  	s17 =	simm.s32 $0x300;
	s22 =	simm.s32 $0xB;
	[sflag:s23] =	ssyncadd.s32 $0xFFFFEC00  }
0x60: {  	[tilespmem:s31], [sflag:$0xC] =	stream.indirect.gather.add.f32 [hbm:s4], $0x80, s17, s28, $0xb8;
	[tilespmem:$0x6900] =	vst v63  }
0x61: {  	_ =	swait.ge [sflag:s22], $0x1400  }
0x62: {  	s23 =	rddreg [dreg:$0x2]  }
0x63: {  	s12 =	sadd.s32 s23, s15  }
0x64: {  	[sflag:s22] =	ssyncset.done $0x0;
	s12 =	sshll.u32 s12, $0x4  }
0x65: {  	[sflag:s22] =	ssyncadd.s32 $0xFFFFEC00;
	s12 =	sadd.s32 s8, s12  }
0x66: {  	[hbm4b:s12+s2] =	stream.linear.scatter [tilespmem:s13], [sflag:$0x10], $0x1400, $0x38;
	[tilespmem:$0x6900] =	vst v63  }
0x67: {  	s12 =	simm.s32 @!p0 $0x14  }
0x68: {  	_ =	swait.ge @!p0 [sflag:s12], $0x1400  }
0x69: {  	s17 =	rddreg [dreg:$0xc]  }
0x6a: {  	s22 =	sadd.s32 s15, s17  }
0x6b: {  	[sflag:s12] =	ssyncset.done @!p0 $0x0;
	s17 =	sshrl.u32 s22, $0x3  }
0x6c: {  	[sflag:s12] =	ssyncadd.s32 @!p0 $0xFFFFEC00;
	s22 =	simm.s32 $0x200;
	s13 =	sadd.s32 s5, s17  }
0x6d: {  	[tilespmem:s22], [sflag:$0x5] =	stream.linear.gather [hbm4b:s13+s2], $0x28, $0x38;
	[tilespmem:$0x6900] =	vst v63  }
0x6e: {  	s17 =	sadd.s32 s7, s17  }
0x6f: {  	[tilespmem:s18], [sflag:$0x5] =	stream.linear.gather [hbm4b:s17+s2], $0x28, $0x38;
	[tilespmem:$0x6900] =	vst v63  }
0x70: {  	_ =	swait.ge [sflag:s30], $0x28  }
0x71: {  	[sflag:s30] =	ssyncset.done $0x0  }
0x72: {  	[sflag:s30] =	ssyncadd.s32 $0xFFFFFFD8  }
0x73: {  	_ =	swait.ge [sflag:s30], $0x28  }
0x74: {  	[sflag:s30] =	ssyncset.done $0x0  }
0x75: {  	s12 =	simm.s32 $0x8;
	[sflag:s30] =	ssyncadd.s32 $0xFFFFFFD8  }
0x76: {  	[tilespmem:s19], [sflag:$0x9] =	stream.indirect.gather [hbm4b:s3+s28], $0x80, s6, s28, $0xb8;
	[tilespmem:$0x6900] =	vst v63  }
0x77: {  	_ =	swait.ge [sflag:s12], $0x1400  }
0x78: {  	[sflag:s12] =	ssyncset.done $0x0  }
0x79: {  	s13 =	simm.s32 $0xC;
	[sflag:s12] =	ssyncadd.s32 $0xFFFFEC00  }
0x7a: {  	[tilespmem:s11], [sflag:$0xD] =	stream.indirect.gather.add.f32 [hbm:s4], $0x80, s24, s28, $0xb8;
	[tilespmem:$0x6900] =	vst v63  }
0x7b: {  	_ =	swait.ge [sflag:s13], $0x1400  }
0x7c: {  	s17 =	rddreg [dreg:$0x3]  }
0x7d: {  	s12 =	sadd.s32 s15, s17  }
0x7e: {  	[sflag:s13] =	ssyncset.done $0x0;
	s12 =	sshll.u32 s12, $0x4  }
0x7f: {  	s24 =	simm.s32 $0x10;
	[sflag:s13] =	ssyncadd.s32 $0xFFFFEC00;
	s12 =	sadd.s32 s8, s12  }
0x80: {  	[hbm4b:s12+s2] =	stream.linear.scatter [tilespmem:s31], [sflag:$0x11], $0x1400, $0x38;
	[tilespmem:$0x6900] =	vst v63  }
0x81: {  	_ =	swait.ge [sflag:s24], $0x1400  }
0x82: {  	p0 =	seq.s32 s26, $0x708;
	s12 =	rddreg [dreg:$0xd]  }
0x83: {  	s12 =	sadd.s32 @!p0 s15, s12  }
0x84: {  	[sflag:s24] =	ssyncset.done $0x0;
	s12 =	sshrl.u32 @!p0 s12, $0x3  }
0x85: {  	s13 =	simm.s32 @!p0 $0x0;
	[sflag:s24] =	ssyncadd.s32 $0xFFFFEC00;
	s17 =	sadd.s32 @!p0 s5, s12  }
0x86: {  	[tilespmem:s13], [sflag:$0x1] =	stream.linear.gather @!p0 [hbm4b:s17+s13], $0x28, $0x38;
	[tilespmem:$0x6900] =	vst v63  }
0x87: {  	s12 =	sadd.s32 @!p0 s7, s12;
	s17 =	simm.s32 @!p0 $0x280  }
0x88: {  	[tilespmem:s17], [sflag:$0x1] =	stream.linear.gather @!p0 [hbm4b:s12+s13], $0x28, $0x38;
	[tilespmem:$0x6900] =	vst v63  }
0x89: {  	_ =	swait.ge [sflag:s21], $0x28  }
0x8a: {  	[sflag:s21] =	ssyncset.done $0x0  }
0x8b: {  	[sflag:s21] =	ssyncadd.s32 $0xFFFFFFD8  }
0x8c: {  	_ =	swait.ge [sflag:s21], $0x28  }
0x8d: {  	[sflag:s21] =	ssyncset.done $0x0  }
0x8e: {  	s12 =	simm.s32 $0x9;
	[sflag:s21] =	ssyncadd.s32 $0xFFFFFFD8  }
0x8f: {  	[tilespmem:s20], [sflag:$0xA] =	stream.indirect.gather [hbm4b:s3+s28], $0x80, s22, s28, $0xb8;
	[tilespmem:$0x6900] =	vst v63  }
0x90: {  	_ =	swait.ge [sflag:s12], $0x1400  }
0x91: {  	[sflag:s12] =	ssyncset.done $0x0  }
0x92: {  	s17 =	simm.s32 $0xD;
	[sflag:s12] =	ssyncadd.s32 $0xFFFFEC00  }
0x93: {  	[tilespmem:s19], [sflag:$0xE] =	stream.indirect.gather.add.f32 [hbm:s4], $0x80, s9, s28, $0xb8;
	[tilespmem:$0x6900] =	vst v63  }
0x94: {  	_ =	swait.ge [sflag:s17], $0x1400  }
0x95: {  	s22 =	rddreg [dreg:$0x5]  }
0x96: {  	s12 =	sadd.s32 s15, s22  }
0x97: {  	[sflag:s17] =	ssyncset.done $0x0;
	s12 =	sshll.u32 s12, $0x4  }
0x98: {  	s24 =	simm.s32 $0x11;
	[sflag:s17] =	ssyncadd.s32 $0xFFFFEC00;
	s12 =	sadd.s32 s8, s12  }
0x99: {  	[hbm4b:s12+s2] =	stream.linear.scatter [tilespmem:s11], [sflag:$0x12], $0x1400, $0x38;
	[tilespmem:$0x6900] =	vst v63  }
0x9a: {  	_ =	swait.ge [sflag:s24], $0x1400  }
0x9b: {  	s12 =	rddreg [dreg:$0xe]  }
0x9c: {  	s12 =	sadd.s32 @!p0 s15, s12  }
0x9d: {  	[sflag:s24] =	ssyncset.done $0x0;
	s12 =	sshrl.u32 @!p0 s12, $0x3  }
0x9e: {  	s22 =	simm.s32 @!p0 $0x80;
	[sflag:s24] =	ssyncadd.s32 $0xFFFFEC00;
	s17 =	sadd.s32 @!p0 s5, s12  }
0x9f: {  	[tilespmem:s22], [sflag:$0x2] =	stream.linear.gather @!p0 [hbm4b:s17+s13], $0x28, $0x38;
	[tilespmem:$0x6900] =	vst v63  }
0xa0: {  	s12 =	sadd.s32 @!p0 s7, s12;
	s17 =	simm.s32 @!p0 $0x300  }
0xa1: {  	[tilespmem:s17], [sflag:$0x2] =	stream.linear.gather @!p0 [hbm4b:s12+s13], $0x28, $0x38;
	[tilespmem:$0x6900] =	vst v63  }
0xa2: {  	s12 =	simm.s32 @!p0 $0x1  }
0xa3: {  	_ =	swait.ge @!p0 [sflag:s12], $0x28  }
0xa4: {  	[sflag:s12] =	ssyncset.done @!p0 $0x0  }
0xa5: {  	[sflag:s12] =	ssyncadd.s32 @!p0 $0xFFFFFFD8  }
0xa6: {  	_ =	swait.ge @!p0 [sflag:s12], $0x28  }
0xa7: {  	[sflag:s12] =	ssyncset.done @!p0 $0x0  }
0xa8: {  	s17 =	simm.s32 @!p0 $0x500;
	[sflag:s12] =	ssyncadd.s32 @!p0 $0xFFFFFFD8;
	s12 =	simm.s32 @!p0 $0x28  }
0xa9: {  	[tilespmem:s17], [sflag:$0x6] =	stream.indirect.gather @!p0 [hbm4b:s3+s12], $0x80, s13, s12, $0xb8;
	[tilespmem:$0x6900] =	vst v63  }
0xaa: {  	_ =	swait.ge [sflag:s0], $0x1400  }
0xab: {  	[sflag:s0] =	ssyncset.done $0x0  }
0xac: {  	[sflag:s0] =	ssyncadd.s32 $0xFFFFEC00  }
0xad: {  	[tilespmem:s20], [sflag:$0xF] =	stream.indirect.gather.add.f32 [hbm:s4], $0x80, s18, s28, $0xb8;
	[tilespmem:$0x6900] =	vst v63  }
0xae: {  	_ =	swait.ge [sflag:s29], $0x1400  }
0xaf: {  	s25 =	sshll.u32 s25, $0x4;
	[sflag:s29] =	ssyncset.done $0x0  }
.Ltmp2:
0xb0: {  	s12 =	sadd.s32 s8, s25;
	[sflag:s29] =	ssyncadd.s32 $0xFFFFEC00;
	(pc) =	sbr.rel @p0 .LBB2_4-.Ltmp2, $4  }
0xb1: {  	[hbm4b:s12+s2] =	stream.linear.scatter [tilespmem:s19], [sflag:$0x13], $0x1400, $0x38;
	[tilespmem:$0x6900] =	vst v63  }
0xb2: {  	_ =	swait.ge [sflag:s1], $0x1400  }
0xb3: {  	s23 =	simm.s32 $0x500;
	s6 =	simm.s32 $0x5500;
	[sflag:s1] =	ssyncset.done $0x0  }
0xb4: {  	s31 =	simm.s32 $0x380;
	s24 =	simm.s32 $0x100;
	[sflag:s1] =	ssyncadd.s32 $0xFFFFEC00  }
0xb5: {  	s12 =	rddreg [dreg:$0xf]  }
0xb6: {  	s12 =	sadd.s32 s15, s12  }
.Ltmp3:
0xb7: {  	s12 =	sshrl.u32 s12, $0x3;
	(pc) =	sbr.rel .LBB2_2-.Ltmp3, $4  }
0xb8: {  	s26 =	sadd.s32 $0xC8, s26;
	s14 =	sadd.s32 $0xC80, s14;
	s13 =	sadd.s32 s5, s12  }
0xb9: {  	[tilespmem:s24], [sflag:$0x3] =	stream.linear.gather [hbm4b:s13+s2], $0x28, $0x38;
	[tilespmem:$0x6900] =	vst v63  }
0xba: {  	s22 =	simm.s32 $0x100;
	s12 =	sadd.s32 s7, s12;
	s24 =	simm.s32 $0x380  }
0xbb: {  	[tilespmem:s31], [sflag:$0x3] =	stream.linear.gather [hbm4b:s12+s2], $0x28, $0x38;
	[tilespmem:$0x6900] =	vst v63  }
.LBB2_5:
0xbc: {  	_ =	sfence.sel $0x180000  }
0xbd: {  	[bflag:$0x0] =	sbarrier.arrive $0xFFFF  }
0xbe: {  	_ =	strace $0x9000004A  }
0xbf: {  	s0 =	stileid.u32;
	[bflag:$0x2] =	sbarrier.arrive $0xFFFF  }
0xc0: {  	p0 =	sne.s32 s0, $0x0;
	s0 =	rddreg [dreg:$0x1]  }
0xc1: {  	s0 =	sadd.s32 @!p0 $0x100000, s0  }
0xc2: {  	[sflag:s0] =	ssyncadd.tile.s32 @!p0 $0x1;
	_ =	shalt  }
.Lfunc_end2:
_tile_overlayer_lowered:
.L_overlay_start_2:
0xc3: {  	(tag) =	ssettag $0x2  }
0xc4: {  	s0 =	rddreg [dreg:$0x0];
	s2 =	stileid.u32  }
0xc5: {  	s1 =	rddreg [dreg:$0x1];
	p0 =	sne.s32 s2, $0x0  }
0xc6: {  	s3 =	rddreg [dreg:$0x2];
	[bflag:$0x3] =	sbarrier.arrive $0xFFFF;
	s2 =	simm.s32 @!p0 $0x1C15  }
0xc7: {  	[timem:s3], [sflag:s2] =	dma.local @!p0 [hbm:s0], s1  }
0xc8: {  	s0 =	simm.s32 @!p0 $0x15  }
0xc9: {  	_ =	swait.ge @!p0 [sflag:s0], s1  }
0xca: {  	s1 =	ssub.s32 @!p0 $0x0, s1;
	[sflag:s0] =	ssyncset.done @!p0 $0x0  }
0xcb: {  	[sflag:s0] =	ssyncadd.s32 @!p0 s1  }
0xcc: {  	[bflag:$0x3] =	sbarrier.arrive $0xFFFF  }
0xcd: {  	_ =	shalt  }

// kernel: kernel.20.cloned.1.call-start
scs
__scs_entry_jumppad:
0x0: {  	(pc) =	sbr.rel $0x88, $3  }
0x1: {  	(tag) =	ssettag $0x0;
	lr =	simm.s32 $0x1  }
0x2: {  	[smem:$0x3F95] =	sst lr;
	_ =	strace $0xD0000000  }
0x3: {  	_ = 	snop  }
0x4: {  	_ = 	snop  }
0x5: {  	_ = 	snop  }
0x6: {  	_ = 	snop  }
0x7: {  	_ = 	snop  }
__scs_overlays_trampoline_lowered:
0x8: {  	[smem:$0x3FA4] =	sst s0  }
0x9: {  	[smem:$0x3FA5] =	sst s1  }
0xa: {  	[smem:$0x3FA6] =	sst s2  }
0xb: {  	[smem:$0x3FA7] =	sst s3  }
0xc: {  	[smem:$0x3FA8] =	sst s4  }
0xd: {  	[smem:$0x3FA9] =	sst s5  }
0xe: {  	[smem:$0x3FAA] =	sst s6  }
0xf: {  	[smem:$0x3FAB] =	sst s7  }
0x10: {  	[smem:$0x3FAC] =	sst s8  }
0x11: {  	[smem:$0x3FAD] =	sst s9;
	s0 =	simm.s32 @!p0 $0x0  }
0x12: {  	s1 =	sld [smem:$0x3F93];
	s0 =	simm.s32 @p0 $0x1  }
0x13: {  	[smem:$0x3FAE] =	sst s0;
	s0 =	simm.s32 @!p1 $0x0  }
0x14: {  	s2 =	sld [smem:$0x3F92];
	s0 =	simm.s32 @p1 $0x1  }
0x15: {  	[smem:$0x3FAF] =	sst s0;
	s0 =	simm.s32 @!p2 $0x0  }
0x16: {  	s3 =	sld [smem:$0x3FDB];
	s0 =	simm.s32 @p2 $0x1  }
0x17: {  	s4 =	simm.s32 $0x1BF5;
	[smem:$0x3FB1] =	sst s0  }
0x18: {  	s0 =	sld [smem:$0x3F94];
	_ =	swait.ge [sflag:s4], $0x0  }
0x19: {  	s7 =	sld [smem:$0x3F95]  }
0x1a: {  	s8 =	sadd.s32 $0xFFFFE003, lr  }
0x1b: {  	s9 =	sadd.s32 $0xFFFFFEF7, lr;
	s5 =	simm.s32 $0xFFFFFFFF;
	p2 =	slt.u32 s8, $0xFFFFF086  }
0x1c: {  	p1 =	slt.u32 s9, $0xF7A;
	s5 =	simm.s32 @!p2 $0x0  }
0x1d: {  	s5 =	simm.s32 @p1 $0x1;
	p0 =	seq.s32 s7, s2  }
0x1e: {  	s7 =	smul.u32 @!p0 $0xF7A, s2;
	p2 =	seq.s32 @!p0 s5, $0x0  }
0x1f: {  	s9 =	smul.u32 $0xF7A, s1;
	s8 =	simm.s32 @!p0 $0x1BF5;
	p2 =	por !p2, p0  }
0x20: {  	[sflag:s8] =	ssyncset.s32 @!p0 $0xFFFFF086;
	s6 =	sadd.s32 @!p0 s3, s7;
	s7 =	simm.s32 @!p0 $0x108  }
0x21: {  	s3 =	sadd.s32 s3, s9;
	s6 =	sadd.s32 @!p0 $0x88, s6;
	s7 =	simm.s32 @p2 $0x1082  }
0x22: {  	[simem:s7], [sflag:s8] =	dma.local @!p0 [hbm:s6], $0xF7A  }
0x23: {  	s9 =	sor.u32 $0xD0000000, s2;
	s6 =	simm.s32 $0x108;
	_ =	swait.ge @!p0 [sflag:s8], $0x0  }
0x24: {  	s3 =	sadd.s32 $0x88, s3;
	s6 =	simm.s32 @!p1 $0x1082;
	[sflag:s4] =	ssyncset.s32 $0xFFFFF086  }
0x25: {  	[simem:s6], [sflag:s4] =	dma.local [hbm:s3], $0xF7A  }
0x26: {  	[smem:$0x3F95] =	sst s1;
	(tag) =	ssettag s2;
	_ =	strace s9  }
0x27: {  	s1 =	sld [smem:$0x3FA5]  }
0x28: {  	s2 =	sld [smem:$0x3FA6]  }
0x29: {  	s4 =	sld [smem:$0x3FA8]  }
0x2a: {  	p0 =	seq.s32 s5, $0x0;
	s5 =	sld [smem:$0x3FA9]  }
0x2b: {  	s6 =	sld [smem:$0x3FAA]  }
0x2c: {  	s7 =	sld [smem:$0x3FAB]  }
0x2d: {  	s3 =	simm.s32 $0x108;
	s8 =	sld [smem:$0x3FAC]  }
0x2e: {  	s3 =	simm.s32 @!p0 $0x1082;
	s9 =	sld [smem:$0x3FAD]  }
0x2f: {  	lr =	sadd.s32 s0, s3;
	s0 =	sld [smem:$0x3FA4]  }
0x30: {  	s3 =	sld [smem:$0x3FA7]  }
0x31: {  	[smem:$0x3FB0] =	sst s10  }
0x32: {  	s10 =	sld [smem:$0x3FAE];
	_ =	sdelay $0x3  }
0x33: {  	p0 =	seq.s32 s10, $0x1;
	s10 =	sld [smem:$0x3FB0];
	_ =	sdelay $0x3  }
0x34: {  	[smem:$0x3FB0] =	sst s10  }
0x35: {  	s10 =	sld [smem:$0x3FAF];
	_ =	sdelay $0x3  }
0x36: {  	p1 =	seq.s32 s10, $0x1;
	s10 =	sld [smem:$0x3FB0];
	_ =	sdelay $0x3  }
0x37: {  	[smem:$0x3FB0] =	sst s10  }
0x38: {  	s10 =	sld [smem:$0x3FB1]  }
0x39: {  	_ = 	snop;
	(pc) =	sbr.ind lr, $3  }
0x3a: {  	_ = 	snop  }
0x3b: {  	_ = 	snop  }
0x3c: {  	p2 =	seq.s32 s10, $0x1;
	s10 =	sld [smem:$0x3FB0]  }
0x3d: {  	_ =	shalt  }
0x3e: {  	_ =	shalt  }
0x3f: {  	_ =	shalt  }
0x40: {  	_ =	shalt  }
0x41: {  	_ =	shalt  }
0x42: {  	_ =	shalt  }
0x43: {  	_ =	shalt  }
0x44: {  	_ =	shalt  }
0x45: {  	_ =	shalt  }
0x46: {  	_ =	shalt  }
0x47: {  	_ =	shalt  }
0x48: {  	_ =	shalt  }
0x49: {  	_ =	shalt  }
0x4a: {  	_ =	shalt  }
0x4b: {  	_ =	shalt  }
0x4c: {  	_ =	shalt  }
0x4d: {  	_ =	shalt  }
0x4e: {  	_ =	shalt  }
0x4f: {  	_ =	shalt  }
0x50: {  	_ =	shalt  }
0x51: {  	_ =	shalt  }
0x52: {  	_ =	shalt  }
0x53: {  	_ =	shalt  }
0x54: {  	_ =	shalt  }
0x55: {  	_ =	shalt  }
0x56: {  	_ =	shalt  }
0x57: {  	_ =	shalt  }
0x58: {  	_ =	shalt  }
0x59: {  	_ =	shalt  }
0x5a: {  	_ =	shalt  }
0x5b: {  	_ =	shalt  }
0x5c: {  	_ =	shalt  }
0x5d: {  	_ =	shalt  }
0x5e: {  	_ =	shalt  }
0x5f: {  	_ =	shalt  }
0x60: {  	_ =	shalt  }
0x61: {  	_ =	shalt  }
0x62: {  	_ =	shalt  }
0x63: {  	_ =	shalt  }
0x64: {  	_ =	shalt  }
0x65: {  	_ =	shalt  }
0x66: {  	_ =	shalt  }
0x67: {  	_ =	shalt  }
0x68: {  	_ =	shalt  }
0x69: {  	_ =	shalt  }
0x6a: {  	_ =	shalt  }
0x6b: {  	_ =	shalt  }
0x6c: {  	_ =	shalt  }
0x6d: {  	_ =	shalt  }
0x6e: {  	_ =	shalt  }
0x6f: {  	_ =	shalt  }
0x70: {  	_ =	shalt  }
0x71: {  	_ =	shalt  }
0x72: {  	_ =	shalt  }
0x73: {  	_ =	shalt  }
0x74: {  	_ =	shalt  }
0x75: {  	_ =	shalt  }
0x76: {  	_ =	shalt  }
0x77: {  	_ =	shalt  }
0x78: {  	_ =	shalt  }
0x79: {  	_ =	shalt  }
0x7a: {  	_ =	shalt  }
0x7b: {  	_ =	shalt  }
0x7c: {  	_ =	shalt  }
0x7d: {  	_ =	shalt  }
0x7e: {  	_ =	shalt  }
0x7f: {  	_ =	shalt  }
0x80: {  	_ =	shalt  }
0x81: {  	_ =	shalt  }
0x82: {  	_ =	shalt  }
0x83: {  	_ =	shalt  }
0x84: {  	_ =	shalt  }
0x85: {  	_ =	shalt  }
0x86: {  	_ =	shalt  }
0x87: {  	_ =	shalt  }
.Lfunc_end0:
.L_simem_size_0:
called_computation.2_lowered:
.L_overlay_start_0:
0x88: {  	s2 =	sld [smem:$0x3FD9]  }
0x89: {  	s3 =	sld [smem:$0x3FFE];
	_ =	sdelay $0x1  }
0x8a: {  	s1 =	srdreg.scid  }
0x8b: {  	s0 =	sand.u32 $0x1, s1  }
0x8c: {  	s17 =	sshll.u32 s0, $0xA;
	s2 =	sadd.s32 s3, s2  }
0x8d: {  	s2 =	sadd.s32 s2, s17  }
0x8e: {  	[smem:$0x3FBC] =	sst s2  }
0x8f: {  	_ = 	snop  }
0x90: {  	(tm) =	ssettm $0x1  }
0x91: {  	s18 =	sld [smem:$0x3FFB];
	_ =	sdelay $0x3  }
0x92: {  	_ =	strace s18  }
0x93: {  	s2 =	sld [smem:$0x3FFC];
	_ =	sdelay $0x3  }
0x94: {  	_ =	strace s2  }
0x95: {  	s2 =	sld [smem:$0x3FFD];
	_ =	sdelay $0x3  }
0x96: {  	_ =	strace s2  }
0x97: {  	_ =	strace $0x8FFFFFFF  }
0x98: {  	s19 =	sld [smem:$0x3FDB];
	_ =	sdelay $0x1  }
0x99: {  	s20 =	simm.s32 $_scs_section_size  }
0x9a: {  	s4 =	simm.s32 $_size__tile_overlayer_lowered;
	s5 =	simm.s32 $_tile_overlayer_lowered  }
0x9b: {  	s6 =	simm.s32 $0x1BFF;
	s21 =	sshll.u32 s5, $0x1;
	s3 =	sadd.s32 s20, s19  }
0x9c: {  	s22 =	simm.s32 $0x0;
	s4 =	sshll.u32 s4, $0x1;
	s5 =	sadd.s32 s21, s3  }
0x9d: {  	[timem:s22], [sflag:s6] =	dma.local [hbm:s5], s4  }
0x9e: {  	_ =	swait.ge [sflag:s6], s4  }
0x9f: {  	s4 =	ssub.s32 $0x0, s4;
	[sflag:s6] =	ssyncset.done $0x0  }
0xa0: {  	[sflag:s6] =	ssyncadd.s32 s4;
	_ =	sdelay $0x1  }
0xa1: {  	s23 =	simm.s32 $0x1B8B  }
0xa2: {  	_ =	swait.ge [sflag:s23], $0x1  }
0xa3: {  	[sflag:s23] =	ssyncset.done $0x0  }
0xa4: {  	[sflag:s23] =	ssyncadd.s32 $0xFFFFFFFF  }
0xa5: {  	s4 =	sld [smem:$0x0]  }
0xa6: {  	s5 =	sand.u32 $0xFFFFFFFE, s1  }
0xa7: {  	p0 =	sne.s32 s1, s5  }
0xa8: {  	s5 =	sshll.u32 @p0 s5, $0xE  }
0xa9: {  	s5 =	sadd.s32 @p0 $0x11B8D, s5;
	s6 =	sshll.u32 @p0 s4, $0x11  }
0xaa: {  	s5 =	sor.u32 @p0 s6, s5  }
0xab: {  	[sflag:s5] =	ssyncadd.remote.s32 @p0 $0x1;
	_ =	sdelay $0x1  }
0xac: {  	s5 =	simm.s32 @p0 $0x1B8D  }
0xad: {  	_ =	swait.eq @p0 [sflag:s5], $0x1  }
0xae: {  	[sflag:s5] =	ssyncadd.s32 @p0 $0xFFFFFFFF  }
0xaf: {  	s6 =	sshll.u32 @!p0 s1, $0xE  }
0xb0: {  	s6 =	sor.u32 @!p0 $0x4000, s6;
	s5 =	simm.s32 @!p0 $0x1B8D  }
0xb1: {  	s4 =	sshll.u32 @!p0 s4, $0x11;
	s6 =	sadd.s32 @!p0 $0x11B8D, s6;
	_ =	swait.eq @!p0 [sflag:s5], $0x1  }
0xb2: {  	s4 =	sor.u32 @!p0 s4, s6;
	[sflag:s5] =	ssyncadd.s32 @!p0 $0xFFFFFFFF  }
0xb3: {  	s25 =	simm.s32 $0x1B8E;
	s24 =	sld [smem:$0x3FFE];
	[sflag:s4] =	ssyncadd.remote.s32 @!p0 $0x1  }
0xb4: {  	s26 =	simm.s32 $execute0_lowered;
	[smem:$0x3FD2] =	sst s25  }
0xb5: {  	s5 =	sshll.u32 s26, $0x1;
	_ =	strace $0x8000004C;
	[dreg:$0x1] =	wrdreg $0xFFFFFFFF  }
0xb6: {  	s28 =	simm.s32 $_size_execute0_lowered;
	s3 =	sadd.s32 s3, s5;
	[dreg:$0x0] =	wrdreg $0x0  }
0xb7: {  	s5 =	sshll.u32 s28, $0x1;
	[dreg:$0x2] =	wrdreg s3  }
0xb8: {  	[dreg:$0x3] =	wrdreg s5  }
0xb9: {  	[dreg:$0x4] =	wrdreg $0xC0  }
0xba: {  	_ =	task [dreg:s22], $0x5FFFF  }
0xbb: {  	[dreg:$0x1] =	wrdreg $0xFFFFFFFF  }
0xbc: {  	[dreg:$0x0] =	wrdreg $0x60  }
0xbd: {  	[dreg:$0x2] =	wrdreg s24  }
0xbe: {  	[dreg:$0x3] =	wrdreg $0xB  }
0xbf: {  	_ =	task.clear_ibuf [dreg:s22], $0x4FFFF;
	_ =	strace $0x9000004C  }
0xc0: {  	s29 =	simm.s32 $0xB;
	_ =	strace $0x8000004E  }
0xc1: {  	_ =	swait.ge [sflag:s29], $0x1  }
0xc2: {  	[sflag:s29] =	ssyncadd.s32 $0xFFFFFFFF  }
0xc3: {  	_ =	strace $0x9000004E  }
0xc4: {  	_ =	sfence  }
0xc5: {  	s30 =	sld [smem:$0x0];
	_ =	sdelay $0x2  }
0xc6: {  	s31 =	sshll.u32 s1, $0xD;
	s1 =	sshrl.u32 s1, $0x2  }
0xc7: {  	s4 =	sand.u32 $0x4000, s31;
	s1 =	sadd.s32 s1, s30  }
0xc8: {  	s0 =	sor.u32 s4, s0;
	s1 =	sshll.u32 s1, $0x11  }
0xc9: {  	s0 =	sor.u32 s1, s0  }
0xca: {  	s0 =	sadd.s32 $0x8F2B, s0  }
0xcb: {  	[sflag:s0] =	ssyncadd.remote.s32 $0x1  }
0xcc: {  	_ =	sfence.sel $0xFFFF  }
0xcd: {  	[dreg:$0x0] =	wrdreg $0xFFFFFFFF;
	(pc) =	sbr.abs _section_cstart, $3  }
0xce: {  	[dreg:$0x1] =	wrdreg $0xFFFFFFFF  }
0xcf: {  	_ =	task.clear_ibuf [dreg:s22], $0x2FFFF;
	_ =	strace $0x9FFFFFFF  }
0xd0: {  	(tm) =	ssettm $0x7FFFFFFF  }
0xd1: {  	_ =	shalt  }
tec
execute0_lowered:
.L_overlay_start_1:
0x0: {  	(tag) =	ssettag $0x1  }
0x1: {  	s0 =	rddreg [dreg:$0x0];
	s2 =	simm.s32 $0x0;
	s1 =	srdreg.scid  }
0x2: {  	s11 =	stileid.u32;
	s28 =	simm.s32 $0x28;
	s30 =	simm.s32 $0x4  }
0x3: {  	s29 =	simm.s32 $0xE;
	[smem:$0x7FF] =	sst s2;
	s1 =	sand.u32 $0x1, s1  }
0x4: {  	s5 =	sshll.u32 s11, $0x1;
	s3 =	sadd.s32 $0x7800, s0;
	s4 =	sadd.s32 $0x2EA00, s0  }
0x5: {  	s7 =	sadd.s32 $0x153C00, s0;
	s22 =	smul.u32 $0xFA00, s11;
	s6 =	sor.u32 s1, s5  }
0x6: {  	s8 =	sadd.s32 $0x259C00, s0;
	s11 =	simm.s32 $0x2D00;
	s12 =	smul.u32 $0x7D0, s6  }
0x7: {  	_ =	strace $0x8000004D;
	s5 =	sadd.s32 $0x155C00, s0;
	s9 =	ssub.s32 $0x2, s1  }
0x8: {  	s1 =	smul.u32 $0x7D00, s1;
	s10 =	sadd.s32 $0x28, s12;
	[dreg:$0x2] =	wrdreg s12  }
0x9: {  	s15 =	sshrl.u32 s9, $0x1;
	s17 =	sadd.s32 $0x50, s12;
	[dreg:$0x3] =	wrdreg s10  }
0xa: {  	s6 =	smul.u32 $0x3E800, s6;
	s21 =	sadd.s32 $0x78, s12;
	[dreg:$0x5] =	wrdreg s17  }
0xb: {  	s0 =	ssub.s32 s9, s15;
	s23 =	sadd.s32 $0xA0, s12;
	[dreg:$0xb] =	wrdreg s21  }
0xc: {  	s16 =	sshrl.u32 s12, $0x3;
	s24 =	sadd.s32 $0xC8, s12;
	[dreg:$0xc] =	wrdreg s23  }
0xd: {  	s25 =	sadd.s32 $0xF0, s12;
	s6 =	sshrl.u32 s6, $0x3;
	[dreg:$0xd] =	wrdreg s24  }
0xe: {  	s26 =	sadd.s32 $0x118, s12;
	s0 =	smax.u32 s0, $0x1;
	[dreg:$0xe] =	wrdreg s25  }
0xf: {  	s13 =	sadd.s32 s5, s16;
	s10 =	sshrl.u32 s10, $0x3;
	[dreg:$0xf] =	wrdreg s26  }
0x10: {  	s9 =	sadd.s32 s7, s16;
	s19 =	sshrl.u32 s17, $0x3;
	[dreg:$0x11] =	wrdreg s0  }
0x11: {  	s6 =	sadd.s32 s8, s6;
	s23 =	simm.s32 $0x500;
	[dreg:$0x4] =	wrdreg s13  }
0x12: {  	s24 =	simm.s32 $0x380;
	[dreg:$0x6] =	wrdreg s9;
	s18 =	sadd.s32 s5, s10  }
0x13: {  	s16 =	simm.s32 $0x3;
	s10 =	sadd.s32 s7, s10;
	[dreg:$0x7] =	wrdreg s18  }
0x14: {  	s21 =	simm.s32 $0x5;
	s20 =	sadd.s32 s5, s19;
	[dreg:$0x8] =	wrdreg s10  }
0x15: {  	s0 =	simm.s32 $0xA;
	s9 =	sadd.s32 s7, s19;
	[dreg:$0x9] =	wrdreg s20  }
.Ltmp0:
0x16: {  	s6 =	sadd.s32 $0x7A80, s6;
	[dreg:$0xa] =	wrdreg s9;
	(pc) =	sbr.rel .LBB2_1-.Ltmp0, $4  }
0x17: {  	s19 =	simm.s32 $0x4100;
	s9 =	sadd.s32 s22, s8;
	[dreg:$0x10] =	wrdreg s6  }
0x18: {  	s22 =	simm.s32 $0x100;
	s10 =	simm.s32 $0x2;
	s1 =	sadd.s32 s1, s9  }
0x19: {  	s18 =	simm.s32 $0x480;
	s20 =	simm.s32 $0x5500;
	s31 =	sadd.s32 $0xFFFFFD80, s1  }
0x1a: {  	s9 =	simm.s32 $0x0;
	s1 =	simm.s32 $0x12;
	[dreg:$0x12] =	wrdreg s31  }
.LBB2_4:
0x1b: {  	s9 =	simm.s32 $0xF  }
0x1c: {  	_ =	swait.ge [sflag:s9], $0x1400  }
0x1d: {  	[sflag:s9] =	ssyncset.done $0x0  }
0x1e: {  	s24 =	simm.s32 $0x13;
	s12 =	rddreg [dreg:$0x10];
	[sflag:s9] =	ssyncadd.s32 $0xFFFFEC00  }
0x1f: {  	[hbm4b:s12+s2] =	stream.linear.scatter [tilespmem:s6], [sflag:$0x14], $0x1400, $0x38;
	[tilespmem:$0x6900] =	vst v63  }
0x20: {  	_ =	swait.ge [sflag:s24], $0x1400  }
0x21: {  	[sflag:s24] =	ssyncset.done $0x0  }
0x22: {  	s25 =	simm.s32 $0x14;
	[sflag:s24] =	ssyncadd.s32 $0xFFFFEC00  }
0x23: {  	_ =	swait.ge [sflag:s25], $0x1400  }
0x24: {  	s26 =	rddreg [dreg:$0x13]  }
0x25: {  	s31 =	rddreg [dreg:$0x11];
	s9 =	sadd.s32 $0x1, s26  }
0x26: {  	p0 =	sne.s32 s9, s31  }
.Ltmp1:
0x27: {  	_ = 	snop;
	(pc) =	sbr.rel @!p0 .LBB2_5-.Ltmp1, $3  }
0x28: {  	_ =	sdelay $0x1  }
0x29: {  	[sflag:s25] =	ssyncset.done $0x0  }
0x2a: {  	s22 =	simm.s32 $0x100;
	s24 =	simm.s32 $0x380;
	[sflag:s25] =	ssyncadd.s32 $0xFFFFEC00  }
.LBB2_1:
0x2b: {  	[dreg:$0x13] =	wrdreg s9  }
0x2c: {  	s12 =	rddreg [dreg:$0x4]  }
0x2d: {  	[tilespmem:s2], [sflag:$0x1] =	stream.linear.gather [hbm4b:s12+s2], $0x28, $0x38;
	[tilespmem:$0x6900] =	vst v63  }
0x2e: {  	s9 =	rddreg [dreg:$0x6];
	s13 =	simm.s32 $0x280;
	s14 =	simm.s32 $0x1  }
0x2f: {  	[tilespmem:s13], [sflag:$0x1] =	stream.linear.gather [hbm4b:s9+s2], $0x28, $0x38;
	[tilespmem:$0x6900] =	vst v63  }
0x30: {  	_ =	swait.ge [sflag:s14], $0x28  }
0x31: {  	[sflag:s14] =	ssyncset.done $0x0  }
0x32: {  	[sflag:s14] =	ssyncadd.s32 $0xFFFFFFD8  }
0x33: {  	_ =	swait.ge [sflag:s14], $0x28  }
0x34: {  	[sflag:s14] =	ssyncset.done $0x0  }
0x35: {  	s15 =	rddreg [dreg:$0x7];
	[sflag:s14] =	ssyncadd.s32 $0xFFFFFFD8  }
0x36: {  	[tilespmem:s23], [sflag:$0x6] =	stream.indirect.gather [hbm4b:s3+s28], $0x80, s2, s28, $0xb8;
	[tilespmem:$0x6900] =	vst v63  }
0x37: {  	s17 =	simm.s32 $0x80;
	s26 =	rddreg [dreg:$0x9]  }
0x38: {  	[tilespmem:s17], [sflag:$0x2] =	stream.linear.gather [hbm4b:s15+s2], $0x28, $0x38;
	[tilespmem:$0x6900] =	vst v63  }
0x39: {  	s25 =	simm.s32 $0x300;
	s23 =	rddreg [dreg:$0x8]  }
0x3a: {  	[tilespmem:s25], [sflag:$0x2] =	stream.linear.gather [hbm4b:s23+s2], $0x28, $0x38;
	[tilespmem:$0x6900] =	vst v63  }
0x3b: {  	s31 =	rddreg [dreg:$0xa]  }
0x3c: {  	[tilespmem:s22], [sflag:$0x3] =	stream.linear.gather [hbm4b:s26+s2], $0x28, $0x38;
	[tilespmem:$0x6900] =	vst v63  }
0x3d: {  	s14 =	rddreg [dreg:$0x12];
	s26 =	simm.s32 $0x0  }
0x3e: {  	[tilespmem:s24], [sflag:$0x3] =	stream.linear.gather [hbm4b:s31+s2], $0x28, $0x38;
	[tilespmem:$0x6900] =	vst v63  }
.LBB2_2:
0x3f: {  	_ =	swait.ge [sflag:s10], $0x28  }
0x40: {  	[sflag:s10] =	ssyncset.done $0x0  }
0x41: {  	[sflag:s10] =	ssyncadd.s32 $0xFFFFFFD8  }
0x42: {  	_ =	swait.ge [sflag:s10], $0x28  }
0x43: {  	s12 =	simm.s32 $0x80;
	[sflag:s10] =	ssyncset.done $0x0  }
0x44: {  	s31 =	simm.s32 $0x1900;
	s23 =	simm.s32 $0x6;
	[sflag:s10] =	ssyncadd.s32 $0xFFFFFFD8  }
0x45: {  	[tilespmem:s31], [sflag:$0x7] =	stream.indirect.gather [hbm4b:s3+s28], $0x80, s12, s28, $0xb8;
	[tilespmem:$0x6900] =	vst v63  }
0x46: {  	_ =	swait.ge [sflag:s23], $0x1400  }
0x47: {  	s25 =	simm.s32 $0x280;
	p0 =	seq.s32 s26, $0x0;
	[sflag:s23] =	ssyncset.done $0x0  }
0x48: {  	s13 =	simm.s32 $0x500;
	s15 =	simm.s32 @!p0 $0xF;
	[sflag:s23] =	ssyncadd.s32 $0xFFFFEC00  }
0x49: {  	[tilespmem:s13], [sflag:$0xB] =	stream.indirect.gather.add.f32 [hbm:s4], $0x80, s25, s28, $0xb8;
	[tilespmem:$0x6900] =	vst v63  }
0x4a: {  	_ =	swait.ge @!p0 [sflag:s15], $0x1400  }
0x4b: {  	s17 =	simm.s32 @!p0 $0x13;
	[sflag:s15] =	ssyncset.done @!p0 $0x0  }
0x4c: {  	s25 =	simm.s32 @!p0 $0x5500;
	[sflag:s15] =	ssyncadd.s32 @!p0 $0xFFFFEC00;
	s15 =	simm.s32 @!p0 $0x0  }
0x4d: {  	[hbm4b:s14+s15] =	stream.linear.scatter @!p0 [tilespmem:s25], [sflag:$0x14], $0x1400, $0x38;
	[tilespmem:$0x6900] =	vst v63  }
0x4e: {  	s15 =	smov.u32 s26;
	_ =	swait.ge @!p0 [sflag:s17], $0x1400  }
0x4f: {  	s15 =	simm.s32 @p0 $0x0;
	s6 =	rddreg [dreg:$0xb]  }
0x50: {  	s25 =	sadd.s32 s15, s6  }
0x51: {  	[sflag:s17] =	ssyncset.done @!p0 $0x0;
	s12 =	sshrl.u32 s25, $0x3  }
0x52: {  	[sflag:s17] =	ssyncadd.s32 @!p0 $0xFFFFEC00;
	s6 =	simm.s32 $0x180;
	s9 =	sadd.s32 s5, s12  }
0x53: {  	[tilespmem:s6], [sflag:$0x4] =	stream.linear.gather [hbm4b:s9+s2], $0x28, $0x38;
	[tilespmem:$0x6900] =	vst v63  }
0x54: {  	s12 =	sadd.s32 s7, s12;
	s9 =	simm.s32 $0x400  }
0x55: {  	[tilespmem:s9], [sflag:$0x4] =	stream.linear.gather [hbm4b:s12+s2], $0x28, $0x38;
	[tilespmem:$0x6900] =	vst v63  }
0x56: {  	_ =	swait.ge [sflag:s16], $0x28  }
0x57: {  	[sflag:s16] =	ssyncset.done $0x0  }
0x58: {  	[sflag:s16] =	ssyncadd.s32 $0xFFFFFFD8  }
0x59: {  	_ =	swait.ge [sflag:s16], $0x28  }
0x5a: {  	[sflag:s16] =	ssyncset.done $0x0  }
0x5b: {  	s23 =	simm.s32 $0x7;
	[sflag:s16] =	ssyncadd.s32 $0xFFFFFFD8  }
0x5c: {  	[tilespmem:s11], [sflag:$0x8] =	stream.indirect.gather [hbm4b:s3+s28], $0x80, s22, s28, $0xb8;
	[tilespmem:$0x6900] =	vst v63  }
0x5d: {  	_ =	swait.ge [sflag:s23], $0x1400  }
0x5e: {  	[sflag:s23] =	ssyncset.done $0x0  }
0x5f: {  	s17 =	simm.s32 $0x300;
	s22 =	simm.s32 $0xB;
	[sflag:s23] =	ssyncadd.s32 $0xFFFFEC00  }
0x60: {  	[tilespmem:s31], [sflag:$0xC] =	stream.indirect.gather.add.f32 [hbm:s4], $0x80, s17, s28, $0xb8;
	[tilespmem:$0x6900] =	vst v63  }
0x61: {  	_ =	swait.ge [sflag:s22], $0x1400  }
0x62: {  	s23 =	rddreg [dreg:$0x2]  }
0x63: {  	s12 =	sadd.s32 s23, s15  }
0x64: {  	[sflag:s22] =	ssyncset.done $0x0;
	s12 =	sshll.u32 s12, $0x4  }
0x65: {  	[sflag:s22] =	ssyncadd.s32 $0xFFFFEC00;
	s12 =	sadd.s32 s8, s12  }
0x66: {  	[hbm4b:s12+s2] =	stream.linear.scatter [tilespmem:s13], [sflag:$0x10], $0x1400, $0x38;
	[tilespmem:$0x6900] =	vst v63  }
0x67: {  	s12 =	simm.s32 @!p0 $0x14  }
0x68: {  	_ =	swait.ge @!p0 [sflag:s12], $0x1400  }
0x69: {  	s17 =	rddreg [dreg:$0xc]  }
0x6a: {  	s22 =	sadd.s32 s15, s17  }
0x6b: {  	[sflag:s12] =	ssyncset.done @!p0 $0x0;
	s17 =	sshrl.u32 s22, $0x3  }
0x6c: {  	[sflag:s12] =	ssyncadd.s32 @!p0 $0xFFFFEC00;
	s22 =	simm.s32 $0x200;
	s13 =	sadd.s32 s5, s17  }
0x6d: {  	[tilespmem:s22], [sflag:$0x5] =	stream.linear.gather [hbm4b:s13+s2], $0x28, $0x38;
	[tilespmem:$0x6900] =	vst v63  }
0x6e: {  	s17 =	sadd.s32 s7, s17  }
0x6f: {  	[tilespmem:s18], [sflag:$0x5] =	stream.linear.gather [hbm4b:s17+s2], $0x28, $0x38;
	[tilespmem:$0x6900] =	vst v63  }
0x70: {  	_ =	swait.ge [sflag:s30], $0x28  }
0x71: {  	[sflag:s30] =	ssyncset.done $0x0  }
0x72: {  	[sflag:s30] =	ssyncadd.s32 $0xFFFFFFD8  }
0x73: {  	_ =	swait.ge [sflag:s30], $0x28  }
0x74: {  	[sflag:s30] =	ssyncset.done $0x0  }
0x75: {  	s12 =	simm.s32 $0x8;
	[sflag:s30] =	ssyncadd.s32 $0xFFFFFFD8  }
0x76: {  	[tilespmem:s19], [sflag:$0x9] =	stream.indirect.gather [hbm4b:s3+s28], $0x80, s6, s28, $0xb8;
	[tilespmem:$0x6900] =	vst v63  }
0x77: {  	_ =	swait.ge [sflag:s12], $0x1400  }
0x78: {  	[sflag:s12] =	ssyncset.done $0x0  }
0x79: {  	s13 =	simm.s32 $0xC;
	[sflag:s12] =	ssyncadd.s32 $0xFFFFEC00  }
0x7a: {  	[tilespmem:s11], [sflag:$0xD] =	stream.indirect.gather.add.f32 [hbm:s4], $0x80, s24, s28, $0xb8;
	[tilespmem:$0x6900] =	vst v63  }
0x7b: {  	_ =	swait.ge [sflag:s13], $0x1400  }
0x7c: {  	s17 =	rddreg [dreg:$0x3]  }
0x7d: {  	s12 =	sadd.s32 s15, s17  }
0x7e: {  	[sflag:s13] =	ssyncset.done $0x0;
	s12 =	sshll.u32 s12, $0x4  }
0x7f: {  	s24 =	simm.s32 $0x10;
	[sflag:s13] =	ssyncadd.s32 $0xFFFFEC00;
	s12 =	sadd.s32 s8, s12  }
0x80: {  	[hbm4b:s12+s2] =	stream.linear.scatter [tilespmem:s31], [sflag:$0x11], $0x1400, $0x38;
	[tilespmem:$0x6900] =	vst v63  }
0x81: {  	_ =	swait.ge [sflag:s24], $0x1400  }
0x82: {  	p0 =	seq.s32 s26, $0x708;
	s12 =	rddreg [dreg:$0xd]  }
0x83: {  	s12 =	sadd.s32 @!p0 s15, s12  }
0x84: {  	[sflag:s24] =	ssyncset.done $0x0;
	s12 =	sshrl.u32 @!p0 s12, $0x3  }
0x85: {  	s13 =	simm.s32 @!p0 $0x0;
	[sflag:s24] =	ssyncadd.s32 $0xFFFFEC00;
	s17 =	sadd.s32 @!p0 s5, s12  }
0x86: {  	[tilespmem:s13], [sflag:$0x1] =	stream.linear.gather @!p0 [hbm4b:s17+s13], $0x28, $0x38;
	[tilespmem:$0x6900] =	vst v63  }
0x87: {  	s12 =	sadd.s32 @!p0 s7, s12;
	s17 =	simm.s32 @!p0 $0x280  }
0x88: {  	[tilespmem:s17], [sflag:$0x1] =	stream.linear.gather @!p0 [hbm4b:s12+s13], $0x28, $0x38;
	[tilespmem:$0x6900] =	vst v63  }
0x89: {  	_ =	swait.ge [sflag:s21], $0x28  }
0x8a: {  	[sflag:s21] =	ssyncset.done $0x0  }
0x8b: {  	[sflag:s21] =	ssyncadd.s32 $0xFFFFFFD8  }
0x8c: {  	_ =	swait.ge [sflag:s21], $0x28  }
0x8d: {  	[sflag:s21] =	ssyncset.done $0x0  }
0x8e: {  	s12 =	simm.s32 $0x9;
	[sflag:s21] =	ssyncadd.s32 $0xFFFFFFD8  }
0x8f: {  	[tilespmem:s20], [sflag:$0xA] =	stream.indirect.gather [hbm4b:s3+s28], $0x80, s22, s28, $0xb8;
	[tilespmem:$0x6900] =	vst v63  }
0x90: {  	_ =	swait.ge [sflag:s12], $0x1400  }
0x91: {  	[sflag:s12] =	ssyncset.done $0x0  }
0x92: {  	s17 =	simm.s32 $0xD;
	[sflag:s12] =	ssyncadd.s32 $0xFFFFEC00  }
0x93: {  	[tilespmem:s19], [sflag:$0xE] =	stream.indirect.gather.add.f32 [hbm:s4], $0x80, s9, s28, $0xb8;
	[tilespmem:$0x6900] =	vst v63  }
0x94: {  	_ =	swait.ge [sflag:s17], $0x1400  }
0x95: {  	s22 =	rddreg [dreg:$0x5]  }
0x96: {  	s12 =	sadd.s32 s15, s22  }
0x97: {  	[sflag:s17] =	ssyncset.done $0x0;
	s12 =	sshll.u32 s12, $0x4  }
0x98: {  	s24 =	simm.s32 $0x11;
	[sflag:s17] =	ssyncadd.s32 $0xFFFFEC00;
	s12 =	sadd.s32 s8, s12  }
0x99: {  	[hbm4b:s12+s2] =	stream.linear.scatter [tilespmem:s11], [sflag:$0x12], $0x1400, $0x38;
	[tilespmem:$0x6900] =	vst v63  }
0x9a: {  	_ =	swait.ge [sflag:s24], $0x1400  }
0x9b: {  	s12 =	rddreg [dreg:$0xe]  }
0x9c: {  	s12 =	sadd.s32 @!p0 s15, s12  }
0x9d: {  	[sflag:s24] =	ssyncset.done $0x0;
	s12 =	sshrl.u32 @!p0 s12, $0x3  }
0x9e: {  	s22 =	simm.s32 @!p0 $0x80;
	[sflag:s24] =	ssyncadd.s32 $0xFFFFEC00;
	s17 =	sadd.s32 @!p0 s5, s12  }
0x9f: {  	[tilespmem:s22], [sflag:$0x2] =	stream.linear.gather @!p0 [hbm4b:s17+s13], $0x28, $0x38;
	[tilespmem:$0x6900] =	vst v63  }
0xa0: {  	s12 =	sadd.s32 @!p0 s7, s12;
	s17 =	simm.s32 @!p0 $0x300  }
0xa1: {  	[tilespmem:s17], [sflag:$0x2] =	stream.linear.gather @!p0 [hbm4b:s12+s13], $0x28, $0x38;
	[tilespmem:$0x6900] =	vst v63  }
0xa2: {  	s12 =	simm.s32 @!p0 $0x1  }
0xa3: {  	_ =	swait.ge @!p0 [sflag:s12], $0x28  }
0xa4: {  	[sflag:s12] =	ssyncset.done @!p0 $0x0  }
0xa5: {  	[sflag:s12] =	ssyncadd.s32 @!p0 $0xFFFFFFD8  }
0xa6: {  	_ =	swait.ge @!p0 [sflag:s12], $0x28  }
0xa7: {  	[sflag:s12] =	ssyncset.done @!p0 $0x0  }
0xa8: {  	s17 =	simm.s32 @!p0 $0x500;
	[sflag:s12] =	ssyncadd.s32 @!p0 $0xFFFFFFD8;
	s12 =	simm.s32 @!p0 $0x28  }
0xa9: {  	[tilespmem:s17], [sflag:$0x6] =	stream.indirect.gather @!p0 [hbm4b:s3+s12], $0x80, s13, s12, $0xb8;
	[tilespmem:$0x6900] =	vst v63  }
0xaa: {  	_ =	swait.ge [sflag:s0], $0x1400  }
0xab: {  	[sflag:s0] =	ssyncset.done $0x0  }
0xac: {  	[sflag:s0] =	ssyncadd.s32 $0xFFFFEC00  }
0xad: {  	[tilespmem:s20], [sflag:$0xF] =	stream.indirect.gather.add.f32 [hbm:s4], $0x80, s18, s28, $0xb8;
	[tilespmem:$0x6900] =	vst v63  }
0xae: {  	_ =	swait.ge [sflag:s29], $0x1400  }
0xaf: {  	s25 =	sshll.u32 s25, $0x4;
	[sflag:s29] =	ssyncset.done $0x0  }
.Ltmp2:
0xb0: {  	s12 =	sadd.s32 s8, s25;
	[sflag:s29] =	ssyncadd.s32 $0xFFFFEC00;
	(pc) =	sbr.rel @p0 .LBB2_4-.Ltmp2, $4  }
0xb1: {  	[hbm4b:s12+s2] =	stream.linear.scatter [tilespmem:s19], [sflag:$0x13], $0x1400, $0x38;
	[tilespmem:$0x6900] =	vst v63  }
0xb2: {  	_ =	swait.ge [sflag:s1], $0x1400  }
0xb3: {  	s23 =	simm.s32 $0x500;
	s6 =	simm.s32 $0x5500;
	[sflag:s1] =	ssyncset.done $0x0  }
0xb4: {  	s31 =	simm.s32 $0x380;
	s24 =	simm.s32 $0x100;
	[sflag:s1] =	ssyncadd.s32 $0xFFFFEC00  }
0xb5: {  	s12 =	rddreg [dreg:$0xf]  }
0xb6: {  	s12 =	sadd.s32 s15, s12  }
.Ltmp3:
0xb7: {  	s12 =	sshrl.u32 s12, $0x3;
	(pc) =	sbr.rel .LBB2_2-.Ltmp3, $4  }
0xb8: {  	s26 =	sadd.s32 $0xC8, s26;
	s14 =	sadd.s32 $0xC80, s14;
	s13 =	sadd.s32 s5, s12  }
0xb9: {  	[tilespmem:s24], [sflag:$0x3] =	stream.linear.gather [hbm4b:s13+s2], $0x28, $0x38;
	[tilespmem:$0x6900] =	vst v63  }
0xba: {  	s22 =	simm.s32 $0x100;
	s12 =	sadd.s32 s7, s12;
	s24 =	simm.s32 $0x380  }
0xbb: {  	[tilespmem:s31], [sflag:$0x3] =	stream.linear.gather [hbm4b:s12+s2], $0x28, $0x38;
	[tilespmem:$0x6900] =	vst v63  }
.LBB2_5:
0xbc: {  	_ =	sfence.sel $0x180000  }
0xbd: {  	[bflag:$0x0] =	sbarrier.arrive $0xFFFF  }
0xbe: {  	_ =	strace $0x9000004D  }
0xbf: {  	s0 =	stileid.u32;
	[bflag:$0x2] =	sbarrier.arrive $0xFFFF  }
0xc0: {  	p0 =	sne.s32 s0, $0x0;
	s0 =	rddreg [dreg:$0x1]  }
0xc1: {  	s0 =	sadd.s32 @!p0 $0x100000, s0  }
0xc2: {  	[sflag:s0] =	ssyncadd.tile.s32 @!p0 $0x1;
	_ =	shalt  }
.Lfunc_end2:
_tile_overlayer_lowered:
.L_overlay_start_2:
0xc3: {  	(tag) =	ssettag $0x2  }
0xc4: {  	s0 =	rddreg [dreg:$0x0];
	s2 =	stileid.u32  }
0xc5: {  	s1 =	rddreg [dreg:$0x1];
	p0 =	sne.s32 s2, $0x0  }
0xc6: {  	s3 =	rddreg [dreg:$0x2];
	[bflag:$0x3] =	sbarrier.arrive $0xFFFF;
	s2 =	simm.s32 @!p0 $0x1C15  }
0xc7: {  	[timem:s3], [sflag:s2] =	dma.local @!p0 [hbm:s0], s1  }
0xc8: {  	s0 =	simm.s32 @!p0 $0x15  }
0xc9: {  	_ =	swait.ge @!p0 [sflag:s0], s1  }
0xca: {  	s1 =	ssub.s32 @!p0 $0x0, s1;
	[sflag:s0] =	ssyncset.done @!p0 $0x0  }
0xcb: {  	[sflag:s0] =	ssyncadd.s32 @!p0 s1  }
0xcc: {  	[bflag:$0x3] =	sbarrier.arrive $0xFFFF  }
0xcd: {  	_ =	shalt  }

// kernel: kernel.23.cloned.1.call-start
scs
__scs_entry_jumppad:
0x0: {  	(pc) =	sbr.rel $0x88, $3  }
0x1: {  	(tag) =	ssettag $0x0;
	lr =	simm.s32 $0x1  }
0x2: {  	[smem:$0x3F95] =	sst lr;
	_ =	strace $0xD0000000  }
0x3: {  	_ = 	snop  }
0x4: {  	_ = 	snop  }
0x5: {  	_ = 	snop  }
0x6: {  	_ = 	snop  }
0x7: {  	_ = 	snop  }
__scs_overlays_trampoline_lowered:
0x8: {  	[smem:$0x3FA4] =	sst s0  }
0x9: {  	[smem:$0x3FA5] =	sst s1  }
0xa: {  	[smem:$0x3FA6] =	sst s2  }
0xb: {  	[smem:$0x3FA7] =	sst s3  }
0xc: {  	[smem:$0x3FA8] =	sst s4  }
0xd: {  	[smem:$0x3FA9] =	sst s5  }
0xe: {  	[smem:$0x3FAA] =	sst s6  }
0xf: {  	[smem:$0x3FAB] =	sst s7  }
0x10: {  	[smem:$0x3FAC] =	sst s8  }
0x11: {  	[smem:$0x3FAD] =	sst s9;
	s0 =	simm.s32 @!p0 $0x0  }
0x12: {  	s1 =	sld [smem:$0x3F93];
	s0 =	simm.s32 @p0 $0x1  }
0x13: {  	[smem:$0x3FAE] =	sst s0;
	s0 =	simm.s32 @!p1 $0x0  }
0x14: {  	s2 =	sld [smem:$0x3F92];
	s0 =	simm.s32 @p1 $0x1  }
0x15: {  	[smem:$0x3FAF] =	sst s0;
	s0 =	simm.s32 @!p2 $0x0  }
0x16: {  	s3 =	sld [smem:$0x3FDB];
	s0 =	simm.s32 @p2 $0x1  }
0x17: {  	s4 =	simm.s32 $0x1BF5;
	[smem:$0x3FB1] =	sst s0  }
0x18: {  	s0 =	sld [smem:$0x3F94];
	_ =	swait.ge [sflag:s4], $0x0  }
0x19: {  	s7 =	sld [smem:$0x3F95]  }
0x1a: {  	s8 =	sadd.s32 $0xFFFFE003, lr  }
0x1b: {  	s9 =	sadd.s32 $0xFFFFFEF7, lr;
	s5 =	simm.s32 $0xFFFFFFFF;
	p2 =	slt.u32 s8, $0xFFFFF086  }
0x1c: {  	p1 =	slt.u32 s9, $0xF7A;
	s5 =	simm.s32 @!p2 $0x0  }
0x1d: {  	s5 =	simm.s32 @p1 $0x1;
	p0 =	seq.s32 s7, s2  }
0x1e: {  	s7 =	smul.u32 @!p0 $0xF7A, s2;
	p2 =	seq.s32 @!p0 s5, $0x0  }
0x1f: {  	s9 =	smul.u32 $0xF7A, s1;
	s8 =	simm.s32 @!p0 $0x1BF5;
	p2 =	por !p2, p0  }
0x20: {  	[sflag:s8] =	ssyncset.s32 @!p0 $0xFFFFF086;
	s6 =	sadd.s32 @!p0 s3, s7;
	s7 =	simm.s32 @!p0 $0x108  }
0x21: {  	s3 =	sadd.s32 s3, s9;
	s6 =	sadd.s32 @!p0 $0x88, s6;
	s7 =	simm.s32 @p2 $0x1082  }
0x22: {  	[simem:s7], [sflag:s8] =	dma.local @!p0 [hbm:s6], $0xF7A  }
0x23: {  	s9 =	sor.u32 $0xD0000000, s2;
	s6 =	simm.s32 $0x108;
	_ =	swait.ge @!p0 [sflag:s8], $0x0  }
0x24: {  	s3 =	sadd.s32 $0x88, s3;
	s6 =	simm.s32 @!p1 $0x1082;
	[sflag:s4] =	ssyncset.s32 $0xFFFFF086  }
0x25: {  	[simem:s6], [sflag:s4] =	dma.local [hbm:s3], $0xF7A  }
0x26: {  	[smem:$0x3F95] =	sst s1;
	(tag) =	ssettag s2;
	_ =	strace s9  }
0x27: {  	s1 =	sld [smem:$0x3FA5]  }
0x28: {  	s2 =	sld [smem:$0x3FA6]  }
0x29: {  	s4 =	sld [smem:$0x3FA8]  }
0x2a: {  	p0 =	seq.s32 s5, $0x0;
	s5 =	sld [smem:$0x3FA9]  }
0x2b: {  	s6 =	sld [smem:$0x3FAA]  }
0x2c: {  	s7 =	sld [smem:$0x3FAB]  }
0x2d: {  	s3 =	simm.s32 $0x108;
	s8 =	sld [smem:$0x3FAC]  }
0x2e: {  	s3 =	simm.s32 @!p0 $0x1082;
	s9 =	sld [smem:$0x3FAD]  }
0x2f: {  	lr =	sadd.s32 s0, s3;
	s0 =	sld [smem:$0x3FA4]  }
0x30: {  	s3 =	sld [smem:$0x3FA7]  }
0x31: {  	[smem:$0x3FB0] =	sst s10  }
0x32: {  	s10 =	sld [smem:$0x3FAE];
	_ =	sdelay $0x3  }
0x33: {  	p0 =	seq.s32 s10, $0x1;
	s10 =	sld [smem:$0x3FB0];
	_ =	sdelay $0x3  }
0x34: {  	[smem:$0x3FB0] =	sst s10  }
0x35: {  	s10 =	sld [smem:$0x3FAF];
	_ =	sdelay $0x3  }
0x36: {  	p1 =	seq.s32 s10, $0x1;
	s10 =	sld [smem:$0x3FB0];
	_ =	sdelay $0x3  }
0x37: {  	[smem:$0x3FB0] =	sst s10  }
0x38: {  	s10 =	sld [smem:$0x3FB1]  }
0x39: {  	_ = 	snop;
	(pc) =	sbr.ind lr, $3  }
0x3a: {  	_ = 	snop  }
0x3b: {  	_ = 	snop  }
0x3c: {  	p2 =	seq.s32 s10, $0x1;
	s10 =	sld [smem:$0x3FB0]  }
0x3d: {  	_ =	shalt  }
0x3e: {  	_ =	shalt  }
0x3f: {  	_ =	shalt  }
0x40: {  	_ =	shalt  }
0x41: {  	_ =	shalt  }
0x42: {  	_ =	shalt  }
0x43: {  	_ =	shalt  }
0x44: {  	_ =	shalt  }
0x45: {  	_ =	shalt  }
0x46: {  	_ =	shalt  }
0x47: {  	_ =	shalt  }
0x48: {  	_ =	shalt  }
0x49: {  	_ =	shalt  }
0x4a: {  	_ =	shalt  }
0x4b: {  	_ =	shalt  }
0x4c: {  	_ =	shalt  }
0x4d: {  	_ =	shalt  }
0x4e: {  	_ =	shalt  }
0x4f: {  	_ =	shalt  }
0x50: {  	_ =	shalt  }
0x51: {  	_ =	shalt  }
0x52: {  	_ =	shalt  }
0x53: {  	_ =	shalt  }
0x54: {  	_ =	shalt  }
0x55: {  	_ =	shalt  }
0x56: {  	_ =	shalt  }
0x57: {  	_ =	shalt  }
0x58: {  	_ =	shalt  }
0x59: {  	_ =	shalt  }
0x5a: {  	_ =	shalt  }
0x5b: {  	_ =	shalt  }
0x5c: {  	_ =	shalt  }
0x5d: {  	_ =	shalt  }
0x5e: {  	_ =	shalt  }
0x5f: {  	_ =	shalt  }
0x60: {  	_ =	shalt  }
0x61: {  	_ =	shalt  }
0x62: {  	_ =	shalt  }
0x63: {  	_ =	shalt  }
0x64: {  	_ =	shalt  }
0x65: {  	_ =	shalt  }
0x66: {  	_ =	shalt  }
0x67: {  	_ =	shalt  }
0x68: {  	_ =	shalt  }
0x69: {  	_ =	shalt  }
0x6a: {  	_ =	shalt  }
0x6b: {  	_ =	shalt  }
0x6c: {  	_ =	shalt  }
0x6d: {  	_ =	shalt  }
0x6e: {  	_ =	shalt  }
0x6f: {  	_ =	shalt  }
0x70: {  	_ =	shalt  }
0x71: {  	_ =	shalt  }
0x72: {  	_ =	shalt  }
0x73: {  	_ =	shalt  }
0x74: {  	_ =	shalt  }
0x75: {  	_ =	shalt  }
0x76: {  	_ =	shalt  }
0x77: {  	_ =	shalt  }
0x78: {  	_ =	shalt  }
0x79: {  	_ =	shalt  }
0x7a: {  	_ =	shalt  }
0x7b: {  	_ =	shalt  }
0x7c: {  	_ =	shalt  }
0x7d: {  	_ =	shalt  }
0x7e: {  	_ =	shalt  }
0x7f: {  	_ =	shalt  }
0x80: {  	_ =	shalt  }
0x81: {  	_ =	shalt  }
0x82: {  	_ =	shalt  }
0x83: {  	_ =	shalt  }
0x84: {  	_ =	shalt  }
0x85: {  	_ =	shalt  }
0x86: {  	_ =	shalt  }
0x87: {  	_ =	shalt  }
.Lfunc_end0:
.L_simem_size_0:
called_computation.3_lowered:
.L_overlay_start_0:
0x88: {  	s2 =	sld [smem:$0x3FD9]  }
0x89: {  	s3 =	sld [smem:$0x3FFE];
	_ =	sdelay $0x1  }
0x8a: {  	s1 =	srdreg.scid  }
0x8b: {  	s0 =	sand.u32 $0x1, s1  }
0x8c: {  	s17 =	sshll.u32 s0, $0xA;
	s2 =	sadd.s32 s3, s2  }
0x8d: {  	s2 =	sadd.s32 s2, s17  }
0x8e: {  	[smem:$0x3FBC] =	sst s2  }
0x8f: {  	_ = 	snop  }
0x90: {  	(tm) =	ssettm $0x1  }
0x91: {  	s18 =	sld [smem:$0x3FFB];
	_ =	sdelay $0x3  }
0x92: {  	_ =	strace s18  }
0x93: {  	s2 =	sld [smem:$0x3FFC];
	_ =	sdelay $0x3  }
0x94: {  	_ =	strace s2  }
0x95: {  	s2 =	sld [smem:$0x3FFD];
	_ =	sdelay $0x3  }
0x96: {  	_ =	strace s2  }
0x97: {  	_ =	strace $0x8FFFFFFF  }
0x98: {  	s19 =	sld [smem:$0x3FDB];
	_ =	sdelay $0x1  }
0x99: {  	s20 =	simm.s32 $_scs_section_size  }
0x9a: {  	s4 =	simm.s32 $_size__tile_overlayer_lowered;
	s5 =	simm.s32 $_tile_overlayer_lowered  }
0x9b: {  	s6 =	simm.s32 $0x1BFF;
	s21 =	sshll.u32 s5, $0x1;
	s3 =	sadd.s32 s20, s19  }
0x9c: {  	s22 =	simm.s32 $0x0;
	s4 =	sshll.u32 s4, $0x1;
	s5 =	sadd.s32 s21, s3  }
0x9d: {  	[timem:s22], [sflag:s6] =	dma.local [hbm:s5], s4  }
0x9e: {  	_ =	swait.ge [sflag:s6], s4  }
0x9f: {  	s4 =	ssub.s32 $0x0, s4;
	[sflag:s6] =	ssyncset.done $0x0  }
0xa0: {  	[sflag:s6] =	ssyncadd.s32 s4;
	_ =	sdelay $0x1  }
0xa1: {  	s23 =	simm.s32 $0x1B8B  }
0xa2: {  	_ =	swait.ge [sflag:s23], $0x1  }
0xa3: {  	[sflag:s23] =	ssyncset.done $0x0  }
0xa4: {  	[sflag:s23] =	ssyncadd.s32 $0xFFFFFFFF  }
0xa5: {  	s4 =	sld [smem:$0x0]  }
0xa6: {  	s5 =	sand.u32 $0xFFFFFFFE, s1  }
0xa7: {  	p0 =	sne.s32 s1, s5  }
0xa8: {  	s5 =	sshll.u32 @p0 s5, $0xE  }
0xa9: {  	s5 =	sadd.s32 @p0 $0x11B8D, s5;
	s6 =	sshll.u32 @p0 s4, $0x11  }
0xaa: {  	s5 =	sor.u32 @p0 s6, s5  }
0xab: {  	[sflag:s5] =	ssyncadd.remote.s32 @p0 $0x1;
	_ =	sdelay $0x1  }
0xac: {  	s5 =	simm.s32 @p0 $0x1B8D  }
0xad: {  	_ =	swait.eq @p0 [sflag:s5], $0x1  }
0xae: {  	[sflag:s5] =	ssyncadd.s32 @p0 $0xFFFFFFFF  }
0xaf: {  	s6 =	sshll.u32 @!p0 s1, $0xE  }
0xb0: {  	s6 =	sor.u32 @!p0 $0x4000, s6;
	s5 =	simm.s32 @!p0 $0x1B8D  }
0xb1: {  	s4 =	sshll.u32 @!p0 s4, $0x11;
	s6 =	sadd.s32 @!p0 $0x11B8D, s6;
	_ =	swait.eq @!p0 [sflag:s5], $0x1  }
0xb2: {  	s4 =	sor.u32 @!p0 s4, s6;
	[sflag:s5] =	ssyncadd.s32 @!p0 $0xFFFFFFFF  }
0xb3: {  	s25 =	simm.s32 $0x1B8E;
	s24 =	sld [smem:$0x3FFE];
	[sflag:s4] =	ssyncadd.remote.s32 @!p0 $0x1  }
0xb4: {  	s26 =	simm.s32 $execute0_lowered;
	[smem:$0x3FD2] =	sst s25  }
0xb5: {  	s5 =	sshll.u32 s26, $0x1;
	_ =	strace $0x8000004F;
	[dreg:$0x1] =	wrdreg $0xFFFFFFFF  }
0xb6: {  	s28 =	simm.s32 $_size_execute0_lowered;
	s3 =	sadd.s32 s3, s5;
	[dreg:$0x0] =	wrdreg $0x0  }
0xb7: {  	s5 =	sshll.u32 s28, $0x1;
	[dreg:$0x2] =	wrdreg s3  }
0xb8: {  	[dreg:$0x3] =	wrdreg s5  }
0xb9: {  	[dreg:$0x4] =	wrdreg $0xC0  }
0xba: {  	_ =	task [dreg:s22], $0x5FFFF  }
0xbb: {  	[dreg:$0x1] =	wrdreg $0xFFFFFFFF  }
0xbc: {  	[dreg:$0x0] =	wrdreg $0x60  }
0xbd: {  	[dreg:$0x2] =	wrdreg s24  }
0xbe: {  	[dreg:$0x3] =	wrdreg $0xC  }
0xbf: {  	_ =	task.clear_ibuf [dreg:s22], $0x4FFFF;
	_ =	strace $0x9000004F  }
0xc0: {  	s29 =	simm.s32 $0xC;
	_ =	strace $0x80000051  }
0xc1: {  	_ =	swait.ge [sflag:s29], $0x1  }
0xc2: {  	[sflag:s29] =	ssyncadd.s32 $0xFFFFFFFF  }
0xc3: {  	_ =	strace $0x90000051  }
0xc4: {  	_ =	sfence  }
0xc5: {  	s30 =	sld [smem:$0x0];
	_ =	sdelay $0x2  }
0xc6: {  	s31 =	sshll.u32 s1, $0xD;
	s1 =	sshrl.u32 s1, $0x2  }
0xc7: {  	s4 =	sand.u32 $0x4000, s31;
	s1 =	sadd.s32 s1, s30  }
0xc8: {  	s0 =	sor.u32 s4, s0;
	s1 =	sshll.u32 s1, $0x11  }
0xc9: {  	s0 =	sor.u32 s1, s0  }
0xca: {  	s0 =	sadd.s32 $0x8F2B, s0  }
0xcb: {  	[sflag:s0] =	ssyncadd.remote.s32 $0x1  }
0xcc: {  	_ =	sfence.sel $0xFFFF  }
0xcd: {  	[dreg:$0x0] =	wrdreg $0xFFFFFFFF;
	(pc) =	sbr.abs _section_cstart, $3  }
0xce: {  	[dreg:$0x1] =	wrdreg $0xFFFFFFFF  }
0xcf: {  	_ =	task.clear_ibuf [dreg:s22], $0x2FFFF;
	_ =	strace $0x9FFFFFFF  }
0xd0: {  	(tm) =	ssettm $0x7FFFFFFF  }
0xd1: {  	_ =	shalt  }
tec
execute0_lowered:
.L_overlay_start_1:
0x0: {  	(tag) =	ssettag $0x1  }
0x1: {  	s0 =	rddreg [dreg:$0x0];
	s2 =	simm.s32 $0x0;
	s1 =	srdreg.scid  }
0x2: {  	s11 =	stileid.u32;
	s28 =	simm.s32 $0x28;
	s30 =	simm.s32 $0x4  }
0x3: {  	s29 =	simm.s32 $0xE;
	[smem:$0x7FF] =	sst s2;
	s1 =	sand.u32 $0x1, s1  }
0x4: {  	s5 =	sshll.u32 s11, $0x1;
	s3 =	sadd.s32 $0x7800, s0;
	s4 =	sadd.s32 $0x2EA00, s0  }
0x5: {  	s7 =	sadd.s32 $0x157C00, s0;
	s22 =	smul.u32 $0xFA00, s11;
	s6 =	sor.u32 s1, s5  }
0x6: {  	s8 =	sadd.s32 $0x353C00, s0;
	s11 =	simm.s32 $0x2D00;
	s12 =	smul.u32 $0x7D0, s6  }
0x7: {  	_ =	strace $0x80000050;
	s5 =	sadd.s32 $0x159C00, s0;
	s9 =	ssub.s32 $0x2, s1  }
0x8: {  	s1 =	smul.u32 $0x7D00, s1;
	s10 =	sadd.s32 $0x28, s12;
	[dreg:$0x2] =	wrdreg s12  }
0x9: {  	s15 =	sshrl.u32 s9, $0x1;
	s17 =	sadd.s32 $0x50, s12;
	[dreg:$0x3] =	wrdreg s10  }
0xa: {  	s6 =	smul.u32 $0x3E800, s6;
	s21 =	sadd.s32 $0x78, s12;
	[dreg:$0x5] =	wrdreg s17  }
0xb: {  	s0 =	ssub.s32 s9, s15;
	s23 =	sadd.s32 $0xA0, s12;
	[dreg:$0xb] =	wrdreg s21  }
0xc: {  	s16 =	sshrl.u32 s12, $0x3;
	s24 =	sadd.s32 $0xC8, s12;
	[dreg:$0xc] =	wrdreg s23  }
0xd: {  	s25 =	sadd.s32 $0xF0, s12;
	s6 =	sshrl.u32 s6, $0x3;
	[dreg:$0xd] =	wrdreg s24  }
0xe: {  	s26 =	sadd.s32 $0x118, s12;
	s0 =	smax.u32 s0, $0x1;
	[dreg:$0xe] =	wrdreg s25  }
0xf: {  	s13 =	sadd.s32 s5, s16;
	s10 =	sshrl.u32 s10, $0x3;
	[dreg:$0xf] =	wrdreg s26  }
0x10: {  	s9 =	sadd.s32 s7, s16;
	s19 =	sshrl.u32 s17, $0x3;
	[dreg:$0x11] =	wrdreg s0  }
0x11: {  	s6 =	sadd.s32 s8, s6;
	s23 =	simm.s32 $0x500;
	[dreg:$0x4] =	wrdreg s13  }
0x12: {  	s24 =	simm.s32 $0x380;
	[dreg:$0x6] =	wrdreg s9;
	s18 =	sadd.s32 s5, s10  }
0x13: {  	s16 =	simm.s32 $0x3;
	s10 =	sadd.s32 s7, s10;
	[dreg:$0x7] =	wrdreg s18  }
0x14: {  	s21 =	simm.s32 $0x5;
	s20 =	sadd.s32 s5, s19;
	[dreg:$0x8] =	wrdreg s10  }
0x15: {  	s0 =	simm.s32 $0xA;
	s9 =	sadd.s32 s7, s19;
	[dreg:$0x9] =	wrdreg s20  }
.Ltmp0:
0x16: {  	s6 =	sadd.s32 $0x7A80, s6;
	[dreg:$0xa] =	wrdreg s9;
	(pc) =	sbr.rel .LBB2_1-.Ltmp0, $4  }
0x17: {  	s19 =	simm.s32 $0x4100;
	s9 =	sadd.s32 s22, s8;
	[dreg:$0x10] =	wrdreg s6  }
0x18: {  	s22 =	simm.s32 $0x100;
	s10 =	simm.s32 $0x2;
	s1 =	sadd.s32 s1, s9  }
0x19: {  	s18 =	simm.s32 $0x480;
	s20 =	simm.s32 $0x5500;
	s31 =	sadd.s32 $0xFFFFFD80, s1  }
0x1a: {  	s9 =	simm.s32 $0x0;
	s1 =	simm.s32 $0x12;
	[dreg:$0x12] =	wrdreg s31  }
.LBB2_4:
0x1b: {  	s9 =	simm.s32 $0xF  }
0x1c: {  	_ =	swait.ge [sflag:s9], $0x1400  }
0x1d: {  	[sflag:s9] =	ssyncset.done $0x0  }
0x1e: {  	s24 =	simm.s32 $0x13;
	s12 =	rddreg [dreg:$0x10];
	[sflag:s9] =	ssyncadd.s32 $0xFFFFEC00  }
0x1f: {  	[hbm4b:s12+s2] =	stream.linear.scatter [tilespmem:s6], [sflag:$0x14], $0x1400, $0x38;
	[tilespmem:$0x6900] =	vst v63  }
0x20: {  	_ =	swait.ge [sflag:s24], $0x1400  }
0x21: {  	[sflag:s24] =	ssyncset.done $0x0  }
0x22: {  	s25 =	simm.s32 $0x14;
	[sflag:s24] =	ssyncadd.s32 $0xFFFFEC00  }
0x23: {  	_ =	swait.ge [sflag:s25], $0x1400  }
0x24: {  	s26 =	rddreg [dreg:$0x13]  }
0x25: {  	s31 =	rddreg [dreg:$0x11];
	s9 =	sadd.s32 $0x1, s26  }
0x26: {  	p0 =	sne.s32 s9, s31  }
.Ltmp1:
0x27: {  	_ = 	snop;
	(pc) =	sbr.rel @!p0 .LBB2_5-.Ltmp1, $3  }
0x28: {  	_ =	sdelay $0x1  }
0x29: {  	[sflag:s25] =	ssyncset.done $0x0  }
0x2a: {  	s22 =	simm.s32 $0x100;
	s24 =	simm.s32 $0x380;
	[sflag:s25] =	ssyncadd.s32 $0xFFFFEC00  }
.LBB2_1:
0x2b: {  	[dreg:$0x13] =	wrdreg s9  }
0x2c: {  	s12 =	rddreg [dreg:$0x4]  }
0x2d: {  	[tilespmem:s2], [sflag:$0x1] =	stream.linear.gather [hbm4b:s12+s2], $0x28, $0x38;
	[tilespmem:$0x6900] =	vst v63  }
0x2e: {  	s9 =	rddreg [dreg:$0x6];
	s13 =	simm.s32 $0x280;
	s14 =	simm.s32 $0x1  }
0x2f: {  	[tilespmem:s13], [sflag:$0x1] =	stream.linear.gather [hbm4b:s9+s2], $0x28, $0x38;
	[tilespmem:$0x6900] =	vst v63  }
0x30: {  	_ =	swait.ge [sflag:s14], $0x28  }
0x31: {  	[sflag:s14] =	ssyncset.done $0x0  }
0x32: {  	[sflag:s14] =	ssyncadd.s32 $0xFFFFFFD8  }
0x33: {  	_ =	swait.ge [sflag:s14], $0x28  }
0x34: {  	[sflag:s14] =	ssyncset.done $0x0  }
0x35: {  	s15 =	rddreg [dreg:$0x7];
	[sflag:s14] =	ssyncadd.s32 $0xFFFFFFD8  }
0x36: {  	[tilespmem:s23], [sflag:$0x6] =	stream.indirect.gather [hbm4b:s3+s28], $0x80, s2, s28, $0xb8;
	[tilespmem:$0x6900] =	vst v63  }
0x37: {  	s17 =	simm.s32 $0x80;
	s26 =	rddreg [dreg:$0x9]  }
0x38: {  	[tilespmem:s17], [sflag:$0x2] =	stream.linear.gather [hbm4b:s15+s2], $0x28, $0x38;
	[tilespmem:$0x6900] =	vst v63  }
0x39: {  	s25 =	simm.s32 $0x300;
	s23 =	rddreg [dreg:$0x8]  }
0x3a: {  	[tilespmem:s25], [sflag:$0x2] =	stream.linear.gather [hbm4b:s23+s2], $0x28, $0x38;
	[tilespmem:$0x6900] =	vst v63  }
0x3b: {  	s31 =	rddreg [dreg:$0xa]  }
0x3c: {  	[tilespmem:s22], [sflag:$0x3] =	stream.linear.gather [hbm4b:s26+s2], $0x28, $0x38;
	[tilespmem:$0x6900] =	vst v63  }
0x3d: {  	s14 =	rddreg [dreg:$0x12];
	s26 =	simm.s32 $0x0  }
0x3e: {  	[tilespmem:s24], [sflag:$0x3] =	stream.linear.gather [hbm4b:s31+s2], $0x28, $0x38;
	[tilespmem:$0x6900] =	vst v63  }
.LBB2_2:
0x3f: {  	_ =	swait.ge [sflag:s10], $0x28  }
0x40: {  	[sflag:s10] =	ssyncset.done $0x0  }
0x41: {  	[sflag:s10] =	ssyncadd.s32 $0xFFFFFFD8  }
0x42: {  	_ =	swait.ge [sflag:s10], $0x28  }
0x43: {  	s12 =	simm.s32 $0x80;
	[sflag:s10] =	ssyncset.done $0x0  }
0x44: {  	s31 =	simm.s32 $0x1900;
	s23 =	simm.s32 $0x6;
	[sflag:s10] =	ssyncadd.s32 $0xFFFFFFD8  }
0x45: {  	[tilespmem:s31], [sflag:$0x7] =	stream.indirect.gather [hbm4b:s3+s28], $0x80, s12, s28, $0xb8;
	[tilespmem:$0x6900] =	vst v63  }
0x46: {  	_ =	swait.ge [sflag:s23], $0x1400  }
0x47: {  	s25 =	simm.s32 $0x280;
	p0 =	seq.s32 s26, $0x0;
	[sflag:s23] =	ssyncset.done $0x0  }
0x48: {  	s13 =	simm.s32 $0x500;
	s15 =	simm.s32 @!p0 $0xF;
	[sflag:s23] =	ssyncadd.s32 $0xFFFFEC00  }
0x49: {  	[tilespmem:s13], [sflag:$0xB] =	stream.indirect.gather.add.f32 [hbm:s4], $0x80, s25, s28, $0xb8;
	[tilespmem:$0x6900] =	vst v63  }
0x4a: {  	_ =	swait.ge @!p0 [sflag:s15], $0x1400  }
0x4b: {  	s17 =	simm.s32 @!p0 $0x13;
	[sflag:s15] =	ssyncset.done @!p0 $0x0  }
0x4c: {  	s25 =	simm.s32 @!p0 $0x5500;
	[sflag:s15] =	ssyncadd.s32 @!p0 $0xFFFFEC00;
	s15 =	simm.s32 @!p0 $0x0  }
0x4d: {  	[hbm4b:s14+s15] =	stream.linear.scatter @!p0 [tilespmem:s25], [sflag:$0x14], $0x1400, $0x38;
	[tilespmem:$0x6900] =	vst v63  }
0x4e: {  	s15 =	smov.u32 s26;
	_ =	swait.ge @!p0 [sflag:s17], $0x1400  }
0x4f: {  	s15 =	simm.s32 @p0 $0x0;
	s6 =	rddreg [dreg:$0xb]  }
0x50: {  	s25 =	sadd.s32 s15, s6  }
0x51: {  	[sflag:s17] =	ssyncset.done @!p0 $0x0;
	s12 =	sshrl.u32 s25, $0x3  }
0x52: {  	[sflag:s17] =	ssyncadd.s32 @!p0 $0xFFFFEC00;
	s6 =	simm.s32 $0x180;
	s9 =	sadd.s32 s5, s12  }
0x53: {  	[tilespmem:s6], [sflag:$0x4] =	stream.linear.gather [hbm4b:s9+s2], $0x28, $0x38;
	[tilespmem:$0x6900] =	vst v63  }
0x54: {  	s12 =	sadd.s32 s7, s12;
	s9 =	simm.s32 $0x400  }
0x55: {  	[tilespmem:s9], [sflag:$0x4] =	stream.linear.gather [hbm4b:s12+s2], $0x28, $0x38;
	[tilespmem:$0x6900] =	vst v63  }
0x56: {  	_ =	swait.ge [sflag:s16], $0x28  }
0x57: {  	[sflag:s16] =	ssyncset.done $0x0  }
0x58: {  	[sflag:s16] =	ssyncadd.s32 $0xFFFFFFD8  }
0x59: {  	_ =	swait.ge [sflag:s16], $0x28  }
0x5a: {  	[sflag:s16] =	ssyncset.done $0x0  }
0x5b: {  	s23 =	simm.s32 $0x7;
	[sflag:s16] =	ssyncadd.s32 $0xFFFFFFD8  }
0x5c: {  	[tilespmem:s11], [sflag:$0x8] =	stream.indirect.gather [hbm4b:s3+s28], $0x80, s22, s28, $0xb8;
	[tilespmem:$0x6900] =	vst v63  }
0x5d: {  	_ =	swait.ge [sflag:s23], $0x1400  }
0x5e: {  	[sflag:s23] =	ssyncset.done $0x0  }
0x5f: {  	s17 =	simm.s32 $0x300;
	s22 =	simm.s32 $0xB;
	[sflag:s23] =	ssyncadd.s32 $0xFFFFEC00  }
0x60: {  	[tilespmem:s31], [sflag:$0xC] =	stream.indirect.gather.add.f32 [hbm:s4], $0x80, s17, s28, $0xb8;
	[tilespmem:$0x6900] =	vst v63  }
0x61: {  	_ =	swait.ge [sflag:s22], $0x1400  }
0x62: {  	s23 =	rddreg [dreg:$0x2]  }
0x63: {  	s12 =	sadd.s32 s23, s15  }
0x64: {  	[sflag:s22] =	ssyncset.done $0x0;
	s12 =	sshll.u32 s12, $0x4  }
0x65: {  	[sflag:s22] =	ssyncadd.s32 $0xFFFFEC00;
	s12 =	sadd.s32 s8, s12  }
0x66: {  	[hbm4b:s12+s2] =	stream.linear.scatter [tilespmem:s13], [sflag:$0x10], $0x1400, $0x38;
	[tilespmem:$0x6900] =	vst v63  }
0x67: {  	s12 =	simm.s32 @!p0 $0x14  }
0x68: {  	_ =	swait.ge @!p0 [sflag:s12], $0x1400  }
0x69: {  	s17 =	rddreg [dreg:$0xc]  }
0x6a: {  	s22 =	sadd.s32 s15, s17  }
0x6b: {  	[sflag:s12] =	ssyncset.done @!p0 $0x0;
	s17 =	sshrl.u32 s22, $0x3  }
0x6c: {  	[sflag:s12] =	ssyncadd.s32 @!p0 $0xFFFFEC00;
	s22 =	simm.s32 $0x200;
	s13 =	sadd.s32 s5, s17  }
0x6d: {  	[tilespmem:s22], [sflag:$0x5] =	stream.linear.gather [hbm4b:s13+s2], $0x28, $0x38;
	[tilespmem:$0x6900] =	vst v63  }
0x6e: {  	s17 =	sadd.s32 s7, s17  }
0x6f: {  	[tilespmem:s18], [sflag:$0x5] =	stream.linear.gather [hbm4b:s17+s2], $0x28, $0x38;
	[tilespmem:$0x6900] =	vst v63  }
0x70: {  	_ =	swait.ge [sflag:s30], $0x28  }
0x71: {  	[sflag:s30] =	ssyncset.done $0x0  }
0x72: {  	[sflag:s30] =	ssyncadd.s32 $0xFFFFFFD8  }
0x73: {  	_ =	swait.ge [sflag:s30], $0x28  }
0x74: {  	[sflag:s30] =	ssyncset.done $0x0  }
0x75: {  	s12 =	simm.s32 $0x8;
	[sflag:s30] =	ssyncadd.s32 $0xFFFFFFD8  }
0x76: {  	[tilespmem:s19], [sflag:$0x9] =	stream.indirect.gather [hbm4b:s3+s28], $0x80, s6, s28, $0xb8;
	[tilespmem:$0x6900] =	vst v63  }
0x77: {  	_ =	swait.ge [sflag:s12], $0x1400  }
0x78: {  	[sflag:s12] =	ssyncset.done $0x0  }
0x79: {  	s13 =	simm.s32 $0xC;
	[sflag:s12] =	ssyncadd.s32 $0xFFFFEC00  }
0x7a: {  	[tilespmem:s11], [sflag:$0xD] =	stream.indirect.gather.add.f32 [hbm:s4], $0x80, s24, s28, $0xb8;
	[tilespmem:$0x6900] =	vst v63  }
0x7b: {  	_ =	swait.ge [sflag:s13], $0x1400  }
0x7c: {  	s17 =	rddreg [dreg:$0x3]  }
0x7d: {  	s12 =	sadd.s32 s15, s17  }
0x7e: {  	[sflag:s13] =	ssyncset.done $0x0;
	s12 =	sshll.u32 s12, $0x4  }
0x7f: {  	s24 =	simm.s32 $0x10;
	[sflag:s13] =	ssyncadd.s32 $0xFFFFEC00;
	s12 =	sadd.s32 s8, s12  }
0x80: {  	[hbm4b:s12+s2] =	stream.linear.scatter [tilespmem:s31], [sflag:$0x11], $0x1400, $0x38;
	[tilespmem:$0x6900] =	vst v63  }
0x81: {  	_ =	swait.ge [sflag:s24], $0x1400  }
0x82: {  	p0 =	seq.s32 s26, $0x708;
	s12 =	rddreg [dreg:$0xd]  }
0x83: {  	s12 =	sadd.s32 @!p0 s15, s12  }
0x84: {  	[sflag:s24] =	ssyncset.done $0x0;
	s12 =	sshrl.u32 @!p0 s12, $0x3  }
0x85: {  	s13 =	simm.s32 @!p0 $0x0;
	[sflag:s24] =	ssyncadd.s32 $0xFFFFEC00;
	s17 =	sadd.s32 @!p0 s5, s12  }
0x86: {  	[tilespmem:s13], [sflag:$0x1] =	stream.linear.gather @!p0 [hbm4b:s17+s13], $0x28, $0x38;
	[tilespmem:$0x6900] =	vst v63  }
0x87: {  	s12 =	sadd.s32 @!p0 s7, s12;
	s17 =	simm.s32 @!p0 $0x280  }
0x88: {  	[tilespmem:s17], [sflag:$0x1] =	stream.linear.gather @!p0 [hbm4b:s12+s13], $0x28, $0x38;
	[tilespmem:$0x6900] =	vst v63  }
0x89: {  	_ =	swait.ge [sflag:s21], $0x28  }
0x8a: {  	[sflag:s21] =	ssyncset.done $0x0  }
0x8b: {  	[sflag:s21] =	ssyncadd.s32 $0xFFFFFFD8  }
0x8c: {  	_ =	swait.ge [sflag:s21], $0x28  }
0x8d: {  	[sflag:s21] =	ssyncset.done $0x0  }
0x8e: {  	s12 =	simm.s32 $0x9;
	[sflag:s21] =	ssyncadd.s32 $0xFFFFFFD8  }
0x8f: {  	[tilespmem:s20], [sflag:$0xA] =	stream.indirect.gather [hbm4b:s3+s28], $0x80, s22, s28, $0xb8;
	[tilespmem:$0x6900] =	vst v63  }
0x90: {  	_ =	swait.ge [sflag:s12], $0x1400  }
0x91: {  	[sflag:s12] =	ssyncset.done $0x0  }
0x92: {  	s17 =	simm.s32 $0xD;
	[sflag:s12] =	ssyncadd.s32 $0xFFFFEC00  }
0x93: {  	[tilespmem:s19], [sflag:$0xE] =	stream.indirect.gather.add.f32 [hbm:s4], $0x80, s9, s28, $0xb8;
	[tilespmem:$0x6900] =	vst v63  }
0x94: {  	_ =	swait.ge [sflag:s17], $0x1400  }
0x95: {  	s22 =	rddreg [dreg:$0x5]  }
0x96: {  	s12 =	sadd.s32 s15, s22  }
0x97: {  	[sflag:s17] =	ssyncset.done $0x0;
	s12 =	sshll.u32 s12, $0x4  }
0x98: {  	s24 =	simm.s32 $0x11;
	[sflag:s17] =	ssyncadd.s32 $0xFFFFEC00;
	s12 =	sadd.s32 s8, s12  }
0x99: {  	[hbm4b:s12+s2] =	stream.linear.scatter [tilespmem:s11], [sflag:$0x12], $0x1400, $0x38;
	[tilespmem:$0x6900] =	vst v63  }
0x9a: {  	_ =	swait.ge [sflag:s24], $0x1400  }
0x9b: {  	s12 =	rddreg [dreg:$0xe]  }
0x9c: {  	s12 =	sadd.s32 @!p0 s15, s12  }
0x9d: {  	[sflag:s24] =	ssyncset.done $0x0;
	s12 =	sshrl.u32 @!p0 s12, $0x3  }
0x9e: {  	s22 =	simm.s32 @!p0 $0x80;
	[sflag:s24] =	ssyncadd.s32 $0xFFFFEC00;
	s17 =	sadd.s32 @!p0 s5, s12  }
0x9f: {  	[tilespmem:s22], [sflag:$0x2] =	stream.linear.gather @!p0 [hbm4b:s17+s13], $0x28, $0x38;
	[tilespmem:$0x6900] =	vst v63  }
0xa0: {  	s12 =	sadd.s32 @!p0 s7, s12;
	s17 =	simm.s32 @!p0 $0x300  }
0xa1: {  	[tilespmem:s17], [sflag:$0x2] =	stream.linear.gather @!p0 [hbm4b:s12+s13], $0x28, $0x38;
	[tilespmem:$0x6900] =	vst v63  }
0xa2: {  	s12 =	simm.s32 @!p0 $0x1  }
0xa3: {  	_ =	swait.ge @!p0 [sflag:s12], $0x28  }
0xa4: {  	[sflag:s12] =	ssyncset.done @!p0 $0x0  }
0xa5: {  	[sflag:s12] =	ssyncadd.s32 @!p0 $0xFFFFFFD8  }
0xa6: {  	_ =	swait.ge @!p0 [sflag:s12], $0x28  }
0xa7: {  	[sflag:s12] =	ssyncset.done @!p0 $0x0  }
0xa8: {  	s17 =	simm.s32 @!p0 $0x500;
	[sflag:s12] =	ssyncadd.s32 @!p0 $0xFFFFFFD8;
	s12 =	simm.s32 @!p0 $0x28  }
0xa9: {  	[tilespmem:s17], [sflag:$0x6] =	stream.indirect.gather @!p0 [hbm4b:s3+s12], $0x80, s13, s12, $0xb8;
	[tilespmem:$0x6900] =	vst v63  }
0xaa: {  	_ =	swait.ge [sflag:s0], $0x1400  }
0xab: {  	[sflag:s0] =	ssyncset.done $0x0  }
0xac: {  	[sflag:s0] =	ssyncadd.s32 $0xFFFFEC00  }
0xad: {  	[tilespmem:s20], [sflag:$0xF] =	stream.indirect.gather.add.f32 [hbm:s4], $0x80, s18, s28, $0xb8;
	[tilespmem:$0x6900] =	vst v63  }
0xae: {  	_ =	swait.ge [sflag:s29], $0x1400  }
0xaf: {  	s25 =	sshll.u32 s25, $0x4;
	[sflag:s29] =	ssyncset.done $0x0  }
.Ltmp2:
0xb0: {  	s12 =	sadd.s32 s8, s25;
	[sflag:s29] =	ssyncadd.s32 $0xFFFFEC00;
	(pc) =	sbr.rel @p0 .LBB2_4-.Ltmp2, $4  }
0xb1: {  	[hbm4b:s12+s2] =	stream.linear.scatter [tilespmem:s19], [sflag:$0x13], $0x1400, $0x38;
	[tilespmem:$0x6900] =	vst v63  }
0xb2: {  	_ =	swait.ge [sflag:s1], $0x1400  }
0xb3: {  	s23 =	simm.s32 $0x500;
	s6 =	simm.s32 $0x5500;
	[sflag:s1] =	ssyncset.done $0x0  }
0xb4: {  	s31 =	simm.s32 $0x380;
	s24 =	simm.s32 $0x100;
	[sflag:s1] =	ssyncadd.s32 $0xFFFFEC00  }
0xb5: {  	s12 =	rddreg [dreg:$0xf]  }
0xb6: {  	s12 =	sadd.s32 s15, s12  }
.Ltmp3:
0xb7: {  	s12 =	sshrl.u32 s12, $0x3;
	(pc) =	sbr.rel .LBB2_2-.Ltmp3, $4  }
0xb8: {  	s26 =	sadd.s32 $0xC8, s26;
	s14 =	sadd.s32 $0xC80, s14;
	s13 =	sadd.s32 s5, s12  }
0xb9: {  	[tilespmem:s24], [sflag:$0x3] =	stream.linear.gather [hbm4b:s13+s2], $0x28, $0x38;
	[tilespmem:$0x6900] =	vst v63  }
0xba: {  	s22 =	simm.s32 $0x100;
	s12 =	sadd.s32 s7, s12;
	s24 =	simm.s32 $0x380  }
0xbb: {  	[tilespmem:s31], [sflag:$0x3] =	stream.linear.gather [hbm4b:s12+s2], $0x28, $0x38;
	[tilespmem:$0x6900] =	vst v63  }
.LBB2_5:
0xbc: {  	_ =	sfence.sel $0x180000  }
0xbd: {  	[bflag:$0x0] =	sbarrier.arrive $0xFFFF  }
0xbe: {  	_ =	strace $0x90000050  }
0xbf: {  	s0 =	stileid.u32;
	[bflag:$0x2] =	sbarrier.arrive $0xFFFF  }
0xc0: {  	p0 =	sne.s32 s0, $0x0;
	s0 =	rddreg [dreg:$0x1]  }
0xc1: {  	s0 =	sadd.s32 @!p0 $0x100000, s0  }
0xc2: {  	[sflag:s0] =	ssyncadd.tile.s32 @!p0 $0x1;
	_ =	shalt  }
.Lfunc_end2:
_tile_overlayer_lowered:
.L_overlay_start_2:
0xc3: {  	(tag) =	ssettag $0x2  }
0xc4: {  	s0 =	rddreg [dreg:$0x0];
	s2 =	stileid.u32  }
0xc5: {  	s1 =	rddreg [dreg:$0x1];
	p0 =	sne.s32 s2, $0x0  }
0xc6: {  	s3 =	rddreg [dreg:$0x2];
	[bflag:$0x3] =	sbarrier.arrive $0xFFFF;
	s2 =	simm.s32 @!p0 $0x1C15  }
0xc7: {  	[timem:s3], [sflag:s2] =	dma.local @!p0 [hbm:s0], s1  }
0xc8: {  	s0 =	simm.s32 @!p0 $0x15  }
0xc9: {  	_ =	swait.ge @!p0 [sflag:s0], s1  }
0xca: {  	s1 =	ssub.s32 @!p0 $0x0, s1;
	[sflag:s0] =	ssyncset.done @!p0 $0x0  }
0xcb: {  	[sflag:s0] =	ssyncadd.s32 @!p0 s1  }
0xcc: {  	[bflag:$0x3] =	sbarrier.arrive $0xFFFF  }
0xcd: {  	_ =	shalt  }

// kernel: kernel.26.cloned.1.call-start
scs
__scs_entry_jumppad:
0x0: {  	(pc) =	sbr.rel $0x88, $3  }
0x1: {  	(tag) =	ssettag $0x0;
	lr =	simm.s32 $0x1  }
0x2: {  	[smem:$0x3F95] =	sst lr;
	_ =	strace $0xD0000000  }
0x3: {  	_ = 	snop  }
0x4: {  	_ = 	snop  }
0x5: {  	_ = 	snop  }
0x6: {  	_ = 	snop  }
0x7: {  	_ = 	snop  }
__scs_overlays_trampoline_lowered:
0x8: {  	[smem:$0x3FA4] =	sst s0  }
0x9: {  	[smem:$0x3FA5] =	sst s1  }
0xa: {  	[smem:$0x3FA6] =	sst s2  }
0xb: {  	[smem:$0x3FA7] =	sst s3  }
0xc: {  	[smem:$0x3FA8] =	sst s4  }
0xd: {  	[smem:$0x3FA9] =	sst s5  }
0xe: {  	[smem:$0x3FAA] =	sst s6  }
0xf: {  	[smem:$0x3FAB] =	sst s7  }
0x10: {  	[smem:$0x3FAC] =	sst s8  }
0x11: {  	[smem:$0x3FAD] =	sst s9;
	s0 =	simm.s32 @!p0 $0x0  }
0x12: {  	s1 =	sld [smem:$0x3F93];
	s0 =	simm.s32 @p0 $0x1  }
0x13: {  	[smem:$0x3FAE] =	sst s0;
	s0 =	simm.s32 @!p1 $0x0  }
0x14: {  	s2 =	sld [smem:$0x3F92];
	s0 =	simm.s32 @p1 $0x1  }
0x15: {  	[smem:$0x3FAF] =	sst s0;
	s0 =	simm.s32 @!p2 $0x0  }
0x16: {  	s3 =	sld [smem:$0x3FDB];
	s0 =	simm.s32 @p2 $0x1  }
0x17: {  	s4 =	simm.s32 $0x1BF5;
	[smem:$0x3FB1] =	sst s0  }
0x18: {  	s0 =	sld [smem:$0x3F94];
	_ =	swait.ge [sflag:s4], $0x0  }
0x19: {  	s7 =	sld [smem:$0x3F95]  }
0x1a: {  	s8 =	sadd.s32 $0xFFFFE003, lr  }
0x1b: {  	s9 =	sadd.s32 $0xFFFFFEF7, lr;
	s5 =	simm.s32 $0xFFFFFFFF;
	p2 =	slt.u32 s8, $0xFFFFF086  }
0x1c: {  	p1 =	slt.u32 s9, $0xF7A;
	s5 =	simm.s32 @!p2 $0x0  }
0x1d: {  	s5 =	simm.s32 @p1 $0x1;
	p0 =	seq.s32 s7, s2  }
0x1e: {  	s7 =	smul.u32 @!p0 $0xF7A, s2;
	p2 =	seq.s32 @!p0 s5, $0x0  }
0x1f: {  	s9 =	smul.u32 $0xF7A, s1;
	s8 =	simm.s32 @!p0 $0x1BF5;
	p2 =	por !p2, p0  }
0x20: {  	[sflag:s8] =	ssyncset.s32 @!p0 $0xFFFFF086;
	s6 =	sadd.s32 @!p0 s3, s7;
	s7 =	simm.s32 @!p0 $0x108  }
0x21: {  	s3 =	sadd.s32 s3, s9;
	s6 =	sadd.s32 @!p0 $0x88, s6;
	s7 =	simm.s32 @p2 $0x1082  }
0x22: {  	[simem:s7], [sflag:s8] =	dma.local @!p0 [hbm:s6], $0xF7A  }
0x23: {  	s9 =	sor.u32 $0xD0000000, s2;
	s6 =	simm.s32 $0x108;
	_ =	swait.ge @!p0 [sflag:s8], $0x0  }
0x24: {  	s3 =	sadd.s32 $0x88, s3;
	s6 =	simm.s32 @!p1 $0x1082;
	[sflag:s4] =	ssyncset.s32 $0xFFFFF086  }
0x25: {  	[simem:s6], [sflag:s4] =	dma.local [hbm:s3], $0xF7A  }
0x26: {  	[smem:$0x3F95] =	sst s1;
	(tag) =	ssettag s2;
	_ =	strace s9  }
0x27: {  	s1 =	sld [smem:$0x3FA5]  }
0x28: {  	s2 =	sld [smem:$0x3FA6]  }
0x29: {  	s4 =	sld [smem:$0x3FA8]  }
0x2a: {  	p0 =	seq.s32 s5, $0x0;
	s5 =	sld [smem:$0x3FA9]  }
0x2b: {  	s6 =	sld [smem:$0x3FAA]  }
0x2c: {  	s7 =	sld [smem:$0x3FAB]  }
0x2d: {  	s3 =	simm.s32 $0x108;
	s8 =	sld [smem:$0x3FAC]  }
0x2e: {  	s3 =	simm.s32 @!p0 $0x1082;
	s9 =	sld [smem:$0x3FAD]  }
0x2f: {  	lr =	sadd.s32 s0, s3;
	s0 =	sld [smem:$0x3FA4]  }
0x30: {  	s3 =	sld [smem:$0x3FA7]  }
0x31: {  	[smem:$0x3FB0] =	sst s10  }
0x32: {  	s10 =	sld [smem:$0x3FAE];
	_ =	sdelay $0x3  }
0x33: {  	p0 =	seq.s32 s10, $0x1;
	s10 =	sld [smem:$0x3FB0];
	_ =	sdelay $0x3  }
0x34: {  	[smem:$0x3FB0] =	sst s10  }
0x35: {  	s10 =	sld [smem:$0x3FAF];
	_ =	sdelay $0x3  }
0x36: {  	p1 =	seq.s32 s10, $0x1;
	s10 =	sld [smem:$0x3FB0];
	_ =	sdelay $0x3  }
0x37: {  	[smem:$0x3FB0] =	sst s10  }
0x38: {  	s10 =	sld [smem:$0x3FB1]  }
0x39: {  	_ = 	snop;
	(pc) =	sbr.ind lr, $3  }
0x3a: {  	_ = 	snop  }
0x3b: {  	_ = 	snop  }
0x3c: {  	p2 =	seq.s32 s10, $0x1;
	s10 =	sld [smem:$0x3FB0]  }
0x3d: {  	_ =	shalt  }
0x3e: {  	_ =	shalt  }
0x3f: {  	_ =	shalt  }
0x40: {  	_ =	shalt  }
0x41: {  	_ =	shalt  }
0x42: {  	_ =	shalt  }
0x43: {  	_ =	shalt  }
0x44: {  	_ =	shalt  }
0x45: {  	_ =	shalt  }
0x46: {  	_ =	shalt  }
0x47: {  	_ =	shalt  }
0x48: {  	_ =	shalt  }
0x49: {  	_ =	shalt  }
0x4a: {  	_ =	shalt  }
0x4b: {  	_ =	shalt  }
0x4c: {  	_ =	shalt  }
0x4d: {  	_ =	shalt  }
0x4e: {  	_ =	shalt  }
0x4f: {  	_ =	shalt  }
0x50: {  	_ =	shalt  }
0x51: {  	_ =	shalt  }
0x52: {  	_ =	shalt  }
0x53: {  	_ =	shalt  }
0x54: {  	_ =	shalt  }
0x55: {  	_ =	shalt  }
0x56: {  	_ =	shalt  }
0x57: {  	_ =	shalt  }
0x58: {  	_ =	shalt  }
0x59: {  	_ =	shalt  }
0x5a: {  	_ =	shalt  }
0x5b: {  	_ =	shalt  }
0x5c: {  	_ =	shalt  }
0x5d: {  	_ =	shalt  }
0x5e: {  	_ =	shalt  }
0x5f: {  	_ =	shalt  }
0x60: {  	_ =	shalt  }
0x61: {  	_ =	shalt  }
0x62: {  	_ =	shalt  }
0x63: {  	_ =	shalt  }
0x64: {  	_ =	shalt  }
0x65: {  	_ =	shalt  }
0x66: {  	_ =	shalt  }
0x67: {  	_ =	shalt  }
0x68: {  	_ =	shalt  }
0x69: {  	_ =	shalt  }
0x6a: {  	_ =	shalt  }
0x6b: {  	_ =	shalt  }
0x6c: {  	_ =	shalt  }
0x6d: {  	_ =	shalt  }
0x6e: {  	_ =	shalt  }
0x6f: {  	_ =	shalt  }
0x70: {  	_ =	shalt  }
0x71: {  	_ =	shalt  }
0x72: {  	_ =	shalt  }
0x73: {  	_ =	shalt  }
0x74: {  	_ =	shalt  }
0x75: {  	_ =	shalt  }
0x76: {  	_ =	shalt  }
0x77: {  	_ =	shalt  }
0x78: {  	_ =	shalt  }
0x79: {  	_ =	shalt  }
0x7a: {  	_ =	shalt  }
0x7b: {  	_ =	shalt  }
0x7c: {  	_ =	shalt  }
0x7d: {  	_ =	shalt  }
0x7e: {  	_ =	shalt  }
0x7f: {  	_ =	shalt  }
0x80: {  	_ =	shalt  }
0x81: {  	_ =	shalt  }
0x82: {  	_ =	shalt  }
0x83: {  	_ =	shalt  }
0x84: {  	_ =	shalt  }
0x85: {  	_ =	shalt  }
0x86: {  	_ =	shalt  }
0x87: {  	_ =	shalt  }
.Lfunc_end0:
.L_simem_size_0:
called_computation.4_lowered:
.L_overlay_start_0:
0x88: {  	s2 =	sld [smem:$0x3FD9]  }
0x89: {  	s3 =	sld [smem:$0x3FFE];
	_ =	sdelay $0x1  }
0x8a: {  	s1 =	srdreg.scid  }
0x8b: {  	s0 =	sand.u32 $0x1, s1  }
0x8c: {  	s17 =	sshll.u32 s0, $0xA;
	s2 =	sadd.s32 s3, s2  }
0x8d: {  	s2 =	sadd.s32 s2, s17  }
0x8e: {  	[smem:$0x3FBC] =	sst s2  }
0x8f: {  	_ = 	snop  }
0x90: {  	(tm) =	ssettm $0x1  }
0x91: {  	s18 =	sld [smem:$0x3FFB];
	_ =	sdelay $0x3  }
0x92: {  	_ =	strace s18  }
0x93: {  	s2 =	sld [smem:$0x3FFC];
	_ =	sdelay $0x3  }
0x94: {  	_ =	strace s2  }
0x95: {  	s2 =	sld [smem:$0x3FFD];
	_ =	sdelay $0x3  }
0x96: {  	_ =	strace s2  }
0x97: {  	_ =	strace $0x8FFFFFFF  }
0x98: {  	s19 =	sld [smem:$0x3FDB];
	_ =	sdelay $0x1  }
0x99: {  	s20 =	simm.s32 $_scs_section_size  }
0x9a: {  	s4 =	simm.s32 $_size__tile_overlayer_lowered;
	s5 =	simm.s32 $_tile_overlayer_lowered  }
0x9b: {  	s6 =	simm.s32 $0x1BFF;
	s21 =	sshll.u32 s5, $0x1;
	s3 =	sadd.s32 s20, s19  }
0x9c: {  	s22 =	simm.s32 $0x0;
	s4 =	sshll.u32 s4, $0x1;
	s5 =	sadd.s32 s21, s3  }
0x9d: {  	[timem:s22], [sflag:s6] =	dma.local [hbm:s5], s4  }
0x9e: {  	_ =	swait.ge [sflag:s6], s4  }
0x9f: {  	s4 =	ssub.s32 $0x0, s4;
	[sflag:s6] =	ssyncset.done $0x0  }
0xa0: {  	[sflag:s6] =	ssyncadd.s32 s4;
	_ =	sdelay $0x1  }
0xa1: {  	s23 =	simm.s32 $0x1B8B  }
0xa2: {  	_ =	swait.ge [sflag:s23], $0x1  }
0xa3: {  	[sflag:s23] =	ssyncset.done $0x0  }
0xa4: {  	[sflag:s23] =	ssyncadd.s32 $0xFFFFFFFF  }
0xa5: {  	s4 =	sld [smem:$0x0]  }
0xa6: {  	s5 =	sand.u32 $0xFFFFFFFE, s1  }
0xa7: {  	p0 =	sne.s32 s1, s5  }
0xa8: {  	s5 =	sshll.u32 @p0 s5, $0xE  }
0xa9: {  	s5 =	sadd.s32 @p0 $0x11B8D, s5;
	s6 =	sshll.u32 @p0 s4, $0x11  }
0xaa: {  	s5 =	sor.u32 @p0 s6, s5  }
0xab: {  	[sflag:s5] =	ssyncadd.remote.s32 @p0 $0x1;
	_ =	sdelay $0x1  }
0xac: {  	s5 =	simm.s32 @p0 $0x1B8D  }
0xad: {  	_ =	swait.eq @p0 [sflag:s5], $0x1  }
0xae: {  	[sflag:s5] =	ssyncadd.s32 @p0 $0xFFFFFFFF  }
0xaf: {  	s6 =	sshll.u32 @!p0 s1, $0xE  }
0xb0: {  	s6 =	sor.u32 @!p0 $0x4000, s6;
	s5 =	simm.s32 @!p0 $0x1B8D  }
0xb1: {  	s4 =	sshll.u32 @!p0 s4, $0x11;
	s6 =	sadd.s32 @!p0 $0x11B8D, s6;
	_ =	swait.eq @!p0 [sflag:s5], $0x1  }
0xb2: {  	s4 =	sor.u32 @!p0 s4, s6;
	[sflag:s5] =	ssyncadd.s32 @!p0 $0xFFFFFFFF  }
0xb3: {  	s25 =	simm.s32 $0x1B8E;
	s24 =	sld [smem:$0x3FFE];
	[sflag:s4] =	ssyncadd.remote.s32 @!p0 $0x1  }
0xb4: {  	s26 =	simm.s32 $execute0_lowered;
	[smem:$0x3FD2] =	sst s25  }
0xb5: {  	s5 =	sshll.u32 s26, $0x1;
	_ =	strace $0x80000052;
	[dreg:$0x1] =	wrdreg $0xFFFFFFFF  }
0xb6: {  	s28 =	simm.s32 $_size_execute0_lowered;
	s3 =	sadd.s32 s3, s5;
	[dreg:$0x0] =	wrdreg $0x0  }
0xb7: {  	s5 =	sshll.u32 s28, $0x1;
	[dreg:$0x2] =	wrdreg s3  }
0xb8: {  	[dreg:$0x3] =	wrdreg s5  }
0xb9: {  	[dreg:$0x4] =	wrdreg $0xC0  }
0xba: {  	_ =	task [dreg:s22], $0x5FFFF  }
0xbb: {  	[dreg:$0x1] =	wrdreg $0xFFFFFFFF  }
0xbc: {  	[dreg:$0x0] =	wrdreg $0x60  }
0xbd: {  	[dreg:$0x2] =	wrdreg s24  }
0xbe: {  	[dreg:$0x3] =	wrdreg $0xD  }
0xbf: {  	_ =	task.clear_ibuf [dreg:s22], $0x4FFFF;
	_ =	strace $0x90000052  }
0xc0: {  	s29 =	simm.s32 $0xD;
	_ =	strace $0x80000054  }
0xc1: {  	_ =	swait.ge [sflag:s29], $0x1  }
0xc2: {  	[sflag:s29] =	ssyncadd.s32 $0xFFFFFFFF  }
0xc3: {  	_ =	strace $0x90000054  }
0xc4: {  	_ =	sfence  }
0xc5: {  	s30 =	sld [smem:$0x0];
	_ =	sdelay $0x2  }
0xc6: {  	s31 =	sshll.u32 s1, $0xD;
	s1 =	sshrl.u32 s1, $0x2  }
0xc7: {  	s4 =	sand.u32 $0x4000, s31;
	s1 =	sadd.s32 s1, s30  }
0xc8: {  	s0 =	sor.u32 s4, s0;
	s1 =	sshll.u32 s1, $0x11  }
0xc9: {  	s0 =	sor.u32 s1, s0  }
0xca: {  	s0 =	sadd.s32 $0x8F2B, s0  }
0xcb: {  	[sflag:s0] =	ssyncadd.remote.s32 $0x1  }
0xcc: {  	_ =	sfence.sel $0xFFFF  }
0xcd: {  	[dreg:$0x0] =	wrdreg $0xFFFFFFFF;
	(pc) =	sbr.abs _section_cstart, $3  }
0xce: {  	[dreg:$0x1] =	wrdreg $0xFFFFFFFF  }
0xcf: {  	_ =	task.clear_ibuf [dreg:s22], $0x2FFFF;
	_ =	strace $0x9FFFFFFF  }
0xd0: {  	(tm) =	ssettm $0x7FFFFFFF  }
0xd1: {  	_ =	shalt  }
tec
execute0_lowered:
.L_overlay_start_1:
0x0: {  	(tag) =	ssettag $0x1  }
0x1: {  	s0 =	rddreg [dreg:$0x0];
	s2 =	simm.s32 $0x0;
	s1 =	srdreg.scid  }
0x2: {  	s11 =	stileid.u32;
	s28 =	simm.s32 $0x28;
	s30 =	simm.s32 $0x4  }
0x3: {  	s29 =	simm.s32 $0xE;
	[smem:$0x7FF] =	sst s2;
	s1 =	sand.u32 $0x1, s1  }
0x4: {  	s5 =	sshll.u32 s11, $0x1;
	s3 =	sadd.s32 $0x7800, s0;
	s4 =	sadd.s32 $0x2EA00, s0  }
0x5: {  	s7 =	sadd.s32 $0x15BC00, s0;
	s22 =	smul.u32 $0xFA00, s11;
	s6 =	sor.u32 s1, s5  }
0x6: {  	s8 =	sadd.s32 $0x44DC00, s0;
	s11 =	simm.s32 $0x2D00;
	s12 =	smul.u32 $0x7D0, s6  }
0x7: {  	_ =	strace $0x80000053;
	s5 =	sadd.s32 $0x15DC00, s0;
	s9 =	ssub.s32 $0x2, s1  }
0x8: {  	s1 =	smul.u32 $0x7D00, s1;
	s10 =	sadd.s32 $0x28, s12;
	[dreg:$0x2] =	wrdreg s12  }
0x9: {  	s15 =	sshrl.u32 s9, $0x1;
	s17 =	sadd.s32 $0x50, s12;
	[dreg:$0x3] =	wrdreg s10  }
0xa: {  	s6 =	smul.u32 $0x3E800, s6;
	s21 =	sadd.s32 $0x78, s12;
	[dreg:$0x5] =	wrdreg s17  }
0xb: {  	s0 =	ssub.s32 s9, s15;
	s23 =	sadd.s32 $0xA0, s12;
	[dreg:$0xb] =	wrdreg s21  }
0xc: {  	s16 =	sshrl.u32 s12, $0x3;
	s24 =	sadd.s32 $0xC8, s12;
	[dreg:$0xc] =	wrdreg s23  }
0xd: {  	s25 =	sadd.s32 $0xF0, s12;
	s6 =	sshrl.u32 s6, $0x3;
	[dreg:$0xd] =	wrdreg s24  }
0xe: {  	s26 =	sadd.s32 $0x118, s12;
	s0 =	smax.u32 s0, $0x1;
	[dreg:$0xe] =	wrdreg s25  }
0xf: {  	s13 =	sadd.s32 s5, s16;
	s10 =	sshrl.u32 s10, $0x3;
	[dreg:$0xf] =	wrdreg s26  }
0x10: {  	s9 =	sadd.s32 s7, s16;
	s19 =	sshrl.u32 s17, $0x3;
	[dreg:$0x11] =	wrdreg s0  }
0x11: {  	s6 =	sadd.s32 s8, s6;
	s23 =	simm.s32 $0x500;
	[dreg:$0x4] =	wrdreg s13  }
0x12: {  	s24 =	simm.s32 $0x380;
	[dreg:$0x6] =	wrdreg s9;
	s18 =	sadd.s32 s5, s10  }
0x13: {  	s16 =	simm.s32 $0x3;
	s10 =	sadd.s32 s7, s10;
	[dreg:$0x7] =	wrdreg s18  }
0x14: {  	s21 =	simm.s32 $0x5;
	s20 =	sadd.s32 s5, s19;
	[dreg:$0x8] =	wrdreg s10  }
0x15: {  	s0 =	simm.s32 $0xA;
	s9 =	sadd.s32 s7, s19;
	[dreg:$0x9] =	wrdreg s20  }
.Ltmp0:
0x16: {  	s6 =	sadd.s32 $0x7A80, s6;
	[dreg:$0xa] =	wrdreg s9;
	(pc) =	sbr.rel .LBB2_1-.Ltmp0, $4  }
0x17: {  	s19 =	simm.s32 $0x4100;
	s9 =	sadd.s32 s22, s8;
	[dreg:$0x10] =	wrdreg s6  }
0x18: {  	s22 =	simm.s32 $0x100;
	s10 =	simm.s32 $0x2;
	s1 =	sadd.s32 s1, s9  }
0x19: {  	s18 =	simm.s32 $0x480;
	s20 =	simm.s32 $0x5500;
	s31 =	sadd.s32 $0xFFFFFD80, s1  }
0x1a: {  	s9 =	simm.s32 $0x0;
	s1 =	simm.s32 $0x12;
	[dreg:$0x12] =	wrdreg s31  }
.LBB2_4:
0x1b: {  	s9 =	simm.s32 $0xF  }
0x1c: {  	_ =	swait.ge [sflag:s9], $0x1400  }
0x1d: {  	[sflag:s9] =	ssyncset.done $0x0  }
0x1e: {  	s24 =	simm.s32 $0x13;
	s12 =	rddreg [dreg:$0x10];
	[sflag:s9] =	ssyncadd.s32 $0xFFFFEC00  }
0x1f: {  	[hbm4b:s12+s2] =	stream.linear.scatter [tilespmem:s6], [sflag:$0x14], $0x1400, $0x38;
	[tilespmem:$0x6900] =	vst v63  }
0x20: {  	_ =	swait.ge [sflag:s24], $0x1400  }
0x21: {  	[sflag:s24] =	ssyncset.done $0x0  }
0x22: {  	s25 =	simm.s32 $0x14;
	[sflag:s24] =	ssyncadd.s32 $0xFFFFEC00  }
0x23: {  	_ =	swait.ge [sflag:s25], $0x1400  }
0x24: {  	s26 =	rddreg [dreg:$0x13]  }
0x25: {  	s31 =	rddreg [dreg:$0x11];
	s9 =	sadd.s32 $0x1, s26  }
0x26: {  	p0 =	sne.s32 s9, s31  }
.Ltmp1:
0x27: {  	_ = 	snop;
	(pc) =	sbr.rel @!p0 .LBB2_5-.Ltmp1, $3  }
0x28: {  	_ =	sdelay $0x1  }
0x29: {  	[sflag:s25] =	ssyncset.done $0x0  }
0x2a: {  	s22 =	simm.s32 $0x100;
	s24 =	simm.s32 $0x380;
	[sflag:s25] =	ssyncadd.s32 $0xFFFFEC00  }
.LBB2_1:
0x2b: {  	[dreg:$0x13] =	wrdreg s9  }
0x2c: {  	s12 =	rddreg [dreg:$0x4]  }
0x2d: {  	[tilespmem:s2], [sflag:$0x1] =	stream.linear.gather [hbm4b:s12+s2], $0x28, $0x38;
	[tilespmem:$0x6900] =	vst v63  }
0x2e: {  	s9 =	rddreg [dreg:$0x6];
	s13 =	simm.s32 $0x280;
	s14 =	simm.s32 $0x1  }
0x2f: {  	[tilespmem:s13], [sflag:$0x1] =	stream.linear.gather [hbm4b:s9+s2], $0x28, $0x38;
	[tilespmem:$0x6900] =	vst v63  }
0x30: {  	_ =	swait.ge [sflag:s14], $0x28  }
0x31: {  	[sflag:s14] =	ssyncset.done $0x0  }
0x32: {  	[sflag:s14] =	ssyncadd.s32 $0xFFFFFFD8  }
0x33: {  	_ =	swait.ge [sflag:s14], $0x28  }
0x34: {  	[sflag:s14] =	ssyncset.done $0x0  }
0x35: {  	s15 =	rddreg [dreg:$0x7];
	[sflag:s14] =	ssyncadd.s32 $0xFFFFFFD8  }
0x36: {  	[tilespmem:s23], [sflag:$0x6] =	stream.indirect.gather [hbm4b:s3+s28], $0x80, s2, s28, $0xb8;
	[tilespmem:$0x6900] =	vst v63  }
0x37: {  	s17 =	simm.s32 $0x80;
	s26 =	rddreg [dreg:$0x9]  }
0x38: {  	[tilespmem:s17], [sflag:$0x2] =	stream.linear.gather [hbm4b:s15+s2], $0x28, $0x38;
	[tilespmem:$0x6900] =	vst v63  }
0x39: {  	s25 =	simm.s32 $0x300;
	s23 =	rddreg [dreg:$0x8]  }
0x3a: {  	[tilespmem:s25], [sflag:$0x2] =	stream.linear.gather [hbm4b:s23+s2], $0x28, $0x38;
	[tilespmem:$0x6900] =	vst v63  }
0x3b: {  	s31 =	rddreg [dreg:$0xa]  }
0x3c: {  	[tilespmem:s22], [sflag:$0x3] =	stream.linear.gather [hbm4b:s26+s2], $0x28, $0x38;
	[tilespmem:$0x6900] =	vst v63  }
0x3d: {  	s14 =	rddreg [dreg:$0x12];
	s26 =	simm.s32 $0x0  }
0x3e: {  	[tilespmem:s24], [sflag:$0x3] =	stream.linear.gather [hbm4b:s31+s2], $0x28, $0x38;
	[tilespmem:$0x6900] =	vst v63  }
.LBB2_2:
0x3f: {  	_ =	swait.ge [sflag:s10], $0x28  }
0x40: {  	[sflag:s10] =	ssyncset.done $0x0  }
0x41: {  	[sflag:s10] =	ssyncadd.s32 $0xFFFFFFD8  }
0x42: {  	_ =	swait.ge [sflag:s10], $0x28  }
0x43: {  	s12 =	simm.s32 $0x80;
	[sflag:s10] =	ssyncset.done $0x0  }
0x44: {  	s31 =	simm.s32 $0x1900;
	s23 =	simm.s32 $0x6;
	[sflag:s10] =	ssyncadd.s32 $0xFFFFFFD8  }
0x45: {  	[tilespmem:s31], [sflag:$0x7] =	stream.indirect.gather [hbm4b:s3+s28], $0x80, s12, s28, $0xb8;
	[tilespmem:$0x6900] =	vst v63  }
0x46: {  	_ =	swait.ge [sflag:s23], $0x1400  }
0x47: {  	s25 =	simm.s32 $0x280;
	p0 =	seq.s32 s26, $0x0;
	[sflag:s23] =	ssyncset.done $0x0  }
0x48: {  	s13 =	simm.s32 $0x500;
	s15 =	simm.s32 @!p0 $0xF;
	[sflag:s23] =	ssyncadd.s32 $0xFFFFEC00  }
0x49: {  	[tilespmem:s13], [sflag:$0xB] =	stream.indirect.gather.add.f32 [hbm:s4], $0x80, s25, s28, $0xb8;
	[tilespmem:$0x6900] =	vst v63  }
0x4a: {  	_ =	swait.ge @!p0 [sflag:s15], $0x1400  }
0x4b: {  	s17 =	simm.s32 @!p0 $0x13;
	[sflag:s15] =	ssyncset.done @!p0 $0x0  }
0x4c: {  	s25 =	simm.s32 @!p0 $0x5500;
	[sflag:s15] =	ssyncadd.s32 @!p0 $0xFFFFEC00;
	s15 =	simm.s32 @!p0 $0x0  }
0x4d: {  	[hbm4b:s14+s15] =	stream.linear.scatter @!p0 [tilespmem:s25], [sflag:$0x14], $0x1400, $0x38;
	[tilespmem:$0x6900] =	vst v63  }
0x4e: {  	s15 =	smov.u32 s26;
	_ =	swait.ge @!p0 [sflag:s17], $0x1400  }
0x4f: {  	s15 =	simm.s32 @p0 $0x0;
	s6 =	rddreg [dreg:$0xb]  }
0x50: {  	s25 =	sadd.s32 s15, s6  }
0x51: {  	[sflag:s17] =	ssyncset.done @!p0 $0x0;
	s12 =	sshrl.u32 s25, $0x3  }
0x52: {  	[sflag:s17] =	ssyncadd.s32 @!p0 $0xFFFFEC00;
	s6 =	simm.s32 $0x180;
	s9 =	sadd.s32 s5, s12  }
0x53: {  	[tilespmem:s6], [sflag:$0x4] =	stream.linear.gather [hbm4b:s9+s2], $0x28, $0x38;
	[tilespmem:$0x6900] =	vst v63  }
0x54: {  	s12 =	sadd.s32 s7, s12;
	s9 =	simm.s32 $0x400  }
0x55: {  	[tilespmem:s9], [sflag:$0x4] =	stream.linear.gather [hbm4b:s12+s2], $0x28, $0x38;
	[tilespmem:$0x6900] =	vst v63  }
0x56: {  	_ =	swait.ge [sflag:s16], $0x28  }
0x57: {  	[sflag:s16] =	ssyncset.done $0x0  }
0x58: {  	[sflag:s16] =	ssyncadd.s32 $0xFFFFFFD8  }
0x59: {  	_ =	swait.ge [sflag:s16], $0x28  }
0x5a: {  	[sflag:s16] =	ssyncset.done $0x0  }
0x5b: {  	s23 =	simm.s32 $0x7;
	[sflag:s16] =	ssyncadd.s32 $0xFFFFFFD8  }
0x5c: {  	[tilespmem:s11], [sflag:$0x8] =	stream.indirect.gather [hbm4b:s3+s28], $0x80, s22, s28, $0xb8;
	[tilespmem:$0x6900] =	vst v63  }
0x5d: {  	_ =	swait.ge [sflag:s23], $0x1400  }
0x5e: {  	[sflag:s23] =	ssyncset.done $0x0  }
0x5f: {  	s17 =	simm.s32 $0x300;
	s22 =	simm.s32 $0xB;
	[sflag:s23] =	ssyncadd.s32 $0xFFFFEC00  }
0x60: {  	[tilespmem:s31], [sflag:$0xC] =	stream.indirect.gather.add.f32 [hbm:s4], $0x80, s17, s28, $0xb8;
	[tilespmem:$0x6900] =	vst v63  }
0x61: {  	_ =	swait.ge [sflag:s22], $0x1400  }
0x62: {  	s23 =	rddreg [dreg:$0x2]  }
0x63: {  	s12 =	sadd.s32 s23, s15  }
0x64: {  	[sflag:s22] =	ssyncset.done $0x0;
	s12 =	sshll.u32 s12, $0x4  }
0x65: {  	[sflag:s22] =	ssyncadd.s32 $0xFFFFEC00;
	s12 =	sadd.s32 s8, s12  }
0x66: {  	[hbm4b:s12+s2] =	stream.linear.scatter [tilespmem:s13], [sflag:$0x10], $0x1400, $0x38;
	[tilespmem:$0x6900] =	vst v63  }
0x67: {  	s12 =	simm.s32 @!p0 $0x14  }
0x68: {  	_ =	swait.ge @!p0 [sflag:s12], $0x1400  }
0x69: {  	s17 =	rddreg [dreg:$0xc]  }
0x6a: {  	s22 =	sadd.s32 s15, s17  }
0x6b: {  	[sflag:s12] =	ssyncset.done @!p0 $0x0;
	s17 =	sshrl.u32 s22, $0x3  }
0x6c: {  	[sflag:s12] =	ssyncadd.s32 @!p0 $0xFFFFEC00;
	s22 =	simm.s32 $0x200;
	s13 =	sadd.s32 s5, s17  }
0x6d: {  	[tilespmem:s22], [sflag:$0x5] =	stream.linear.gather [hbm4b:s13+s2], $0x28, $0x38;
	[tilespmem:$0x6900] =	vst v63  }
0x6e: {  	s17 =	sadd.s32 s7, s17  }
0x6f: {  	[tilespmem:s18], [sflag:$0x5] =	stream.linear.gather [hbm4b:s17+s2], $0x28, $0x38;
	[tilespmem:$0x6900] =	vst v63  }
0x70: {  	_ =	swait.ge [sflag:s30], $0x28  }
0x71: {  	[sflag:s30] =	ssyncset.done $0x0  }
0x72: {  	[sflag:s30] =	ssyncadd.s32 $0xFFFFFFD8  }
0x73: {  	_ =	swait.ge [sflag:s30], $0x28  }
0x74: {  	[sflag:s30] =	ssyncset.done $0x0  }
0x75: {  	s12 =	simm.s32 $0x8;
	[sflag:s30] =	ssyncadd.s32 $0xFFFFFFD8  }
0x76: {  	[tilespmem:s19], [sflag:$0x9] =	stream.indirect.gather [hbm4b:s3+s28], $0x80, s6, s28, $0xb8;
	[tilespmem:$0x6900] =	vst v63  }
0x77: {  	_ =	swait.ge [sflag:s12], $0x1400  }
0x78: {  	[sflag:s12] =	ssyncset.done $0x0  }
0x79: {  	s13 =	simm.s32 $0xC;
	[sflag:s12] =	ssyncadd.s32 $0xFFFFEC00  }
0x7a: {  	[tilespmem:s11], [sflag:$0xD] =	stream.indirect.gather.add.f32 [hbm:s4], $0x80, s24, s28, $0xb8;
	[tilespmem:$0x6900] =	vst v63  }
0x7b: {  	_ =	swait.ge [sflag:s13], $0x1400  }
0x7c: {  	s17 =	rddreg [dreg:$0x3]  }
0x7d: {  	s12 =	sadd.s32 s15, s17  }
0x7e: {  	[sflag:s13] =	ssyncset.done $0x0;
	s12 =	sshll.u32 s12, $0x4  }
0x7f: {  	s24 =	simm.s32 $0x10;
	[sflag:s13] =	ssyncadd.s32 $0xFFFFEC00;
	s12 =	sadd.s32 s8, s12  }
0x80: {  	[hbm4b:s12+s2] =	stream.linear.scatter [tilespmem:s31], [sflag:$0x11], $0x1400, $0x38;
	[tilespmem:$0x6900] =	vst v63  }
0x81: {  	_ =	swait.ge [sflag:s24], $0x1400  }
0x82: {  	p0 =	seq.s32 s26, $0x708;
	s12 =	rddreg [dreg:$0xd]  }
0x83: {  	s12 =	sadd.s32 @!p0 s15, s12  }
0x84: {  	[sflag:s24] =	ssyncset.done $0x0;
	s12 =	sshrl.u32 @!p0 s12, $0x3  }
0x85: {  	s13 =	simm.s32 @!p0 $0x0;
	[sflag:s24] =	ssyncadd.s32 $0xFFFFEC00;
	s17 =	sadd.s32 @!p0 s5, s12  }
0x86: {  	[tilespmem:s13], [sflag:$0x1] =	stream.linear.gather @!p0 [hbm4b:s17+s13], $0x28, $0x38;
	[tilespmem:$0x6900] =	vst v63  }
0x87: {  	s12 =	sadd.s32 @!p0 s7, s12;
	s17 =	simm.s32 @!p0 $0x280  }
0x88: {  	[tilespmem:s17], [sflag:$0x1] =	stream.linear.gather @!p0 [hbm4b:s12+s13], $0x28, $0x38;
	[tilespmem:$0x6900] =	vst v63  }
0x89: {  	_ =	swait.ge [sflag:s21], $0x28  }
0x8a: {  	[sflag:s21] =	ssyncset.done $0x0  }
0x8b: {  	[sflag:s21] =	ssyncadd.s32 $0xFFFFFFD8  }
0x8c: {  	_ =	swait.ge [sflag:s21], $0x28  }
0x8d: {  	[sflag:s21] =	ssyncset.done $0x0  }
0x8e: {  	s12 =	simm.s32 $0x9;
	[sflag:s21] =	ssyncadd.s32 $0xFFFFFFD8  }
0x8f: {  	[tilespmem:s20], [sflag:$0xA] =	stream.indirect.gather [hbm4b:s3+s28], $0x80, s22, s28, $0xb8;
	[tilespmem:$0x6900] =	vst v63  }
0x90: {  	_ =	swait.ge [sflag:s12], $0x1400  }
0x91: {  	[sflag:s12] =	ssyncset.done $0x0  }
0x92: {  	s17 =	simm.s32 $0xD;
	[sflag:s12] =	ssyncadd.s32 $0xFFFFEC00  }
0x93: {  	[tilespmem:s19], [sflag:$0xE] =	stream.indirect.gather.add.f32 [hbm:s4], $0x80, s9, s28, $0xb8;
	[tilespmem:$0x6900] =	vst v63  }
0x94: {  	_ =	swait.ge [sflag:s17], $0x1400  }
0x95: {  	s22 =	rddreg [dreg:$0x5]  }
0x96: {  	s12 =	sadd.s32 s15, s22  }
0x97: {  	[sflag:s17] =	ssyncset.done $0x0;
	s12 =	sshll.u32 s12, $0x4  }
0x98: {  	s24 =	simm.s32 $0x11;
	[sflag:s17] =	ssyncadd.s32 $0xFFFFEC00;
	s12 =	sadd.s32 s8, s12  }
0x99: {  	[hbm4b:s12+s2] =	stream.linear.scatter [tilespmem:s11], [sflag:$0x12], $0x1400, $0x38;
	[tilespmem:$0x6900] =	vst v63  }
0x9a: {  	_ =	swait.ge [sflag:s24], $0x1400  }
0x9b: {  	s12 =	rddreg [dreg:$0xe]  }
0x9c: {  	s12 =	sadd.s32 @!p0 s15, s12  }
0x9d: {  	[sflag:s24] =	ssyncset.done $0x0;
	s12 =	sshrl.u32 @!p0 s12, $0x3  }
0x9e: {  	s22 =	simm.s32 @!p0 $0x80;
	[sflag:s24] =	ssyncadd.s32 $0xFFFFEC00;
	s17 =	sadd.s32 @!p0 s5, s12  }
0x9f: {  	[tilespmem:s22], [sflag:$0x2] =	stream.linear.gather @!p0 [hbm4b:s17+s13], $0x28, $0x38;
	[tilespmem:$0x6900] =	vst v63  }
0xa0: {  	s12 =	sadd.s32 @!p0 s7, s12;
	s17 =	simm.s32 @!p0 $0x300  }
0xa1: {  	[tilespmem:s17], [sflag:$0x2] =	stream.linear.gather @!p0 [hbm4b:s12+s13], $0x28, $0x38;
	[tilespmem:$0x6900] =	vst v63  }
0xa2: {  	s12 =	simm.s32 @!p0 $0x1  }
0xa3: {  	_ =	swait.ge @!p0 [sflag:s12], $0x28  }
0xa4: {  	[sflag:s12] =	ssyncset.done @!p0 $0x0  }
0xa5: {  	[sflag:s12] =	ssyncadd.s32 @!p0 $0xFFFFFFD8  }
0xa6: {  	_ =	swait.ge @!p0 [sflag:s12], $0x28  }
0xa7: {  	[sflag:s12] =	ssyncset.done @!p0 $0x0  }
0xa8: {  	s17 =	simm.s32 @!p0 $0x500;
	[sflag:s12] =	ssyncadd.s32 @!p0 $0xFFFFFFD8;
	s12 =	simm.s32 @!p0 $0x28  }
0xa9: {  	[tilespmem:s17], [sflag:$0x6] =	stream.indirect.gather @!p0 [hbm4b:s3+s12], $0x80, s13, s12, $0xb8;
	[tilespmem:$0x6900] =	vst v63  }
0xaa: {  	_ =	swait.ge [sflag:s0], $0x1400  }
0xab: {  	[sflag:s0] =	ssyncset.done $0x0  }
0xac: {  	[sflag:s0] =	ssyncadd.s32 $0xFFFFEC00  }
0xad: {  	[tilespmem:s20], [sflag:$0xF] =	stream.indirect.gather.add.f32 [hbm:s4], $0x80, s18, s28, $0xb8;
	[tilespmem:$0x6900] =	vst v63  }
0xae: {  	_ =	swait.ge [sflag:s29], $0x1400  }
0xaf: {  	s25 =	sshll.u32 s25, $0x4;
	[sflag:s29] =	ssyncset.done $0x0  }
.Ltmp2:
0xb0: {  	s12 =	sadd.s32 s8, s25;
	[sflag:s29] =	ssyncadd.s32 $0xFFFFEC00;
	(pc) =	sbr.rel @p0 .LBB2_4-.Ltmp2, $4  }
0xb1: {  	[hbm4b:s12+s2] =	stream.linear.scatter [tilespmem:s19], [sflag:$0x13], $0x1400, $0x38;
	[tilespmem:$0x6900] =	vst v63  }
0xb2: {  	_ =	swait.ge [sflag:s1], $0x1400  }
0xb3: {  	s23 =	simm.s32 $0x500;
	s6 =	simm.s32 $0x5500;
	[sflag:s1] =	ssyncset.done $0x0  }
0xb4: {  	s31 =	simm.s32 $0x380;
	s24 =	simm.s32 $0x100;
	[sflag:s1] =	ssyncadd.s32 $0xFFFFEC00  }
0xb5: {  	s12 =	rddreg [dreg:$0xf]  }
0xb6: {  	s12 =	sadd.s32 s15, s12  }
.Ltmp3:
0xb7: {  	s12 =	sshrl.u32 s12, $0x3;
	(pc) =	sbr.rel .LBB2_2-.Ltmp3, $4  }
0xb8: {  	s26 =	sadd.s32 $0xC8, s26;
	s14 =	sadd.s32 $0xC80, s14;
	s13 =	sadd.s32 s5, s12  }
0xb9: {  	[tilespmem:s24], [sflag:$0x3] =	stream.linear.gather [hbm4b:s13+s2], $0x28, $0x38;
	[tilespmem:$0x6900] =	vst v63  }
0xba: {  	s22 =	simm.s32 $0x100;
	s12 =	sadd.s32 s7, s12;
	s24 =	simm.s32 $0x380  }
0xbb: {  	[tilespmem:s31], [sflag:$0x3] =	stream.linear.gather [hbm4b:s12+s2], $0x28, $0x38;
	[tilespmem:$0x6900] =	vst v63  }
.LBB2_5:
0xbc: {  	_ =	sfence.sel $0x180000  }
0xbd: {  	[bflag:$0x0] =	sbarrier.arrive $0xFFFF  }
0xbe: {  	_ =	strace $0x90000053  }
0xbf: {  	s0 =	stileid.u32;
	[bflag:$0x2] =	sbarrier.arrive $0xFFFF  }
0xc0: {  	p0 =	sne.s32 s0, $0x0;
	s0 =	rddreg [dreg:$0x1]  }
0xc1: {  	s0 =	sadd.s32 @!p0 $0x100000, s0  }
0xc2: {  	[sflag:s0] =	ssyncadd.tile.s32 @!p0 $0x1;
	_ =	shalt  }
.Lfunc_end2:
_tile_overlayer_lowered:
.L_overlay_start_2:
0xc3: {  	(tag) =	ssettag $0x2  }
0xc4: {  	s0 =	rddreg [dreg:$0x0];
	s2 =	stileid.u32  }
0xc5: {  	s1 =	rddreg [dreg:$0x1];
	p0 =	sne.s32 s2, $0x0  }
0xc6: {  	s3 =	rddreg [dreg:$0x2];
	[bflag:$0x3] =	sbarrier.arrive $0xFFFF;
	s2 =	simm.s32 @!p0 $0x1C15  }
0xc7: {  	[timem:s3], [sflag:s2] =	dma.local @!p0 [hbm:s0], s1  }
0xc8: {  	s0 =	simm.s32 @!p0 $0x15  }
0xc9: {  	_ =	swait.ge @!p0 [sflag:s0], s1  }
0xca: {  	s1 =	ssub.s32 @!p0 $0x0, s1;
	[sflag:s0] =	ssyncset.done @!p0 $0x0  }
0xcb: {  	[sflag:s0] =	ssyncadd.s32 @!p0 s1  }
0xcc: {  	[bflag:$0x3] =	sbarrier.arrive $0xFFFF  }
0xcd: {  	_ =	shalt  }

</sc_bundles>
